<compile_context>
chip_gen: v7x
topology: tpu7x:2x2x1
jax: 0.10.2.dev20260603
libtpu: 0.0.44.dev20260713+nightly
codegen_flags: <defaults>
</compile_context>

<pallas_src>
import functools

import jax
import jax.numpy as jnp
from jax import lax
from jax.experimental import pallas as pl
from jax.experimental.pallas import tpu as pltpu
from jax.experimental.pallas import tpu_sc as plsc

B = 256
C = 3
H = W = 64
HW = H * W
D = 64
V = C * 256
WROW = D // 2
NC, NS = 2, 16
NW = NC * NS
BPW = B // NW
CHUNK = 512
NCHUNK = HW // CHUNK
NPB = CHUNK // 16

_mesh = plsc.VectorSubcoreMesh(core_axis_name="c", subcore_axis_name="s")


@functools.partial(
    pl.kernel,
    mesh=_mesh,
    out_type=jax.ShapeDtypeStruct((B, D, HW), jnp.float32),
    scratch_types=[
        pltpu.VMEM((WROW * V,), jnp.int32),
        pltpu.VMEM((C, HW), jnp.int32),
        pltpu.VMEM((D, CHUNK), jnp.float32),
        pltpu.VMEM((D, CHUNK), jnp.float32),
        pltpu.SemaphoreType.DMA,
        pltpu.SemaphoreType.DMA,
    ],
    compiler_params=pltpu.CompilerParams(needs_layout_passes=False),
)
def _bow_sc(x_hbm, tw_hbm, out_hbm, table_v, x_v, o0, o1, os0, os1):
    o_b = [o0, o1]
    osem = [os0, os1]
    wid = lax.axis_index("s") * NC + lax.axis_index("c")
    pltpu.sync_copy(tw_hbm, table_v)

    himask = jnp.full((16,), -65536, jnp.int32)
    NT = BPW * NCHUNK

    def out_desc(t, j):
        b = wid * BPW + t // NCHUNK
        k = t % NCHUNK
        return pltpu.make_async_copy(
            o_b[j], out_hbm.at[b, :, pl.ds(k * CHUNK, CHUNK)], osem[j])

    def task_body(t, carry):
        k = t % NCHUNK
        for j in range(2):
            @pl.when(t % 2 == j)
            def _():
                @pl.when(k == 0)
                def _():
                    b = wid * BPW + t // NCHUNK
                    pltpu.sync_copy(x_hbm.at[b], x_v)
                @pl.when(t >= 2)
                def _():
                    out_desc(t - 2, j).wait()
                o_v = o_b[j]

                @plsc.parallel_loop(0, NPB, 1, unroll=4)
                def pb_body(pb):
                    off = k * CHUNK + pb * 16
                    i0 = x_v[0, pl.ds(off, 16)]
                    i1 = x_v[1, pl.ds(off, 16)] + 256
                    i2 = x_v[2, pl.ds(off, 16)] + 512
                    for q in range(WROW):
                        tq = table_v.at[pl.ds(q * V, V)]
                        w0 = plsc.load_gather(tq, [i0])
                        w1 = plsc.load_gather(tq, [i1])
                        w2 = plsc.load_gather(tq, [i2])
                        acc = (plsc.bitcast(w0, jnp.bfloat16)
                               + plsc.bitcast(w1, jnp.bfloat16)
                               + plsc.bitcast(w2, jnp.bfloat16))
                        accw = plsc.bitcast(acc, jnp.int32)
                        lo = plsc.bitcast(accw << 16, jnp.float32)
                        hi = plsc.bitcast(accw & himask, jnp.float32)
                        o_v[2 * q, pl.ds(pb * 16, 16)] = lo
                        o_v[2 * q + 1, pl.ds(pb * 16, 16)] = hi

                out_desc(t, j).start()
        return carry

    lax.fori_loop(0, NT, task_body, 0)
    out_desc(NT - 2, (NT - 2) % 2).wait()
    out_desc(NT - 1, (NT - 1) % 2).wait()


def kernel(x, table):
    x3 = x.reshape(B, C, HW).astype(jnp.int32)
    tb = table.astype(jnp.bfloat16).reshape(V, WROW, 2)
    tw = jax.lax.bitcast_convert_type(tb, jnp.int32)
    tw = tw.T.reshape(-1)
    out = _bow_sc(x3, tw)
    return out.reshape(B, D, H, W)

# --- scband reference (transcript-rebuilt; emitter-appended) ---
"""Pipeline reference for scband-image-bowembedding-65901978190159 (READ-ONLY COPY).

The authoritative reference and input builder live on the scoring server;
editing this copy changes nothing except your own understanding.
"""

import jax, jax.numpy as jnp
import numpy as np

MAX_VALUE = 256
EMBEDDING_DIM = 64
IN_CHANNEL = 3


def setup_inputs(seed: int = 0) -> dict:
    key = jax.random.key(seed)
    k_x, k_w = jax.random.split(key)
    x = jax.random.randint(k_x, (256, 3, 64, 64), 0, MAX_VALUE, dtype=jnp.int64 if jax.config.jax_enable_x64 else jnp.int32)
    table = jax.random.normal(k_w, (IN_CHANNEL * MAX_VALUE, EMBEDDING_DIM), dtype=jnp.float32)
    return {"x": x, "table": table}


def reference(x, table):
    # offsets buffer: [1, C, 1, 1] with values i * max_value
    offsets = (jnp.arange(IN_CHANNEL, dtype=x.dtype) * MAX_VALUE).reshape(1, IN_CHANNEL, 1, 1)
    idx = x + offsets  # in torch this is an in-place add_; functional add here
    emb = jnp.take(table, idx, axis=0)  # [B, C, H, W, D]
    out = emb.sum(axis=1)               # [B, H, W, D]
    out = jnp.transpose(out, (0, 3, 1, 2))  # [B, D, H, W]
    return out

if __name__ == "__main__":
    import jax
    _d = setup_inputs()
    print(jax.jit(kernel)(*tuple(_d.values())))

</pallas_src>

<mosaic_0001>
#map = affine_map<(d0, d1) -> (0, 0, 0)>
#map1 = affine_map<(d0, d1) -> (0)>
module attributes {stable_mosaic.version = 14 : i64} {
  func.func @_bow_sc(%arg0: i32, %arg1: i32, %arg2: memref<256x3x4096xi32, #tpu.memory_space<hbm>>, %arg3: memref<24576xi32, #tpu.memory_space<hbm>>, %arg4: memref<256x64x4096xf32, #tpu.memory_space<hbm>>, %arg5: memref<24576xi32, #tpu.memory_space<vmem>>, %arg6: memref<3x4096xi32, #tpu.memory_space<vmem>>, %arg7: memref<64x512xf32, #tpu.memory_space<vmem>>, %arg8: memref<64x512xf32, #tpu.memory_space<vmem>>, %arg9: memref<!tpu.dma_semaphore, #tpu.memory_space<semaphore_mem>>, %arg10: memref<!tpu.dma_semaphore, #tpu.memory_space<semaphore_mem>>) attributes {dimension_semantics = [#tpu.dimension_semantics<core_parallel>, #tpu.dimension_semantics<subcore_parallel>], iteration_bounds = array<i64: 2, 16>, scalar_prefetch = 0 : i64, scratch_operands = 6 : i64, tpu.core_type = #tpu.core_type<sc_vector_subcore>, window_params = [{transform_indices = #map}, {transform_indices = #map1}, {transform_indices = #map}]} {
    %mul3A = arith.constant 2 : i32
    %mul3A_0 = arith.muli %arg1, %mul3A : i32
    %add3A = arith.addi %mul3A_0, %arg0 : i32
    "tpu.region"() ({
      %run_scoped3A = tpu.sem_alloc : memref<!tpu.dma_semaphore, #tpu.memory_space<semaphore_mem>>
      tpu.enqueue_dma source(%arg3 : memref<24576xi32, #tpu.memory_space<hbm>>) target(%arg5 : memref<24576xi32, #tpu.memory_space<vmem>>) target_semaphore(%run_scoped3A : memref<!tpu.dma_semaphore, #tpu.memory_space<semaphore_mem>>)
      tpu.wait_dma2 semaphore(%run_scoped3A : memref<!tpu.dma_semaphore, #tpu.memory_space<semaphore_mem>>) src(%arg3 : memref<24576xi32, #tpu.memory_space<hbm>>) dst(%arg5 : memref<24576xi32, #tpu.memory_space<vmem>>)
      tpu.yield
    }) : () -> ()
    %broadcast_in_dim3A = arith.constant -65536 : i32
    %broadcast_in_dim3A_1 = vector.broadcast %broadcast_in_dim3A : i32 to vector<16xi32>
    %scan3A = arith.constant 0 : i32
    %scan3A_2 = arith.constant 0 : i32
    %scan3A_3 = arith.constant 64 : i32
    %scan3A_4 = arith.addi %scan3A_2, %scan3A_3 : i32
    %scan3A_5 = arith.constant 1 : i32
    scf.for %scan3A_30 = %scan3A_2 to %scan3A_4 step %scan3A_5  : i32 {
      %jit3A = arith.constant 8 : i32
      %eq3A = arith.constant 0 : i32
      %eq3A_31 = arith.cmpi eq, %jit3A, %eq3A : i32
      %jit3A_32 = arith.constant 1 : i32
      %select_n3A = arith.select %eq3A_31, %jit3A_32, %jit3A : i32
      %rem3A = arith.remsi %scan3A_30, %select_n3A : i32
      %ne3A = arith.constant 0 : i32
      %ne3A_33 = arith.cmpi ne, %rem3A, %ne3A : i32
      %lt3A = arith.constant 0 : i32
      %lt3A_34 = arith.cmpi slt, %rem3A, %lt3A : i32
      %lt3A_35 = arith.constant 0 : i32
      %lt3A_36 = arith.cmpi slt, %select_n3A, %lt3A_35 : i32
      %ne3A_37 = arith.xori %lt3A_34, %lt3A_36 : i1
      %and3A = arith.andi %ne3A_37, %ne3A_33 : i1
      %add3A_38 = arith.addi %rem3A, %select_n3A : i32
      %select_n3A_39 = arith.select %and3A, %add3A_38, %rem3A : i32
      %jit3A_40 = arith.constant 2 : i32
      %eq3A_41 = arith.constant 0 : i32
      %eq3A_42 = arith.cmpi eq, %jit3A_40, %eq3A_41 : i32
      %jit3A_43 = arith.constant 1 : i32
      %select_n3A_44 = arith.select %eq3A_42, %jit3A_43, %jit3A_40 : i32
      %rem3A_45 = arith.remsi %scan3A_30, %select_n3A_44 : i32
      %ne3A_46 = arith.constant 0 : i32
      %ne3A_47 = arith.cmpi ne, %rem3A_45, %ne3A_46 : i32
      %lt3A_48 = arith.constant 0 : i32
      %lt3A_49 = arith.cmpi slt, %rem3A_45, %lt3A_48 : i32
      %lt3A_50 = arith.constant 0 : i32
      %lt3A_51 = arith.cmpi slt, %select_n3A_44, %lt3A_50 : i32
      %ne3A_52 = arith.xori %lt3A_49, %lt3A_51 : i1
      %and3A_53 = arith.andi %ne3A_52, %ne3A_47 : i1
      %add3A_54 = arith.addi %rem3A_45, %select_n3A_44 : i32
      %select_n3A_55 = arith.select %and3A_53, %add3A_54, %rem3A_45 : i32
      %eq3A_56 = arith.constant 0 : i32
      %eq3A_57 = arith.cmpi eq, %select_n3A_55, %eq3A_56 : i32
      %convert_element_type3A = arith.extui %eq3A_57 : i1 to i32
      %cond3A = arith.constant 0 : i32
      %cond3A_58 = arith.cmpi ne, %convert_element_type3A, %cond3A : i32
      scf.if %cond3A_58 {
        %eq3A_80 = arith.constant 0 : i32
        %eq3A_81 = arith.cmpi eq, %select_n3A_39, %eq3A_80 : i32
        %convert_element_type3A_82 = arith.extui %eq3A_81 : i1 to i32
        %cond3A_83 = arith.constant 0 : i32
        %cond3A_84 = arith.cmpi ne, %convert_element_type3A_82, %cond3A_83 : i32
        scf.if %cond3A_84 {
          %mul3A_138 = arith.constant 8 : i32
          %mul3A_139 = arith.muli %add3A, %mul3A_138 : i32
          %jit3A_140 = arith.constant 8 : i32
          %div3A_141 = arith.divsi %scan3A_30, %jit3A_140 : i32
          %sign3A_142 = arith.constant 0 : i32
          %sign3A_143 = arith.cmpi sgt, %scan3A_30, %sign3A_142 : i32
          %sign3A_144 = arith.extui %sign3A_143 : i1 to i32
          %sign3A_145 = arith.constant 0 : i32
          %sign3A_146 = arith.cmpi slt, %scan3A_30, %sign3A_145 : i32
          %sign3A_147 = arith.extui %sign3A_146 : i1 to i32
          %sign3A_148 = arith.subi %sign3A_144, %sign3A_147 : i32
          %sign3A_149 = arith.constant 0 : i32
          %sign3A_150 = arith.cmpi sgt, %jit3A_140, %sign3A_149 : i32
          %sign3A_151 = arith.extui %sign3A_150 : i1 to i32
          %sign3A_152 = arith.constant 0 : i32
          %sign3A_153 = arith.cmpi slt, %jit3A_140, %sign3A_152 : i32
          %sign3A_154 = arith.extui %sign3A_153 : i1 to i32
          %sign3A_155 = arith.subi %sign3A_151, %sign3A_154 : i32
          %ne3A_156 = arith.cmpi ne, %sign3A_148, %sign3A_155 : i32
          %rem3A_157 = arith.remsi %scan3A_30, %jit3A_140 : i32
          %ne3A_158 = arith.constant 0 : i32
          %ne3A_159 = arith.cmpi ne, %rem3A_157, %ne3A_158 : i32
          %and3A_160 = arith.andi %ne3A_156, %ne3A_159 : i1
          %sub3A_161 = arith.constant 1 : i32
          %sub3A_162 = arith.subi %div3A_141, %sub3A_161 : i32
          %select_n3A_163 = arith.select %and3A_160, %sub3A_162, %div3A_141 : i32
          %add3A_164 = arith.addi %mul3A_139, %select_n3A_163 : i32
          "tpu.region"() ({
            %run_scoped3A = tpu.sem_alloc : memref<!tpu.dma_semaphore, #tpu.memory_space<semaphore_mem>>
            %dma_start3A_165 = arith.constant 0 : i32
            %dma_start3A_166 = arith.constant 0 : i32
            %dma_start3A_167 = tpu.memref_slice %arg2[%add3A_164, %dma_start3A_165, %dma_start3A_166] : memref<256x3x4096xi32, #tpu.memory_space<hbm>> -> memref<1x3x4096xi32, #tpu.memory_space<hbm>>
            %dma_start3A_168 = tpu.memref_squeeze %dma_start3A_167 : memref<1x3x4096xi32, #tpu.memory_space<hbm>> -> memref<3x4096xi32, #tpu.memory_space<hbm>>
            %dma_start3A_169 = arith.constant 0 : i32
            %dma_start3A_170 = arith.constant 0 : i32
            %dma_start3A_171 = tpu.memref_slice %arg2[%add3A_164, %dma_start3A_169, %dma_start3A_170] : memref<256x3x4096xi32, #tpu.memory_space<hbm>> -> memref<1x3x4096xi32, #tpu.memory_space<hbm>>
            %dma_start3A_172 = tpu.memref_squeeze %dma_start3A_171 : memref<1x3x4096xi32, #tpu.memory_space<hbm>> -> memref<3x4096xi32, #tpu.memory_space<hbm>>
            tpu.enqueue_dma source(%dma_start3A_172 : memref<3x4096xi32, #tpu.memory_space<hbm>>) target(%arg6 : memref<3x4096xi32, #tpu.memory_space<vmem>>) target_semaphore(%run_scoped3A : memref<!tpu.dma_semaphore, #tpu.memory_space<semaphore_mem>>)
            %dma_wait3A_173 = arith.constant 0 : i32
            %dma_wait3A_174 = arith.constant 0 : i32
            %dma_wait3A_175 = tpu.memref_slice %arg2[%add3A_164, %dma_wait3A_173, %dma_wait3A_174] : memref<256x3x4096xi32, #tpu.memory_space<hbm>> -> memref<1x3x4096xi32, #tpu.memory_space<hbm>>
            %dma_wait3A_176 = tpu.memref_squeeze %dma_wait3A_175 : memref<1x3x4096xi32, #tpu.memory_space<hbm>> -> memref<3x4096xi32, #tpu.memory_space<hbm>>
            %dma_wait3A_177 = arith.constant 0 : i32
            %dma_wait3A_178 = arith.constant 0 : i32
            %dma_wait3A_179 = tpu.memref_slice %arg2[%add3A_164, %dma_wait3A_177, %dma_wait3A_178] : memref<256x3x4096xi32, #tpu.memory_space<hbm>> -> memref<1x3x4096xi32, #tpu.memory_space<hbm>>
            %dma_wait3A_180 = tpu.memref_squeeze %dma_wait3A_179 : memref<1x3x4096xi32, #tpu.memory_space<hbm>> -> memref<3x4096xi32, #tpu.memory_space<hbm>>
            tpu.wait_dma2 semaphore(%run_scoped3A : memref<!tpu.dma_semaphore, #tpu.memory_space<semaphore_mem>>) src(%dma_wait3A_180 : memref<3x4096xi32, #tpu.memory_space<hbm>>) dst(%arg6 : memref<3x4096xi32, #tpu.memory_space<vmem>>)
            tpu.yield
          }) : () -> ()
        } else {
        }
        %ge3A = arith.constant 2 : i32
        %ge3A_85 = arith.cmpi sge, %scan3A_30, %ge3A : i32
        %convert_element_type3A_86 = arith.extui %ge3A_85 : i1 to i32
        %cond3A_87 = arith.constant 0 : i32
        %cond3A_88 = arith.cmpi ne, %convert_element_type3A_86, %cond3A_87 : i32
        scf.if %cond3A_88 {
          %sub3A_138 = arith.constant 2 : i32
          %sub3A_139 = arith.subi %scan3A_30, %sub3A_138 : i32
          %mul3A_140 = arith.constant 8 : i32
          %mul3A_141 = arith.muli %add3A, %mul3A_140 : i32
          %jit3A_142 = arith.constant 8 : i32
          %div3A_143 = arith.divsi %sub3A_139, %jit3A_142 : i32
          %sign3A_144 = arith.constant 0 : i32
          %sign3A_145 = arith.cmpi sgt, %sub3A_139, %sign3A_144 : i32
          %sign3A_146 = arith.extui %sign3A_145 : i1 to i32
          %sign3A_147 = arith.constant 0 : i32
          %sign3A_148 = arith.cmpi slt, %sub3A_139, %sign3A_147 : i32
          %sign3A_149 = arith.extui %sign3A_148 : i1 to i32
          %sign3A_150 = arith.subi %sign3A_146, %sign3A_149 : i32
          %sign3A_151 = arith.constant 0 : i32
          %sign3A_152 = arith.cmpi sgt, %jit3A_142, %sign3A_151 : i32
          %sign3A_153 = arith.extui %sign3A_152 : i1 to i32
          %sign3A_154 = arith.constant 0 : i32
          %sign3A_155 = arith.cmpi slt, %jit3A_142, %sign3A_154 : i32
          %sign3A_156 = arith.extui %sign3A_155 : i1 to i32
          %sign3A_157 = arith.subi %sign3A_153, %sign3A_156 : i32
          %ne3A_158 = arith.cmpi ne, %sign3A_150, %sign3A_157 : i32
          %rem3A_159 = arith.remsi %sub3A_139, %jit3A_142 : i32
          %ne3A_160 = arith.constant 0 : i32
          %ne3A_161 = arith.cmpi ne, %rem3A_159, %ne3A_160 : i32
          %and3A_162 = arith.andi %ne3A_158, %ne3A_161 : i1
          %sub3A_163 = arith.constant 1 : i32
          %sub3A_164 = arith.subi %div3A_143, %sub3A_163 : i32
          %select_n3A_165 = arith.select %and3A_162, %sub3A_164, %div3A_143 : i32
          %add3A_166 = arith.addi %mul3A_141, %select_n3A_165 : i32
          %jit3A_167 = arith.constant 8 : i32
          %eq3A_168 = arith.constant 0 : i32
          %eq3A_169 = arith.cmpi eq, %jit3A_167, %eq3A_168 : i32
          %jit3A_170 = arith.constant 1 : i32
          %select_n3A_171 = arith.select %eq3A_169, %jit3A_170, %jit3A_167 : i32
          %rem3A_172 = arith.remsi %sub3A_139, %select_n3A_171 : i32
          %ne3A_173 = arith.constant 0 : i32
          %ne3A_174 = arith.cmpi ne, %rem3A_172, %ne3A_173 : i32
          %lt3A_175 = arith.constant 0 : i32
          %lt3A_176 = arith.cmpi slt, %rem3A_172, %lt3A_175 : i32
          %lt3A_177 = arith.constant 0 : i32
          %lt3A_178 = arith.cmpi slt, %select_n3A_171, %lt3A_177 : i32
          %ne3A_179 = arith.xori %lt3A_176, %lt3A_178 : i1
          %and3A_180 = arith.andi %ne3A_179, %ne3A_174 : i1
          %add3A_181 = arith.addi %rem3A_172, %select_n3A_171 : i32
          %select_n3A_182 = arith.select %and3A_180, %add3A_181, %rem3A_172 : i32
          %mul3A_183 = arith.constant 512 : i32
          %mul3A_184 = arith.muli %select_n3A_182, %mul3A_183 : i32
          %dma_wait3A_185 = arith.constant 0 : i32
          %dma_wait3A_186 = tpu.memref_slice %arg4[%add3A_166, %dma_wait3A_185, %mul3A_184] : memref<256x64x4096xf32, #tpu.memory_space<hbm>> -> memref<1x64x512xf32, #tpu.memory_space<hbm>>
          %dma_wait3A_187 = tpu.memref_squeeze %dma_wait3A_186 : memref<1x64x512xf32, #tpu.memory_space<hbm>> -> memref<64x512xf32, #tpu.memory_space<hbm>>
          %dma_wait3A_188 = arith.constant 0 : i32
          %dma_wait3A_189 = tpu.memref_slice %arg4[%add3A_166, %dma_wait3A_188, %mul3A_184] : memref<256x64x4096xf32, #tpu.memory_space<hbm>> -> memref<1x64x512xf32, #tpu.memory_space<hbm>>
          %dma_wait3A_190 = tpu.memref_squeeze %dma_wait3A_189 : memref<1x64x512xf32, #tpu.memory_space<hbm>> -> memref<64x512xf32, #tpu.memory_space<hbm>>
          tpu.wait_dma2 semaphore(%arg9 : memref<!tpu.dma_semaphore, #tpu.memory_space<semaphore_mem>>) src(%arg7 : memref<64x512xf32, #tpu.memory_space<vmem>>) dst(%dma_wait3A_190 : memref<64x512xf32, #tpu.memory_space<hbm>>)
        } else {
        }
        %parallel_loop3A = arith.constant 0 : i32
        %parallel_loop3A_89 = arith.constant 32 : i32
        %parallel_loop3A_90 = arith.constant 1 : i32
        scf.for %parallel_loop3A_138 = %parallel_loop3A to %parallel_loop3A_89 step %parallel_loop3A_90  : i32 {
          %parallel_loop3A_139 = arith.constant 512 : i32
          %parallel_loop3A_140 = arith.muli %select_n3A_39, %parallel_loop3A_139 : i32
          %parallel_loop3A_141 = arith.constant 16 : i32
          %parallel_loop3A_142 = arith.muli %parallel_loop3A_138, %parallel_loop3A_141 : i32
          %parallel_loop3A_143 = arith.addi %parallel_loop3A_140, %parallel_loop3A_142 : i32
          %parallel_loop3A_144 = arith.constant 0 : i32
          %parallel_loop3A_145 = arith.index_cast %parallel_loop3A_144 : i32 to index
          %parallel_loop3A_146 = arith.index_cast %parallel_loop3A_143 : i32 to index
          %parallel_loop3A_147 = tpu.vector_load %arg6[%parallel_loop3A_145, %parallel_loop3A_146] {strides = array<i32>} : memref<3x4096xi32, #tpu.memory_space<vmem>>, vector<16xi32>,
          %parallel_loop3A_148 = arith.constant 1 : i32
          %parallel_loop3A_149 = arith.index_cast %parallel_loop3A_148 : i32 to index
          %parallel_loop3A_150 = arith.index_cast %parallel_loop3A_143 : i32 to index
          %parallel_loop3A_151 = tpu.vector_load %arg6[%parallel_loop3A_149, %parallel_loop3A_150] {strides = array<i32>} : memref<3x4096xi32, #tpu.memory_space<vmem>>, vector<16xi32>,
          %parallel_loop3A_152 = arith.constant 256 : i32
          %parallel_loop3A_153 = vector.broadcast %parallel_loop3A_152 : i32 to vector<16xi32>
          %parallel_loop3A_154 = arith.addi %parallel_loop3A_151, %parallel_loop3A_153 : vector<16xi32>
          %parallel_loop3A_155 = arith.constant 2 : i32
          %parallel_loop3A_156 = arith.index_cast %parallel_loop3A_155 : i32 to index
          %parallel_loop3A_157 = arith.index_cast %parallel_loop3A_143 : i32 to index
          %parallel_loop3A_158 = tpu.vector_load %arg6[%parallel_loop3A_156, %parallel_loop3A_157] {strides = array<i32>} : memref<3x4096xi32, #tpu.memory_space<vmem>>, vector<16xi32>,
          %parallel_loop3A_159 = arith.constant 512 : i32
          %parallel_loop3A_160 = vector.broadcast %parallel_loop3A_159 : i32 to vector<16xi32>
          %parallel_loop3A_161 = arith.addi %parallel_loop3A_158, %parallel_loop3A_160 : vector<16xi32>
          %parallel_loop3A_162 = arith.constant 0 : i32
          %parallel_loop3A_163 = tpu.memref_slice %arg5[%parallel_loop3A_162] : memref<24576xi32, #tpu.memory_space<vmem>> -> memref<768xi32, #tpu.memory_space<vmem>>
          %parallel_loop3A_164 = tpu.vector_load_idx %parallel_loop3A_163[%parallel_loop3A_147] : memref<768xi32, #tpu.memory_space<vmem>>[vector<16xi32>], vector<16xi32>,
          %parallel_loop3A_165 = arith.constant 0 : i32
          %parallel_loop3A_166 = tpu.memref_slice %arg5[%parallel_loop3A_165] : memref<24576xi32, #tpu.memory_space<vmem>> -> memref<768xi32, #tpu.memory_space<vmem>>
          %parallel_loop3A_167 = tpu.vector_load_idx %parallel_loop3A_166[%parallel_loop3A_154] : memref<768xi32, #tpu.memory_space<vmem>>[vector<16xi32>], vector<16xi32>,
          %parallel_loop3A_168 = arith.constant 0 : i32
          %parallel_loop3A_169 = tpu.memref_slice %arg5[%parallel_loop3A_168] : memref<24576xi32, #tpu.memory_space<vmem>> -> memref<768xi32, #tpu.memory_space<vmem>>
          %parallel_loop3A_170 = tpu.vector_load_idx %parallel_loop3A_169[%parallel_loop3A_161] : memref<768xi32, #tpu.memory_space<vmem>>[vector<16xi32>], vector<16xi32>,
          %parallel_loop3A_171 = vector.bitcast %parallel_loop3A_164 : vector<16xi32> to vector<32xbf16>
          %parallel_loop3A_172 = vector.bitcast %parallel_loop3A_167 : vector<16xi32> to vector<32xbf16>
          %parallel_loop3A_173 = arith.addf %parallel_loop3A_171, %parallel_loop3A_172 : vector<32xbf16>
          %parallel_loop3A_174 = vector.bitcast %parallel_loop3A_170 : vector<16xi32> to vector<32xbf16>
          %parallel_loop3A_175 = arith.addf %parallel_loop3A_173, %parallel_loop3A_174 : vector<32xbf16>
          %parallel_loop3A_176 = vector.bitcast %parallel_loop3A_175 : vector<32xbf16> to vector<16xi32>
          %parallel_loop3A_177 = arith.constant 16 : i32
          %parallel_loop3A_178 = vector.broadcast %parallel_loop3A_177 : i32 to vector<16xi32>
          %parallel_loop3A_179 = arith.shli %parallel_loop3A_176, %parallel_loop3A_178 : vector<16xi32>
          %parallel_loop3A_180 = vector.bitcast %parallel_loop3A_179 : vector<16xi32> to vector<16xf32>
          %parallel_loop3A_181 = arith.andi %parallel_loop3A_176, %broadcast_in_dim3A_1 : vector<16xi32>
          %parallel_loop3A_182 = vector.bitcast %parallel_loop3A_181 : vector<16xi32> to vector<16xf32>
          %parallel_loop3A_183 = arith.constant 16 : i32
          %parallel_loop3A_184 = arith.muli %parallel_loop3A_138, %parallel_loop3A_183 : i32
          %parallel_loop3A_185 = arith.constant 0 : i32
          %parallel_loop3A_186 = arith.index_cast %parallel_loop3A_185 : i32 to index
          %parallel_loop3A_187 = arith.index_cast %parallel_loop3A_184 : i32 to index
          %parallel_loop3A_188 = tpu.vector_load %arg7[%parallel_loop3A_186, %parallel_loop3A_187] {strides = array<i32>} : memref<64x512xf32, #tpu.memory_space<vmem>>, vector<16xf32>,
          tpu.vector_store %arg7[%parallel_loop3A_186, %parallel_loop3A_187], %parallel_loop3A_180 {strides = array<i32>} : memref<64x512xf32, #tpu.memory_space<vmem>>, vector<16xf32>,
          %parallel_loop3A_189 = arith.constant 16 : i32
          %parallel_loop3A_190 = arith.muli %parallel_loop3A_138, %parallel_loop3A_189 : i32
          %parallel_loop3A_191 = arith.constant 1 : i32
          %parallel_loop3A_192 = arith.index_cast %parallel_loop3A_191 : i32 to index
          %parallel_loop3A_193 = arith.index_cast %parallel_loop3A_190 : i32 to index
          %parallel_loop3A_194 = tpu.vector_load %arg7[%parallel_loop3A_192, %parallel_loop3A_193] {strides = array<i32>} : memref<64x512xf32, #tpu.memory_space<vmem>>, vector<16xf32>,
          tpu.vector_store %arg7[%parallel_loop3A_192, %parallel_loop3A_193], %parallel_loop3A_182 {strides = array<i32>} : memref<64x512xf32, #tpu.memory_space<vmem>>, vector<16xf32>,
          %parallel_loop3A_195 = arith.constant 768 : i32
          %parallel_loop3A_196 = tpu.memref_slice %arg5[%parallel_loop3A_195] : memref<24576xi32, #tpu.memory_space<vmem>> -> memref<768xi32, #tpu.memory_space<vmem>>
          %parallel_loop3A_197 = tpu.vector_load_idx %parallel_loop3A_196[%parallel_loop3A_147] : memref<768xi32, #tpu.memory_space<vmem>>[vector<16xi32>], vector<16xi32>,
          %parallel_loop3A_198 = arith.constant 768 : i32
          %parallel_loop3A_199 = tpu.memref_slice %arg5[%parallel_loop3A_198] : memref<24576xi32, #tpu.memory_space<vmem>> -> memref<768xi32, #tpu.memory_space<vmem>>
          %parallel_loop3A_200 = tpu.vector_load_idx %parallel_loop3A_199[%parallel_loop3A_154] : memref<768xi32, #tpu.memory_space<vmem>>[vector<16xi32>], vector<16xi32>,
          %parallel_loop3A_201 = arith.constant 768 : i32
          %parallel_loop3A_202 = tpu.memref_slice %arg5[%parallel_loop3A_201] : memref<24576xi32, #tpu.memory_space<vmem>> -> memref<768xi32, #tpu.memory_space<vmem>>
          %parallel_loop3A_203 = tpu.vector_load_idx %parallel_loop3A_202[%parallel_loop3A_161] : memref<768xi32, #tpu.memory_space<vmem>>[vector<16xi32>], vector<16xi32>,
          %parallel_loop3A_204 = vector.bitcast %parallel_loop3A_197 : vector<16xi32> to vector<32xbf16>
          %parallel_loop3A_205 = vector.bitcast %parallel_loop3A_200 : vector<16xi32> to vector<32xbf16>
          %parallel_loop3A_206 = arith.addf %parallel_loop3A_204, %parallel_loop3A_205 : vector<32xbf16>
          %parallel_loop3A_207 = vector.bitcast %parallel_loop3A_203 : vector<16xi32> to vector<32xbf16>
          %parallel_loop3A_208 = arith.addf %parallel_loop3A_206, %parallel_loop3A_207 : vector<32xbf16>
          %parallel_loop3A_209 = vector.bitcast %parallel_loop3A_208 : vector<32xbf16> to vector<16xi32>
          %parallel_loop3A_210 = arith.constant 16 : i32
          %parallel_loop3A_211 = vector.broadcast %parallel_loop3A_210 : i32 to vector<16xi32>
          %parallel_loop3A_212 = arith.shli %parallel_loop3A_209, %parallel_loop3A_211 : vector<16xi32>
          %parallel_loop3A_213 = vector.bitcast %parallel_loop3A_212 : vector<16xi32> to vector<16xf32>
          %parallel_loop3A_214 = arith.andi %parallel_loop3A_209, %broadcast_in_dim3A_1 : vector<16xi32>
          %parallel_loop3A_215 = vector.bitcast %parallel_loop3A_214 : vector<16xi32> to vector<16xf32>
          %parallel_loop3A_216 = arith.constant 16 : i32
          %parallel_loop3A_217 = arith.muli %parallel_loop3A_138, %parallel_loop3A_216 : i32
          %parallel_loop3A_218 = arith.constant 2 : i32
          %parallel_loop3A_219 = arith.index_cast %parallel_loop3A_218 : i32 to index
          %parallel_loop3A_220 = arith.index_cast %parallel_loop3A_217 : i32 to index
          %parallel_loop3A_221 = tpu.vector_load %arg7[%parallel_loop3A_219, %parallel_loop3A_220] {strides = array<i32>} : memref<64x512xf32, #tpu.memory_space<vmem>>, vector<16xf32>,
          tpu.vector_store %arg7[%parallel_loop3A_219, %parallel_loop3A_220], %parallel_loop3A_213 {strides = array<i32>} : memref<64x512xf32, #tpu.memory_space<vmem>>, vector<16xf32>,
          %parallel_loop3A_222 = arith.constant 16 : i32
          %parallel_loop3A_223 = arith.muli %parallel_loop3A_138, %parallel_loop3A_222 : i32
          %parallel_loop3A_224 = arith.constant 3 : i32
          %parallel_loop3A_225 = arith.index_cast %parallel_loop3A_224 : i32 to index
          %parallel_loop3A_226 = arith.index_cast %parallel_loop3A_223 : i32 to index
          %parallel_loop3A_227 = tpu.vector_load %arg7[%parallel_loop3A_225, %parallel_loop3A_226] {strides = array<i32>} : memref<64x512xf32, #tpu.memory_space<vmem>>, vector<16xf32>,
          tpu.vector_store %arg7[%parallel_loop3A_225, %parallel_loop3A_226], %parallel_loop3A_215 {strides = array<i32>} : memref<64x512xf32, #tpu.memory_space<vmem>>, vector<16xf32>,
          %parallel_loop3A_228 = arith.constant 1536 : i32
          %parallel_loop3A_229 = tpu.memref_slice %arg5[%parallel_loop3A_228] : memref<24576xi32, #tpu.memory_space<vmem>> -> memref<768xi32, #tpu.memory_space<vmem>>
          %parallel_loop3A_230 = tpu.vector_load_idx %parallel_loop3A_229[%parallel_loop3A_147] : memref<768xi32, #tpu.memory_space<vmem>>[vector<16xi32>], vector<16xi32>,
          %parallel_loop3A_231 = arith.constant 1536 : i32
          %parallel_loop3A_232 = tpu.memref_slice %arg5[%parallel_loop3A_231] : memref<24576xi32, #tpu.memory_space<vmem>> -> memref<768xi32, #tpu.memory_space<vmem>>
          %parallel_loop3A_233 = tpu.vector_load_idx %parallel_loop3A_232[%parallel_loop3A_154] : memref<768xi32, #tpu.memory_space<vmem>>[vector<16xi32>], vector<16xi32>,
          %parallel_loop3A_234 = arith.constant 1536 : i32
          %parallel_loop3A_235 = tpu.memref_slice %arg5[%parallel_loop3A_234] : memref<24576xi32, #tpu.memory_space<vmem>> -> memref<768xi32, #tpu.memory_space<vmem>>
          %parallel_loop3A_236 = tpu.vector_load_idx %parallel_loop3A_235[%parallel_loop3A_161] : memref<768xi32, #tpu.memory_space<vmem>>[vector<16xi32>], vector<16xi32>,
          %parallel_loop3A_237 = vector.bitcast %parallel_loop3A_230 : vector<16xi32> to vector<32xbf16>
          %parallel_loop3A_238 = vector.bitcast %parallel_loop3A_233 : vector<16xi32> to vector<32xbf16>
          %parallel_loop3A_239 = arith.addf %parallel_loop3A_237, %parallel_loop3A_238 : vector<32xbf16>
          %parallel_loop3A_240 = vector.bitcast %parallel_loop3A_236 : vector<16xi32> to vector<32xbf16>
          %parallel_loop3A_241 = arith.addf %parallel_loop3A_239, %parallel_loop3A_240 : vector<32xbf16>
          %parallel_loop3A_242 = vector.bitcast %parallel_loop3A_241 : vector<32xbf16> to vector<16xi32>
          %parallel_loop3A_243 = arith.constant 16 : i32
          %parallel_loop3A_244 = vector.broadcast %parallel_loop3A_243 : i32 to vector<16xi32>
          %parallel_loop3A_245 = arith.shli %parallel_loop3A_242, %parallel_loop3A_244 : vector<16xi32>
          %parallel_loop3A_246 = vector.bitcast %parallel_loop3A_245 : vector<16xi32> to vector<16xf32>
          %parallel_loop3A_247 = arith.andi %parallel_loop3A_242, %broadcast_in_dim3A_1 : vector<16xi32>
          %parallel_loop3A_248 = vector.bitcast %parallel_loop3A_247 : vector<16xi32> to vector<16xf32>
          %parallel_loop3A_249 = arith.constant 16 : i32
          %parallel_loop3A_250 = arith.muli %parallel_loop3A_138, %parallel_loop3A_249 : i32
          %parallel_loop3A_251 = arith.constant 4 : i32
          %parallel_loop3A_252 = arith.index_cast %parallel_loop3A_251 : i32 to index
          %parallel_loop3A_253 = arith.index_cast %parallel_loop3A_250 : i32 to index
          %parallel_loop3A_254 = tpu.vector_load %arg7[%parallel_loop3A_252, %parallel_loop3A_253] {strides = array<i32>} : memref<64x512xf32, #tpu.memory_space<vmem>>, vector<16xf32>,
          tpu.vector_store %arg7[%parallel_loop3A_252, %parallel_loop3A_253], %parallel_loop3A_246 {strides = array<i32>} : memref<64x512xf32, #tpu.memory_space<vmem>>, vector<16xf32>,
          %parallel_loop3A_255 = arith.constant 16 : i32
          %parallel_loop3A_256 = arith.muli %parallel_loop3A_138, %parallel_loop3A_255 : i32
          %parallel_loop3A_257 = arith.constant 5 : i32
          %parallel_loop3A_258 = arith.index_cast %parallel_loop3A_257 : i32 to index
          %parallel_loop3A_259 = arith.index_cast %parallel_loop3A_256 : i32 to index
          %parallel_loop3A_260 = tpu.vector_load %arg7[%parallel_loop3A_258, %parallel_loop3A_259] {strides = array<i32>} : memref<64x512xf32, #tpu.memory_space<vmem>>, vector<16xf32>,
          tpu.vector_store %arg7[%parallel_loop3A_258, %parallel_loop3A_259], %parallel_loop3A_248 {strides = array<i32>} : memref<64x512xf32, #tpu.memory_space<vmem>>, vector<16xf32>,
          %parallel_loop3A_261 = arith.constant 2304 : i32
          %parallel_loop3A_262 = tpu.memref_slice %arg5[%parallel_loop3A_261] : memref<24576xi32, #tpu.memory_space<vmem>> -> memref<768xi32, #tpu.memory_space<vmem>>
          %parallel_loop3A_263 = tpu.vector_load_idx %parallel_loop3A_262[%parallel_loop3A_147] : memref<768xi32, #tpu.memory_space<vmem>>[vector<16xi32>], vector<16xi32>,
          %parallel_loop3A_264 = arith.constant 2304 : i32
          %parallel_loop3A_265 = tpu.memref_slice %arg5[%parallel_loop3A_264] : memref<24576xi32, #tpu.memory_space<vmem>> -> memref<768xi32, #tpu.memory_space<vmem>>
          %parallel_loop3A_266 = tpu.vector_load_idx %parallel_loop3A_265[%parallel_loop3A_154] : memref<768xi32, #tpu.memory_space<vmem>>[vector<16xi32>], vector<16xi32>,
          %parallel_loop3A_267 = arith.constant 2304 : i32
          %parallel_loop3A_268 = tpu.memref_slice %arg5[%parallel_loop3A_267] : memref<24576xi32, #tpu.memory_space<vmem>> -> memref<768xi32, #tpu.memory_space<vmem>>
          %parallel_loop3A_269 = tpu.vector_load_idx %parallel_loop3A_268[%parallel_loop3A_161] : memref<768xi32, #tpu.memory_space<vmem>>[vector<16xi32>], vector<16xi32>,
          %parallel_loop3A_270 = vector.bitcast %parallel_loop3A_263 : vector<16xi32> to vector<32xbf16>
          %parallel_loop3A_271 = vector.bitcast %parallel_loop3A_266 : vector<16xi32> to vector<32xbf16>
          %parallel_loop3A_272 = arith.addf %parallel_loop3A_270, %parallel_loop3A_271 : vector<32xbf16>
          %parallel_loop3A_273 = vector.bitcast %parallel_loop3A_269 : vector<16xi32> to vector<32xbf16>
          %parallel_loop3A_274 = arith.addf %parallel_loop3A_272, %parallel_loop3A_273 : vector<32xbf16>
          %parallel_loop3A_275 = vector.bitcast %parallel_loop3A_274 : vector<32xbf16> to vector<16xi32>
          %parallel_loop3A_276 = arith.constant 16 : i32
          %parallel_loop3A_277 = vector.broadcast %parallel_loop3A_276 : i32 to vector<16xi32>
          %parallel_loop3A_278 = arith.shli %parallel_loop3A_275, %parallel_loop3A_277 : vector<16xi32>
          %parallel_loop3A_279 = vector.bitcast %parallel_loop3A_278 : vector<16xi32> to vector<16xf32>
          %parallel_loop3A_280 = arith.andi %parallel_loop3A_275, %broadcast_in_dim3A_1 : vector<16xi32>
          %parallel_loop3A_281 = vector.bitcast %parallel_loop3A_280 : vector<16xi32> to vector<16xf32>
          %parallel_loop3A_282 = arith.constant 16 : i32
          %parallel_loop3A_283 = arith.muli %parallel_loop3A_138, %parallel_loop3A_282 : i32
          %parallel_loop3A_284 = arith.constant 6 : i32
          %parallel_loop3A_285 = arith.index_cast %parallel_loop3A_284 : i32 to index
          %parallel_loop3A_286 = arith.index_cast %parallel_loop3A_283 : i32 to index
          %parallel_loop3A_287 = tpu.vector_load %arg7[%parallel_loop3A_285, %parallel_loop3A_286] {strides = array<i32>} : memref<64x512xf32, #tpu.memory_space<vmem>>, vector<16xf32>,
          tpu.vector_store %arg7[%parallel_loop3A_285, %parallel_loop3A_286], %parallel_loop3A_279 {strides = array<i32>} : memref<64x512xf32, #tpu.memory_space<vmem>>, vector<16xf32>,
          %parallel_loop3A_288 = arith.constant 16 : i32
          %parallel_loop3A_289 = arith.muli %parallel_loop3A_138, %parallel_loop3A_288 : i32
          %parallel_loop3A_290 = arith.constant 7 : i32
          %parallel_loop3A_291 = arith.index_cast %parallel_loop3A_290 : i32 to index
          %parallel_loop3A_292 = arith.index_cast %parallel_loop3A_289 : i32 to index
          %parallel_loop3A_293 = tpu.vector_load %arg7[%parallel_loop3A_291, %parallel_loop3A_292] {strides = array<i32>} : memref<64x512xf32, #tpu.memory_space<vmem>>, vector<16xf32>,
          tpu.vector_store %arg7[%parallel_loop3A_291, %parallel_loop3A_292], %parallel_loop3A_281 {strides = array<i32>} : memref<64x512xf32, #tpu.memory_space<vmem>>, vector<16xf32>,
          %parallel_loop3A_294 = arith.constant 3072 : i32
          %parallel_loop3A_295 = tpu.memref_slice %arg5[%parallel_loop3A_294] : memref<24576xi32, #tpu.memory_space<vmem>> -> memref<768xi32, #tpu.memory_space<vmem>>
          %parallel_loop3A_296 = tpu.vector_load_idx %parallel_loop3A_295[%parallel_loop3A_147] : memref<768xi32, #tpu.memory_space<vmem>>[vector<16xi32>], vector<16xi32>,
          %parallel_loop3A_297 = arith.constant 3072 : i32
          %parallel_loop3A_298 = tpu.memref_slice %arg5[%parallel_loop3A_297] : memref<24576xi32, #tpu.memory_space<vmem>> -> memref<768xi32, #tpu.memory_space<vmem>>
          %parallel_loop3A_299 = tpu.vector_load_idx %parallel_loop3A_298[%parallel_loop3A_154] : memref<768xi32, #tpu.memory_space<vmem>>[vector<16xi32>], vector<16xi32>,
          %parallel_loop3A_300 = arith.constant 3072 : i32
          %parallel_loop3A_301 = tpu.memref_slice %arg5[%parallel_loop3A_300] : memref<24576xi32, #tpu.memory_space<vmem>> -> memref<768xi32, #tpu.memory_space<vmem>>
          %parallel_loop3A_302 = tpu.vector_load_idx %parallel_loop3A_301[%parallel_loop3A_161] : memref<768xi32, #tpu.memory_space<vmem>>[vector<16xi32>], vector<16xi32>,
          %parallel_loop3A_303 = vector.bitcast %parallel_loop3A_296 : vector<16xi32> to vector<32xbf16>
          %parallel_loop3A_304 = vector.bitcast %parallel_loop3A_299 : vector<16xi32> to vector<32xbf16>
          %parallel_loop3A_305 = arith.addf %parallel_loop3A_303, %parallel_loop3A_304 : vector<32xbf16>
          %parallel_loop3A_306 = vector.bitcast %parallel_loop3A_302 : vector<16xi32> to vector<32xbf16>
          %parallel_loop3A_307 = arith.addf %parallel_loop3A_305, %parallel_loop3A_306 : vector<32xbf16>
          %parallel_loop3A_308 = vector.bitcast %parallel_loop3A_307 : vector<32xbf16> to vector<16xi32>
          %parallel_loop3A_309 = arith.constant 16 : i32
          %parallel_loop3A_310 = vector.broadcast %parallel_loop3A_309 : i32 to vector<16xi32>
          %parallel_loop3A_311 = arith.shli %parallel_loop3A_308, %parallel_loop3A_310 : vector<16xi32>
          %parallel_loop3A_312 = vector.bitcast %parallel_loop3A_311 : vector<16xi32> to vector<16xf32>
          %parallel_loop3A_313 = arith.andi %parallel_loop3A_308, %broadcast_in_dim3A_1 : vector<16xi32>
          %parallel_loop3A_314 = vector.bitcast %parallel_loop3A_313 : vector<16xi32> to vector<16xf32>
          %parallel_loop3A_315 = arith.constant 16 : i32
          %parallel_loop3A_316 = arith.muli %parallel_loop3A_138, %parallel_loop3A_315 : i32
          %parallel_loop3A_317 = arith.constant 8 : i32
          %parallel_loop3A_318 = arith.index_cast %parallel_loop3A_317 : i32 to index
          %parallel_loop3A_319 = arith.index_cast %parallel_loop3A_316 : i32 to index
          %parallel_loop3A_320 = tpu.vector_load %arg7[%parallel_loop3A_318, %parallel_loop3A_319] {strides = array<i32>} : memref<64x512xf32, #tpu.memory_space<vmem>>, vector<16xf32>,
          tpu.vector_store %arg7[%parallel_loop3A_318, %parallel_loop3A_319], %parallel_loop3A_312 {strides = array<i32>} : memref<64x512xf32, #tpu.memory_space<vmem>>, vector<16xf32>,
          %parallel_loop3A_321 = arith.constant 16 : i32
          %parallel_loop3A_322 = arith.muli %parallel_loop3A_138, %parallel_loop3A_321 : i32
          %parallel_loop3A_323 = arith.constant 9 : i32
          %parallel_loop3A_324 = arith.index_cast %parallel_loop3A_323 : i32 to index
          %parallel_loop3A_325 = arith.index_cast %parallel_loop3A_322 : i32 to index
          %parallel_loop3A_326 = tpu.vector_load %arg7[%parallel_loop3A_324, %parallel_loop3A_325] {strides = array<i32>} : memref<64x512xf32, #tpu.memory_space<vmem>>, vector<16xf32>,
          tpu.vector_store %arg7[%parallel_loop3A_324, %parallel_loop3A_325], %parallel_loop3A_314 {strides = array<i32>} : memref<64x512xf32, #tpu.memory_space<vmem>>, vector<16xf32>,
          %parallel_loop3A_327 = arith.constant 3840 : i32
          %parallel_loop3A_328 = tpu.memref_slice %arg5[%parallel_loop3A_327] : memref<24576xi32, #tpu.memory_space<vmem>> -> memref<768xi32, #tpu.memory_space<vmem>>
          %parallel_loop3A_329 = tpu.vector_load_idx %parallel_loop3A_328[%parallel_loop3A_147] : memref<768xi32, #tpu.memory_space<vmem>>[vector<16xi32>], vector<16xi32>,
          %parallel_loop3A_330 = arith.constant 3840 : i32
          %parallel_loop3A_331 = tpu.memref_slice %arg5[%parallel_loop3A_330] : memref<24576xi32, #tpu.memory_space<vmem>> -> memref<768xi32, #tpu.memory_space<vmem>>
          %parallel_loop3A_332 = tpu.vector_load_idx %parallel_loop3A_331[%parallel_loop3A_154] : memref<768xi32, #tpu.memory_space<vmem>>[vector<16xi32>], vector<16xi32>,
          %parallel_loop3A_333 = arith.constant 3840 : i32
          %parallel_loop3A_334 = tpu.memref_slice %arg5[%parallel_loop3A_333] : memref<24576xi32, #tpu.memory_space<vmem>> -> memref<768xi32, #tpu.memory_space<vmem>>
          %parallel_loop3A_335 = tpu.vector_load_idx %parallel_loop3A_334[%parallel_loop3A_161] : memref<768xi32, #tpu.memory_space<vmem>>[vector<16xi32>], vector<16xi32>,
          %parallel_loop3A_336 = vector.bitcast %parallel_loop3A_329 : vector<16xi32> to vector<32xbf16>
          %parallel_loop3A_337 = vector.bitcast %parallel_loop3A_332 : vector<16xi32> to vector<32xbf16>
          %parallel_loop3A_338 = arith.addf %parallel_loop3A_336, %parallel_loop3A_337 : vector<32xbf16>
          %parallel_loop3A_339 = vector.bitcast %parallel_loop3A_335 : vector<16xi32> to vector<32xbf16>
          %parallel_loop3A_340 = arith.addf %parallel_loop3A_338, %parallel_loop3A_339 : vector<32xbf16>
          %parallel_loop3A_341 = vector.bitcast %parallel_loop3A_340 : vector<32xbf16> to vector<16xi32>
          %parallel_loop3A_342 = arith.constant 16 : i32
          %parallel_loop3A_343 = vector.broadcast %parallel_loop3A_342 : i32 to vector<16xi32>
          %parallel_loop3A_344 = arith.shli %parallel_loop3A_341, %parallel_loop3A_343 : vector<16xi32>
          %parallel_loop3A_345 = vector.bitcast %parallel_loop3A_344 : vector<16xi32> to vector<16xf32>
          %parallel_loop3A_346 = arith.andi %parallel_loop3A_341, %broadcast_in_dim3A_1 : vector<16xi32>
          %parallel_loop3A_347 = vector.bitcast %parallel_loop3A_346 : vector<16xi32> to vector<16xf32>
          %parallel_loop3A_348 = arith.constant 16 : i32
          %parallel_loop3A_349 = arith.muli %parallel_loop3A_138, %parallel_loop3A_348 : i32
          %parallel_loop3A_350 = arith.constant 10 : i32
          %parallel_loop3A_351 = arith.index_cast %parallel_loop3A_350 : i32 to index
          %parallel_loop3A_352 = arith.index_cast %parallel_loop3A_349 : i32 to index
          %parallel_loop3A_353 = tpu.vector_load %arg7[%parallel_loop3A_351, %parallel_loop3A_352] {strides = array<i32>} : memref<64x512xf32, #tpu.memory_space<vmem>>, vector<16xf32>,
          tpu.vector_store %arg7[%parallel_loop3A_351, %parallel_loop3A_352], %parallel_loop3A_345 {strides = array<i32>} : memref<64x512xf32, #tpu.memory_space<vmem>>, vector<16xf32>,
          %parallel_loop3A_354 = arith.constant 16 : i32
          %parallel_loop3A_355 = arith.muli %parallel_loop3A_138, %parallel_loop3A_354 : i32
          %parallel_loop3A_356 = arith.constant 11 : i32
          %parallel_loop3A_357 = arith.index_cast %parallel_loop3A_356 : i32 to index
          %parallel_loop3A_358 = arith.index_cast %parallel_loop3A_355 : i32 to index
          %parallel_loop3A_359 = tpu.vector_load %arg7[%parallel_loop3A_357, %parallel_loop3A_358] {strides = array<i32>} : memref<64x512xf32, #tpu.memory_space<vmem>>, vector<16xf32>,
          tpu.vector_store %arg7[%parallel_loop3A_357, %parallel_loop3A_358], %parallel_loop3A_347 {strides = array<i32>} : memref<64x512xf32, #tpu.memory_space<vmem>>, vector<16xf32>,
          %parallel_loop3A_360 = arith.constant 4608 : i32
          %parallel_loop3A_361 = tpu.memref_slice %arg5[%parallel_loop3A_360] : memref<24576xi32, #tpu.memory_space<vmem>> -> memref<768xi32, #tpu.memory_space<vmem>>
          %parallel_loop3A_362 = tpu.vector_load_idx %parallel_loop3A_361[%parallel_loop3A_147] : memref<768xi32, #tpu.memory_space<vmem>>[vector<16xi32>], vector<16xi32>,
          %parallel_loop3A_363 = arith.constant 4608 : i32
          %parallel_loop3A_364 = tpu.memref_slice %arg5[%parallel_loop3A_363] : memref<24576xi32, #tpu.memory_space<vmem>> -> memref<768xi32, #tpu.memory_space<vmem>>
          %parallel_loop3A_365 = tpu.vector_load_idx %parallel_loop3A_364[%parallel_loop3A_154] : memref<768xi32, #tpu.memory_space<vmem>>[vector<16xi32>], vector<16xi32>,
          %parallel_loop3A_366 = arith.constant 4608 : i32
          %parallel_loop3A_367 = tpu.memref_slice %arg5[%parallel_loop3A_366] : memref<24576xi32, #tpu.memory_space<vmem>> -> memref<768xi32, #tpu.memory_space<vmem>>
          %parallel_loop3A_368 = tpu.vector_load_idx %parallel_loop3A_367[%parallel_loop3A_161] : memref<768xi32, #tpu.memory_space<vmem>>[vector<16xi32>], vector<16xi32>,
          %parallel_loop3A_369 = vector.bitcast %parallel_loop3A_362 : vector<16xi32> to vector<32xbf16>
          %parallel_loop3A_370 = vector.bitcast %parallel_loop3A_365 : vector<16xi32> to vector<32xbf16>
          %parallel_loop3A_371 = arith.addf %parallel_loop3A_369, %parallel_loop3A_370 : vector<32xbf16>
          %parallel_loop3A_372 = vector.bitcast %parallel_loop3A_368 : vector<16xi32> to vector<32xbf16>
          %parallel_loop3A_373 = arith.addf %parallel_loop3A_371, %parallel_loop3A_372 : vector<32xbf16>
          %parallel_loop3A_374 = vector.bitcast %parallel_loop3A_373 : vector<32xbf16> to vector<16xi32>
          %parallel_loop3A_375 = arith.constant 16 : i32
          %parallel_loop3A_376 = vector.broadcast %parallel_loop3A_375 : i32 to vector<16xi32>
          %parallel_loop3A_377 = arith.shli %parallel_loop3A_374, %parallel_loop3A_376 : vector<16xi32>
          %parallel_loop3A_378 = vector.bitcast %parallel_loop3A_377 : vector<16xi32> to vector<16xf32>
          %parallel_loop3A_379 = arith.andi %parallel_loop3A_374, %broadcast_in_dim3A_1 : vector<16xi32>
          %parallel_loop3A_380 = vector.bitcast %parallel_loop3A_379 : vector<16xi32> to vector<16xf32>
          %parallel_loop3A_381 = arith.constant 16 : i32
          %parallel_loop3A_382 = arith.muli %parallel_loop3A_138, %parallel_loop3A_381 : i32
          %parallel_loop3A_383 = arith.constant 12 : i32
          %parallel_loop3A_384 = arith.index_cast %parallel_loop3A_383 : i32 to index
          %parallel_loop3A_385 = arith.index_cast %parallel_loop3A_382 : i32 to index
          %parallel_loop3A_386 = tpu.vector_load %arg7[%parallel_loop3A_384, %parallel_loop3A_385] {strides = array<i32>} : memref<64x512xf32, #tpu.memory_space<vmem>>, vector<16xf32>,
          tpu.vector_store %arg7[%parallel_loop3A_384, %parallel_loop3A_385], %parallel_loop3A_378 {strides = array<i32>} : memref<64x512xf32, #tpu.memory_space<vmem>>, vector<16xf32>,
          %parallel_loop3A_387 = arith.constant 16 : i32
          %parallel_loop3A_388 = arith.muli %parallel_loop3A_138, %parallel_loop3A_387 : i32
          %parallel_loop3A_389 = arith.constant 13 : i32
          %parallel_loop3A_390 = arith.index_cast %parallel_loop3A_389 : i32 to index
          %parallel_loop3A_391 = arith.index_cast %parallel_loop3A_388 : i32 to index
          %parallel_loop3A_392 = tpu.vector_load %arg7[%parallel_loop3A_390, %parallel_loop3A_391] {strides = array<i32>} : memref<64x512xf32, #tpu.memory_space<vmem>>, vector<16xf32>,
          tpu.vector_store %arg7[%parallel_loop3A_390, %parallel_loop3A_391], %parallel_loop3A_380 {strides = array<i32>} : memref<64x512xf32, #tpu.memory_space<vmem>>, vector<16xf32>,
          %parallel_loop3A_393 = arith.constant 5376 : i32
          %parallel_loop3A_394 = tpu.memref_slice %arg5[%parallel_loop3A_393] : memref<24576xi32, #tpu.memory_space<vmem>> -> memref<768xi32, #tpu.memory_space<vmem>>
          %parallel_loop3A_395 = tpu.vector_load_idx %parallel_loop3A_394[%parallel_loop3A_147] : memref<768xi32, #tpu.memory_space<vmem>>[vector<16xi32>], vector<16xi32>,
          %parallel_loop3A_396 = arith.constant 5376 : i32
          %parallel_loop3A_397 = tpu.memref_slice %arg5[%parallel_loop3A_396] : memref<24576xi32, #tpu.memory_space<vmem>> -> memref<768xi32, #tpu.memory_space<vmem>>
          %parallel_loop3A_398 = tpu.vector_load_idx %parallel_loop3A_397[%parallel_loop3A_154] : memref<768xi32, #tpu.memory_space<vmem>>[vector<16xi32>], vector<16xi32>,
          %parallel_loop3A_399 = arith.constant 5376 : i32
          %parallel_loop3A_400 = tpu.memref_slice %arg5[%parallel_loop3A_399] : memref<24576xi32, #tpu.memory_space<vmem>> -> memref<768xi32, #tpu.memory_space<vmem>>
          %parallel_loop3A_401 = tpu.vector_load_idx %parallel_loop3A_400[%parallel_loop3A_161] : memref<768xi32, #tpu.memory_space<vmem>>[vector<16xi32>], vector<16xi32>,
          %parallel_loop3A_402 = vector.bitcast %parallel_loop3A_395 : vector<16xi32> to vector<32xbf16>
          %parallel_loop3A_403 = vector.bitcast %parallel_loop3A_398 : vector<16xi32> to vector<32xbf16>
          %parallel_loop3A_404 = arith.addf %parallel_loop3A_402, %parallel_loop3A_403 : vector<32xbf16>
          %parallel_loop3A_405 = vector.bitcast %parallel_loop3A_401 : vector<16xi32> to vector<32xbf16>
          %parallel_loop3A_406 = arith.addf %parallel_loop3A_404, %parallel_loop3A_405 : vector<32xbf16>
          %parallel_loop3A_407 = vector.bitcast %parallel_loop3A_406 : vector<32xbf16> to vector<16xi32>
          %parallel_loop3A_408 = arith.constant 16 : i32
          %parallel_loop3A_409 = vector.broadcast %parallel_loop3A_408 : i32 to vector<16xi32>
          %parallel_loop3A_410 = arith.shli %parallel_loop3A_407, %parallel_loop3A_409 : vector<16xi32>
          %parallel_loop3A_411 = vector.bitcast %parallel_loop3A_410 : vector<16xi32> to vector<16xf32>
          %parallel_loop3A_412 = arith.andi %parallel_loop3A_407, %broadcast_in_dim3A_1 : vector<16xi32>
          %parallel_loop3A_413 = vector.bitcast %parallel_loop3A_412 : vector<16xi32> to vector<16xf32>
          %parallel_loop3A_414 = arith.constant 16 : i32
          %parallel_loop3A_415 = arith.muli %parallel_loop3A_138, %parallel_loop3A_414 : i32
          %parallel_loop3A_416 = arith.constant 14 : i32
          %parallel_loop3A_417 = arith.index_cast %parallel_loop3A_416 : i32 to index
          %parallel_loop3A_418 = arith.index_cast %parallel_loop3A_415 : i32 to index
          %parallel_loop3A_419 = tpu.vector_load %arg7[%parallel_loop3A_417, %parallel_loop3A_418] {strides = array<i32>} : memref<64x512xf32, #tpu.memory_space<vmem>>, vector<16xf32>,
          tpu.vector_store %arg7[%parallel_loop3A_417, %parallel_loop3A_418], %parallel_loop3A_411 {strides = array<i32>} : memref<64x512xf32, #tpu.memory_space<vmem>>, vector<16xf32>,
          %parallel_loop3A_420 = arith.constant 16 : i32
          %parallel_loop3A_421 = arith.muli %parallel_loop3A_138, %parallel_loop3A_420 : i32
          %parallel_loop3A_422 = arith.constant 15 : i32
          %parallel_loop3A_423 = arith.index_cast %parallel_loop3A_422 : i32 to index
          %parallel_loop3A_424 = arith.index_cast %parallel_loop3A_421 : i32 to index
          %parallel_loop3A_425 = tpu.vector_load %arg7[%parallel_loop3A_423, %parallel_loop3A_424] {strides = array<i32>} : memref<64x512xf32, #tpu.memory_space<vmem>>, vector<16xf32>,
          tpu.vector_store %arg7[%parallel_loop3A_423, %parallel_loop3A_424], %parallel_loop3A_413 {strides = array<i32>} : memref<64x512xf32, #tpu.memory_space<vmem>>, vector<16xf32>,
          %parallel_loop3A_426 = arith.constant 6144 : i32
          %parallel_loop3A_427 = tpu.memref_slice %arg5[%parallel_loop3A_426] : memref<24576xi32, #tpu.memory_space<vmem>> -> memref<768xi32, #tpu.memory_space<vmem>>
          %parallel_loop3A_428 = tpu.vector_load_idx %parallel_loop3A_427[%parallel_loop3A_147] : memref<768xi32, #tpu.memory_space<vmem>>[vector<16xi32>], vector<16xi32>,
          %parallel_loop3A_429 = arith.constant 6144 : i32
          %parallel_loop3A_430 = tpu.memref_slice %arg5[%parallel_loop3A_429] : memref<24576xi32, #tpu.memory_space<vmem>> -> memref<768xi32, #tpu.memory_space<vmem>>
          %parallel_loop3A_431 = tpu.vector_load_idx %parallel_loop3A_430[%parallel_loop3A_154] : memref<768xi32, #tpu.memory_space<vmem>>[vector<16xi32>], vector<16xi32>,
          %parallel_loop3A_432 = arith.constant 6144 : i32
          %parallel_loop3A_433 = tpu.memref_slice %arg5[%parallel_loop3A_432] : memref<24576xi32, #tpu.memory_space<vmem>> -> memref<768xi32, #tpu.memory_space<vmem>>
          %parallel_loop3A_434 = tpu.vector_load_idx %parallel_loop3A_433[%parallel_loop3A_161] : memref<768xi32, #tpu.memory_space<vmem>>[vector<16xi32>], vector<16xi32>,
          %parallel_loop3A_435 = vector.bitcast %parallel_loop3A_428 : vector<16xi32> to vector<32xbf16>
          %parallel_loop3A_436 = vector.bitcast %parallel_loop3A_431 : vector<16xi32> to vector<32xbf16>
          %parallel_loop3A_437 = arith.addf %parallel_loop3A_435, %parallel_loop3A_436 : vector<32xbf16>
          %parallel_loop3A_438 = vector.bitcast %parallel_loop3A_434 : vector<16xi32> to vector<32xbf16>
          %parallel_loop3A_439 = arith.addf %parallel_loop3A_437, %parallel_loop3A_438 : vector<32xbf16>
          %parallel_loop3A_440 = vector.bitcast %parallel_loop3A_439 : vector<32xbf16> to vector<16xi32>
          %parallel_loop3A_441 = arith.constant 16 : i32
          %parallel_loop3A_442 = vector.broadcast %parallel_loop3A_441 : i32 to vector<16xi32>
          %parallel_loop3A_443 = arith.shli %parallel_loop3A_440, %parallel_loop3A_442 : vector<16xi32>
          %parallel_loop3A_444 = vector.bitcast %parallel_loop3A_443 : vector<16xi32> to vector<16xf32>
          %parallel_loop3A_445 = arith.andi %parallel_loop3A_440, %broadcast_in_dim3A_1 : vector<16xi32>
          %parallel_loop3A_446 = vector.bitcast %parallel_loop3A_445 : vector<16xi32> to vector<16xf32>
          %parallel_loop3A_447 = arith.constant 16 : i32
          %parallel_loop3A_448 = arith.muli %parallel_loop3A_138, %parallel_loop3A_447 : i32
          %parallel_loop3A_449 = arith.constant 16 : i32
          %parallel_loop3A_450 = arith.index_cast %parallel_loop3A_449 : i32 to index
          %parallel_loop3A_451 = arith.index_cast %parallel_loop3A_448 : i32 to index
          %parallel_loop3A_452 = tpu.vector_load %arg7[%parallel_loop3A_450, %parallel_loop3A_451] {strides = array<i32>} : memref<64x512xf32, #tpu.memory_space<vmem>>, vector<16xf32>,
          tpu.vector_store %arg7[%parallel_loop3A_450, %parallel_loop3A_451], %parallel_loop3A_444 {strides = array<i32>} : memref<64x512xf32, #tpu.memory_space<vmem>>, vector<16xf32>,
          %parallel_loop3A_453 = arith.constant 16 : i32
          %parallel_loop3A_454 = arith.muli %parallel_loop3A_138, %parallel_loop3A_453 : i32
          %parallel_loop3A_455 = arith.constant 17 : i32
          %parallel_loop3A_456 = arith.index_cast %parallel_loop3A_455 : i32 to index
          %parallel_loop3A_457 = arith.index_cast %parallel_loop3A_454 : i32 to index
          %parallel_loop3A_458 = tpu.vector_load %arg7[%parallel_loop3A_456, %parallel_loop3A_457] {strides = array<i32>} : memref<64x512xf32, #tpu.memory_space<vmem>>, vector<16xf32>,
          tpu.vector_store %arg7[%parallel_loop3A_456, %parallel_loop3A_457], %parallel_loop3A_446 {strides = array<i32>} : memref<64x512xf32, #tpu.memory_space<vmem>>, vector<16xf32>,
          %parallel_loop3A_459 = arith.constant 6912 : i32
          %parallel_loop3A_460 = tpu.memref_slice %arg5[%parallel_loop3A_459] : memref<24576xi32, #tpu.memory_space<vmem>> -> memref<768xi32, #tpu.memory_space<vmem>>
          %parallel_loop3A_461 = tpu.vector_load_idx %parallel_loop3A_460[%parallel_loop3A_147] : memref<768xi32, #tpu.memory_space<vmem>>[vector<16xi32>], vector<16xi32>,
          %parallel_loop3A_462 = arith.constant 6912 : i32
          %parallel_loop3A_463 = tpu.memref_slice %arg5[%parallel_loop3A_462] : memref<24576xi32, #tpu.memory_space<vmem>> -> memref<768xi32, #tpu.memory_space<vmem>>
          %parallel_loop3A_464 = tpu.vector_load_idx %parallel_loop3A_463[%parallel_loop3A_154] : memref<768xi32, #tpu.memory_space<vmem>>[vector<16xi32>], vector<16xi32>,
          %parallel_loop3A_465 = arith.constant 6912 : i32
          %parallel_loop3A_466 = tpu.memref_slice %arg5[%parallel_loop3A_465] : memref<24576xi32, #tpu.memory_space<vmem>> -> memref<768xi32, #tpu.memory_space<vmem>>
          %parallel_loop3A_467 = tpu.vector_load_idx %parallel_loop3A_466[%parallel_loop3A_161] : memref<768xi32, #tpu.memory_space<vmem>>[vector<16xi32>], vector<16xi32>,
          %parallel_loop3A_468 = vector.bitcast %parallel_loop3A_461 : vector<16xi32> to vector<32xbf16>
          %parallel_loop3A_469 = vector.bitcast %parallel_loop3A_464 : vector<16xi32> to vector<32xbf16>
          %parallel_loop3A_470 = arith.addf %parallel_loop3A_468, %parallel_loop3A_469 : vector<32xbf16>
          %parallel_loop3A_471 = vector.bitcast %parallel_loop3A_467 : vector<16xi32> to vector<32xbf16>
          %parallel_loop3A_472 = arith.addf %parallel_loop3A_470, %parallel_loop3A_471 : vector<32xbf16>
          %parallel_loop3A_473 = vector.bitcast %parallel_loop3A_472 : vector<32xbf16> to vector<16xi32>
          %parallel_loop3A_474 = arith.constant 16 : i32
          %parallel_loop3A_475 = vector.broadcast %parallel_loop3A_474 : i32 to vector<16xi32>
          %parallel_loop3A_476 = arith.shli %parallel_loop3A_473, %parallel_loop3A_475 : vector<16xi32>
          %parallel_loop3A_477 = vector.bitcast %parallel_loop3A_476 : vector<16xi32> to vector<16xf32>
          %parallel_loop3A_478 = arith.andi %parallel_loop3A_473, %broadcast_in_dim3A_1 : vector<16xi32>
          %parallel_loop3A_479 = vector.bitcast %parallel_loop3A_478 : vector<16xi32> to vector<16xf32>
          %parallel_loop3A_480 = arith.constant 16 : i32
          %parallel_loop3A_481 = arith.muli %parallel_loop3A_138, %parallel_loop3A_480 : i32
          %parallel_loop3A_482 = arith.constant 18 : i32
          %parallel_loop3A_483 = arith.index_cast %parallel_loop3A_482 : i32 to index
          %parallel_loop3A_484 = arith.index_cast %parallel_loop3A_481 : i32 to index
          %parallel_loop3A_485 = tpu.vector_load %arg7[%parallel_loop3A_483, %parallel_loop3A_484] {strides = array<i32>} : memref<64x512xf32, #tpu.memory_space<vmem>>, vector<16xf32>,
          tpu.vector_store %arg7[%parallel_loop3A_483, %parallel_loop3A_484], %parallel_loop3A_477 {strides = array<i32>} : memref<64x512xf32, #tpu.memory_space<vmem>>, vector<16xf32>,
          %parallel_loop3A_486 = arith.constant 16 : i32
          %parallel_loop3A_487 = arith.muli %parallel_loop3A_138, %parallel_loop3A_486 : i32
          %parallel_loop3A_488 = arith.constant 19 : i32
          %parallel_loop3A_489 = arith.index_cast %parallel_loop3A_488 : i32 to index
          %parallel_loop3A_490 = arith.index_cast %parallel_loop3A_487 : i32 to index
          %parallel_loop3A_491 = tpu.vector_load %arg7[%parallel_loop3A_489, %parallel_loop3A_490] {strides = array<i32>} : memref<64x512xf32, #tpu.memory_space<vmem>>, vector<16xf32>,
          tpu.vector_store %arg7[%parallel_loop3A_489, %parallel_loop3A_490], %parallel_loop3A_479 {strides = array<i32>} : memref<64x512xf32, #tpu.memory_space<vmem>>, vector<16xf32>,
          %parallel_loop3A_492 = arith.constant 7680 : i32
          %parallel_loop3A_493 = tpu.memref_slice %arg5[%parallel_loop3A_492] : memref<24576xi32, #tpu.memory_space<vmem>> -> memref<768xi32, #tpu.memory_space<vmem>>
          %parallel_loop3A_494 = tpu.vector_load_idx %parallel_loop3A_493[%parallel_loop3A_147] : memref<768xi32, #tpu.memory_space<vmem>>[vector<16xi32>], vector<16xi32>,
          %parallel_loop3A_495 = arith.constant 7680 : i32
          %parallel_loop3A_496 = tpu.memref_slice %arg5[%parallel_loop3A_495] : memref<24576xi32, #tpu.memory_space<vmem>> -> memref<768xi32, #tpu.memory_space<vmem>>
          %parallel_loop3A_497 = tpu.vector_load_idx %parallel_loop3A_496[%parallel_loop3A_154] : memref<768xi32, #tpu.memory_space<vmem>>[vector<16xi32>], vector<16xi32>,
          %parallel_loop3A_498 = arith.constant 7680 : i32
          %parallel_loop3A_499 = tpu.memref_slice %arg5[%parallel_loop3A_498] : memref<24576xi32, #tpu.memory_space<vmem>> -> memref<768xi32, #tpu.memory_space<vmem>>
          %parallel_loop3A_500 = tpu.vector_load_idx %parallel_loop3A_499[%parallel_loop3A_161] : memref<768xi32, #tpu.memory_space<vmem>>[vector<16xi32>], vector<16xi32>,
          %parallel_loop3A_501 = vector.bitcast %parallel_loop3A_494 : vector<16xi32> to vector<32xbf16>
          %parallel_loop3A_502 = vector.bitcast %parallel_loop3A_497 : vector<16xi32> to vector<32xbf16>
          %parallel_loop3A_503 = arith.addf %parallel_loop3A_501, %parallel_loop3A_502 : vector<32xbf16>
          %parallel_loop3A_504 = vector.bitcast %parallel_loop3A_500 : vector<16xi32> to vector<32xbf16>
          %parallel_loop3A_505 = arith.addf %parallel_loop3A_503, %parallel_loop3A_504 : vector<32xbf16>
          %parallel_loop3A_506 = vector.bitcast %parallel_loop3A_505 : vector<32xbf16> to vector<16xi32>
          %parallel_loop3A_507 = arith.constant 16 : i32
          %parallel_loop3A_508 = vector.broadcast %parallel_loop3A_507 : i32 to vector<16xi32>
          %parallel_loop3A_509 = arith.shli %parallel_loop3A_506, %parallel_loop3A_508 : vector<16xi32>
          %parallel_loop3A_510 = vector.bitcast %parallel_loop3A_509 : vector<16xi32> to vector<16xf32>
          %parallel_loop3A_511 = arith.andi %parallel_loop3A_506, %broadcast_in_dim3A_1 : vector<16xi32>
          %parallel_loop3A_512 = vector.bitcast %parallel_loop3A_511 : vector<16xi32> to vector<16xf32>
          %parallel_loop3A_513 = arith.constant 16 : i32
          %parallel_loop3A_514 = arith.muli %parallel_loop3A_138, %parallel_loop3A_513 : i32
          %parallel_loop3A_515 = arith.constant 20 : i32
          %parallel_loop3A_516 = arith.index_cast %parallel_loop3A_515 : i32 to index
          %parallel_loop3A_517 = arith.index_cast %parallel_loop3A_514 : i32 to index
          %parallel_loop3A_518 = tpu.vector_load %arg7[%parallel_loop3A_516, %parallel_loop3A_517] {strides = array<i32>} : memref<64x512xf32, #tpu.memory_space<vmem>>, vector<16xf32>,
          tpu.vector_store %arg7[%parallel_loop3A_516, %parallel_loop3A_517], %parallel_loop3A_510 {strides = array<i32>} : memref<64x512xf32, #tpu.memory_space<vmem>>, vector<16xf32>,
          %parallel_loop3A_519 = arith.constant 16 : i32
          %parallel_loop3A_520 = arith.muli %parallel_loop3A_138, %parallel_loop3A_519 : i32
          %parallel_loop3A_521 = arith.constant 21 : i32
          %parallel_loop3A_522 = arith.index_cast %parallel_loop3A_521 : i32 to index
          %parallel_loop3A_523 = arith.index_cast %parallel_loop3A_520 : i32 to index
          %parallel_loop3A_524 = tpu.vector_load %arg7[%parallel_loop3A_522, %parallel_loop3A_523] {strides = array<i32>} : memref<64x512xf32, #tpu.memory_space<vmem>>, vector<16xf32>,
          tpu.vector_store %arg7[%parallel_loop3A_522, %parallel_loop3A_523], %parallel_loop3A_512 {strides = array<i32>} : memref<64x512xf32, #tpu.memory_space<vmem>>, vector<16xf32>,
          %parallel_loop3A_525 = arith.constant 8448 : i32
          %parallel_loop3A_526 = tpu.memref_slice %arg5[%parallel_loop3A_525] : memref<24576xi32, #tpu.memory_space<vmem>> -> memref<768xi32, #tpu.memory_space<vmem>>
          %parallel_loop3A_527 = tpu.vector_load_idx %parallel_loop3A_526[%parallel_loop3A_147] : memref<768xi32, #tpu.memory_space<vmem>>[vector<16xi32>], vector<16xi32>,
          %parallel_loop3A_528 = arith.constant 8448 : i32
          %parallel_loop3A_529 = tpu.memref_slice %arg5[%parallel_loop3A_528] : memref<24576xi32, #tpu.memory_space<vmem>> -> memref<768xi32, #tpu.memory_space<vmem>>
          %parallel_loop3A_530 = tpu.vector_load_idx %parallel_loop3A_529[%parallel_loop3A_154] : memref<768xi32, #tpu.memory_space<vmem>>[vector<16xi32>], vector<16xi32>,
          %parallel_loop3A_531 = arith.constant 8448 : i32
          %parallel_loop3A_532 = tpu.memref_slice %arg5[%parallel_loop3A_531] : memref<24576xi32, #tpu.memory_space<vmem>> -> memref<768xi32, #tpu.memory_space<vmem>>
          %parallel_loop3A_533 = tpu.vector_load_idx %parallel_loop3A_532[%parallel_loop3A_161] : memref<768xi32, #tpu.memory_space<vmem>>[vector<16xi32>], vector<16xi32>,
          %parallel_loop3A_534 = vector.bitcast %parallel_loop3A_527 : vector<16xi32> to vector<32xbf16>
          %parallel_loop3A_535 = vector.bitcast %parallel_loop3A_530 : vector<16xi32> to vector<32xbf16>
          %parallel_loop3A_536 = arith.addf %parallel_loop3A_534, %parallel_loop3A_535 : vector<32xbf16>
          %parallel_loop3A_537 = vector.bitcast %parallel_loop3A_533 : vector<16xi32> to vector<32xbf16>
          %parallel_loop3A_538 = arith.addf %parallel_loop3A_536, %parallel_loop3A_537 : vector<32xbf16>
          %parallel_loop3A_539 = vector.bitcast %parallel_loop3A_538 : vector<32xbf16> to vector<16xi32>
          %parallel_loop3A_540 = arith.constant 16 : i32
          %parallel_loop3A_541 = vector.broadcast %parallel_loop3A_540 : i32 to vector<16xi32>
          %parallel_loop3A_542 = arith.shli %parallel_loop3A_539, %parallel_loop3A_541 : vector<16xi32>
          %parallel_loop3A_543 = vector.bitcast %parallel_loop3A_542 : vector<16xi32> to vector<16xf32>
          %parallel_loop3A_544 = arith.andi %parallel_loop3A_539, %broadcast_in_dim3A_1 : vector<16xi32>
          %parallel_loop3A_545 = vector.bitcast %parallel_loop3A_544 : vector<16xi32> to vector<16xf32>
          %parallel_loop3A_546 = arith.constant 16 : i32
          %parallel_loop3A_547 = arith.muli %parallel_loop3A_138, %parallel_loop3A_546 : i32
          %parallel_loop3A_548 = arith.constant 22 : i32
          %parallel_loop3A_549 = arith.index_cast %parallel_loop3A_548 : i32 to index
          %parallel_loop3A_550 = arith.index_cast %parallel_loop3A_547 : i32 to index
          %parallel_loop3A_551 = tpu.vector_load %arg7[%parallel_loop3A_549, %parallel_loop3A_550] {strides = array<i32>} : memref<64x512xf32, #tpu.memory_space<vmem>>, vector<16xf32>,
          tpu.vector_store %arg7[%parallel_loop3A_549, %parallel_loop3A_550], %parallel_loop3A_543 {strides = array<i32>} : memref<64x512xf32, #tpu.memory_space<vmem>>, vector<16xf32>,
          %parallel_loop3A_552 = arith.constant 16 : i32
          %parallel_loop3A_553 = arith.muli %parallel_loop3A_138, %parallel_loop3A_552 : i32
          %parallel_loop3A_554 = arith.constant 23 : i32
          %parallel_loop3A_555 = arith.index_cast %parallel_loop3A_554 : i32 to index
          %parallel_loop3A_556 = arith.index_cast %parallel_loop3A_553 : i32 to index
          %parallel_loop3A_557 = tpu.vector_load %arg7[%parallel_loop3A_555, %parallel_loop3A_556] {strides = array<i32>} : memref<64x512xf32, #tpu.memory_space<vmem>>, vector<16xf32>,
          tpu.vector_store %arg7[%parallel_loop3A_555, %parallel_loop3A_556], %parallel_loop3A_545 {strides = array<i32>} : memref<64x512xf32, #tpu.memory_space<vmem>>, vector<16xf32>,
          %parallel_loop3A_558 = arith.constant 9216 : i32
          %parallel_loop3A_559 = tpu.memref_slice %arg5[%parallel_loop3A_558] : memref<24576xi32, #tpu.memory_space<vmem>> -> memref<768xi32, #tpu.memory_space<vmem>>
          %parallel_loop3A_560 = tpu.vector_load_idx %parallel_loop3A_559[%parallel_loop3A_147] : memref<768xi32, #tpu.memory_space<vmem>>[vector<16xi32>], vector<16xi32>,
          %parallel_loop3A_561 = arith.constant 9216 : i32
          %parallel_loop3A_562 = tpu.memref_slice %arg5[%parallel_loop3A_561] : memref<24576xi32, #tpu.memory_space<vmem>> -> memref<768xi32, #tpu.memory_space<vmem>>
          %parallel_loop3A_563 = tpu.vector_load_idx %parallel_loop3A_562[%parallel_loop3A_154] : memref<768xi32, #tpu.memory_space<vmem>>[vector<16xi32>], vector<16xi32>,
          %parallel_loop3A_564 = arith.constant 9216 : i32
          %parallel_loop3A_565 = tpu.memref_slice %arg5[%parallel_loop3A_564] : memref<24576xi32, #tpu.memory_space<vmem>> -> memref<768xi32, #tpu.memory_space<vmem>>
          %parallel_loop3A_566 = tpu.vector_load_idx %parallel_loop3A_565[%parallel_loop3A_161] : memref<768xi32, #tpu.memory_space<vmem>>[vector<16xi32>], vector<16xi32>,
          %parallel_loop3A_567 = vector.bitcast %parallel_loop3A_560 : vector<16xi32> to vector<32xbf16>
          %parallel_loop3A_568 = vector.bitcast %parallel_loop3A_563 : vector<16xi32> to vector<32xbf16>
          %parallel_loop3A_569 = arith.addf %parallel_loop3A_567, %parallel_loop3A_568 : vector<32xbf16>
          %parallel_loop3A_570 = vector.bitcast %parallel_loop3A_566 : vector<16xi32> to vector<32xbf16>
          %parallel_loop3A_571 = arith.addf %parallel_loop3A_569, %parallel_loop3A_570 : vector<32xbf16>
          %parallel_loop3A_572 = vector.bitcast %parallel_loop3A_571 : vector<32xbf16> to vector<16xi32>
          %parallel_loop3A_573 = arith.constant 16 : i32
          %parallel_loop3A_574 = vector.broadcast %parallel_loop3A_573 : i32 to vector<16xi32>
          %parallel_loop3A_575 = arith.shli %parallel_loop3A_572, %parallel_loop3A_574 : vector<16xi32>
          %parallel_loop3A_576 = vector.bitcast %parallel_loop3A_575 : vector<16xi32> to vector<16xf32>
          %parallel_loop3A_577 = arith.andi %parallel_loop3A_572, %broadcast_in_dim3A_1 : vector<16xi32>
          %parallel_loop3A_578 = vector.bitcast %parallel_loop3A_577 : vector<16xi32> to vector<16xf32>
          %parallel_loop3A_579 = arith.constant 16 : i32
          %parallel_loop3A_580 = arith.muli %parallel_loop3A_138, %parallel_loop3A_579 : i32
          %parallel_loop3A_581 = arith.constant 24 : i32
          %parallel_loop3A_582 = arith.index_cast %parallel_loop3A_581 : i32 to index
          %parallel_loop3A_583 = arith.index_cast %parallel_loop3A_580 : i32 to index
          %parallel_loop3A_584 = tpu.vector_load %arg7[%parallel_loop3A_582, %parallel_loop3A_583] {strides = array<i32>} : memref<64x512xf32, #tpu.memory_space<vmem>>, vector<16xf32>,
          tpu.vector_store %arg7[%parallel_loop3A_582, %parallel_loop3A_583], %parallel_loop3A_576 {strides = array<i32>} : memref<64x512xf32, #tpu.memory_space<vmem>>, vector<16xf32>,
          %parallel_loop3A_585 = arith.constant 16 : i32
          %parallel_loop3A_586 = arith.muli %parallel_loop3A_138, %parallel_loop3A_585 : i32
          %parallel_loop3A_587 = arith.constant 25 : i32
          %parallel_loop3A_588 = arith.index_cast %parallel_loop3A_587 : i32 to index
          %parallel_loop3A_589 = arith.index_cast %parallel_loop3A_586 : i32 to index
          %parallel_loop3A_590 = tpu.vector_load %arg7[%parallel_loop3A_588, %parallel_loop3A_589] {strides = array<i32>} : memref<64x512xf32, #tpu.memory_space<vmem>>, vector<16xf32>,
          tpu.vector_store %arg7[%parallel_loop3A_588, %parallel_loop3A_589], %parallel_loop3A_578 {strides = array<i32>} : memref<64x512xf32, #tpu.memory_space<vmem>>, vector<16xf32>,
          %parallel_loop3A_591 = arith.constant 9984 : i32
          %parallel_loop3A_592 = tpu.memref_slice %arg5[%parallel_loop3A_591] : memref<24576xi32, #tpu.memory_space<vmem>> -> memref<768xi32, #tpu.memory_space<vmem>>
          %parallel_loop3A_593 = tpu.vector_load_idx %parallel_loop3A_592[%parallel_loop3A_147] : memref<768xi32, #tpu.memory_space<vmem>>[vector<16xi32>], vector<16xi32>,
          %parallel_loop3A_594 = arith.constant 9984 : i32
          %parallel_loop3A_595 = tpu.memref_slice %arg5[%parallel_loop3A_594] : memref<24576xi32, #tpu.memory_space<vmem>> -> memref<768xi32, #tpu.memory_space<vmem>>
          %parallel_loop3A_596 = tpu.vector_load_idx %parallel_loop3A_595[%parallel_loop3A_154] : memref<768xi32, #tpu.memory_space<vmem>>[vector<16xi32>], vector<16xi32>,
          %parallel_loop3A_597 = arith.constant 9984 : i32
          %parallel_loop3A_598 = tpu.memref_slice %arg5[%parallel_loop3A_597] : memref<24576xi32, #tpu.memory_space<vmem>> -> memref<768xi32, #tpu.memory_space<vmem>>
          %parallel_loop3A_599 = tpu.vector_load_idx %parallel_loop3A_598[%parallel_loop3A_161] : memref<768xi32, #tpu.memory_space<vmem>>[vector<16xi32>], vector<16xi32>,
          %parallel_loop3A_600 = vector.bitcast %parallel_loop3A_593 : vector<16xi32> to vector<32xbf16>
          %parallel_loop3A_601 = vector.bitcast %parallel_loop3A_596 : vector<16xi32> to vector<32xbf16>
          %parallel_loop3A_602 = arith.addf %parallel_loop3A_600, %parallel_loop3A_601 : vector<32xbf16>
          %parallel_loop3A_603 = vector.bitcast %parallel_loop3A_599 : vector<16xi32> to vector<32xbf16>
          %parallel_loop3A_604 = arith.addf %parallel_loop3A_602, %parallel_loop3A_603 : vector<32xbf16>
          %parallel_loop3A_605 = vector.bitcast %parallel_loop3A_604 : vector<32xbf16> to vector<16xi32>
          %parallel_loop3A_606 = arith.constant 16 : i32
          %parallel_loop3A_607 = vector.broadcast %parallel_loop3A_606 : i32 to vector<16xi32>
          %parallel_loop3A_608 = arith.shli %parallel_loop3A_605, %parallel_loop3A_607 : vector<16xi32>
          %parallel_loop3A_609 = vector.bitcast %parallel_loop3A_608 : vector<16xi32> to vector<16xf32>
          %parallel_loop3A_610 = arith.andi %parallel_loop3A_605, %broadcast_in_dim3A_1 : vector<16xi32>
          %parallel_loop3A_611 = vector.bitcast %parallel_loop3A_610 : vector<16xi32> to vector<16xf32>
          %parallel_loop3A_612 = arith.constant 16 : i32
          %parallel_loop3A_613 = arith.muli %parallel_loop3A_138, %parallel_loop3A_612 : i32
          %parallel_loop3A_614 = arith.constant 26 : i32
          %parallel_loop3A_615 = arith.index_cast %parallel_loop3A_614 : i32 to index
          %parallel_loop3A_616 = arith.index_cast %parallel_loop3A_613 : i32 to index
          %parallel_loop3A_617 = tpu.vector_load %arg7[%parallel_loop3A_615, %parallel_loop3A_616] {strides = array<i32>} : memref<64x512xf32, #tpu.memory_space<vmem>>, vector<16xf32>,
          tpu.vector_store %arg7[%parallel_loop3A_615, %parallel_loop3A_616], %parallel_loop3A_609 {strides = array<i32>} : memref<64x512xf32, #tpu.memory_space<vmem>>, vector<16xf32>,
          %parallel_loop3A_618 = arith.constant 16 : i32
          %parallel_loop3A_619 = arith.muli %parallel_loop3A_138, %parallel_loop3A_618 : i32
          %parallel_loop3A_620 = arith.constant 27 : i32
          %parallel_loop3A_621 = arith.index_cast %parallel_loop3A_620 : i32 to index
          %parallel_loop3A_622 = arith.index_cast %parallel_loop3A_619 : i32 to index
          %parallel_loop3A_623 = tpu.vector_load %arg7[%parallel_loop3A_621, %parallel_loop3A_622] {strides = array<i32>} : memref<64x512xf32, #tpu.memory_space<vmem>>, vector<16xf32>,
          tpu.vector_store %arg7[%parallel_loop3A_621, %parallel_loop3A_622], %parallel_loop3A_611 {strides = array<i32>} : memref<64x512xf32, #tpu.memory_space<vmem>>, vector<16xf32>,
          %parallel_loop3A_624 = arith.constant 10752 : i32
          %parallel_loop3A_625 = tpu.memref_slice %arg5[%parallel_loop3A_624] : memref<24576xi32, #tpu.memory_space<vmem>> -> memref<768xi32, #tpu.memory_space<vmem>>
          %parallel_loop3A_626 = tpu.vector_load_idx %parallel_loop3A_625[%parallel_loop3A_147] : memref<768xi32, #tpu.memory_space<vmem>>[vector<16xi32>], vector<16xi32>,
          %parallel_loop3A_627 = arith.constant 10752 : i32
          %parallel_loop3A_628 = tpu.memref_slice %arg5[%parallel_loop3A_627] : memref<24576xi32, #tpu.memory_space<vmem>> -> memref<768xi32, #tpu.memory_space<vmem>>
          %parallel_loop3A_629 = tpu.vector_load_idx %parallel_loop3A_628[%parallel_loop3A_154] : memref<768xi32, #tpu.memory_space<vmem>>[vector<16xi32>], vector<16xi32>,
          %parallel_loop3A_630 = arith.constant 10752 : i32
          %parallel_loop3A_631 = tpu.memref_slice %arg5[%parallel_loop3A_630] : memref<24576xi32, #tpu.memory_space<vmem>> -> memref<768xi32, #tpu.memory_space<vmem>>
          %parallel_loop3A_632 = tpu.vector_load_idx %parallel_loop3A_631[%parallel_loop3A_161] : memref<768xi32, #tpu.memory_space<vmem>>[vector<16xi32>], vector<16xi32>,
          %parallel_loop3A_633 = vector.bitcast %parallel_loop3A_626 : vector<16xi32> to vector<32xbf16>
          %parallel_loop3A_634 = vector.bitcast %parallel_loop3A_629 : vector<16xi32> to vector<32xbf16>
          %parallel_loop3A_635 = arith.addf %parallel_loop3A_633, %parallel_loop3A_634 : vector<32xbf16>
          %parallel_loop3A_636 = vector.bitcast %parallel_loop3A_632 : vector<16xi32> to vector<32xbf16>
          %parallel_loop3A_637 = arith.addf %parallel_loop3A_635, %parallel_loop3A_636 : vector<32xbf16>
          %parallel_loop3A_638 = vector.bitcast %parallel_loop3A_637 : vector<32xbf16> to vector<16xi32>
          %parallel_loop3A_639 = arith.constant 16 : i32
          %parallel_loop3A_640 = vector.broadcast %parallel_loop3A_639 : i32 to vector<16xi32>
          %parallel_loop3A_641 = arith.shli %parallel_loop3A_638, %parallel_loop3A_640 : vector<16xi32>
          %parallel_loop3A_642 = vector.bitcast %parallel_loop3A_641 : vector<16xi32> to vector<16xf32>
          %parallel_loop3A_643 = arith.andi %parallel_loop3A_638, %broadcast_in_dim3A_1 : vector<16xi32>
          %parallel_loop3A_644 = vector.bitcast %parallel_loop3A_643 : vector<16xi32> to vector<16xf32>
          %parallel_loop3A_645 = arith.constant 16 : i32
          %parallel_loop3A_646 = arith.muli %parallel_loop3A_138, %parallel_loop3A_645 : i32
          %parallel_loop3A_647 = arith.constant 28 : i32
          %parallel_loop3A_648 = arith.index_cast %parallel_loop3A_647 : i32 to index
          %parallel_loop3A_649 = arith.index_cast %parallel_loop3A_646 : i32 to index
          %parallel_loop3A_650 = tpu.vector_load %arg7[%parallel_loop3A_648, %parallel_loop3A_649] {strides = array<i32>} : memref<64x512xf32, #tpu.memory_space<vmem>>, vector<16xf32>,
          tpu.vector_store %arg7[%parallel_loop3A_648, %parallel_loop3A_649], %parallel_loop3A_642 {strides = array<i32>} : memref<64x512xf32, #tpu.memory_space<vmem>>, vector<16xf32>,
          %parallel_loop3A_651 = arith.constant 16 : i32
          %parallel_loop3A_652 = arith.muli %parallel_loop3A_138, %parallel_loop3A_651 : i32
          %parallel_loop3A_653 = arith.constant 29 : i32
          %parallel_loop3A_654 = arith.index_cast %parallel_loop3A_653 : i32 to index
          %parallel_loop3A_655 = arith.index_cast %parallel_loop3A_652 : i32 to index
          %parallel_loop3A_656 = tpu.vector_load %arg7[%parallel_loop3A_654, %parallel_loop3A_655] {strides = array<i32>} : memref<64x512xf32, #tpu.memory_space<vmem>>, vector<16xf32>,
          tpu.vector_store %arg7[%parallel_loop3A_654, %parallel_loop3A_655], %parallel_loop3A_644 {strides = array<i32>} : memref<64x512xf32, #tpu.memory_space<vmem>>, vector<16xf32>,
          %parallel_loop3A_657 = arith.constant 11520 : i32
          %parallel_loop3A_658 = tpu.memref_slice %arg5[%parallel_loop3A_657] : memref<24576xi32, #tpu.memory_space<vmem>> -> memref<768xi32, #tpu.memory_space<vmem>>
          %parallel_loop3A_659 = tpu.vector_load_idx %parallel_loop3A_658[%parallel_loop3A_147] : memref<768xi32, #tpu.memory_space<vmem>>[vector<16xi32>], vector<16xi32>,
          %parallel_loop3A_660 = arith.constant 11520 : i32
          %parallel_loop3A_661 = tpu.memref_slice %arg5[%parallel_loop3A_660] : memref<24576xi32, #tpu.memory_space<vmem>> -> memref<768xi32, #tpu.memory_space<vmem>>
          %parallel_loop3A_662 = tpu.vector_load_idx %parallel_loop3A_661[%parallel_loop3A_154] : memref<768xi32, #tpu.memory_space<vmem>>[vector<16xi32>], vector<16xi32>,
          %parallel_loop3A_663 = arith.constant 11520 : i32
          %parallel_loop3A_664 = tpu.memref_slice %arg5[%parallel_loop3A_663] : memref<24576xi32, #tpu.memory_space<vmem>> -> memref<768xi32, #tpu.memory_space<vmem>>
          %parallel_loop3A_665 = tpu.vector_load_idx %parallel_loop3A_664[%parallel_loop3A_161] : memref<768xi32, #tpu.memory_space<vmem>>[vector<16xi32>], vector<16xi32>,
          %parallel_loop3A_666 = vector.bitcast %parallel_loop3A_659 : vector<16xi32> to vector<32xbf16>
          %parallel_loop3A_667 = vector.bitcast %parallel_loop3A_662 : vector<16xi32> to vector<32xbf16>
          %parallel_loop3A_668 = arith.addf %parallel_loop3A_666, %parallel_loop3A_667 : vector<32xbf16>
          %parallel_loop3A_669 = vector.bitcast %parallel_loop3A_665 : vector<16xi32> to vector<32xbf16>
          %parallel_loop3A_670 = arith.addf %parallel_loop3A_668, %parallel_loop3A_669 : vector<32xbf16>
          %parallel_loop3A_671 = vector.bitcast %parallel_loop3A_670 : vector<32xbf16> to vector<16xi32>
          %parallel_loop3A_672 = arith.constant 16 : i32
          %parallel_loop3A_673 = vector.broadcast %parallel_loop3A_672 : i32 to vector<16xi32>
          %parallel_loop3A_674 = arith.shli %parallel_loop3A_671, %parallel_loop3A_673 : vector<16xi32>
          %parallel_loop3A_675 = vector.bitcast %parallel_loop3A_674 : vector<16xi32> to vector<16xf32>
          %parallel_loop3A_676 = arith.andi %parallel_loop3A_671, %broadcast_in_dim3A_1 : vector<16xi32>
          %parallel_loop3A_677 = vector.bitcast %parallel_loop3A_676 : vector<16xi32> to vector<16xf32>
          %parallel_loop3A_678 = arith.constant 16 : i32
          %parallel_loop3A_679 = arith.muli %parallel_loop3A_138, %parallel_loop3A_678 : i32
          %parallel_loop3A_680 = arith.constant 30 : i32
          %parallel_loop3A_681 = arith.index_cast %parallel_loop3A_680 : i32 to index
          %parallel_loop3A_682 = arith.index_cast %parallel_loop3A_679 : i32 to index
          %parallel_loop3A_683 = tpu.vector_load %arg7[%parallel_loop3A_681, %parallel_loop3A_682] {strides = array<i32>} : memref<64x512xf32, #tpu.memory_space<vmem>>, vector<16xf32>,
          tpu.vector_store %arg7[%parallel_loop3A_681, %parallel_loop3A_682], %parallel_loop3A_675 {strides = array<i32>} : memref<64x512xf32, #tpu.memory_space<vmem>>, vector<16xf32>,
          %parallel_loop3A_684 = arith.constant 16 : i32
          %parallel_loop3A_685 = arith.muli %parallel_loop3A_138, %parallel_loop3A_684 : i32
          %parallel_loop3A_686 = arith.constant 31 : i32
          %parallel_loop3A_687 = arith.index_cast %parallel_loop3A_686 : i32 to index
          %parallel_loop3A_688 = arith.index_cast %parallel_loop3A_685 : i32 to index
          %parallel_loop3A_689 = tpu.vector_load %arg7[%parallel_loop3A_687, %parallel_loop3A_688] {strides = array<i32>} : memref<64x512xf32, #tpu.memory_space<vmem>>, vector<16xf32>,
          tpu.vector_store %arg7[%parallel_loop3A_687, %parallel_loop3A_688], %parallel_loop3A_677 {strides = array<i32>} : memref<64x512xf32, #tpu.memory_space<vmem>>, vector<16xf32>,
          %parallel_loop3A_690 = arith.constant 12288 : i32
          %parallel_loop3A_691 = tpu.memref_slice %arg5[%parallel_loop3A_690] : memref<24576xi32, #tpu.memory_space<vmem>> -> memref<768xi32, #tpu.memory_space<vmem>>
          %parallel_loop3A_692 = tpu.vector_load_idx %parallel_loop3A_691[%parallel_loop3A_147] : memref<768xi32, #tpu.memory_space<vmem>>[vector<16xi32>], vector<16xi32>,
          %parallel_loop3A_693 = arith.constant 12288 : i32
          %parallel_loop3A_694 = tpu.memref_slice %arg5[%parallel_loop3A_693] : memref<24576xi32, #tpu.memory_space<vmem>> -> memref<768xi32, #tpu.memory_space<vmem>>
          %parallel_loop3A_695 = tpu.vector_load_idx %parallel_loop3A_694[%parallel_loop3A_154] : memref<768xi32, #tpu.memory_space<vmem>>[vector<16xi32>], vector<16xi32>,
          %parallel_loop3A_696 = arith.constant 12288 : i32
          %parallel_loop3A_697 = tpu.memref_slice %arg5[%parallel_loop3A_696] : memref<24576xi32, #tpu.memory_space<vmem>> -> memref<768xi32, #tpu.memory_space<vmem>>
          %parallel_loop3A_698 = tpu.vector_load_idx %parallel_loop3A_697[%parallel_loop3A_161] : memref<768xi32, #tpu.memory_space<vmem>>[vector<16xi32>], vector<16xi32>,
          %parallel_loop3A_699 = vector.bitcast %parallel_loop3A_692 : vector<16xi32> to vector<32xbf16>
          %parallel_loop3A_700 = vector.bitcast %parallel_loop3A_695 : vector<16xi32> to vector<32xbf16>
          %parallel_loop3A_701 = arith.addf %parallel_loop3A_699, %parallel_loop3A_700 : vector<32xbf16>
          %parallel_loop3A_702 = vector.bitcast %parallel_loop3A_698 : vector<16xi32> to vector<32xbf16>
          %parallel_loop3A_703 = arith.addf %parallel_loop3A_701, %parallel_loop3A_702 : vector<32xbf16>
          %parallel_loop3A_704 = vector.bitcast %parallel_loop3A_703 : vector<32xbf16> to vector<16xi32>
          %parallel_loop3A_705 = arith.constant 16 : i32
          %parallel_loop3A_706 = vector.broadcast %parallel_loop3A_705 : i32 to vector<16xi32>
          %parallel_loop3A_707 = arith.shli %parallel_loop3A_704, %parallel_loop3A_706 : vector<16xi32>
          %parallel_loop3A_708 = vector.bitcast %parallel_loop3A_707 : vector<16xi32> to vector<16xf32>
          %parallel_loop3A_709 = arith.andi %parallel_loop3A_704, %broadcast_in_dim3A_1 : vector<16xi32>
          %parallel_loop3A_710 = vector.bitcast %parallel_loop3A_709 : vector<16xi32> to vector<16xf32>
          %parallel_loop3A_711 = arith.constant 16 : i32
          %parallel_loop3A_712 = arith.muli %parallel_loop3A_138, %parallel_loop3A_711 : i32
          %parallel_loop3A_713 = arith.constant 32 : i32
          %parallel_loop3A_714 = arith.index_cast %parallel_loop3A_713 : i32 to index
          %parallel_loop3A_715 = arith.index_cast %parallel_loop3A_712 : i32 to index
          %parallel_loop3A_716 = tpu.vector_load %arg7[%parallel_loop3A_714, %parallel_loop3A_715] {strides = array<i32>} : memref<64x512xf32, #tpu.memory_space<vmem>>, vector<16xf32>,
          tpu.vector_store %arg7[%parallel_loop3A_714, %parallel_loop3A_715], %parallel_loop3A_708 {strides = array<i32>} : memref<64x512xf32, #tpu.memory_space<vmem>>, vector<16xf32>,
          %parallel_loop3A_717 = arith.constant 16 : i32
          %parallel_loop3A_718 = arith.muli %parallel_loop3A_138, %parallel_loop3A_717 : i32
          %parallel_loop3A_719 = arith.constant 33 : i32
          %parallel_loop3A_720 = arith.index_cast %parallel_loop3A_719 : i32 to index
          %parallel_loop3A_721 = arith.index_cast %parallel_loop3A_718 : i32 to index
          %parallel_loop3A_722 = tpu.vector_load %arg7[%parallel_loop3A_720, %parallel_loop3A_721] {strides = array<i32>} : memref<64x512xf32, #tpu.memory_space<vmem>>, vector<16xf32>,
          tpu.vector_store %arg7[%parallel_loop3A_720, %parallel_loop3A_721], %parallel_loop3A_710 {strides = array<i32>} : memref<64x512xf32, #tpu.memory_space<vmem>>, vector<16xf32>,
          %parallel_loop3A_723 = arith.constant 13056 : i32
          %parallel_loop3A_724 = tpu.memref_slice %arg5[%parallel_loop3A_723] : memref<24576xi32, #tpu.memory_space<vmem>> -> memref<768xi32, #tpu.memory_space<vmem>>
          %parallel_loop3A_725 = tpu.vector_load_idx %parallel_loop3A_724[%parallel_loop3A_147] : memref<768xi32, #tpu.memory_space<vmem>>[vector<16xi32>], vector<16xi32>,
          %parallel_loop3A_726 = arith.constant 13056 : i32
          %parallel_loop3A_727 = tpu.memref_slice %arg5[%parallel_loop3A_726] : memref<24576xi32, #tpu.memory_space<vmem>> -> memref<768xi32, #tpu.memory_space<vmem>>
          %parallel_loop3A_728 = tpu.vector_load_idx %parallel_loop3A_727[%parallel_loop3A_154] : memref<768xi32, #tpu.memory_space<vmem>>[vector<16xi32>], vector<16xi32>,
          %parallel_loop3A_729 = arith.constant 13056 : i32
          %parallel_loop3A_730 = tpu.memref_slice %arg5[%parallel_loop3A_729] : memref<24576xi32, #tpu.memory_space<vmem>> -> memref<768xi32, #tpu.memory_space<vmem>>
          %parallel_loop3A_731 = tpu.vector_load_idx %parallel_loop3A_730[%parallel_loop3A_161] : memref<768xi32, #tpu.memory_space<vmem>>[vector<16xi32>], vector<16xi32>,
          %parallel_loop3A_732 = vector.bitcast %parallel_loop3A_725 : vector<16xi32> to vector<32xbf16>
          %parallel_loop3A_733 = vector.bitcast %parallel_loop3A_728 : vector<16xi32> to vector<32xbf16>
          %parallel_loop3A_734 = arith.addf %parallel_loop3A_732, %parallel_loop3A_733 : vector<32xbf16>
          %parallel_loop3A_735 = vector.bitcast %parallel_loop3A_731 : vector<16xi32> to vector<32xbf16>
          %parallel_loop3A_736 = arith.addf %parallel_loop3A_734, %parallel_loop3A_735 : vector<32xbf16>
          %parallel_loop3A_737 = vector.bitcast %parallel_loop3A_736 : vector<32xbf16> to vector<16xi32>
          %parallel_loop3A_738 = arith.constant 16 : i32
          %parallel_loop3A_739 = vector.broadcast %parallel_loop3A_738 : i32 to vector<16xi32>
          %parallel_loop3A_740 = arith.shli %parallel_loop3A_737, %parallel_loop3A_739 : vector<16xi32>
          %parallel_loop3A_741 = vector.bitcast %parallel_loop3A_740 : vector<16xi32> to vector<16xf32>
          %parallel_loop3A_742 = arith.andi %parallel_loop3A_737, %broadcast_in_dim3A_1 : vector<16xi32>
          %parallel_loop3A_743 = vector.bitcast %parallel_loop3A_742 : vector<16xi32> to vector<16xf32>
          %parallel_loop3A_744 = arith.constant 16 : i32
          %parallel_loop3A_745 = arith.muli %parallel_loop3A_138, %parallel_loop3A_744 : i32
          %parallel_loop3A_746 = arith.constant 34 : i32
          %parallel_loop3A_747 = arith.index_cast %parallel_loop3A_746 : i32 to index
          %parallel_loop3A_748 = arith.index_cast %parallel_loop3A_745 : i32 to index
          %parallel_loop3A_749 = tpu.vector_load %arg7[%parallel_loop3A_747, %parallel_loop3A_748] {strides = array<i32>} : memref<64x512xf32, #tpu.memory_space<vmem>>, vector<16xf32>,
          tpu.vector_store %arg7[%parallel_loop3A_747, %parallel_loop3A_748], %parallel_loop3A_741 {strides = array<i32>} : memref<64x512xf32, #tpu.memory_space<vmem>>, vector<16xf32>,
          %parallel_loop3A_750 = arith.constant 16 : i32
          %parallel_loop3A_751 = arith.muli %parallel_loop3A_138, %parallel_loop3A_750 : i32
          %parallel_loop3A_752 = arith.constant 35 : i32
          %parallel_loop3A_753 = arith.index_cast %parallel_loop3A_752 : i32 to index
          %parallel_loop3A_754 = arith.index_cast %parallel_loop3A_751 : i32 to index
          %parallel_loop3A_755 = tpu.vector_load %arg7[%parallel_loop3A_753, %parallel_loop3A_754] {strides = array<i32>} : memref<64x512xf32, #tpu.memory_space<vmem>>, vector<16xf32>,
          tpu.vector_store %arg7[%parallel_loop3A_753, %parallel_loop3A_754], %parallel_loop3A_743 {strides = array<i32>} : memref<64x512xf32, #tpu.memory_space<vmem>>, vector<16xf32>,
          %parallel_loop3A_756 = arith.constant 13824 : i32
          %parallel_loop3A_757 = tpu.memref_slice %arg5[%parallel_loop3A_756] : memref<24576xi32, #tpu.memory_space<vmem>> -> memref<768xi32, #tpu.memory_space<vmem>>
          %parallel_loop3A_758 = tpu.vector_load_idx %parallel_loop3A_757[%parallel_loop3A_147] : memref<768xi32, #tpu.memory_space<vmem>>[vector<16xi32>], vector<16xi32>,
          %parallel_loop3A_759 = arith.constant 13824 : i32
          %parallel_loop3A_760 = tpu.memref_slice %arg5[%parallel_loop3A_759] : memref<24576xi32, #tpu.memory_space<vmem>> -> memref<768xi32, #tpu.memory_space<vmem>>
          %parallel_loop3A_761 = tpu.vector_load_idx %parallel_loop3A_760[%parallel_loop3A_154] : memref<768xi32, #tpu.memory_space<vmem>>[vector<16xi32>], vector<16xi32>,
          %parallel_loop3A_762 = arith.constant 13824 : i32
          %parallel_loop3A_763 = tpu.memref_slice %arg5[%parallel_loop3A_762] : memref<24576xi32, #tpu.memory_space<vmem>> -> memref<768xi32, #tpu.memory_space<vmem>>
          %parallel_loop3A_764 = tpu.vector_load_idx %parallel_loop3A_763[%parallel_loop3A_161] : memref<768xi32, #tpu.memory_space<vmem>>[vector<16xi32>], vector<16xi32>,
          %parallel_loop3A_765 = vector.bitcast %parallel_loop3A_758 : vector<16xi32> to vector<32xbf16>
          %parallel_loop3A_766 = vector.bitcast %parallel_loop3A_761 : vector<16xi32> to vector<32xbf16>
          %parallel_loop3A_767 = arith.addf %parallel_loop3A_765, %parallel_loop3A_766 : vector<32xbf16>
          %parallel_loop3A_768 = vector.bitcast %parallel_loop3A_764 : vector<16xi32> to vector<32xbf16>
          %parallel_loop3A_769 = arith.addf %parallel_loop3A_767, %parallel_loop3A_768 : vector<32xbf16>
          %parallel_loop3A_770 = vector.bitcast %parallel_loop3A_769 : vector<32xbf16> to vector<16xi32>
          %parallel_loop3A_771 = arith.constant 16 : i32
          %parallel_loop3A_772 = vector.broadcast %parallel_loop3A_771 : i32 to vector<16xi32>
          %parallel_loop3A_773 = arith.shli %parallel_loop3A_770, %parallel_loop3A_772 : vector<16xi32>
          %parallel_loop3A_774 = vector.bitcast %parallel_loop3A_773 : vector<16xi32> to vector<16xf32>
          %parallel_loop3A_775 = arith.andi %parallel_loop3A_770, %broadcast_in_dim3A_1 : vector<16xi32>
          %parallel_loop3A_776 = vector.bitcast %parallel_loop3A_775 : vector<16xi32> to vector<16xf32>
          %parallel_loop3A_777 = arith.constant 16 : i32
          %parallel_loop3A_778 = arith.muli %parallel_loop3A_138, %parallel_loop3A_777 : i32
          %parallel_loop3A_779 = arith.constant 36 : i32
          %parallel_loop3A_780 = arith.index_cast %parallel_loop3A_779 : i32 to index
          %parallel_loop3A_781 = arith.index_cast %parallel_loop3A_778 : i32 to index
          %parallel_loop3A_782 = tpu.vector_load %arg7[%parallel_loop3A_780, %parallel_loop3A_781] {strides = array<i32>} : memref<64x512xf32, #tpu.memory_space<vmem>>, vector<16xf32>,
          tpu.vector_store %arg7[%parallel_loop3A_780, %parallel_loop3A_781], %parallel_loop3A_774 {strides = array<i32>} : memref<64x512xf32, #tpu.memory_space<vmem>>, vector<16xf32>,
          %parallel_loop3A_783 = arith.constant 16 : i32
          %parallel_loop3A_784 = arith.muli %parallel_loop3A_138, %parallel_loop3A_783 : i32
          %parallel_loop3A_785 = arith.constant 37 : i32
          %parallel_loop3A_786 = arith.index_cast %parallel_loop3A_785 : i32 to index
          %parallel_loop3A_787 = arith.index_cast %parallel_loop3A_784 : i32 to index
          %parallel_loop3A_788 = tpu.vector_load %arg7[%parallel_loop3A_786, %parallel_loop3A_787] {strides = array<i32>} : memref<64x512xf32, #tpu.memory_space<vmem>>, vector<16xf32>,
          tpu.vector_store %arg7[%parallel_loop3A_786, %parallel_loop3A_787], %parallel_loop3A_776 {strides = array<i32>} : memref<64x512xf32, #tpu.memory_space<vmem>>, vector<16xf32>,
          %parallel_loop3A_789 = arith.constant 14592 : i32
          %parallel_loop3A_790 = tpu.memref_slice %arg5[%parallel_loop3A_789] : memref<24576xi32, #tpu.memory_space<vmem>> -> memref<768xi32, #tpu.memory_space<vmem>>
          %parallel_loop3A_791 = tpu.vector_load_idx %parallel_loop3A_790[%parallel_loop3A_147] : memref<768xi32, #tpu.memory_space<vmem>>[vector<16xi32>], vector<16xi32>,
          %parallel_loop3A_792 = arith.constant 14592 : i32
          %parallel_loop3A_793 = tpu.memref_slice %arg5[%parallel_loop3A_792] : memref<24576xi32, #tpu.memory_space<vmem>> -> memref<768xi32, #tpu.memory_space<vmem>>
          %parallel_loop3A_794 = tpu.vector_load_idx %parallel_loop3A_793[%parallel_loop3A_154] : memref<768xi32, #tpu.memory_space<vmem>>[vector<16xi32>], vector<16xi32>,
          %parallel_loop3A_795 = arith.constant 14592 : i32
          %parallel_loop3A_796 = tpu.memref_slice %arg5[%parallel_loop3A_795] : memref<24576xi32, #tpu.memory_space<vmem>> -> memref<768xi32, #tpu.memory_space<vmem>>
          %parallel_loop3A_797 = tpu.vector_load_idx %parallel_loop3A_796[%parallel_loop3A_161] : memref<768xi32, #tpu.memory_space<vmem>>[vector<16xi32>], vector<16xi32>,
          %parallel_loop3A_798 = vector.bitcast %parallel_loop3A_791 : vector<16xi32> to vector<32xbf16>
          %parallel_loop3A_799 = vector.bitcast %parallel_loop3A_794 : vector<16xi32> to vector<32xbf16>
          %parallel_loop3A_800 = arith.addf %parallel_loop3A_798, %parallel_loop3A_799 : vector<32xbf16>
          %parallel_loop3A_801 = vector.bitcast %parallel_loop3A_797 : vector<16xi32> to vector<32xbf16>
          %parallel_loop3A_802 = arith.addf %parallel_loop3A_800, %parallel_loop3A_801 : vector<32xbf16>
          %parallel_loop3A_803 = vector.bitcast %parallel_loop3A_802 : vector<32xbf16> to vector<16xi32>
          %parallel_loop3A_804 = arith.constant 16 : i32
          %parallel_loop3A_805 = vector.broadcast %parallel_loop3A_804 : i32 to vector<16xi32>
          %parallel_loop3A_806 = arith.shli %parallel_loop3A_803, %parallel_loop3A_805 : vector<16xi32>
          %parallel_loop3A_807 = vector.bitcast %parallel_loop3A_806 : vector<16xi32> to vector<16xf32>
          %parallel_loop3A_808 = arith.andi %parallel_loop3A_803, %broadcast_in_dim3A_1 : vector<16xi32>
          %parallel_loop3A_809 = vector.bitcast %parallel_loop3A_808 : vector<16xi32> to vector<16xf32>
          %parallel_loop3A_810 = arith.constant 16 : i32
          %parallel_loop3A_811 = arith.muli %parallel_loop3A_138, %parallel_loop3A_810 : i32
          %parallel_loop3A_812 = arith.constant 38 : i32
          %parallel_loop3A_813 = arith.index_cast %parallel_loop3A_812 : i32 to index
          %parallel_loop3A_814 = arith.index_cast %parallel_loop3A_811 : i32 to index
          %parallel_loop3A_815 = tpu.vector_load %arg7[%parallel_loop3A_813, %parallel_loop3A_814] {strides = array<i32>} : memref<64x512xf32, #tpu.memory_space<vmem>>, vector<16xf32>,
          tpu.vector_store %arg7[%parallel_loop3A_813, %parallel_loop3A_814], %parallel_loop3A_807 {strides = array<i32>} : memref<64x512xf32, #tpu.memory_space<vmem>>, vector<16xf32>,
          %parallel_loop3A_816 = arith.constant 16 : i32
          %parallel_loop3A_817 = arith.muli %parallel_loop3A_138, %parallel_loop3A_816 : i32
          %parallel_loop3A_818 = arith.constant 39 : i32
          %parallel_loop3A_819 = arith.index_cast %parallel_loop3A_818 : i32 to index
          %parallel_loop3A_820 = arith.index_cast %parallel_loop3A_817 : i32 to index
          %parallel_loop3A_821 = tpu.vector_load %arg7[%parallel_loop3A_819, %parallel_loop3A_820] {strides = array<i32>} : memref<64x512xf32, #tpu.memory_space<vmem>>, vector<16xf32>,
          tpu.vector_store %arg7[%parallel_loop3A_819, %parallel_loop3A_820], %parallel_loop3A_809 {strides = array<i32>} : memref<64x512xf32, #tpu.memory_space<vmem>>, vector<16xf32>,
          %parallel_loop3A_822 = arith.constant 15360 : i32
          %parallel_loop3A_823 = tpu.memref_slice %arg5[%parallel_loop3A_822] : memref<24576xi32, #tpu.memory_space<vmem>> -> memref<768xi32, #tpu.memory_space<vmem>>
          %parallel_loop3A_824 = tpu.vector_load_idx %parallel_loop3A_823[%parallel_loop3A_147] : memref<768xi32, #tpu.memory_space<vmem>>[vector<16xi32>], vector<16xi32>,
          %parallel_loop3A_825 = arith.constant 15360 : i32
          %parallel_loop3A_826 = tpu.memref_slice %arg5[%parallel_loop3A_825] : memref<24576xi32, #tpu.memory_space<vmem>> -> memref<768xi32, #tpu.memory_space<vmem>>
          %parallel_loop3A_827 = tpu.vector_load_idx %parallel_loop3A_826[%parallel_loop3A_154] : memref<768xi32, #tpu.memory_space<vmem>>[vector<16xi32>], vector<16xi32>,
          %parallel_loop3A_828 = arith.constant 15360 : i32
          %parallel_loop3A_829 = tpu.memref_slice %arg5[%parallel_loop3A_828] : memref<24576xi32, #tpu.memory_space<vmem>> -> memref<768xi32, #tpu.memory_space<vmem>>
          %parallel_loop3A_830 = tpu.vector_load_idx %parallel_loop3A_829[%parallel_loop3A_161] : memref<768xi32, #tpu.memory_space<vmem>>[vector<16xi32>], vector<16xi32>,
          %parallel_loop3A_831 = vector.bitcast %parallel_loop3A_824 : vector<16xi32> to vector<32xbf16>
          %parallel_loop3A_832 = vector.bitcast %parallel_loop3A_827 : vector<16xi32> to vector<32xbf16>
          %parallel_loop3A_833 = arith.addf %parallel_loop3A_831, %parallel_loop3A_832 : vector<32xbf16>
          %parallel_loop3A_834 = vector.bitcast %parallel_loop3A_830 : vector<16xi32> to vector<32xbf16>
          %parallel_loop3A_835 = arith.addf %parallel_loop3A_833, %parallel_loop3A_834 : vector<32xbf16>
          %parallel_loop3A_836 = vector.bitcast %parallel_loop3A_835 : vector<32xbf16> to vector<16xi32>
          %parallel_loop3A_837 = arith.constant 16 : i32
          %parallel_loop3A_838 = vector.broadcast %parallel_loop3A_837 : i32 to vector<16xi32>
          %parallel_loop3A_839 = arith.shli %parallel_loop3A_836, %parallel_loop3A_838 : vector<16xi32>
          %parallel_loop3A_840 = vector.bitcast %parallel_loop3A_839 : vector<16xi32> to vector<16xf32>
          %parallel_loop3A_841 = arith.andi %parallel_loop3A_836, %broadcast_in_dim3A_1 : vector<16xi32>
          %parallel_loop3A_842 = vector.bitcast %parallel_loop3A_841 : vector<16xi32> to vector<16xf32>
          %parallel_loop3A_843 = arith.constant 16 : i32
          %parallel_loop3A_844 = arith.muli %parallel_loop3A_138, %parallel_loop3A_843 : i32
          %parallel_loop3A_845 = arith.constant 40 : i32
          %parallel_loop3A_846 = arith.index_cast %parallel_loop3A_845 : i32 to index
          %parallel_loop3A_847 = arith.index_cast %parallel_loop3A_844 : i32 to index
          %parallel_loop3A_848 = tpu.vector_load %arg7[%parallel_loop3A_846, %parallel_loop3A_847] {strides = array<i32>} : memref<64x512xf32, #tpu.memory_space<vmem>>, vector<16xf32>,
          tpu.vector_store %arg7[%parallel_loop3A_846, %parallel_loop3A_847], %parallel_loop3A_840 {strides = array<i32>} : memref<64x512xf32, #tpu.memory_space<vmem>>, vector<16xf32>,
          %parallel_loop3A_849 = arith.constant 16 : i32
          %parallel_loop3A_850 = arith.muli %parallel_loop3A_138, %parallel_loop3A_849 : i32
          %parallel_loop3A_851 = arith.constant 41 : i32
          %parallel_loop3A_852 = arith.index_cast %parallel_loop3A_851 : i32 to index
          %parallel_loop3A_853 = arith.index_cast %parallel_loop3A_850 : i32 to index
          %parallel_loop3A_854 = tpu.vector_load %arg7[%parallel_loop3A_852, %parallel_loop3A_853] {strides = array<i32>} : memref<64x512xf32, #tpu.memory_space<vmem>>, vector<16xf32>,
          tpu.vector_store %arg7[%parallel_loop3A_852, %parallel_loop3A_853], %parallel_loop3A_842 {strides = array<i32>} : memref<64x512xf32, #tpu.memory_space<vmem>>, vector<16xf32>,
          %parallel_loop3A_855 = arith.constant 16128 : i32
          %parallel_loop3A_856 = tpu.memref_slice %arg5[%parallel_loop3A_855] : memref<24576xi32, #tpu.memory_space<vmem>> -> memref<768xi32, #tpu.memory_space<vmem>>
          %parallel_loop3A_857 = tpu.vector_load_idx %parallel_loop3A_856[%parallel_loop3A_147] : memref<768xi32, #tpu.memory_space<vmem>>[vector<16xi32>], vector<16xi32>,
          %parallel_loop3A_858 = arith.constant 16128 : i32
          %parallel_loop3A_859 = tpu.memref_slice %arg5[%parallel_loop3A_858] : memref<24576xi32, #tpu.memory_space<vmem>> -> memref<768xi32, #tpu.memory_space<vmem>>
          %parallel_loop3A_860 = tpu.vector_load_idx %parallel_loop3A_859[%parallel_loop3A_154] : memref<768xi32, #tpu.memory_space<vmem>>[vector<16xi32>], vector<16xi32>,
          %parallel_loop3A_861 = arith.constant 16128 : i32
          %parallel_loop3A_862 = tpu.memref_slice %arg5[%parallel_loop3A_861] : memref<24576xi32, #tpu.memory_space<vmem>> -> memref<768xi32, #tpu.memory_space<vmem>>
          %parallel_loop3A_863 = tpu.vector_load_idx %parallel_loop3A_862[%parallel_loop3A_161] : memref<768xi32, #tpu.memory_space<vmem>>[vector<16xi32>], vector<16xi32>,
          %parallel_loop3A_864 = vector.bitcast %parallel_loop3A_857 : vector<16xi32> to vector<32xbf16>
          %parallel_loop3A_865 = vector.bitcast %parallel_loop3A_860 : vector<16xi32> to vector<32xbf16>
          %parallel_loop3A_866 = arith.addf %parallel_loop3A_864, %parallel_loop3A_865 : vector<32xbf16>
          %parallel_loop3A_867 = vector.bitcast %parallel_loop3A_863 : vector<16xi32> to vector<32xbf16>
          %parallel_loop3A_868 = arith.addf %parallel_loop3A_866, %parallel_loop3A_867 : vector<32xbf16>
          %parallel_loop3A_869 = vector.bitcast %parallel_loop3A_868 : vector<32xbf16> to vector<16xi32>
          %parallel_loop3A_870 = arith.constant 16 : i32
          %parallel_loop3A_871 = vector.broadcast %parallel_loop3A_870 : i32 to vector<16xi32>
          %parallel_loop3A_872 = arith.shli %parallel_loop3A_869, %parallel_loop3A_871 : vector<16xi32>
          %parallel_loop3A_873 = vector.bitcast %parallel_loop3A_872 : vector<16xi32> to vector<16xf32>
          %parallel_loop3A_874 = arith.andi %parallel_loop3A_869, %broadcast_in_dim3A_1 : vector<16xi32>
          %parallel_loop3A_875 = vector.bitcast %parallel_loop3A_874 : vector<16xi32> to vector<16xf32>
          %parallel_loop3A_876 = arith.constant 16 : i32
          %parallel_loop3A_877 = arith.muli %parallel_loop3A_138, %parallel_loop3A_876 : i32
          %parallel_loop3A_878 = arith.constant 42 : i32
          %parallel_loop3A_879 = arith.index_cast %parallel_loop3A_878 : i32 to index
          %parallel_loop3A_880 = arith.index_cast %parallel_loop3A_877 : i32 to index
          %parallel_loop3A_881 = tpu.vector_load %arg7[%parallel_loop3A_879, %parallel_loop3A_880] {strides = array<i32>} : memref<64x512xf32, #tpu.memory_space<vmem>>, vector<16xf32>,
          tpu.vector_store %arg7[%parallel_loop3A_879, %parallel_loop3A_880], %parallel_loop3A_873 {strides = array<i32>} : memref<64x512xf32, #tpu.memory_space<vmem>>, vector<16xf32>,
          %parallel_loop3A_882 = arith.constant 16 : i32
          %parallel_loop3A_883 = arith.muli %parallel_loop3A_138, %parallel_loop3A_882 : i32
          %parallel_loop3A_884 = arith.constant 43 : i32
          %parallel_loop3A_885 = arith.index_cast %parallel_loop3A_884 : i32 to index
          %parallel_loop3A_886 = arith.index_cast %parallel_loop3A_883 : i32 to index
          %parallel_loop3A_887 = tpu.vector_load %arg7[%parallel_loop3A_885, %parallel_loop3A_886] {strides = array<i32>} : memref<64x512xf32, #tpu.memory_space<vmem>>, vector<16xf32>,
          tpu.vector_store %arg7[%parallel_loop3A_885, %parallel_loop3A_886], %parallel_loop3A_875 {strides = array<i32>} : memref<64x512xf32, #tpu.memory_space<vmem>>, vector<16xf32>,
          %parallel_loop3A_888 = arith.constant 16896 : i32
          %parallel_loop3A_889 = tpu.memref_slice %arg5[%parallel_loop3A_888] : memref<24576xi32, #tpu.memory_space<vmem>> -> memref<768xi32, #tpu.memory_space<vmem>>
          %parallel_loop3A_890 = tpu.vector_load_idx %parallel_loop3A_889[%parallel_loop3A_147] : memref<768xi32, #tpu.memory_space<vmem>>[vector<16xi32>], vector<16xi32>,
          %parallel_loop3A_891 = arith.constant 16896 : i32
          %parallel_loop3A_892 = tpu.memref_slice %arg5[%parallel_loop3A_891] : memref<24576xi32, #tpu.memory_space<vmem>> -> memref<768xi32, #tpu.memory_space<vmem>>
          %parallel_loop3A_893 = tpu.vector_load_idx %parallel_loop3A_892[%parallel_loop3A_154] : memref<768xi32, #tpu.memory_space<vmem>>[vector<16xi32>], vector<16xi32>,
          %parallel_loop3A_894 = arith.constant 16896 : i32
          %parallel_loop3A_895 = tpu.memref_slice %arg5[%parallel_loop3A_894] : memref<24576xi32, #tpu.memory_space<vmem>> -> memref<768xi32, #tpu.memory_space<vmem>>
          %parallel_loop3A_896 = tpu.vector_load_idx %parallel_loop3A_895[%parallel_loop3A_161] : memref<768xi32, #tpu.memory_space<vmem>>[vector<16xi32>], vector<16xi32>,
          %parallel_loop3A_897 = vector.bitcast %parallel_loop3A_890 : vector<16xi32> to vector<32xbf16>
          %parallel_loop3A_898 = vector.bitcast %parallel_loop3A_893 : vector<16xi32> to vector<32xbf16>
          %parallel_loop3A_899 = arith.addf %parallel_loop3A_897, %parallel_loop3A_898 : vector<32xbf16>
          %parallel_loop3A_900 = vector.bitcast %parallel_loop3A_896 : vector<16xi32> to vector<32xbf16>
          %parallel_loop3A_901 = arith.addf %parallel_loop3A_899, %parallel_loop3A_900 : vector<32xbf16>
          %parallel_loop3A_902 = vector.bitcast %parallel_loop3A_901 : vector<32xbf16> to vector<16xi32>
          %parallel_loop3A_903 = arith.constant 16 : i32
          %parallel_loop3A_904 = vector.broadcast %parallel_loop3A_903 : i32 to vector<16xi32>
          %parallel_loop3A_905 = arith.shli %parallel_loop3A_902, %parallel_loop3A_904 : vector<16xi32>
          %parallel_loop3A_906 = vector.bitcast %parallel_loop3A_905 : vector<16xi32> to vector<16xf32>
          %parallel_loop3A_907 = arith.andi %parallel_loop3A_902, %broadcast_in_dim3A_1 : vector<16xi32>
          %parallel_loop3A_908 = vector.bitcast %parallel_loop3A_907 : vector<16xi32> to vector<16xf32>
          %parallel_loop3A_909 = arith.constant 16 : i32
          %parallel_loop3A_910 = arith.muli %parallel_loop3A_138, %parallel_loop3A_909 : i32
          %parallel_loop3A_911 = arith.constant 44 : i32
          %parallel_loop3A_912 = arith.index_cast %parallel_loop3A_911 : i32 to index
          %parallel_loop3A_913 = arith.index_cast %parallel_loop3A_910 : i32 to index
          %parallel_loop3A_914 = tpu.vector_load %arg7[%parallel_loop3A_912, %parallel_loop3A_913] {strides = array<i32>} : memref<64x512xf32, #tpu.memory_space<vmem>>, vector<16xf32>,
          tpu.vector_store %arg7[%parallel_loop3A_912, %parallel_loop3A_913], %parallel_loop3A_906 {strides = array<i32>} : memref<64x512xf32, #tpu.memory_space<vmem>>, vector<16xf32>,
          %parallel_loop3A_915 = arith.constant 16 : i32
          %parallel_loop3A_916 = arith.muli %parallel_loop3A_138, %parallel_loop3A_915 : i32
          %parallel_loop3A_917 = arith.constant 45 : i32
          %parallel_loop3A_918 = arith.index_cast %parallel_loop3A_917 : i32 to index
          %parallel_loop3A_919 = arith.index_cast %parallel_loop3A_916 : i32 to index
          %parallel_loop3A_920 = tpu.vector_load %arg7[%parallel_loop3A_918, %parallel_loop3A_919] {strides = array<i32>} : memref<64x512xf32, #tpu.memory_space<vmem>>, vector<16xf32>,
          tpu.vector_store %arg7[%parallel_loop3A_918, %parallel_loop3A_919], %parallel_loop3A_908 {strides = array<i32>} : memref<64x512xf32, #tpu.memory_space<vmem>>, vector<16xf32>,
          %parallel_loop3A_921 = arith.constant 17664 : i32
          %parallel_loop3A_922 = tpu.memref_slice %arg5[%parallel_loop3A_921] : memref<24576xi32, #tpu.memory_space<vmem>> -> memref<768xi32, #tpu.memory_space<vmem>>
          %parallel_loop3A_923 = tpu.vector_load_idx %parallel_loop3A_922[%parallel_loop3A_147] : memref<768xi32, #tpu.memory_space<vmem>>[vector<16xi32>], vector<16xi32>,
          %parallel_loop3A_924 = arith.constant 17664 : i32
          %parallel_loop3A_925 = tpu.memref_slice %arg5[%parallel_loop3A_924] : memref<24576xi32, #tpu.memory_space<vmem>> -> memref<768xi32, #tpu.memory_space<vmem>>
          %parallel_loop3A_926 = tpu.vector_load_idx %parallel_loop3A_925[%parallel_loop3A_154] : memref<768xi32, #tpu.memory_space<vmem>>[vector<16xi32>], vector<16xi32>,
          %parallel_loop3A_927 = arith.constant 17664 : i32
          %parallel_loop3A_928 = tpu.memref_slice %arg5[%parallel_loop3A_927] : memref<24576xi32, #tpu.memory_space<vmem>> -> memref<768xi32, #tpu.memory_space<vmem>>
          %parallel_loop3A_929 = tpu.vector_load_idx %parallel_loop3A_928[%parallel_loop3A_161] : memref<768xi32, #tpu.memory_space<vmem>>[vector<16xi32>], vector<16xi32>,
          %parallel_loop3A_930 = vector.bitcast %parallel_loop3A_923 : vector<16xi32> to vector<32xbf16>
          %parallel_loop3A_931 = vector.bitcast %parallel_loop3A_926 : vector<16xi32> to vector<32xbf16>
          %parallel_loop3A_932 = arith.addf %parallel_loop3A_930, %parallel_loop3A_931 : vector<32xbf16>
          %parallel_loop3A_933 = vector.bitcast %parallel_loop3A_929 : vector<16xi32> to vector<32xbf16>
          %parallel_loop3A_934 = arith.addf %parallel_loop3A_932, %parallel_loop3A_933 : vector<32xbf16>
          %parallel_loop3A_935 = vector.bitcast %parallel_loop3A_934 : vector<32xbf16> to vector<16xi32>
          %parallel_loop3A_936 = arith.constant 16 : i32
          %parallel_loop3A_937 = vector.broadcast %parallel_loop3A_936 : i32 to vector<16xi32>
          %parallel_loop3A_938 = arith.shli %parallel_loop3A_935, %parallel_loop3A_937 : vector<16xi32>
          %parallel_loop3A_939 = vector.bitcast %parallel_loop3A_938 : vector<16xi32> to vector<16xf32>
          %parallel_loop3A_940 = arith.andi %parallel_loop3A_935, %broadcast_in_dim3A_1 : vector<16xi32>
          %parallel_loop3A_941 = vector.bitcast %parallel_loop3A_940 : vector<16xi32> to vector<16xf32>
          %parallel_loop3A_942 = arith.constant 16 : i32
          %parallel_loop3A_943 = arith.muli %parallel_loop3A_138, %parallel_loop3A_942 : i32
          %parallel_loop3A_944 = arith.constant 46 : i32
          %parallel_loop3A_945 = arith.index_cast %parallel_loop3A_944 : i32 to index
          %parallel_loop3A_946 = arith.index_cast %parallel_loop3A_943 : i32 to index
          %parallel_loop3A_947 = tpu.vector_load %arg7[%parallel_loop3A_945, %parallel_loop3A_946] {strides = array<i32>} : memref<64x512xf32, #tpu.memory_space<vmem>>, vector<16xf32>,
          tpu.vector_store %arg7[%parallel_loop3A_945, %parallel_loop3A_946], %parallel_loop3A_939 {strides = array<i32>} : memref<64x512xf32, #tpu.memory_space<vmem>>, vector<16xf32>,
          %parallel_loop3A_948 = arith.constant 16 : i32
          %parallel_loop3A_949 = arith.muli %parallel_loop3A_138, %parallel_loop3A_948 : i32
          %parallel_loop3A_950 = arith.constant 47 : i32
          %parallel_loop3A_951 = arith.index_cast %parallel_loop3A_950 : i32 to index
          %parallel_loop3A_952 = arith.index_cast %parallel_loop3A_949 : i32 to index
          %parallel_loop3A_953 = tpu.vector_load %arg7[%parallel_loop3A_951, %parallel_loop3A_952] {strides = array<i32>} : memref<64x512xf32, #tpu.memory_space<vmem>>, vector<16xf32>,
          tpu.vector_store %arg7[%parallel_loop3A_951, %parallel_loop3A_952], %parallel_loop3A_941 {strides = array<i32>} : memref<64x512xf32, #tpu.memory_space<vmem>>, vector<16xf32>,
          %parallel_loop3A_954 = arith.constant 18432 : i32
          %parallel_loop3A_955 = tpu.memref_slice %arg5[%parallel_loop3A_954] : memref<24576xi32, #tpu.memory_space<vmem>> -> memref<768xi32, #tpu.memory_space<vmem>>
          %parallel_loop3A_956 = tpu.vector_load_idx %parallel_loop3A_955[%parallel_loop3A_147] : memref<768xi32, #tpu.memory_space<vmem>>[vector<16xi32>], vector<16xi32>,
          %parallel_loop3A_957 = arith.constant 18432 : i32
          %parallel_loop3A_958 = tpu.memref_slice %arg5[%parallel_loop3A_957] : memref<24576xi32, #tpu.memory_space<vmem>> -> memref<768xi32, #tpu.memory_space<vmem>>
          %parallel_loop3A_959 = tpu.vector_load_idx %parallel_loop3A_958[%parallel_loop3A_154] : memref<768xi32, #tpu.memory_space<vmem>>[vector<16xi32>], vector<16xi32>,
          %parallel_loop3A_960 = arith.constant 18432 : i32
          %parallel_loop3A_961 = tpu.memref_slice %arg5[%parallel_loop3A_960] : memref<24576xi32, #tpu.memory_space<vmem>> -> memref<768xi32, #tpu.memory_space<vmem>>
          %parallel_loop3A_962 = tpu.vector_load_idx %parallel_loop3A_961[%parallel_loop3A_161] : memref<768xi32, #tpu.memory_space<vmem>>[vector<16xi32>], vector<16xi32>,
          %parallel_loop3A_963 = vector.bitcast %parallel_loop3A_956 : vector<16xi32> to vector<32xbf16>
          %parallel_loop3A_964 = vector.bitcast %parallel_loop3A_959 : vector<16xi32> to vector<32xbf16>
          %parallel_loop3A_965 = arith.addf %parallel_loop3A_963, %parallel_loop3A_964 : vector<32xbf16>
          %parallel_loop3A_966 = vector.bitcast %parallel_loop3A_962 : vector<16xi32> to vector<32xbf16>
          %parallel_loop3A_967 = arith.addf %parallel_loop3A_965, %parallel_loop3A_966 : vector<32xbf16>
          %parallel_loop3A_968 = vector.bitcast %parallel_loop3A_967 : vector<32xbf16> to vector<16xi32>
          %parallel_loop3A_969 = arith.constant 16 : i32
          %parallel_loop3A_970 = vector.broadcast %parallel_loop3A_969 : i32 to vector<16xi32>
          %parallel_loop3A_971 = arith.shli %parallel_loop3A_968, %parallel_loop3A_970 : vector<16xi32>
          %parallel_loop3A_972 = vector.bitcast %parallel_loop3A_971 : vector<16xi32> to vector<16xf32>
          %parallel_loop3A_973 = arith.andi %parallel_loop3A_968, %broadcast_in_dim3A_1 : vector<16xi32>
          %parallel_loop3A_974 = vector.bitcast %parallel_loop3A_973 : vector<16xi32> to vector<16xf32>
          %parallel_loop3A_975 = arith.constant 16 : i32
          %parallel_loop3A_976 = arith.muli %parallel_loop3A_138, %parallel_loop3A_975 : i32
          %parallel_loop3A_977 = arith.constant 48 : i32
          %parallel_loop3A_978 = arith.index_cast %parallel_loop3A_977 : i32 to index
          %parallel_loop3A_979 = arith.index_cast %parallel_loop3A_976 : i32 to index
          %parallel_loop3A_980 = tpu.vector_load %arg7[%parallel_loop3A_978, %parallel_loop3A_979] {strides = array<i32>} : memref<64x512xf32, #tpu.memory_space<vmem>>, vector<16xf32>,
          tpu.vector_store %arg7[%parallel_loop3A_978, %parallel_loop3A_979], %parallel_loop3A_972 {strides = array<i32>} : memref<64x512xf32, #tpu.memory_space<vmem>>, vector<16xf32>,
          %parallel_loop3A_981 = arith.constant 16 : i32
          %parallel_loop3A_982 = arith.muli %parallel_loop3A_138, %parallel_loop3A_981 : i32
          %parallel_loop3A_983 = arith.constant 49 : i32
          %parallel_loop3A_984 = arith.index_cast %parallel_loop3A_983 : i32 to index
          %parallel_loop3A_985 = arith.index_cast %parallel_loop3A_982 : i32 to index
          %parallel_loop3A_986 = tpu.vector_load %arg7[%parallel_loop3A_984, %parallel_loop3A_985] {strides = array<i32>} : memref<64x512xf32, #tpu.memory_space<vmem>>, vector<16xf32>,
          tpu.vector_store %arg7[%parallel_loop3A_984, %parallel_loop3A_985], %parallel_loop3A_974 {strides = array<i32>} : memref<64x512xf32, #tpu.memory_space<vmem>>, vector<16xf32>,
          %parallel_loop3A_987 = arith.constant 19200 : i32
          %parallel_loop3A_988 = tpu.memref_slice %arg5[%parallel_loop3A_987] : memref<24576xi32, #tpu.memory_space<vmem>> -> memref<768xi32, #tpu.memory_space<vmem>>
          %parallel_loop3A_989 = tpu.vector_load_idx %parallel_loop3A_988[%parallel_loop3A_147] : memref<768xi32, #tpu.memory_space<vmem>>[vector<16xi32>], vector<16xi32>,
          %parallel_loop3A_990 = arith.constant 19200 : i32
          %parallel_loop3A_991 = tpu.memref_slice %arg5[%parallel_loop3A_990] : memref<24576xi32, #tpu.memory_space<vmem>> -> memref<768xi32, #tpu.memory_space<vmem>>
          %parallel_loop3A_992 = tpu.vector_load_idx %parallel_loop3A_991[%parallel_loop3A_154] : memref<768xi32, #tpu.memory_space<vmem>>[vector<16xi32>], vector<16xi32>,
          %parallel_loop3A_993 = arith.constant 19200 : i32
          %parallel_loop3A_994 = tpu.memref_slice %arg5[%parallel_loop3A_993] : memref<24576xi32, #tpu.memory_space<vmem>> -> memref<768xi32, #tpu.memory_space<vmem>>
          %parallel_loop3A_995 = tpu.vector_load_idx %parallel_loop3A_994[%parallel_loop3A_161] : memref<768xi32, #tpu.memory_space<vmem>>[vector<16xi32>], vector<16xi32>,
          %parallel_loop3A_996 = vector.bitcast %parallel_loop3A_989 : vector<16xi32> to vector<32xbf16>
          %parallel_loop3A_997 = vector.bitcast %parallel_loop3A_992 : vector<16xi32> to vector<32xbf16>
          %parallel_loop3A_998 = arith.addf %parallel_loop3A_996, %parallel_loop3A_997 : vector<32xbf16>
          %parallel_loop3A_999 = vector.bitcast %parallel_loop3A_995 : vector<16xi32> to vector<32xbf16>
          %parallel_loop3A_1000 = arith.addf %parallel_loop3A_998, %parallel_loop3A_999 : vector<32xbf16>
          %parallel_loop3A_1001 = vector.bitcast %parallel_loop3A_1000 : vector<32xbf16> to vector<16xi32>
          %parallel_loop3A_1002 = arith.constant 16 : i32
          %parallel_loop3A_1003 = vector.broadcast %parallel_loop3A_1002 : i32 to vector<16xi32>
          %parallel_loop3A_1004 = arith.shli %parallel_loop3A_1001, %parallel_loop3A_1003 : vector<16xi32>
          %parallel_loop3A_1005 = vector.bitcast %parallel_loop3A_1004 : vector<16xi32> to vector<16xf32>
          %parallel_loop3A_1006 = arith.andi %parallel_loop3A_1001, %broadcast_in_dim3A_1 : vector<16xi32>
          %parallel_loop3A_1007 = vector.bitcast %parallel_loop3A_1006 : vector<16xi32> to vector<16xf32>
          %parallel_loop3A_1008 = arith.constant 16 : i32
          %parallel_loop3A_1009 = arith.muli %parallel_loop3A_138, %parallel_loop3A_1008 : i32
          %parallel_loop3A_1010 = arith.constant 50 : i32
          %parallel_loop3A_1011 = arith.index_cast %parallel_loop3A_1010 : i32 to index
          %parallel_loop3A_1012 = arith.index_cast %parallel_loop3A_1009 : i32 to index
          %parallel_loop3A_1013 = tpu.vector_load %arg7[%parallel_loop3A_1011, %parallel_loop3A_1012] {strides = array<i32>} : memref<64x512xf32, #tpu.memory_space<vmem>>, vector<16xf32>,
          tpu.vector_store %arg7[%parallel_loop3A_1011, %parallel_loop3A_1012], %parallel_loop3A_1005 {strides = array<i32>} : memref<64x512xf32, #tpu.memory_space<vmem>>, vector<16xf32>,
          %parallel_loop3A_1014 = arith.constant 16 : i32
          %parallel_loop3A_1015 = arith.muli %parallel_loop3A_138, %parallel_loop3A_1014 : i32
          %parallel_loop3A_1016 = arith.constant 51 : i32
          %parallel_loop3A_1017 = arith.index_cast %parallel_loop3A_1016 : i32 to index
          %parallel_loop3A_1018 = arith.index_cast %parallel_loop3A_1015 : i32 to index
          %parallel_loop3A_1019 = tpu.vector_load %arg7[%parallel_loop3A_1017, %parallel_loop3A_1018] {strides = array<i32>} : memref<64x512xf32, #tpu.memory_space<vmem>>, vector<16xf32>,
          tpu.vector_store %arg7[%parallel_loop3A_1017, %parallel_loop3A_1018], %parallel_loop3A_1007 {strides = array<i32>} : memref<64x512xf32, #tpu.memory_space<vmem>>, vector<16xf32>,
          %parallel_loop3A_1020 = arith.constant 19968 : i32
          %parallel_loop3A_1021 = tpu.memref_slice %arg5[%parallel_loop3A_1020] : memref<24576xi32, #tpu.memory_space<vmem>> -> memref<768xi32, #tpu.memory_space<vmem>>
          %parallel_loop3A_1022 = tpu.vector_load_idx %parallel_loop3A_1021[%parallel_loop3A_147] : memref<768xi32, #tpu.memory_space<vmem>>[vector<16xi32>], vector<16xi32>,
          %parallel_loop3A_1023 = arith.constant 19968 : i32
          %parallel_loop3A_1024 = tpu.memref_slice %arg5[%parallel_loop3A_1023] : memref<24576xi32, #tpu.memory_space<vmem>> -> memref<768xi32, #tpu.memory_space<vmem>>
          %parallel_loop3A_1025 = tpu.vector_load_idx %parallel_loop3A_1024[%parallel_loop3A_154] : memref<768xi32, #tpu.memory_space<vmem>>[vector<16xi32>], vector<16xi32>,
          %parallel_loop3A_1026 = arith.constant 19968 : i32
          %parallel_loop3A_1027 = tpu.memref_slice %arg5[%parallel_loop3A_1026] : memref<24576xi32, #tpu.memory_space<vmem>> -> memref<768xi32, #tpu.memory_space<vmem>>
          %parallel_loop3A_1028 = tpu.vector_load_idx %parallel_loop3A_1027[%parallel_loop3A_161] : memref<768xi32, #tpu.memory_space<vmem>>[vector<16xi32>], vector<16xi32>,
          %parallel_loop3A_1029 = vector.bitcast %parallel_loop3A_1022 : vector<16xi32> to vector<32xbf16>
          %parallel_loop3A_1030 = vector.bitcast %parallel_loop3A_1025 : vector<16xi32> to vector<32xbf16>
          %parallel_loop3A_1031 = arith.addf %parallel_loop3A_1029, %parallel_loop3A_1030 : vector<32xbf16>
          %parallel_loop3A_1032 = vector.bitcast %parallel_loop3A_1028 : vector<16xi32> to vector<32xbf16>
          %parallel_loop3A_1033 = arith.addf %parallel_loop3A_1031, %parallel_loop3A_1032 : vector<32xbf16>
          %parallel_loop3A_1034 = vector.bitcast %parallel_loop3A_1033 : vector<32xbf16> to vector<16xi32>
          %parallel_loop3A_1035 = arith.constant 16 : i32
          %parallel_loop3A_1036 = vector.broadcast %parallel_loop3A_1035 : i32 to vector<16xi32>
          %parallel_loop3A_1037 = arith.shli %parallel_loop3A_1034, %parallel_loop3A_1036 : vector<16xi32>
          %parallel_loop3A_1038 = vector.bitcast %parallel_loop3A_1037 : vector<16xi32> to vector<16xf32>
          %parallel_loop3A_1039 = arith.andi %parallel_loop3A_1034, %broadcast_in_dim3A_1 : vector<16xi32>
          %parallel_loop3A_1040 = vector.bitcast %parallel_loop3A_1039 : vector<16xi32> to vector<16xf32>
          %parallel_loop3A_1041 = arith.constant 16 : i32
          %parallel_loop3A_1042 = arith.muli %parallel_loop3A_138, %parallel_loop3A_1041 : i32
          %parallel_loop3A_1043 = arith.constant 52 : i32
          %parallel_loop3A_1044 = arith.index_cast %parallel_loop3A_1043 : i32 to index
          %parallel_loop3A_1045 = arith.index_cast %parallel_loop3A_1042 : i32 to index
          %parallel_loop3A_1046 = tpu.vector_load %arg7[%parallel_loop3A_1044, %parallel_loop3A_1045] {strides = array<i32>} : memref<64x512xf32, #tpu.memory_space<vmem>>, vector<16xf32>,
          tpu.vector_store %arg7[%parallel_loop3A_1044, %parallel_loop3A_1045], %parallel_loop3A_1038 {strides = array<i32>} : memref<64x512xf32, #tpu.memory_space<vmem>>, vector<16xf32>,
          %parallel_loop3A_1047 = arith.constant 16 : i32
          %parallel_loop3A_1048 = arith.muli %parallel_loop3A_138, %parallel_loop3A_1047 : i32
          %parallel_loop3A_1049 = arith.constant 53 : i32
          %parallel_loop3A_1050 = arith.index_cast %parallel_loop3A_1049 : i32 to index
          %parallel_loop3A_1051 = arith.index_cast %parallel_loop3A_1048 : i32 to index
          %parallel_loop3A_1052 = tpu.vector_load %arg7[%parallel_loop3A_1050, %parallel_loop3A_1051] {strides = array<i32>} : memref<64x512xf32, #tpu.memory_space<vmem>>, vector<16xf32>,
          tpu.vector_store %arg7[%parallel_loop3A_1050, %parallel_loop3A_1051], %parallel_loop3A_1040 {strides = array<i32>} : memref<64x512xf32, #tpu.memory_space<vmem>>, vector<16xf32>,
          %parallel_loop3A_1053 = arith.constant 20736 : i32
          %parallel_loop3A_1054 = tpu.memref_slice %arg5[%parallel_loop3A_1053] : memref<24576xi32, #tpu.memory_space<vmem>> -> memref<768xi32, #tpu.memory_space<vmem>>
          %parallel_loop3A_1055 = tpu.vector_load_idx %parallel_loop3A_1054[%parallel_loop3A_147] : memref<768xi32, #tpu.memory_space<vmem>>[vector<16xi32>], vector<16xi32>,
          %parallel_loop3A_1056 = arith.constant 20736 : i32
          %parallel_loop3A_1057 = tpu.memref_slice %arg5[%parallel_loop3A_1056] : memref<24576xi32, #tpu.memory_space<vmem>> -> memref<768xi32, #tpu.memory_space<vmem>>
          %parallel_loop3A_1058 = tpu.vector_load_idx %parallel_loop3A_1057[%parallel_loop3A_154] : memref<768xi32, #tpu.memory_space<vmem>>[vector<16xi32>], vector<16xi32>,
          %parallel_loop3A_1059 = arith.constant 20736 : i32
          %parallel_loop3A_1060 = tpu.memref_slice %arg5[%parallel_loop3A_1059] : memref<24576xi32, #tpu.memory_space<vmem>> -> memref<768xi32, #tpu.memory_space<vmem>>
          %parallel_loop3A_1061 = tpu.vector_load_idx %parallel_loop3A_1060[%parallel_loop3A_161] : memref<768xi32, #tpu.memory_space<vmem>>[vector<16xi32>], vector<16xi32>,
          %parallel_loop3A_1062 = vector.bitcast %parallel_loop3A_1055 : vector<16xi32> to vector<32xbf16>
          %parallel_loop3A_1063 = vector.bitcast %parallel_loop3A_1058 : vector<16xi32> to vector<32xbf16>
          %parallel_loop3A_1064 = arith.addf %parallel_loop3A_1062, %parallel_loop3A_1063 : vector<32xbf16>
          %parallel_loop3A_1065 = vector.bitcast %parallel_loop3A_1061 : vector<16xi32> to vector<32xbf16>
          %parallel_loop3A_1066 = arith.addf %parallel_loop3A_1064, %parallel_loop3A_1065 : vector<32xbf16>
          %parallel_loop3A_1067 = vector.bitcast %parallel_loop3A_1066 : vector<32xbf16> to vector<16xi32>
          %parallel_loop3A_1068 = arith.constant 16 : i32
          %parallel_loop3A_1069 = vector.broadcast %parallel_loop3A_1068 : i32 to vector<16xi32>
          %parallel_loop3A_1070 = arith.shli %parallel_loop3A_1067, %parallel_loop3A_1069 : vector<16xi32>
          %parallel_loop3A_1071 = vector.bitcast %parallel_loop3A_1070 : vector<16xi32> to vector<16xf32>
          %parallel_loop3A_1072 = arith.andi %parallel_loop3A_1067, %broadcast_in_dim3A_1 : vector<16xi32>
          %parallel_loop3A_1073 = vector.bitcast %parallel_loop3A_1072 : vector<16xi32> to vector<16xf32>
          %parallel_loop3A_1074 = arith.constant 16 : i32
          %parallel_loop3A_1075 = arith.muli %parallel_loop3A_138, %parallel_loop3A_1074 : i32
          %parallel_loop3A_1076 = arith.constant 54 : i32
          %parallel_loop3A_1077 = arith.index_cast %parallel_loop3A_1076 : i32 to index
          %parallel_loop3A_1078 = arith.index_cast %parallel_loop3A_1075 : i32 to index
          %parallel_loop3A_1079 = tpu.vector_load %arg7[%parallel_loop3A_1077, %parallel_loop3A_1078] {strides = array<i32>} : memref<64x512xf32, #tpu.memory_space<vmem>>, vector<16xf32>,
          tpu.vector_store %arg7[%parallel_loop3A_1077, %parallel_loop3A_1078], %parallel_loop3A_1071 {strides = array<i32>} : memref<64x512xf32, #tpu.memory_space<vmem>>, vector<16xf32>,
          %parallel_loop3A_1080 = arith.constant 16 : i32
          %parallel_loop3A_1081 = arith.muli %parallel_loop3A_138, %parallel_loop3A_1080 : i32
          %parallel_loop3A_1082 = arith.constant 55 : i32
          %parallel_loop3A_1083 = arith.index_cast %parallel_loop3A_1082 : i32 to index
          %parallel_loop3A_1084 = arith.index_cast %parallel_loop3A_1081 : i32 to index
          %parallel_loop3A_1085 = tpu.vector_load %arg7[%parallel_loop3A_1083, %parallel_loop3A_1084] {strides = array<i32>} : memref<64x512xf32, #tpu.memory_space<vmem>>, vector<16xf32>,
          tpu.vector_store %arg7[%parallel_loop3A_1083, %parallel_loop3A_1084], %parallel_loop3A_1073 {strides = array<i32>} : memref<64x512xf32, #tpu.memory_space<vmem>>, vector<16xf32>,
          %parallel_loop3A_1086 = arith.constant 21504 : i32
          %parallel_loop3A_1087 = tpu.memref_slice %arg5[%parallel_loop3A_1086] : memref<24576xi32, #tpu.memory_space<vmem>> -> memref<768xi32, #tpu.memory_space<vmem>>
          %parallel_loop3A_1088 = tpu.vector_load_idx %parallel_loop3A_1087[%parallel_loop3A_147] : memref<768xi32, #tpu.memory_space<vmem>>[vector<16xi32>], vector<16xi32>,
          %parallel_loop3A_1089 = arith.constant 21504 : i32
          %parallel_loop3A_1090 = tpu.memref_slice %arg5[%parallel_loop3A_1089] : memref<24576xi32, #tpu.memory_space<vmem>> -> memref<768xi32, #tpu.memory_space<vmem>>
          %parallel_loop3A_1091 = tpu.vector_load_idx %parallel_loop3A_1090[%parallel_loop3A_154] : memref<768xi32, #tpu.memory_space<vmem>>[vector<16xi32>], vector<16xi32>,
          %parallel_loop3A_1092 = arith.constant 21504 : i32
          %parallel_loop3A_1093 = tpu.memref_slice %arg5[%parallel_loop3A_1092] : memref<24576xi32, #tpu.memory_space<vmem>> -> memref<768xi32, #tpu.memory_space<vmem>>
          %parallel_loop3A_1094 = tpu.vector_load_idx %parallel_loop3A_1093[%parallel_loop3A_161] : memref<768xi32, #tpu.memory_space<vmem>>[vector<16xi32>], vector<16xi32>,
          %parallel_loop3A_1095 = vector.bitcast %parallel_loop3A_1088 : vector<16xi32> to vector<32xbf16>
          %parallel_loop3A_1096 = vector.bitcast %parallel_loop3A_1091 : vector<16xi32> to vector<32xbf16>
          %parallel_loop3A_1097 = arith.addf %parallel_loop3A_1095, %parallel_loop3A_1096 : vector<32xbf16>
          %parallel_loop3A_1098 = vector.bitcast %parallel_loop3A_1094 : vector<16xi32> to vector<32xbf16>
          %parallel_loop3A_1099 = arith.addf %parallel_loop3A_1097, %parallel_loop3A_1098 : vector<32xbf16>
          %parallel_loop3A_1100 = vector.bitcast %parallel_loop3A_1099 : vector<32xbf16> to vector<16xi32>
          %parallel_loop3A_1101 = arith.constant 16 : i32
          %parallel_loop3A_1102 = vector.broadcast %parallel_loop3A_1101 : i32 to vector<16xi32>
          %parallel_loop3A_1103 = arith.shli %parallel_loop3A_1100, %parallel_loop3A_1102 : vector<16xi32>
          %parallel_loop3A_1104 = vector.bitcast %parallel_loop3A_1103 : vector<16xi32> to vector<16xf32>
          %parallel_loop3A_1105 = arith.andi %parallel_loop3A_1100, %broadcast_in_dim3A_1 : vector<16xi32>
          %parallel_loop3A_1106 = vector.bitcast %parallel_loop3A_1105 : vector<16xi32> to vector<16xf32>
          %parallel_loop3A_1107 = arith.constant 16 : i32
          %parallel_loop3A_1108 = arith.muli %parallel_loop3A_138, %parallel_loop3A_1107 : i32
          %parallel_loop3A_1109 = arith.constant 56 : i32
          %parallel_loop3A_1110 = arith.index_cast %parallel_loop3A_1109 : i32 to index
          %parallel_loop3A_1111 = arith.index_cast %parallel_loop3A_1108 : i32 to index
          %parallel_loop3A_1112 = tpu.vector_load %arg7[%parallel_loop3A_1110, %parallel_loop3A_1111] {strides = array<i32>} : memref<64x512xf32, #tpu.memory_space<vmem>>, vector<16xf32>,
          tpu.vector_store %arg7[%parallel_loop3A_1110, %parallel_loop3A_1111], %parallel_loop3A_1104 {strides = array<i32>} : memref<64x512xf32, #tpu.memory_space<vmem>>, vector<16xf32>,
          %parallel_loop3A_1113 = arith.constant 16 : i32
          %parallel_loop3A_1114 = arith.muli %parallel_loop3A_138, %parallel_loop3A_1113 : i32
          %parallel_loop3A_1115 = arith.constant 57 : i32
          %parallel_loop3A_1116 = arith.index_cast %parallel_loop3A_1115 : i32 to index
          %parallel_loop3A_1117 = arith.index_cast %parallel_loop3A_1114 : i32 to index
          %parallel_loop3A_1118 = tpu.vector_load %arg7[%parallel_loop3A_1116, %parallel_loop3A_1117] {strides = array<i32>} : memref<64x512xf32, #tpu.memory_space<vmem>>, vector<16xf32>,
          tpu.vector_store %arg7[%parallel_loop3A_1116, %parallel_loop3A_1117], %parallel_loop3A_1106 {strides = array<i32>} : memref<64x512xf32, #tpu.memory_space<vmem>>, vector<16xf32>,
          %parallel_loop3A_1119 = arith.constant 22272 : i32
          %parallel_loop3A_1120 = tpu.memref_slice %arg5[%parallel_loop3A_1119] : memref<24576xi32, #tpu.memory_space<vmem>> -> memref<768xi32, #tpu.memory_space<vmem>>
          %parallel_loop3A_1121 = tpu.vector_load_idx %parallel_loop3A_1120[%parallel_loop3A_147] : memref<768xi32, #tpu.memory_space<vmem>>[vector<16xi32>], vector<16xi32>,
          %parallel_loop3A_1122 = arith.constant 22272 : i32
          %parallel_loop3A_1123 = tpu.memref_slice %arg5[%parallel_loop3A_1122] : memref<24576xi32, #tpu.memory_space<vmem>> -> memref<768xi32, #tpu.memory_space<vmem>>
          %parallel_loop3A_1124 = tpu.vector_load_idx %parallel_loop3A_1123[%parallel_loop3A_154] : memref<768xi32, #tpu.memory_space<vmem>>[vector<16xi32>], vector<16xi32>,
          %parallel_loop3A_1125 = arith.constant 22272 : i32
          %parallel_loop3A_1126 = tpu.memref_slice %arg5[%parallel_loop3A_1125] : memref<24576xi32, #tpu.memory_space<vmem>> -> memref<768xi32, #tpu.memory_space<vmem>>
          %parallel_loop3A_1127 = tpu.vector_load_idx %parallel_loop3A_1126[%parallel_loop3A_161] : memref<768xi32, #tpu.memory_space<vmem>>[vector<16xi32>], vector<16xi32>,
          %parallel_loop3A_1128 = vector.bitcast %parallel_loop3A_1121 : vector<16xi32> to vector<32xbf16>
          %parallel_loop3A_1129 = vector.bitcast %parallel_loop3A_1124 : vector<16xi32> to vector<32xbf16>
          %parallel_loop3A_1130 = arith.addf %parallel_loop3A_1128, %parallel_loop3A_1129 : vector<32xbf16>
          %parallel_loop3A_1131 = vector.bitcast %parallel_loop3A_1127 : vector<16xi32> to vector<32xbf16>
          %parallel_loop3A_1132 = arith.addf %parallel_loop3A_1130, %parallel_loop3A_1131 : vector<32xbf16>
          %parallel_loop3A_1133 = vector.bitcast %parallel_loop3A_1132 : vector<32xbf16> to vector<16xi32>
          %parallel_loop3A_1134 = arith.constant 16 : i32
          %parallel_loop3A_1135 = vector.broadcast %parallel_loop3A_1134 : i32 to vector<16xi32>
          %parallel_loop3A_1136 = arith.shli %parallel_loop3A_1133, %parallel_loop3A_1135 : vector<16xi32>
          %parallel_loop3A_1137 = vector.bitcast %parallel_loop3A_1136 : vector<16xi32> to vector<16xf32>
          %parallel_loop3A_1138 = arith.andi %parallel_loop3A_1133, %broadcast_in_dim3A_1 : vector<16xi32>
          %parallel_loop3A_1139 = vector.bitcast %parallel_loop3A_1138 : vector<16xi32> to vector<16xf32>
          %parallel_loop3A_1140 = arith.constant 16 : i32
          %parallel_loop3A_1141 = arith.muli %parallel_loop3A_138, %parallel_loop3A_1140 : i32
          %parallel_loop3A_1142 = arith.constant 58 : i32
          %parallel_loop3A_1143 = arith.index_cast %parallel_loop3A_1142 : i32 to index
          %parallel_loop3A_1144 = arith.index_cast %parallel_loop3A_1141 : i32 to index
          %parallel_loop3A_1145 = tpu.vector_load %arg7[%parallel_loop3A_1143, %parallel_loop3A_1144] {strides = array<i32>} : memref<64x512xf32, #tpu.memory_space<vmem>>, vector<16xf32>,
          tpu.vector_store %arg7[%parallel_loop3A_1143, %parallel_loop3A_1144], %parallel_loop3A_1137 {strides = array<i32>} : memref<64x512xf32, #tpu.memory_space<vmem>>, vector<16xf32>,
          %parallel_loop3A_1146 = arith.constant 16 : i32
          %parallel_loop3A_1147 = arith.muli %parallel_loop3A_138, %parallel_loop3A_1146 : i32
          %parallel_loop3A_1148 = arith.constant 59 : i32
          %parallel_loop3A_1149 = arith.index_cast %parallel_loop3A_1148 : i32 to index
          %parallel_loop3A_1150 = arith.index_cast %parallel_loop3A_1147 : i32 to index
          %parallel_loop3A_1151 = tpu.vector_load %arg7[%parallel_loop3A_1149, %parallel_loop3A_1150] {strides = array<i32>} : memref<64x512xf32, #tpu.memory_space<vmem>>, vector<16xf32>,
          tpu.vector_store %arg7[%parallel_loop3A_1149, %parallel_loop3A_1150], %parallel_loop3A_1139 {strides = array<i32>} : memref<64x512xf32, #tpu.memory_space<vmem>>, vector<16xf32>,
          %parallel_loop3A_1152 = arith.constant 23040 : i32
          %parallel_loop3A_1153 = tpu.memref_slice %arg5[%parallel_loop3A_1152] : memref<24576xi32, #tpu.memory_space<vmem>> -> memref<768xi32, #tpu.memory_space<vmem>>
          %parallel_loop3A_1154 = tpu.vector_load_idx %parallel_loop3A_1153[%parallel_loop3A_147] : memref<768xi32, #tpu.memory_space<vmem>>[vector<16xi32>], vector<16xi32>,
          %parallel_loop3A_1155 = arith.constant 23040 : i32
          %parallel_loop3A_1156 = tpu.memref_slice %arg5[%parallel_loop3A_1155] : memref<24576xi32, #tpu.memory_space<vmem>> -> memref<768xi32, #tpu.memory_space<vmem>>
          %parallel_loop3A_1157 = tpu.vector_load_idx %parallel_loop3A_1156[%parallel_loop3A_154] : memref<768xi32, #tpu.memory_space<vmem>>[vector<16xi32>], vector<16xi32>,
          %parallel_loop3A_1158 = arith.constant 23040 : i32
          %parallel_loop3A_1159 = tpu.memref_slice %arg5[%parallel_loop3A_1158] : memref<24576xi32, #tpu.memory_space<vmem>> -> memref<768xi32, #tpu.memory_space<vmem>>
          %parallel_loop3A_1160 = tpu.vector_load_idx %parallel_loop3A_1159[%parallel_loop3A_161] : memref<768xi32, #tpu.memory_space<vmem>>[vector<16xi32>], vector<16xi32>,
          %parallel_loop3A_1161 = vector.bitcast %parallel_loop3A_1154 : vector<16xi32> to vector<32xbf16>
          %parallel_loop3A_1162 = vector.bitcast %parallel_loop3A_1157 : vector<16xi32> to vector<32xbf16>
          %parallel_loop3A_1163 = arith.addf %parallel_loop3A_1161, %parallel_loop3A_1162 : vector<32xbf16>
          %parallel_loop3A_1164 = vector.bitcast %parallel_loop3A_1160 : vector<16xi32> to vector<32xbf16>
          %parallel_loop3A_1165 = arith.addf %parallel_loop3A_1163, %parallel_loop3A_1164 : vector<32xbf16>
          %parallel_loop3A_1166 = vector.bitcast %parallel_loop3A_1165 : vector<32xbf16> to vector<16xi32>
          %parallel_loop3A_1167 = arith.constant 16 : i32
          %parallel_loop3A_1168 = vector.broadcast %parallel_loop3A_1167 : i32 to vector<16xi32>
          %parallel_loop3A_1169 = arith.shli %parallel_loop3A_1166, %parallel_loop3A_1168 : vector<16xi32>
          %parallel_loop3A_1170 = vector.bitcast %parallel_loop3A_1169 : vector<16xi32> to vector<16xf32>
          %parallel_loop3A_1171 = arith.andi %parallel_loop3A_1166, %broadcast_in_dim3A_1 : vector<16xi32>
          %parallel_loop3A_1172 = vector.bitcast %parallel_loop3A_1171 : vector<16xi32> to vector<16xf32>
          %parallel_loop3A_1173 = arith.constant 16 : i32
          %parallel_loop3A_1174 = arith.muli %parallel_loop3A_138, %parallel_loop3A_1173 : i32
          %parallel_loop3A_1175 = arith.constant 60 : i32
          %parallel_loop3A_1176 = arith.index_cast %parallel_loop3A_1175 : i32 to index
          %parallel_loop3A_1177 = arith.index_cast %parallel_loop3A_1174 : i32 to index
          %parallel_loop3A_1178 = tpu.vector_load %arg7[%parallel_loop3A_1176, %parallel_loop3A_1177] {strides = array<i32>} : memref<64x512xf32, #tpu.memory_space<vmem>>, vector<16xf32>,
          tpu.vector_store %arg7[%parallel_loop3A_1176, %parallel_loop3A_1177], %parallel_loop3A_1170 {strides = array<i32>} : memref<64x512xf32, #tpu.memory_space<vmem>>, vector<16xf32>,
          %parallel_loop3A_1179 = arith.constant 16 : i32
          %parallel_loop3A_1180 = arith.muli %parallel_loop3A_138, %parallel_loop3A_1179 : i32
          %parallel_loop3A_1181 = arith.constant 61 : i32
          %parallel_loop3A_1182 = arith.index_cast %parallel_loop3A_1181 : i32 to index
          %parallel_loop3A_1183 = arith.index_cast %parallel_loop3A_1180 : i32 to index
          %parallel_loop3A_1184 = tpu.vector_load %arg7[%parallel_loop3A_1182, %parallel_loop3A_1183] {strides = array<i32>} : memref<64x512xf32, #tpu.memory_space<vmem>>, vector<16xf32>,
          tpu.vector_store %arg7[%parallel_loop3A_1182, %parallel_loop3A_1183], %parallel_loop3A_1172 {strides = array<i32>} : memref<64x512xf32, #tpu.memory_space<vmem>>, vector<16xf32>,
          %parallel_loop3A_1185 = arith.constant 23808 : i32
          %parallel_loop3A_1186 = tpu.memref_slice %arg5[%parallel_loop3A_1185] : memref<24576xi32, #tpu.memory_space<vmem>> -> memref<768xi32, #tpu.memory_space<vmem>>
          %parallel_loop3A_1187 = tpu.vector_load_idx %parallel_loop3A_1186[%parallel_loop3A_147] : memref<768xi32, #tpu.memory_space<vmem>>[vector<16xi32>], vector<16xi32>,
          %parallel_loop3A_1188 = arith.constant 23808 : i32
          %parallel_loop3A_1189 = tpu.memref_slice %arg5[%parallel_loop3A_1188] : memref<24576xi32, #tpu.memory_space<vmem>> -> memref<768xi32, #tpu.memory_space<vmem>>
          %parallel_loop3A_1190 = tpu.vector_load_idx %parallel_loop3A_1189[%parallel_loop3A_154] : memref<768xi32, #tpu.memory_space<vmem>>[vector<16xi32>], vector<16xi32>,
          %parallel_loop3A_1191 = arith.constant 23808 : i32
          %parallel_loop3A_1192 = tpu.memref_slice %arg5[%parallel_loop3A_1191] : memref<24576xi32, #tpu.memory_space<vmem>> -> memref<768xi32, #tpu.memory_space<vmem>>
          %parallel_loop3A_1193 = tpu.vector_load_idx %parallel_loop3A_1192[%parallel_loop3A_161] : memref<768xi32, #tpu.memory_space<vmem>>[vector<16xi32>], vector<16xi32>,
          %parallel_loop3A_1194 = vector.bitcast %parallel_loop3A_1187 : vector<16xi32> to vector<32xbf16>
          %parallel_loop3A_1195 = vector.bitcast %parallel_loop3A_1190 : vector<16xi32> to vector<32xbf16>
          %parallel_loop3A_1196 = arith.addf %parallel_loop3A_1194, %parallel_loop3A_1195 : vector<32xbf16>
          %parallel_loop3A_1197 = vector.bitcast %parallel_loop3A_1193 : vector<16xi32> to vector<32xbf16>
          %parallel_loop3A_1198 = arith.addf %parallel_loop3A_1196, %parallel_loop3A_1197 : vector<32xbf16>
          %parallel_loop3A_1199 = vector.bitcast %parallel_loop3A_1198 : vector<32xbf16> to vector<16xi32>
          %parallel_loop3A_1200 = arith.constant 16 : i32
          %parallel_loop3A_1201 = vector.broadcast %parallel_loop3A_1200 : i32 to vector<16xi32>
          %parallel_loop3A_1202 = arith.shli %parallel_loop3A_1199, %parallel_loop3A_1201 : vector<16xi32>
          %parallel_loop3A_1203 = vector.bitcast %parallel_loop3A_1202 : vector<16xi32> to vector<16xf32>
          %parallel_loop3A_1204 = arith.andi %parallel_loop3A_1199, %broadcast_in_dim3A_1 : vector<16xi32>
          %parallel_loop3A_1205 = vector.bitcast %parallel_loop3A_1204 : vector<16xi32> to vector<16xf32>
          %parallel_loop3A_1206 = arith.constant 16 : i32
          %parallel_loop3A_1207 = arith.muli %parallel_loop3A_138, %parallel_loop3A_1206 : i32
          %parallel_loop3A_1208 = arith.constant 62 : i32
          %parallel_loop3A_1209 = arith.index_cast %parallel_loop3A_1208 : i32 to index
          %parallel_loop3A_1210 = arith.index_cast %parallel_loop3A_1207 : i32 to index
          %parallel_loop3A_1211 = tpu.vector_load %arg7[%parallel_loop3A_1209, %parallel_loop3A_1210] {strides = array<i32>} : memref<64x512xf32, #tpu.memory_space<vmem>>, vector<16xf32>,
          tpu.vector_store %arg7[%parallel_loop3A_1209, %parallel_loop3A_1210], %parallel_loop3A_1203 {strides = array<i32>} : memref<64x512xf32, #tpu.memory_space<vmem>>, vector<16xf32>,
          %parallel_loop3A_1212 = arith.constant 16 : i32
          %parallel_loop3A_1213 = arith.muli %parallel_loop3A_138, %parallel_loop3A_1212 : i32
          %parallel_loop3A_1214 = arith.constant 63 : i32
          %parallel_loop3A_1215 = arith.index_cast %parallel_loop3A_1214 : i32 to index
          %parallel_loop3A_1216 = arith.index_cast %parallel_loop3A_1213 : i32 to index
          %parallel_loop3A_1217 = tpu.vector_load %arg7[%parallel_loop3A_1215, %parallel_loop3A_1216] {strides = array<i32>} : memref<64x512xf32, #tpu.memory_space<vmem>>, vector<16xf32>,
          tpu.vector_store %arg7[%parallel_loop3A_1215, %parallel_loop3A_1216], %parallel_loop3A_1205 {strides = array<i32>} : memref<64x512xf32, #tpu.memory_space<vmem>>, vector<16xf32>,
        } {sc.loop_unroll_factor = 4 : i64, sc.parallel_access}
        %mul3A_91 = arith.constant 8 : i32
        %mul3A_92 = arith.muli %add3A, %mul3A_91 : i32
        %jit3A_93 = arith.constant 8 : i32
        %div3A = arith.divsi %scan3A_30, %jit3A_93 : i32
        %sign3A = arith.constant 0 : i32
        %sign3A_94 = arith.cmpi sgt, %scan3A_30, %sign3A : i32
        %sign3A_95 = arith.extui %sign3A_94 : i1 to i32
        %sign3A_96 = arith.constant 0 : i32
        %sign3A_97 = arith.cmpi slt, %scan3A_30, %sign3A_96 : i32
        %sign3A_98 = arith.extui %sign3A_97 : i1 to i32
        %sign3A_99 = arith.subi %sign3A_95, %sign3A_98 : i32
        %sign3A_100 = arith.constant 0 : i32
        %sign3A_101 = arith.cmpi sgt, %jit3A_93, %sign3A_100 : i32
        %sign3A_102 = arith.extui %sign3A_101 : i1 to i32
        %sign3A_103 = arith.constant 0 : i32
        %sign3A_104 = arith.cmpi slt, %jit3A_93, %sign3A_103 : i32
        %sign3A_105 = arith.extui %sign3A_104 : i1 to i32
        %sign3A_106 = arith.subi %sign3A_102, %sign3A_105 : i32
        %ne3A_107 = arith.cmpi ne, %sign3A_99, %sign3A_106 : i32
        %rem3A_108 = arith.remsi %scan3A_30, %jit3A_93 : i32
        %ne3A_109 = arith.constant 0 : i32
        %ne3A_110 = arith.cmpi ne, %rem3A_108, %ne3A_109 : i32
        %and3A_111 = arith.andi %ne3A_107, %ne3A_110 : i1
        %sub3A = arith.constant 1 : i32
        %sub3A_112 = arith.subi %div3A, %sub3A : i32
        %select_n3A_113 = arith.select %and3A_111, %sub3A_112, %div3A : i32
        %add3A_114 = arith.addi %mul3A_92, %select_n3A_113 : i32
        %jit3A_115 = arith.constant 8 : i32
        %eq3A_116 = arith.constant 0 : i32
        %eq3A_117 = arith.cmpi eq, %jit3A_115, %eq3A_116 : i32
        %jit3A_118 = arith.constant 1 : i32
        %select_n3A_119 = arith.select %eq3A_117, %jit3A_118, %jit3A_115 : i32
        %rem3A_120 = arith.remsi %scan3A_30, %select_n3A_119 : i32
        %ne3A_121 = arith.constant 0 : i32
        %ne3A_122 = arith.cmpi ne, %rem3A_120, %ne3A_121 : i32
        %lt3A_123 = arith.constant 0 : i32
        %lt3A_124 = arith.cmpi slt, %rem3A_120, %lt3A_123 : i32
        %lt3A_125 = arith.constant 0 : i32
        %lt3A_126 = arith.cmpi slt, %select_n3A_119, %lt3A_125 : i32
        %ne3A_127 = arith.xori %lt3A_124, %lt3A_126 : i1
        %and3A_128 = arith.andi %ne3A_127, %ne3A_122 : i1
        %add3A_129 = arith.addi %rem3A_120, %select_n3A_119 : i32
        %select_n3A_130 = arith.select %and3A_128, %add3A_129, %rem3A_120 : i32
        %mul3A_131 = arith.constant 512 : i32
        %mul3A_132 = arith.muli %select_n3A_130, %mul3A_131 : i32
        %dma_start3A = arith.constant 0 : i32
        %dma_start3A_133 = tpu.memref_slice %arg4[%add3A_114, %dma_start3A, %mul3A_132] : memref<256x64x4096xf32, #tpu.memory_space<hbm>> -> memref<1x64x512xf32, #tpu.memory_space<hbm>>
        %dma_start3A_134 = tpu.memref_squeeze %dma_start3A_133 : memref<1x64x512xf32, #tpu.memory_space<hbm>> -> memref<64x512xf32, #tpu.memory_space<hbm>>
        %dma_start3A_135 = arith.constant 0 : i32
        %dma_start3A_136 = tpu.memref_slice %arg4[%add3A_114, %dma_start3A_135, %mul3A_132] : memref<256x64x4096xf32, #tpu.memory_space<hbm>> -> memref<1x64x512xf32, #tpu.memory_space<hbm>>
        %dma_start3A_137 = tpu.memref_squeeze %dma_start3A_136 : memref<1x64x512xf32, #tpu.memory_space<hbm>> -> memref<64x512xf32, #tpu.memory_space<hbm>>
        tpu.enqueue_dma source(%arg7 : memref<64x512xf32, #tpu.memory_space<vmem>>) target(%dma_start3A_137 : memref<64x512xf32, #tpu.memory_space<hbm>>) target_semaphore(%arg9 : memref<!tpu.dma_semaphore, #tpu.memory_space<semaphore_mem>>)
      } else {
      }
      %jit3A_59 = arith.constant 2 : i32
      %eq3A_60 = arith.constant 0 : i32
      %eq3A_61 = arith.cmpi eq, %jit3A_59, %eq3A_60 : i32
      %jit3A_62 = arith.constant 1 : i32
      %select_n3A_63 = arith.select %eq3A_61, %jit3A_62, %jit3A_59 : i32
      %rem3A_64 = arith.remsi %scan3A_30, %select_n3A_63 : i32
      %ne3A_65 = arith.constant 0 : i32
      %ne3A_66 = arith.cmpi ne, %rem3A_64, %ne3A_65 : i32
      %lt3A_67 = arith.constant 0 : i32
      %lt3A_68 = arith.cmpi slt, %rem3A_64, %lt3A_67 : i32
      %lt3A_69 = arith.constant 0 : i32
      %lt3A_70 = arith.cmpi slt, %select_n3A_63, %lt3A_69 : i32
      %ne3A_71 = arith.xori %lt3A_68, %lt3A_70 : i1
      %and3A_72 = arith.andi %ne3A_71, %ne3A_66 : i1
      %add3A_73 = arith.addi %rem3A_64, %select_n3A_63 : i32
      %select_n3A_74 = arith.select %and3A_72, %add3A_73, %rem3A_64 : i32
      %eq3A_75 = arith.constant 1 : i32
      %eq3A_76 = arith.cmpi eq, %select_n3A_74, %eq3A_75 : i32
      %convert_element_type3A_77 = arith.extui %eq3A_76 : i1 to i32
      %cond3A_78 = arith.constant 0 : i32
      %cond3A_79 = arith.cmpi ne, %convert_element_type3A_77, %cond3A_78 : i32
      scf.if %cond3A_79 {
        %eq3A_80 = arith.constant 0 : i32
        %eq3A_81 = arith.cmpi eq, %select_n3A_39, %eq3A_80 : i32
        %convert_element_type3A_82 = arith.extui %eq3A_81 : i1 to i32
        %cond3A_83 = arith.constant 0 : i32
        %cond3A_84 = arith.cmpi ne, %convert_element_type3A_82, %cond3A_83 : i32
        scf.if %cond3A_84 {
          %mul3A_138 = arith.constant 8 : i32
          %mul3A_139 = arith.muli %add3A, %mul3A_138 : i32
          %jit3A_140 = arith.constant 8 : i32
          %div3A_141 = arith.divsi %scan3A_30, %jit3A_140 : i32
          %sign3A_142 = arith.constant 0 : i32
          %sign3A_143 = arith.cmpi sgt, %scan3A_30, %sign3A_142 : i32
          %sign3A_144 = arith.extui %sign3A_143 : i1 to i32
          %sign3A_145 = arith.constant 0 : i32
          %sign3A_146 = arith.cmpi slt, %scan3A_30, %sign3A_145 : i32
          %sign3A_147 = arith.extui %sign3A_146 : i1 to i32
          %sign3A_148 = arith.subi %sign3A_144, %sign3A_147 : i32
          %sign3A_149 = arith.constant 0 : i32
          %sign3A_150 = arith.cmpi sgt, %jit3A_140, %sign3A_149 : i32
          %sign3A_151 = arith.extui %sign3A_150 : i1 to i32
          %sign3A_152 = arith.constant 0 : i32
          %sign3A_153 = arith.cmpi slt, %jit3A_140, %sign3A_152 : i32
          %sign3A_154 = arith.extui %sign3A_153 : i1 to i32
          %sign3A_155 = arith.subi %sign3A_151, %sign3A_154 : i32
          %ne3A_156 = arith.cmpi ne, %sign3A_148, %sign3A_155 : i32
          %rem3A_157 = arith.remsi %scan3A_30, %jit3A_140 : i32
          %ne3A_158 = arith.constant 0 : i32
          %ne3A_159 = arith.cmpi ne, %rem3A_157, %ne3A_158 : i32
          %and3A_160 = arith.andi %ne3A_156, %ne3A_159 : i1
          %sub3A_161 = arith.constant 1 : i32
          %sub3A_162 = arith.subi %div3A_141, %sub3A_161 : i32
          %select_n3A_163 = arith.select %and3A_160, %sub3A_162, %div3A_141 : i32
          %add3A_164 = arith.addi %mul3A_139, %select_n3A_163 : i32
          "tpu.region"() ({
            %run_scoped3A = tpu.sem_alloc : memref<!tpu.dma_semaphore, #tpu.memory_space<semaphore_mem>>
            %dma_start3A_165 = arith.constant 0 : i32
            %dma_start3A_166 = arith.constant 0 : i32
            %dma_start3A_167 = tpu.memref_slice %arg2[%add3A_164, %dma_start3A_165, %dma_start3A_166] : memref<256x3x4096xi32, #tpu.memory_space<hbm>> -> memref<1x3x4096xi32, #tpu.memory_space<hbm>>
            %dma_start3A_168 = tpu.memref_squeeze %dma_start3A_167 : memref<1x3x4096xi32, #tpu.memory_space<hbm>> -> memref<3x4096xi32, #tpu.memory_space<hbm>>
            %dma_start3A_169 = arith.constant 0 : i32
            %dma_start3A_170 = arith.constant 0 : i32
            %dma_start3A_171 = tpu.memref_slice %arg2[%add3A_164, %dma_start3A_169, %dma_start3A_170] : memref<256x3x4096xi32, #tpu.memory_space<hbm>> -> memref<1x3x4096xi32, #tpu.memory_space<hbm>>
            %dma_start3A_172 = tpu.memref_squeeze %dma_start3A_171 : memref<1x3x4096xi32, #tpu.memory_space<hbm>> -> memref<3x4096xi32, #tpu.memory_space<hbm>>
            tpu.enqueue_dma source(%dma_start3A_172 : memref<3x4096xi32, #tpu.memory_space<hbm>>) target(%arg6 : memref<3x4096xi32, #tpu.memory_space<vmem>>) target_semaphore(%run_scoped3A : memref<!tpu.dma_semaphore, #tpu.memory_space<semaphore_mem>>)
            %dma_wait3A_173 = arith.constant 0 : i32
            %dma_wait3A_174 = arith.constant 0 : i32
            %dma_wait3A_175 = tpu.memref_slice %arg2[%add3A_164, %dma_wait3A_173, %dma_wait3A_174] : memref<256x3x4096xi32, #tpu.memory_space<hbm>> -> memref<1x3x4096xi32, #tpu.memory_space<hbm>>
            %dma_wait3A_176 = tpu.memref_squeeze %dma_wait3A_175 : memref<1x3x4096xi32, #tpu.memory_space<hbm>> -> memref<3x4096xi32, #tpu.memory_space<hbm>>
            %dma_wait3A_177 = arith.constant 0 : i32
            %dma_wait3A_178 = arith.constant 0 : i32
            %dma_wait3A_179 = tpu.memref_slice %arg2[%add3A_164, %dma_wait3A_177, %dma_wait3A_178] : memref<256x3x4096xi32, #tpu.memory_space<hbm>> -> memref<1x3x4096xi32, #tpu.memory_space<hbm>>
            %dma_wait3A_180 = tpu.memref_squeeze %dma_wait3A_179 : memref<1x3x4096xi32, #tpu.memory_space<hbm>> -> memref<3x4096xi32, #tpu.memory_space<hbm>>
            tpu.wait_dma2 semaphore(%run_scoped3A : memref<!tpu.dma_semaphore, #tpu.memory_space<semaphore_mem>>) src(%dma_wait3A_180 : memref<3x4096xi32, #tpu.memory_space<hbm>>) dst(%arg6 : memref<3x4096xi32, #tpu.memory_space<vmem>>)
            tpu.yield
          }) : () -> ()
        } else {
        }
        %ge3A = arith.constant 2 : i32
        %ge3A_85 = arith.cmpi sge, %scan3A_30, %ge3A : i32
        %convert_element_type3A_86 = arith.extui %ge3A_85 : i1 to i32
        %cond3A_87 = arith.constant 0 : i32
        %cond3A_88 = arith.cmpi ne, %convert_element_type3A_86, %cond3A_87 : i32
        scf.if %cond3A_88 {
          %sub3A_138 = arith.constant 2 : i32
          %sub3A_139 = arith.subi %scan3A_30, %sub3A_138 : i32
          %mul3A_140 = arith.constant 8 : i32
          %mul3A_141 = arith.muli %add3A, %mul3A_140 : i32
          %jit3A_142 = arith.constant 8 : i32
          %div3A_143 = arith.divsi %sub3A_139, %jit3A_142 : i32
          %sign3A_144 = arith.constant 0 : i32
          %sign3A_145 = arith.cmpi sgt, %sub3A_139, %sign3A_144 : i32
          %sign3A_146 = arith.extui %sign3A_145 : i1 to i32
          %sign3A_147 = arith.constant 0 : i32
          %sign3A_148 = arith.cmpi slt, %sub3A_139, %sign3A_147 : i32
          %sign3A_149 = arith.extui %sign3A_148 : i1 to i32
          %sign3A_150 = arith.subi %sign3A_146, %sign3A_149 : i32
          %sign3A_151 = arith.constant 0 : i32
          %sign3A_152 = arith.cmpi sgt, %jit3A_142, %sign3A_151 : i32
          %sign3A_153 = arith.extui %sign3A_152 : i1 to i32
          %sign3A_154 = arith.constant 0 : i32
          %sign3A_155 = arith.cmpi slt, %jit3A_142, %sign3A_154 : i32
          %sign3A_156 = arith.extui %sign3A_155 : i1 to i32
          %sign3A_157 = arith.subi %sign3A_153, %sign3A_156 : i32
          %ne3A_158 = arith.cmpi ne, %sign3A_150, %sign3A_157 : i32
          %rem3A_159 = arith.remsi %sub3A_139, %jit3A_142 : i32
          %ne3A_160 = arith.constant 0 : i32
          %ne3A_161 = arith.cmpi ne, %rem3A_159, %ne3A_160 : i32
          %and3A_162 = arith.andi %ne3A_158, %ne3A_161 : i1
          %sub3A_163 = arith.constant 1 : i32
          %sub3A_164 = arith.subi %div3A_143, %sub3A_163 : i32
          %select_n3A_165 = arith.select %and3A_162, %sub3A_164, %div3A_143 : i32
          %add3A_166 = arith.addi %mul3A_141, %select_n3A_165 : i32
          %jit3A_167 = arith.constant 8 : i32
          %eq3A_168 = arith.constant 0 : i32
          %eq3A_169 = arith.cmpi eq, %jit3A_167, %eq3A_168 : i32
          %jit3A_170 = arith.constant 1 : i32
          %select_n3A_171 = arith.select %eq3A_169, %jit3A_170, %jit3A_167 : i32
          %rem3A_172 = arith.remsi %sub3A_139, %select_n3A_171 : i32
          %ne3A_173 = arith.constant 0 : i32
          %ne3A_174 = arith.cmpi ne, %rem3A_172, %ne3A_173 : i32
          %lt3A_175 = arith.constant 0 : i32
          %lt3A_176 = arith.cmpi slt, %rem3A_172, %lt3A_175 : i32
          %lt3A_177 = arith.constant 0 : i32
          %lt3A_178 = arith.cmpi slt, %select_n3A_171, %lt3A_177 : i32
          %ne3A_179 = arith.xori %lt3A_176, %lt3A_178 : i1
          %and3A_180 = arith.andi %ne3A_179, %ne3A_174 : i1
          %add3A_181 = arith.addi %rem3A_172, %select_n3A_171 : i32
          %select_n3A_182 = arith.select %and3A_180, %add3A_181, %rem3A_172 : i32
          %mul3A_183 = arith.constant 512 : i32
          %mul3A_184 = arith.muli %select_n3A_182, %mul3A_183 : i32
          %dma_wait3A_185 = arith.constant 0 : i32
          %dma_wait3A_186 = tpu.memref_slice %arg4[%add3A_166, %dma_wait3A_185, %mul3A_184] : memref<256x64x4096xf32, #tpu.memory_space<hbm>> -> memref<1x64x512xf32, #tpu.memory_space<hbm>>
          %dma_wait3A_187 = tpu.memref_squeeze %dma_wait3A_186 : memref<1x64x512xf32, #tpu.memory_space<hbm>> -> memref<64x512xf32, #tpu.memory_space<hbm>>
          %dma_wait3A_188 = arith.constant 0 : i32
          %dma_wait3A_189 = tpu.memref_slice %arg4[%add3A_166, %dma_wait3A_188, %mul3A_184] : memref<256x64x4096xf32, #tpu.memory_space<hbm>> -> memref<1x64x512xf32, #tpu.memory_space<hbm>>
          %dma_wait3A_190 = tpu.memref_squeeze %dma_wait3A_189 : memref<1x64x512xf32, #tpu.memory_space<hbm>> -> memref<64x512xf32, #tpu.memory_space<hbm>>
          tpu.wait_dma2 semaphore(%arg10 : memref<!tpu.dma_semaphore, #tpu.memory_space<semaphore_mem>>) src(%arg8 : memref<64x512xf32, #tpu.memory_space<vmem>>) dst(%dma_wait3A_190 : memref<64x512xf32, #tpu.memory_space<hbm>>)
        } else {
        }
        %parallel_loop3A = arith.constant 0 : i32
        %parallel_loop3A_89 = arith.constant 32 : i32
        %parallel_loop3A_90 = arith.constant 1 : i32
        scf.for %parallel_loop3A_138 = %parallel_loop3A to %parallel_loop3A_89 step %parallel_loop3A_90  : i32 {
          %parallel_loop3A_139 = arith.constant 512 : i32
          %parallel_loop3A_140 = arith.muli %select_n3A_39, %parallel_loop3A_139 : i32
          %parallel_loop3A_141 = arith.constant 16 : i32
          %parallel_loop3A_142 = arith.muli %parallel_loop3A_138, %parallel_loop3A_141 : i32
          %parallel_loop3A_143 = arith.addi %parallel_loop3A_140, %parallel_loop3A_142 : i32
          %parallel_loop3A_144 = arith.constant 0 : i32
          %parallel_loop3A_145 = arith.index_cast %parallel_loop3A_144 : i32 to index
          %parallel_loop3A_146 = arith.index_cast %parallel_loop3A_143 : i32 to index
          %parallel_loop3A_147 = tpu.vector_load %arg6[%parallel_loop3A_145, %parallel_loop3A_146] {strides = array<i32>} : memref<3x4096xi32, #tpu.memory_space<vmem>>, vector<16xi32>,
          %parallel_loop3A_148 = arith.constant 1 : i32
          %parallel_loop3A_149 = arith.index_cast %parallel_loop3A_148 : i32 to index
          %parallel_loop3A_150 = arith.index_cast %parallel_loop3A_143 : i32 to index
          %parallel_loop3A_151 = tpu.vector_load %arg6[%parallel_loop3A_149, %parallel_loop3A_150] {strides = array<i32>} : memref<3x4096xi32, #tpu.memory_space<vmem>>, vector<16xi32>,
          %parallel_loop3A_152 = arith.constant 256 : i32
          %parallel_loop3A_153 = vector.broadcast %parallel_loop3A_152 : i32 to vector<16xi32>
          %parallel_loop3A_154 = arith.addi %parallel_loop3A_151, %parallel_loop3A_153 : vector<16xi32>
          %parallel_loop3A_155 = arith.constant 2 : i32
          %parallel_loop3A_156 = arith.index_cast %parallel_loop3A_155 : i32 to index
          %parallel_loop3A_157 = arith.index_cast %parallel_loop3A_143 : i32 to index
          %parallel_loop3A_158 = tpu.vector_load %arg6[%parallel_loop3A_156, %parallel_loop3A_157] {strides = array<i32>} : memref<3x4096xi32, #tpu.memory_space<vmem>>, vector<16xi32>,
          %parallel_loop3A_159 = arith.constant 512 : i32
          %parallel_loop3A_160 = vector.broadcast %parallel_loop3A_159 : i32 to vector<16xi32>
          %parallel_loop3A_161 = arith.addi %parallel_loop3A_158, %parallel_loop3A_160 : vector<16xi32>
          %parallel_loop3A_162 = arith.constant 0 : i32
          %parallel_loop3A_163 = tpu.memref_slice %arg5[%parallel_loop3A_162] : memref<24576xi32, #tpu.memory_space<vmem>> -> memref<768xi32, #tpu.memory_space<vmem>>
          %parallel_loop3A_164 = tpu.vector_load_idx %parallel_loop3A_163[%parallel_loop3A_147] : memref<768xi32, #tpu.memory_space<vmem>>[vector<16xi32>], vector<16xi32>,
          %parallel_loop3A_165 = arith.constant 0 : i32
          %parallel_loop3A_166 = tpu.memref_slice %arg5[%parallel_loop3A_165] : memref<24576xi32, #tpu.memory_space<vmem>> -> memref<768xi32, #tpu.memory_space<vmem>>
          %parallel_loop3A_167 = tpu.vector_load_idx %parallel_loop3A_166[%parallel_loop3A_154] : memref<768xi32, #tpu.memory_space<vmem>>[vector<16xi32>], vector<16xi32>,
          %parallel_loop3A_168 = arith.constant 0 : i32
          %parallel_loop3A_169 = tpu.memref_slice %arg5[%parallel_loop3A_168] : memref<24576xi32, #tpu.memory_space<vmem>> -> memref<768xi32, #tpu.memory_space<vmem>>
          %parallel_loop3A_170 = tpu.vector_load_idx %parallel_loop3A_169[%parallel_loop3A_161] : memref<768xi32, #tpu.memory_space<vmem>>[vector<16xi32>], vector<16xi32>,
          %parallel_loop3A_171 = vector.bitcast %parallel_loop3A_164 : vector<16xi32> to vector<32xbf16>
          %parallel_loop3A_172 = vector.bitcast %parallel_loop3A_167 : vector<16xi32> to vector<32xbf16>
          %parallel_loop3A_173 = arith.addf %parallel_loop3A_171, %parallel_loop3A_172 : vector<32xbf16>
          %parallel_loop3A_174 = vector.bitcast %parallel_loop3A_170 : vector<16xi32> to vector<32xbf16>
          %parallel_loop3A_175 = arith.addf %parallel_loop3A_173, %parallel_loop3A_174 : vector<32xbf16>
          %parallel_loop3A_176 = vector.bitcast %parallel_loop3A_175 : vector<32xbf16> to vector<16xi32>
          %parallel_loop3A_177 = arith.constant 16 : i32
          %parallel_loop3A_178 = vector.broadcast %parallel_loop3A_177 : i32 to vector<16xi32>
          %parallel_loop3A_179 = arith.shli %parallel_loop3A_176, %parallel_loop3A_178 : vector<16xi32>
          %parallel_loop3A_180 = vector.bitcast %parallel_loop3A_179 : vector<16xi32> to vector<16xf32>
          %parallel_loop3A_181 = arith.andi %parallel_loop3A_176, %broadcast_in_dim3A_1 : vector<16xi32>
          %parallel_loop3A_182 = vector.bitcast %parallel_loop3A_181 : vector<16xi32> to vector<16xf32>
          %parallel_loop3A_183 = arith.constant 16 : i32
          %parallel_loop3A_184 = arith.muli %parallel_loop3A_138, %parallel_loop3A_183 : i32
          %parallel_loop3A_185 = arith.constant 0 : i32
          %parallel_loop3A_186 = arith.index_cast %parallel_loop3A_185 : i32 to index
          %parallel_loop3A_187 = arith.index_cast %parallel_loop3A_184 : i32 to index
          %parallel_loop3A_188 = tpu.vector_load %arg8[%parallel_loop3A_186, %parallel_loop3A_187] {strides = array<i32>} : memref<64x512xf32, #tpu.memory_space<vmem>>, vector<16xf32>,
          tpu.vector_store %arg8[%parallel_loop3A_186, %parallel_loop3A_187], %parallel_loop3A_180 {strides = array<i32>} : memref<64x512xf32, #tpu.memory_space<vmem>>, vector<16xf32>,
          %parallel_loop3A_189 = arith.constant 16 : i32
          %parallel_loop3A_190 = arith.muli %parallel_loop3A_138, %parallel_loop3A_189 : i32
          %parallel_loop3A_191 = arith.constant 1 : i32
          %parallel_loop3A_192 = arith.index_cast %parallel_loop3A_191 : i32 to index
          %parallel_loop3A_193 = arith.index_cast %parallel_loop3A_190 : i32 to index
          %parallel_loop3A_194 = tpu.vector_load %arg8[%parallel_loop3A_192, %parallel_loop3A_193] {strides = array<i32>} : memref<64x512xf32, #tpu.memory_space<vmem>>, vector<16xf32>,
          tpu.vector_store %arg8[%parallel_loop3A_192, %parallel_loop3A_193], %parallel_loop3A_182 {strides = array<i32>} : memref<64x512xf32, #tpu.memory_space<vmem>>, vector<16xf32>,
          %parallel_loop3A_195 = arith.constant 768 : i32
          %parallel_loop3A_196 = tpu.memref_slice %arg5[%parallel_loop3A_195] : memref<24576xi32, #tpu.memory_space<vmem>> -> memref<768xi32, #tpu.memory_space<vmem>>
          %parallel_loop3A_197 = tpu.vector_load_idx %parallel_loop3A_196[%parallel_loop3A_147] : memref<768xi32, #tpu.memory_space<vmem>>[vector<16xi32>], vector<16xi32>,
          %parallel_loop3A_198 = arith.constant 768 : i32
          %parallel_loop3A_199 = tpu.memref_slice %arg5[%parallel_loop3A_198] : memref<24576xi32, #tpu.memory_space<vmem>> -> memref<768xi32, #tpu.memory_space<vmem>>
          %parallel_loop3A_200 = tpu.vector_load_idx %parallel_loop3A_199[%parallel_loop3A_154] : memref<768xi32, #tpu.memory_space<vmem>>[vector<16xi32>], vector<16xi32>,
          %parallel_loop3A_201 = arith.constant 768 : i32
          %parallel_loop3A_202 = tpu.memref_slice %arg5[%parallel_loop3A_201] : memref<24576xi32, #tpu.memory_space<vmem>> -> memref<768xi32, #tpu.memory_space<vmem>>
          %parallel_loop3A_203 = tpu.vector_load_idx %parallel_loop3A_202[%parallel_loop3A_161] : memref<768xi32, #tpu.memory_space<vmem>>[vector<16xi32>], vector<16xi32>,
          %parallel_loop3A_204 = vector.bitcast %parallel_loop3A_197 : vector<16xi32> to vector<32xbf16>
          %parallel_loop3A_205 = vector.bitcast %parallel_loop3A_200 : vector<16xi32> to vector<32xbf16>
          %parallel_loop3A_206 = arith.addf %parallel_loop3A_204, %parallel_loop3A_205 : vector<32xbf16>
          %parallel_loop3A_207 = vector.bitcast %parallel_loop3A_203 : vector<16xi32> to vector<32xbf16>
          %parallel_loop3A_208 = arith.addf %parallel_loop3A_206, %parallel_loop3A_207 : vector<32xbf16>
          %parallel_loop3A_209 = vector.bitcast %parallel_loop3A_208 : vector<32xbf16> to vector<16xi32>
          %parallel_loop3A_210 = arith.constant 16 : i32
          %parallel_loop3A_211 = vector.broadcast %parallel_loop3A_210 : i32 to vector<16xi32>
          %parallel_loop3A_212 = arith.shli %parallel_loop3A_209, %parallel_loop3A_211 : vector<16xi32>
          %parallel_loop3A_213 = vector.bitcast %parallel_loop3A_212 : vector<16xi32> to vector<16xf32>
          %parallel_loop3A_214 = arith.andi %parallel_loop3A_209, %broadcast_in_dim3A_1 : vector<16xi32>
          %parallel_loop3A_215 = vector.bitcast %parallel_loop3A_214 : vector<16xi32> to vector<16xf32>
          %parallel_loop3A_216 = arith.constant 16 : i32
          %parallel_loop3A_217 = arith.muli %parallel_loop3A_138, %parallel_loop3A_216 : i32
          %parallel_loop3A_218 = arith.constant 2 : i32
          %parallel_loop3A_219 = arith.index_cast %parallel_loop3A_218 : i32 to index
          %parallel_loop3A_220 = arith.index_cast %parallel_loop3A_217 : i32 to index
          %parallel_loop3A_221 = tpu.vector_load %arg8[%parallel_loop3A_219, %parallel_loop3A_220] {strides = array<i32>} : memref<64x512xf32, #tpu.memory_space<vmem>>, vector<16xf32>,
          tpu.vector_store %arg8[%parallel_loop3A_219, %parallel_loop3A_220], %parallel_loop3A_213 {strides = array<i32>} : memref<64x512xf32, #tpu.memory_space<vmem>>, vector<16xf32>,
          %parallel_loop3A_222 = arith.constant 16 : i32
          %parallel_loop3A_223 = arith.muli %parallel_loop3A_138, %parallel_loop3A_222 : i32
          %parallel_loop3A_224 = arith.constant 3 : i32
          %parallel_loop3A_225 = arith.index_cast %parallel_loop3A_224 : i32 to index
          %parallel_loop3A_226 = arith.index_cast %parallel_loop3A_223 : i32 to index
          %parallel_loop3A_227 = tpu.vector_load %arg8[%parallel_loop3A_225, %parallel_loop3A_226] {strides = array<i32>} : memref<64x512xf32, #tpu.memory_space<vmem>>, vector<16xf32>,
          tpu.vector_store %arg8[%parallel_loop3A_225, %parallel_loop3A_226], %parallel_loop3A_215 {strides = array<i32>} : memref<64x512xf32, #tpu.memory_space<vmem>>, vector<16xf32>,
          %parallel_loop3A_228 = arith.constant 1536 : i32
          %parallel_loop3A_229 = tpu.memref_slice %arg5[%parallel_loop3A_228] : memref<24576xi32, #tpu.memory_space<vmem>> -> memref<768xi32, #tpu.memory_space<vmem>>
          %parallel_loop3A_230 = tpu.vector_load_idx %parallel_loop3A_229[%parallel_loop3A_147] : memref<768xi32, #tpu.memory_space<vmem>>[vector<16xi32>], vector<16xi32>,
          %parallel_loop3A_231 = arith.constant 1536 : i32
          %parallel_loop3A_232 = tpu.memref_slice %arg5[%parallel_loop3A_231] : memref<24576xi32, #tpu.memory_space<vmem>> -> memref<768xi32, #tpu.memory_space<vmem>>
          %parallel_loop3A_233 = tpu.vector_load_idx %parallel_loop3A_232[%parallel_loop3A_154] : memref<768xi32, #tpu.memory_space<vmem>>[vector<16xi32>], vector<16xi32>,
          %parallel_loop3A_234 = arith.constant 1536 : i32
          %parallel_loop3A_235 = tpu.memref_slice %arg5[%parallel_loop3A_234] : memref<24576xi32, #tpu.memory_space<vmem>> -> memref<768xi32, #tpu.memory_space<vmem>>
          %parallel_loop3A_236 = tpu.vector_load_idx %parallel_loop3A_235[%parallel_loop3A_161] : memref<768xi32, #tpu.memory_space<vmem>>[vector<16xi32>], vector<16xi32>,
          %parallel_loop3A_237 = vector.bitcast %parallel_loop3A_230 : vector<16xi32> to vector<32xbf16>
          %parallel_loop3A_238 = vector.bitcast %parallel_loop3A_233 : vector<16xi32> to vector<32xbf16>
          %parallel_loop3A_239 = arith.addf %parallel_loop3A_237, %parallel_loop3A_238 : vector<32xbf16>
          %parallel_loop3A_240 = vector.bitcast %parallel_loop3A_236 : vector<16xi32> to vector<32xbf16>
          %parallel_loop3A_241 = arith.addf %parallel_loop3A_239, %parallel_loop3A_240 : vector<32xbf16>
          %parallel_loop3A_242 = vector.bitcast %parallel_loop3A_241 : vector<32xbf16> to vector<16xi32>
          %parallel_loop3A_243 = arith.constant 16 : i32
          %parallel_loop3A_244 = vector.broadcast %parallel_loop3A_243 : i32 to vector<16xi32>
          %parallel_loop3A_245 = arith.shli %parallel_loop3A_242, %parallel_loop3A_244 : vector<16xi32>
          %parallel_loop3A_246 = vector.bitcast %parallel_loop3A_245 : vector<16xi32> to vector<16xf32>
          %parallel_loop3A_247 = arith.andi %parallel_loop3A_242, %broadcast_in_dim3A_1 : vector<16xi32>
          %parallel_loop3A_248 = vector.bitcast %parallel_loop3A_247 : vector<16xi32> to vector<16xf32>
          %parallel_loop3A_249 = arith.constant 16 : i32
          %parallel_loop3A_250 = arith.muli %parallel_loop3A_138, %parallel_loop3A_249 : i32
          %parallel_loop3A_251 = arith.constant 4 : i32
          %parallel_loop3A_252 = arith.index_cast %parallel_loop3A_251 : i32 to index
          %parallel_loop3A_253 = arith.index_cast %parallel_loop3A_250 : i32 to index
          %parallel_loop3A_254 = tpu.vector_load %arg8[%parallel_loop3A_252, %parallel_loop3A_253] {strides = array<i32>} : memref<64x512xf32, #tpu.memory_space<vmem>>, vector<16xf32>,
          tpu.vector_store %arg8[%parallel_loop3A_252, %parallel_loop3A_253], %parallel_loop3A_246 {strides = array<i32>} : memref<64x512xf32, #tpu.memory_space<vmem>>, vector<16xf32>,
          %parallel_loop3A_255 = arith.constant 16 : i32
          %parallel_loop3A_256 = arith.muli %parallel_loop3A_138, %parallel_loop3A_255 : i32
          %parallel_loop3A_257 = arith.constant 5 : i32
          %parallel_loop3A_258 = arith.index_cast %parallel_loop3A_257 : i32 to index
          %parallel_loop3A_259 = arith.index_cast %parallel_loop3A_256 : i32 to index
          %parallel_loop3A_260 = tpu.vector_load %arg8[%parallel_loop3A_258, %parallel_loop3A_259] {strides = array<i32>} : memref<64x512xf32, #tpu.memory_space<vmem>>, vector<16xf32>,
          tpu.vector_store %arg8[%parallel_loop3A_258, %parallel_loop3A_259], %parallel_loop3A_248 {strides = array<i32>} : memref<64x512xf32, #tpu.memory_space<vmem>>, vector<16xf32>,
          %parallel_loop3A_261 = arith.constant 2304 : i32
          %parallel_loop3A_262 = tpu.memref_slice %arg5[%parallel_loop3A_261] : memref<24576xi32, #tpu.memory_space<vmem>> -> memref<768xi32, #tpu.memory_space<vmem>>
          %parallel_loop3A_263 = tpu.vector_load_idx %parallel_loop3A_262[%parallel_loop3A_147] : memref<768xi32, #tpu.memory_space<vmem>>[vector<16xi32>], vector<16xi32>,
          %parallel_loop3A_264 = arith.constant 2304 : i32
          %parallel_loop3A_265 = tpu.memref_slice %arg5[%parallel_loop3A_264] : memref<24576xi32, #tpu.memory_space<vmem>> -> memref<768xi32, #tpu.memory_space<vmem>>
          %parallel_loop3A_266 = tpu.vector_load_idx %parallel_loop3A_265[%parallel_loop3A_154] : memref<768xi32, #tpu.memory_space<vmem>>[vector<16xi32>], vector<16xi32>,
          %parallel_loop3A_267 = arith.constant 2304 : i32
          %parallel_loop3A_268 = tpu.memref_slice %arg5[%parallel_loop3A_267] : memref<24576xi32, #tpu.memory_space<vmem>> -> memref<768xi32, #tpu.memory_space<vmem>>
          %parallel_loop3A_269 = tpu.vector_load_idx %parallel_loop3A_268[%parallel_loop3A_161] : memref<768xi32, #tpu.memory_space<vmem>>[vector<16xi32>], vector<16xi32>,
          %parallel_loop3A_270 = vector.bitcast %parallel_loop3A_263 : vector<16xi32> to vector<32xbf16>
          %parallel_loop3A_271 = vector.bitcast %parallel_loop3A_266 : vector<16xi32> to vector<32xbf16>
          %parallel_loop3A_272 = arith.addf %parallel_loop3A_270, %parallel_loop3A_271 : vector<32xbf16>
          %parallel_loop3A_273 = vector.bitcast %parallel_loop3A_269 : vector<16xi32> to vector<32xbf16>
          %parallel_loop3A_274 = arith.addf %parallel_loop3A_272, %parallel_loop3A_273 : vector<32xbf16>
          %parallel_loop3A_275 = vector.bitcast %parallel_loop3A_274 : vector<32xbf16> to vector<16xi32>
          %parallel_loop3A_276 = arith.constant 16 : i32
          %parallel_loop3A_277 = vector.broadcast %parallel_loop3A_276 : i32 to vector<16xi32>
          %parallel_loop3A_278 = arith.shli %parallel_loop3A_275, %parallel_loop3A_277 : vector<16xi32>
          %parallel_loop3A_279 = vector.bitcast %parallel_loop3A_278 : vector<16xi32> to vector<16xf32>
          %parallel_loop3A_280 = arith.andi %parallel_loop3A_275, %broadcast_in_dim3A_1 : vector<16xi32>
          %parallel_loop3A_281 = vector.bitcast %parallel_loop3A_280 : vector<16xi32> to vector<16xf32>
          %parallel_loop3A_282 = arith.constant 16 : i32
          %parallel_loop3A_283 = arith.muli %parallel_loop3A_138, %parallel_loop3A_282 : i32
          %parallel_loop3A_284 = arith.constant 6 : i32
          %parallel_loop3A_285 = arith.index_cast %parallel_loop3A_284 : i32 to index
          %parallel_loop3A_286 = arith.index_cast %parallel_loop3A_283 : i32 to index
          %parallel_loop3A_287 = tpu.vector_load %arg8[%parallel_loop3A_285, %parallel_loop3A_286] {strides = array<i32>} : memref<64x512xf32, #tpu.memory_space<vmem>>, vector<16xf32>,
          tpu.vector_store %arg8[%parallel_loop3A_285, %parallel_loop3A_286], %parallel_loop3A_279 {strides = array<i32>} : memref<64x512xf32, #tpu.memory_space<vmem>>, vector<16xf32>,
          %parallel_loop3A_288 = arith.constant 16 : i32
          %parallel_loop3A_289 = arith.muli %parallel_loop3A_138, %parallel_loop3A_288 : i32
          %parallel_loop3A_290 = arith.constant 7 : i32
          %parallel_loop3A_291 = arith.index_cast %parallel_loop3A_290 : i32 to index
          %parallel_loop3A_292 = arith.index_cast %parallel_loop3A_289 : i32 to index
          %parallel_loop3A_293 = tpu.vector_load %arg8[%parallel_loop3A_291, %parallel_loop3A_292] {strides = array<i32>} : memref<64x512xf32, #tpu.memory_space<vmem>>, vector<16xf32>,
          tpu.vector_store %arg8[%parallel_loop3A_291, %parallel_loop3A_292], %parallel_loop3A_281 {strides = array<i32>} : memref<64x512xf32, #tpu.memory_space<vmem>>, vector<16xf32>,
          %parallel_loop3A_294 = arith.constant 3072 : i32
          %parallel_loop3A_295 = tpu.memref_slice %arg5[%parallel_loop3A_294] : memref<24576xi32, #tpu.memory_space<vmem>> -> memref<768xi32, #tpu.memory_space<vmem>>
          %parallel_loop3A_296 = tpu.vector_load_idx %parallel_loop3A_295[%parallel_loop3A_147] : memref<768xi32, #tpu.memory_space<vmem>>[vector<16xi32>], vector<16xi32>,
          %parallel_loop3A_297 = arith.constant 3072 : i32
          %parallel_loop3A_298 = tpu.memref_slice %arg5[%parallel_loop3A_297] : memref<24576xi32, #tpu.memory_space<vmem>> -> memref<768xi32, #tpu.memory_space<vmem>>
          %parallel_loop3A_299 = tpu.vector_load_idx %parallel_loop3A_298[%parallel_loop3A_154] : memref<768xi32, #tpu.memory_space<vmem>>[vector<16xi32>], vector<16xi32>,
          %parallel_loop3A_300 = arith.constant 3072 : i32
          %parallel_loop3A_301 = tpu.memref_slice %arg5[%parallel_loop3A_300] : memref<24576xi32, #tpu.memory_space<vmem>> -> memref<768xi32, #tpu.memory_space<vmem>>
          %parallel_loop3A_302 = tpu.vector_load_idx %parallel_loop3A_301[%parallel_loop3A_161] : memref<768xi32, #tpu.memory_space<vmem>>[vector<16xi32>], vector<16xi32>,
          %parallel_loop3A_303 = vector.bitcast %parallel_loop3A_296 : vector<16xi32> to vector<32xbf16>
          %parallel_loop3A_304 = vector.bitcast %parallel_loop3A_299 : vector<16xi32> to vector<32xbf16>
          %parallel_loop3A_305 = arith.addf %parallel_loop3A_303, %parallel_loop3A_304 : vector<32xbf16>
          %parallel_loop3A_306 = vector.bitcast %parallel_loop3A_302 : vector<16xi32> to vector<32xbf16>
          %parallel_loop3A_307 = arith.addf %parallel_loop3A_305, %parallel_loop3A_306 : vector<32xbf16>
          %parallel_loop3A_308 = vector.bitcast %parallel_loop3A_307 : vector<32xbf16> to vector<16xi32>
          %parallel_loop3A_309 = arith.constant 16 : i32
          %parallel_loop3A_310 = vector.broadcast %parallel_loop3A_309 : i32 to vector<16xi32>
          %parallel_loop3A_311 = arith.shli %parallel_loop3A_308, %parallel_loop3A_310 : vector<16xi32>
          %parallel_loop3A_312 = vector.bitcast %parallel_loop3A_311 : vector<16xi32> to vector<16xf32>
          %parallel_loop3A_313 = arith.andi %parallel_loop3A_308, %broadcast_in_dim3A_1 : vector<16xi32>
          %parallel_loop3A_314 = vector.bitcast %parallel_loop3A_313 : vector<16xi32> to vector<16xf32>
          %parallel_loop3A_315 = arith.constant 16 : i32
          %parallel_loop3A_316 = arith.muli %parallel_loop3A_138, %parallel_loop3A_315 : i32
          %parallel_loop3A_317 = arith.constant 8 : i32
          %parallel_loop3A_318 = arith.index_cast %parallel_loop3A_317 : i32 to index
          %parallel_loop3A_319 = arith.index_cast %parallel_loop3A_316 : i32 to index
          %parallel_loop3A_320 = tpu.vector_load %arg8[%parallel_loop3A_318, %parallel_loop3A_319] {strides = array<i32>} : memref<64x512xf32, #tpu.memory_space<vmem>>, vector<16xf32>,
          tpu.vector_store %arg8[%parallel_loop3A_318, %parallel_loop3A_319], %parallel_loop3A_312 {strides = array<i32>} : memref<64x512xf32, #tpu.memory_space<vmem>>, vector<16xf32>,
          %parallel_loop3A_321 = arith.constant 16 : i32
          %parallel_loop3A_322 = arith.muli %parallel_loop3A_138, %parallel_loop3A_321 : i32
          %parallel_loop3A_323 = arith.constant 9 : i32
          %parallel_loop3A_324 = arith.index_cast %parallel_loop3A_323 : i32 to index
          %parallel_loop3A_325 = arith.index_cast %parallel_loop3A_322 : i32 to index
          %parallel_loop3A_326 = tpu.vector_load %arg8[%parallel_loop3A_324, %parallel_loop3A_325] {strides = array<i32>} : memref<64x512xf32, #tpu.memory_space<vmem>>, vector<16xf32>,
          tpu.vector_store %arg8[%parallel_loop3A_324, %parallel_loop3A_325], %parallel_loop3A_314 {strides = array<i32>} : memref<64x512xf32, #tpu.memory_space<vmem>>, vector<16xf32>,
          %parallel_loop3A_327 = arith.constant 3840 : i32
          %parallel_loop3A_328 = tpu.memref_slice %arg5[%parallel_loop3A_327] : memref<24576xi32, #tpu.memory_space<vmem>> -> memref<768xi32, #tpu.memory_space<vmem>>
          %parallel_loop3A_329 = tpu.vector_load_idx %parallel_loop3A_328[%parallel_loop3A_147] : memref<768xi32, #tpu.memory_space<vmem>>[vector<16xi32>], vector<16xi32>,
          %parallel_loop3A_330 = arith.constant 3840 : i32
          %parallel_loop3A_331 = tpu.memref_slice %arg5[%parallel_loop3A_330] : memref<24576xi32, #tpu.memory_space<vmem>> -> memref<768xi32, #tpu.memory_space<vmem>>
          %parallel_loop3A_332 = tpu.vector_load_idx %parallel_loop3A_331[%parallel_loop3A_154] : memref<768xi32, #tpu.memory_space<vmem>>[vector<16xi32>], vector<16xi32>,
          %parallel_loop3A_333 = arith.constant 3840 : i32
          %parallel_loop3A_334 = tpu.memref_slice %arg5[%parallel_loop3A_333] : memref<24576xi32, #tpu.memory_space<vmem>> -> memref<768xi32, #tpu.memory_space<vmem>>
          %parallel_loop3A_335 = tpu.vector_load_idx %parallel_loop3A_334[%parallel_loop3A_161] : memref<768xi32, #tpu.memory_space<vmem>>[vector<16xi32>], vector<16xi32>,
          %parallel_loop3A_336 = vector.bitcast %parallel_loop3A_329 : vector<16xi32> to vector<32xbf16>
          %parallel_loop3A_337 = vector.bitcast %parallel_loop3A_332 : vector<16xi32> to vector<32xbf16>
          %parallel_loop3A_338 = arith.addf %parallel_loop3A_336, %parallel_loop3A_337 : vector<32xbf16>
          %parallel_loop3A_339 = vector.bitcast %parallel_loop3A_335 : vector<16xi32> to vector<32xbf16>
          %parallel_loop3A_340 = arith.addf %parallel_loop3A_338, %parallel_loop3A_339 : vector<32xbf16>
          %parallel_loop3A_341 = vector.bitcast %parallel_loop3A_340 : vector<32xbf16> to vector<16xi32>
          %parallel_loop3A_342 = arith.constant 16 : i32
          %parallel_loop3A_343 = vector.broadcast %parallel_loop3A_342 : i32 to vector<16xi32>
          %parallel_loop3A_344 = arith.shli %parallel_loop3A_341, %parallel_loop3A_343 : vector<16xi32>
          %parallel_loop3A_345 = vector.bitcast %parallel_loop3A_344 : vector<16xi32> to vector<16xf32>
          %parallel_loop3A_346 = arith.andi %parallel_loop3A_341, %broadcast_in_dim3A_1 : vector<16xi32>
          %parallel_loop3A_347 = vector.bitcast %parallel_loop3A_346 : vector<16xi32> to vector<16xf32>
          %parallel_loop3A_348 = arith.constant 16 : i32
          %parallel_loop3A_349 = arith.muli %parallel_loop3A_138, %parallel_loop3A_348 : i32
          %parallel_loop3A_350 = arith.constant 10 : i32
          %parallel_loop3A_351 = arith.index_cast %parallel_loop3A_350 : i32 to index
          %parallel_loop3A_352 = arith.index_cast %parallel_loop3A_349 : i32 to index
          %parallel_loop3A_353 = tpu.vector_load %arg8[%parallel_loop3A_351, %parallel_loop3A_352] {strides = array<i32>} : memref<64x512xf32, #tpu.memory_space<vmem>>, vector<16xf32>,
          tpu.vector_store %arg8[%parallel_loop3A_351, %parallel_loop3A_352], %parallel_loop3A_345 {strides = array<i32>} : memref<64x512xf32, #tpu.memory_space<vmem>>, vector<16xf32>,
          %parallel_loop3A_354 = arith.constant 16 : i32
          %parallel_loop3A_355 = arith.muli %parallel_loop3A_138, %parallel_loop3A_354 : i32
          %parallel_loop3A_356 = arith.constant 11 : i32
          %parallel_loop3A_357 = arith.index_cast %parallel_loop3A_356 : i32 to index
          %parallel_loop3A_358 = arith.index_cast %parallel_loop3A_355 : i32 to index
          %parallel_loop3A_359 = tpu.vector_load %arg8[%parallel_loop3A_357, %parallel_loop3A_358] {strides = array<i32>} : memref<64x512xf32, #tpu.memory_space<vmem>>, vector<16xf32>,
          tpu.vector_store %arg8[%parallel_loop3A_357, %parallel_loop3A_358], %parallel_loop3A_347 {strides = array<i32>} : memref<64x512xf32, #tpu.memory_space<vmem>>, vector<16xf32>,
          %parallel_loop3A_360 = arith.constant 4608 : i32
          %parallel_loop3A_361 = tpu.memref_slice %arg5[%parallel_loop3A_360] : memref<24576xi32, #tpu.memory_space<vmem>> -> memref<768xi32, #tpu.memory_space<vmem>>
          %parallel_loop3A_362 = tpu.vector_load_idx %parallel_loop3A_361[%parallel_loop3A_147] : memref<768xi32, #tpu.memory_space<vmem>>[vector<16xi32>], vector<16xi32>,
          %parallel_loop3A_363 = arith.constant 4608 : i32
          %parallel_loop3A_364 = tpu.memref_slice %arg5[%parallel_loop3A_363] : memref<24576xi32, #tpu.memory_space<vmem>> -> memref<768xi32, #tpu.memory_space<vmem>>
          %parallel_loop3A_365 = tpu.vector_load_idx %parallel_loop3A_364[%parallel_loop3A_154] : memref<768xi32, #tpu.memory_space<vmem>>[vector<16xi32>], vector<16xi32>,
          %parallel_loop3A_366 = arith.constant 4608 : i32
          %parallel_loop3A_367 = tpu.memref_slice %arg5[%parallel_loop3A_366] : memref<24576xi32, #tpu.memory_space<vmem>> -> memref<768xi32, #tpu.memory_space<vmem>>
          %parallel_loop3A_368 = tpu.vector_load_idx %parallel_loop3A_367[%parallel_loop3A_161] : memref<768xi32, #tpu.memory_space<vmem>>[vector<16xi32>], vector<16xi32>,
          %parallel_loop3A_369 = vector.bitcast %parallel_loop3A_362 : vector<16xi32> to vector<32xbf16>
          %parallel_loop3A_370 = vector.bitcast %parallel_loop3A_365 : vector<16xi32> to vector<32xbf16>
          %parallel_loop3A_371 = arith.addf %parallel_loop3A_369, %parallel_loop3A_370 : vector<32xbf16>
          %parallel_loop3A_372 = vector.bitcast %parallel_loop3A_368 : vector<16xi32> to vector<32xbf16>
          %parallel_loop3A_373 = arith.addf %parallel_loop3A_371, %parallel_loop3A_372 : vector<32xbf16>
          %parallel_loop3A_374 = vector.bitcast %parallel_loop3A_373 : vector<32xbf16> to vector<16xi32>
          %parallel_loop3A_375 = arith.constant 16 : i32
          %parallel_loop3A_376 = vector.broadcast %parallel_loop3A_375 : i32 to vector<16xi32>
          %parallel_loop3A_377 = arith.shli %parallel_loop3A_374, %parallel_loop3A_376 : vector<16xi32>
          %parallel_loop3A_378 = vector.bitcast %parallel_loop3A_377 : vector<16xi32> to vector<16xf32>
          %parallel_loop3A_379 = arith.andi %parallel_loop3A_374, %broadcast_in_dim3A_1 : vector<16xi32>
          %parallel_loop3A_380 = vector.bitcast %parallel_loop3A_379 : vector<16xi32> to vector<16xf32>
          %parallel_loop3A_381 = arith.constant 16 : i32
          %parallel_loop3A_382 = arith.muli %parallel_loop3A_138, %parallel_loop3A_381 : i32
          %parallel_loop3A_383 = arith.constant 12 : i32
          %parallel_loop3A_384 = arith.index_cast %parallel_loop3A_383 : i32 to index
          %parallel_loop3A_385 = arith.index_cast %parallel_loop3A_382 : i32 to index
          %parallel_loop3A_386 = tpu.vector_load %arg8[%parallel_loop3A_384, %parallel_loop3A_385] {strides = array<i32>} : memref<64x512xf32, #tpu.memory_space<vmem>>, vector<16xf32>,
          tpu.vector_store %arg8[%parallel_loop3A_384, %parallel_loop3A_385], %parallel_loop3A_378 {strides = array<i32>} : memref<64x512xf32, #tpu.memory_space<vmem>>, vector<16xf32>,
          %parallel_loop3A_387 = arith.constant 16 : i32
          %parallel_loop3A_388 = arith.muli %parallel_loop3A_138, %parallel_loop3A_387 : i32
          %parallel_loop3A_389 = arith.constant 13 : i32
          %parallel_loop3A_390 = arith.index_cast %parallel_loop3A_389 : i32 to index
          %parallel_loop3A_391 = arith.index_cast %parallel_loop3A_388 : i32 to index
          %parallel_loop3A_392 = tpu.vector_load %arg8[%parallel_loop3A_390, %parallel_loop3A_391] {strides = array<i32>} : memref<64x512xf32, #tpu.memory_space<vmem>>, vector<16xf32>,
          tpu.vector_store %arg8[%parallel_loop3A_390, %parallel_loop3A_391], %parallel_loop3A_380 {strides = array<i32>} : memref<64x512xf32, #tpu.memory_space<vmem>>, vector<16xf32>,
          %parallel_loop3A_393 = arith.constant 5376 : i32
          %parallel_loop3A_394 = tpu.memref_slice %arg5[%parallel_loop3A_393] : memref<24576xi32, #tpu.memory_space<vmem>> -> memref<768xi32, #tpu.memory_space<vmem>>
          %parallel_loop3A_395 = tpu.vector_load_idx %parallel_loop3A_394[%parallel_loop3A_147] : memref<768xi32, #tpu.memory_space<vmem>>[vector<16xi32>], vector<16xi32>,
          %parallel_loop3A_396 = arith.constant 5376 : i32
          %parallel_loop3A_397 = tpu.memref_slice %arg5[%parallel_loop3A_396] : memref<24576xi32, #tpu.memory_space<vmem>> -> memref<768xi32, #tpu.memory_space<vmem>>
          %parallel_loop3A_398 = tpu.vector_load_idx %parallel_loop3A_397[%parallel_loop3A_154] : memref<768xi32, #tpu.memory_space<vmem>>[vector<16xi32>], vector<16xi32>,
          %parallel_loop3A_399 = arith.constant 5376 : i32
          %parallel_loop3A_400 = tpu.memref_slice %arg5[%parallel_loop3A_399] : memref<24576xi32, #tpu.memory_space<vmem>> -> memref<768xi32, #tpu.memory_space<vmem>>
          %parallel_loop3A_401 = tpu.vector_load_idx %parallel_loop3A_400[%parallel_loop3A_161] : memref<768xi32, #tpu.memory_space<vmem>>[vector<16xi32>], vector<16xi32>,
          %parallel_loop3A_402 = vector.bitcast %parallel_loop3A_395 : vector<16xi32> to vector<32xbf16>
          %parallel_loop3A_403 = vector.bitcast %parallel_loop3A_398 : vector<16xi32> to vector<32xbf16>
          %parallel_loop3A_404 = arith.addf %parallel_loop3A_402, %parallel_loop3A_403 : vector<32xbf16>
          %parallel_loop3A_405 = vector.bitcast %parallel_loop3A_401 : vector<16xi32> to vector<32xbf16>
          %parallel_loop3A_406 = arith.addf %parallel_loop3A_404, %parallel_loop3A_405 : vector<32xbf16>
          %parallel_loop3A_407 = vector.bitcast %parallel_loop3A_406 : vector<32xbf16> to vector<16xi32>
          %parallel_loop3A_408 = arith.constant 16 : i32
          %parallel_loop3A_409 = vector.broadcast %parallel_loop3A_408 : i32 to vector<16xi32>
          %parallel_loop3A_410 = arith.shli %parallel_loop3A_407, %parallel_loop3A_409 : vector<16xi32>
          %parallel_loop3A_411 = vector.bitcast %parallel_loop3A_410 : vector<16xi32> to vector<16xf32>
          %parallel_loop3A_412 = arith.andi %parallel_loop3A_407, %broadcast_in_dim3A_1 : vector<16xi32>
          %parallel_loop3A_413 = vector.bitcast %parallel_loop3A_412 : vector<16xi32> to vector<16xf32>
          %parallel_loop3A_414 = arith.constant 16 : i32
          %parallel_loop3A_415 = arith.muli %parallel_loop3A_138, %parallel_loop3A_414 : i32
          %parallel_loop3A_416 = arith.constant 14 : i32
          %parallel_loop3A_417 = arith.index_cast %parallel_loop3A_416 : i32 to index
          %parallel_loop3A_418 = arith.index_cast %parallel_loop3A_415 : i32 to index
          %parallel_loop3A_419 = tpu.vector_load %arg8[%parallel_loop3A_417, %parallel_loop3A_418] {strides = array<i32>} : memref<64x512xf32, #tpu.memory_space<vmem>>, vector<16xf32>,
          tpu.vector_store %arg8[%parallel_loop3A_417, %parallel_loop3A_418], %parallel_loop3A_411 {strides = array<i32>} : memref<64x512xf32, #tpu.memory_space<vmem>>, vector<16xf32>,
          %parallel_loop3A_420 = arith.constant 16 : i32
          %parallel_loop3A_421 = arith.muli %parallel_loop3A_138, %parallel_loop3A_420 : i32
          %parallel_loop3A_422 = arith.constant 15 : i32
          %parallel_loop3A_423 = arith.index_cast %parallel_loop3A_422 : i32 to index
          %parallel_loop3A_424 = arith.index_cast %parallel_loop3A_421 : i32 to index
          %parallel_loop3A_425 = tpu.vector_load %arg8[%parallel_loop3A_423, %parallel_loop3A_424] {strides = array<i32>} : memref<64x512xf32, #tpu.memory_space<vmem>>, vector<16xf32>,
          tpu.vector_store %arg8[%parallel_loop3A_423, %parallel_loop3A_424], %parallel_loop3A_413 {strides = array<i32>} : memref<64x512xf32, #tpu.memory_space<vmem>>, vector<16xf32>,
          %parallel_loop3A_426 = arith.constant 6144 : i32
          %parallel_loop3A_427 = tpu.memref_slice %arg5[%parallel_loop3A_426] : memref<24576xi32, #tpu.memory_space<vmem>> -> memref<768xi32, #tpu.memory_space<vmem>>
          %parallel_loop3A_428 = tpu.vector_load_idx %parallel_loop3A_427[%parallel_loop3A_147] : memref<768xi32, #tpu.memory_space<vmem>>[vector<16xi32>], vector<16xi32>,
          %parallel_loop3A_429 = arith.constant 6144 : i32
          %parallel_loop3A_430 = tpu.memref_slice %arg5[%parallel_loop3A_429] : memref<24576xi32, #tpu.memory_space<vmem>> -> memref<768xi32, #tpu.memory_space<vmem>>
          %parallel_loop3A_431 = tpu.vector_load_idx %parallel_loop3A_430[%parallel_loop3A_154] : memref<768xi32, #tpu.memory_space<vmem>>[vector<16xi32>], vector<16xi32>,
          %parallel_loop3A_432 = arith.constant 6144 : i32
          %parallel_loop3A_433 = tpu.memref_slice %arg5[%parallel_loop3A_432] : memref<24576xi32, #tpu.memory_space<vmem>> -> memref<768xi32, #tpu.memory_space<vmem>>
          %parallel_loop3A_434 = tpu.vector_load_idx %parallel_loop3A_433[%parallel_loop3A_161] : memref<768xi32, #tpu.memory_space<vmem>>[vector<16xi32>], vector<16xi32>,
          %parallel_loop3A_435 = vector.bitcast %parallel_loop3A_428 : vector<16xi32> to vector<32xbf16>
          %parallel_loop3A_436 = vector.bitcast %parallel_loop3A_431 : vector<16xi32> to vector<32xbf16>
          %parallel_loop3A_437 = arith.addf %parallel_loop3A_435, %parallel_loop3A_436 : vector<32xbf16>
          %parallel_loop3A_438 = vector.bitcast %parallel_loop3A_434 : vector<16xi32> to vector<32xbf16>
          %parallel_loop3A_439 = arith.addf %parallel_loop3A_437, %parallel_loop3A_438 : vector<32xbf16>
          %parallel_loop3A_440 = vector.bitcast %parallel_loop3A_439 : vector<32xbf16> to vector<16xi32>
          %parallel_loop3A_441 = arith.constant 16 : i32
          %parallel_loop3A_442 = vector.broadcast %parallel_loop3A_441 : i32 to vector<16xi32>
          %parallel_loop3A_443 = arith.shli %parallel_loop3A_440, %parallel_loop3A_442 : vector<16xi32>
          %parallel_loop3A_444 = vector.bitcast %parallel_loop3A_443 : vector<16xi32> to vector<16xf32>
          %parallel_loop3A_445 = arith.andi %parallel_loop3A_440, %broadcast_in_dim3A_1 : vector<16xi32>
          %parallel_loop3A_446 = vector.bitcast %parallel_loop3A_445 : vector<16xi32> to vector<16xf32>
          %parallel_loop3A_447 = arith.constant 16 : i32
          %parallel_loop3A_448 = arith.muli %parallel_loop3A_138, %parallel_loop3A_447 : i32
          %parallel_loop3A_449 = arith.constant 16 : i32
          %parallel_loop3A_450 = arith.index_cast %parallel_loop3A_449 : i32 to index
          %parallel_loop3A_451 = arith.index_cast %parallel_loop3A_448 : i32 to index
          %parallel_loop3A_452 = tpu.vector_load %arg8[%parallel_loop3A_450, %parallel_loop3A_451] {strides = array<i32>} : memref<64x512xf32, #tpu.memory_space<vmem>>, vector<16xf32>,
          tpu.vector_store %arg8[%parallel_loop3A_450, %parallel_loop3A_451], %parallel_loop3A_444 {strides = array<i32>} : memref<64x512xf32, #tpu.memory_space<vmem>>, vector<16xf32>,
          %parallel_loop3A_453 = arith.constant 16 : i32
          %parallel_loop3A_454 = arith.muli %parallel_loop3A_138, %parallel_loop3A_453 : i32
          %parallel_loop3A_455 = arith.constant 17 : i32
          %parallel_loop3A_456 = arith.index_cast %parallel_loop3A_455 : i32 to index
          %parallel_loop3A_457 = arith.index_cast %parallel_loop3A_454 : i32 to index
          %parallel_loop3A_458 = tpu.vector_load %arg8[%parallel_loop3A_456, %parallel_loop3A_457] {strides = array<i32>} : memref<64x512xf32, #tpu.memory_space<vmem>>, vector<16xf32>,
          tpu.vector_store %arg8[%parallel_loop3A_456, %parallel_loop3A_457], %parallel_loop3A_446 {strides = array<i32>} : memref<64x512xf32, #tpu.memory_space<vmem>>, vector<16xf32>,
          %parallel_loop3A_459 = arith.constant 6912 : i32
          %parallel_loop3A_460 = tpu.memref_slice %arg5[%parallel_loop3A_459] : memref<24576xi32, #tpu.memory_space<vmem>> -> memref<768xi32, #tpu.memory_space<vmem>>
          %parallel_loop3A_461 = tpu.vector_load_idx %parallel_loop3A_460[%parallel_loop3A_147] : memref<768xi32, #tpu.memory_space<vmem>>[vector<16xi32>], vector<16xi32>,
          %parallel_loop3A_462 = arith.constant 6912 : i32
          %parallel_loop3A_463 = tpu.memref_slice %arg5[%parallel_loop3A_462] : memref<24576xi32, #tpu.memory_space<vmem>> -> memref<768xi32, #tpu.memory_space<vmem>>
          %parallel_loop3A_464 = tpu.vector_load_idx %parallel_loop3A_463[%parallel_loop3A_154] : memref<768xi32, #tpu.memory_space<vmem>>[vector<16xi32>], vector<16xi32>,
          %parallel_loop3A_465 = arith.constant 6912 : i32
          %parallel_loop3A_466 = tpu.memref_slice %arg5[%parallel_loop3A_465] : memref<24576xi32, #tpu.memory_space<vmem>> -> memref<768xi32, #tpu.memory_space<vmem>>
          %parallel_loop3A_467 = tpu.vector_load_idx %parallel_loop3A_466[%parallel_loop3A_161] : memref<768xi32, #tpu.memory_space<vmem>>[vector<16xi32>], vector<16xi32>,
          %parallel_loop3A_468 = vector.bitcast %parallel_loop3A_461 : vector<16xi32> to vector<32xbf16>
          %parallel_loop3A_469 = vector.bitcast %parallel_loop3A_464 : vector<16xi32> to vector<32xbf16>
          %parallel_loop3A_470 = arith.addf %parallel_loop3A_468, %parallel_loop3A_469 : vector<32xbf16>
          %parallel_loop3A_471 = vector.bitcast %parallel_loop3A_467 : vector<16xi32> to vector<32xbf16>
          %parallel_loop3A_472 = arith.addf %parallel_loop3A_470, %parallel_loop3A_471 : vector<32xbf16>
          %parallel_loop3A_473 = vector.bitcast %parallel_loop3A_472 : vector<32xbf16> to vector<16xi32>
          %parallel_loop3A_474 = arith.constant 16 : i32
          %parallel_loop3A_475 = vector.broadcast %parallel_loop3A_474 : i32 to vector<16xi32>
          %parallel_loop3A_476 = arith.shli %parallel_loop3A_473, %parallel_loop3A_475 : vector<16xi32>
          %parallel_loop3A_477 = vector.bitcast %parallel_loop3A_476 : vector<16xi32> to vector<16xf32>
          %parallel_loop3A_478 = arith.andi %parallel_loop3A_473, %broadcast_in_dim3A_1 : vector<16xi32>
          %parallel_loop3A_479 = vector.bitcast %parallel_loop3A_478 : vector<16xi32> to vector<16xf32>
          %parallel_loop3A_480 = arith.constant 16 : i32
          %parallel_loop3A_481 = arith.muli %parallel_loop3A_138, %parallel_loop3A_480 : i32
          %parallel_loop3A_482 = arith.constant 18 : i32
          %parallel_loop3A_483 = arith.index_cast %parallel_loop3A_482 : i32 to index
          %parallel_loop3A_484 = arith.index_cast %parallel_loop3A_481 : i32 to index
          %parallel_loop3A_485 = tpu.vector_load %arg8[%parallel_loop3A_483, %parallel_loop3A_484] {strides = array<i32>} : memref<64x512xf32, #tpu.memory_space<vmem>>, vector<16xf32>,
          tpu.vector_store %arg8[%parallel_loop3A_483, %parallel_loop3A_484], %parallel_loop3A_477 {strides = array<i32>} : memref<64x512xf32, #tpu.memory_space<vmem>>, vector<16xf32>,
          %parallel_loop3A_486 = arith.constant 16 : i32
          %parallel_loop3A_487 = arith.muli %parallel_loop3A_138, %parallel_loop3A_486 : i32
          %parallel_loop3A_488 = arith.constant 19 : i32
          %parallel_loop3A_489 = arith.index_cast %parallel_loop3A_488 : i32 to index
          %parallel_loop3A_490 = arith.index_cast %parallel_loop3A_487 : i32 to index
          %parallel_loop3A_491 = tpu.vector_load %arg8[%parallel_loop3A_489, %parallel_loop3A_490] {strides = array<i32>} : memref<64x512xf32, #tpu.memory_space<vmem>>, vector<16xf32>,
          tpu.vector_store %arg8[%parallel_loop3A_489, %parallel_loop3A_490], %parallel_loop3A_479 {strides = array<i32>} : memref<64x512xf32, #tpu.memory_space<vmem>>, vector<16xf32>,
          %parallel_loop3A_492 = arith.constant 7680 : i32
          %parallel_loop3A_493 = tpu.memref_slice %arg5[%parallel_loop3A_492] : memref<24576xi32, #tpu.memory_space<vmem>> -> memref<768xi32, #tpu.memory_space<vmem>>
          %parallel_loop3A_494 = tpu.vector_load_idx %parallel_loop3A_493[%parallel_loop3A_147] : memref<768xi32, #tpu.memory_space<vmem>>[vector<16xi32>], vector<16xi32>,
          %parallel_loop3A_495 = arith.constant 7680 : i32
          %parallel_loop3A_496 = tpu.memref_slice %arg5[%parallel_loop3A_495] : memref<24576xi32, #tpu.memory_space<vmem>> -> memref<768xi32, #tpu.memory_space<vmem>>
          %parallel_loop3A_497 = tpu.vector_load_idx %parallel_loop3A_496[%parallel_loop3A_154] : memref<768xi32, #tpu.memory_space<vmem>>[vector<16xi32>], vector<16xi32>,
          %parallel_loop3A_498 = arith.constant 7680 : i32
          %parallel_loop3A_499 = tpu.memref_slice %arg5[%parallel_loop3A_498] : memref<24576xi32, #tpu.memory_space<vmem>> -> memref<768xi32, #tpu.memory_space<vmem>>
          %parallel_loop3A_500 = tpu.vector_load_idx %parallel_loop3A_499[%parallel_loop3A_161] : memref<768xi32, #tpu.memory_space<vmem>>[vector<16xi32>], vector<16xi32>,
          %parallel_loop3A_501 = vector.bitcast %parallel_loop3A_494 : vector<16xi32> to vector<32xbf16>
          %parallel_loop3A_502 = vector.bitcast %parallel_loop3A_497 : vector<16xi32> to vector<32xbf16>
          %parallel_loop3A_503 = arith.addf %parallel_loop3A_501, %parallel_loop3A_502 : vector<32xbf16>
          %parallel_loop3A_504 = vector.bitcast %parallel_loop3A_500 : vector<16xi32> to vector<32xbf16>
          %parallel_loop3A_505 = arith.addf %parallel_loop3A_503, %parallel_loop3A_504 : vector<32xbf16>
          %parallel_loop3A_506 = vector.bitcast %parallel_loop3A_505 : vector<32xbf16> to vector<16xi32>
          %parallel_loop3A_507 = arith.constant 16 : i32
          %parallel_loop3A_508 = vector.broadcast %parallel_loop3A_507 : i32 to vector<16xi32>
          %parallel_loop3A_509 = arith.shli %parallel_loop3A_506, %parallel_loop3A_508 : vector<16xi32>
          %parallel_loop3A_510 = vector.bitcast %parallel_loop3A_509 : vector<16xi32> to vector<16xf32>
          %parallel_loop3A_511 = arith.andi %parallel_loop3A_506, %broadcast_in_dim3A_1 : vector<16xi32>
          %parallel_loop3A_512 = vector.bitcast %parallel_loop3A_511 : vector<16xi32> to vector<16xf32>
          %parallel_loop3A_513 = arith.constant 16 : i32
          %parallel_loop3A_514 = arith.muli %parallel_loop3A_138, %parallel_loop3A_513 : i32
          %parallel_loop3A_515 = arith.constant 20 : i32
          %parallel_loop3A_516 = arith.index_cast %parallel_loop3A_515 : i32 to index
          %parallel_loop3A_517 = arith.index_cast %parallel_loop3A_514 : i32 to index
          %parallel_loop3A_518 = tpu.vector_load %arg8[%parallel_loop3A_516, %parallel_loop3A_517] {strides = array<i32>} : memref<64x512xf32, #tpu.memory_space<vmem>>, vector<16xf32>,
          tpu.vector_store %arg8[%parallel_loop3A_516, %parallel_loop3A_517], %parallel_loop3A_510 {strides = array<i32>} : memref<64x512xf32, #tpu.memory_space<vmem>>, vector<16xf32>,
          %parallel_loop3A_519 = arith.constant 16 : i32
          %parallel_loop3A_520 = arith.muli %parallel_loop3A_138, %parallel_loop3A_519 : i32
          %parallel_loop3A_521 = arith.constant 21 : i32
          %parallel_loop3A_522 = arith.index_cast %parallel_loop3A_521 : i32 to index
          %parallel_loop3A_523 = arith.index_cast %parallel_loop3A_520 : i32 to index
          %parallel_loop3A_524 = tpu.vector_load %arg8[%parallel_loop3A_522, %parallel_loop3A_523] {strides = array<i32>} : memref<64x512xf32, #tpu.memory_space<vmem>>, vector<16xf32>,
          tpu.vector_store %arg8[%parallel_loop3A_522, %parallel_loop3A_523], %parallel_loop3A_512 {strides = array<i32>} : memref<64x512xf32, #tpu.memory_space<vmem>>, vector<16xf32>,
          %parallel_loop3A_525 = arith.constant 8448 : i32
          %parallel_loop3A_526 = tpu.memref_slice %arg5[%parallel_loop3A_525] : memref<24576xi32, #tpu.memory_space<vmem>> -> memref<768xi32, #tpu.memory_space<vmem>>
          %parallel_loop3A_527 = tpu.vector_load_idx %parallel_loop3A_526[%parallel_loop3A_147] : memref<768xi32, #tpu.memory_space<vmem>>[vector<16xi32>], vector<16xi32>,
          %parallel_loop3A_528 = arith.constant 8448 : i32
          %parallel_loop3A_529 = tpu.memref_slice %arg5[%parallel_loop3A_528] : memref<24576xi32, #tpu.memory_space<vmem>> -> memref<768xi32, #tpu.memory_space<vmem>>
          %parallel_loop3A_530 = tpu.vector_load_idx %parallel_loop3A_529[%parallel_loop3A_154] : memref<768xi32, #tpu.memory_space<vmem>>[vector<16xi32>], vector<16xi32>,
          %parallel_loop3A_531 = arith.constant 8448 : i32
          %parallel_loop3A_532 = tpu.memref_slice %arg5[%parallel_loop3A_531] : memref<24576xi32, #tpu.memory_space<vmem>> -> memref<768xi32, #tpu.memory_space<vmem>>
          %parallel_loop3A_533 = tpu.vector_load_idx %parallel_loop3A_532[%parallel_loop3A_161] : memref<768xi32, #tpu.memory_space<vmem>>[vector<16xi32>], vector<16xi32>,
          %parallel_loop3A_534 = vector.bitcast %parallel_loop3A_527 : vector<16xi32> to vector<32xbf16>
          %parallel_loop3A_535 = vector.bitcast %parallel_loop3A_530 : vector<16xi32> to vector<32xbf16>
          %parallel_loop3A_536 = arith.addf %parallel_loop3A_534, %parallel_loop3A_535 : vector<32xbf16>
          %parallel_loop3A_537 = vector.bitcast %parallel_loop3A_533 : vector<16xi32> to vector<32xbf16>
          %parallel_loop3A_538 = arith.addf %parallel_loop3A_536, %parallel_loop3A_537 : vector<32xbf16>
          %parallel_loop3A_539 = vector.bitcast %parallel_loop3A_538 : vector<32xbf16> to vector<16xi32>
          %parallel_loop3A_540 = arith.constant 16 : i32
          %parallel_loop3A_541 = vector.broadcast %parallel_loop3A_540 : i32 to vector<16xi32>
          %parallel_loop3A_542 = arith.shli %parallel_loop3A_539, %parallel_loop3A_541 : vector<16xi32>
          %parallel_loop3A_543 = vector.bitcast %parallel_loop3A_542 : vector<16xi32> to vector<16xf32>
          %parallel_loop3A_544 = arith.andi %parallel_loop3A_539, %broadcast_in_dim3A_1 : vector<16xi32>
          %parallel_loop3A_545 = vector.bitcast %parallel_loop3A_544 : vector<16xi32> to vector<16xf32>
          %parallel_loop3A_546 = arith.constant 16 : i32
          %parallel_loop3A_547 = arith.muli %parallel_loop3A_138, %parallel_loop3A_546 : i32
          %parallel_loop3A_548 = arith.constant 22 : i32
          %parallel_loop3A_549 = arith.index_cast %parallel_loop3A_548 : i32 to index
          %parallel_loop3A_550 = arith.index_cast %parallel_loop3A_547 : i32 to index
          %parallel_loop3A_551 = tpu.vector_load %arg8[%parallel_loop3A_549, %parallel_loop3A_550] {strides = array<i32>} : memref<64x512xf32, #tpu.memory_space<vmem>>, vector<16xf32>,
          tpu.vector_store %arg8[%parallel_loop3A_549, %parallel_loop3A_550], %parallel_loop3A_543 {strides = array<i32>} : memref<64x512xf32, #tpu.memory_space<vmem>>, vector<16xf32>,
          %parallel_loop3A_552 = arith.constant 16 : i32
          %parallel_loop3A_553 = arith.muli %parallel_loop3A_138, %parallel_loop3A_552 : i32
          %parallel_loop3A_554 = arith.constant 23 : i32
          %parallel_loop3A_555 = arith.index_cast %parallel_loop3A_554 : i32 to index
          %parallel_loop3A_556 = arith.index_cast %parallel_loop3A_553 : i32 to index
          %parallel_loop3A_557 = tpu.vector_load %arg8[%parallel_loop3A_555, %parallel_loop3A_556] {strides = array<i32>} : memref<64x512xf32, #tpu.memory_space<vmem>>, vector<16xf32>,
          tpu.vector_store %arg8[%parallel_loop3A_555, %parallel_loop3A_556], %parallel_loop3A_545 {strides = array<i32>} : memref<64x512xf32, #tpu.memory_space<vmem>>, vector<16xf32>,
          %parallel_loop3A_558 = arith.constant 9216 : i32
          %parallel_loop3A_559 = tpu.memref_slice %arg5[%parallel_loop3A_558] : memref<24576xi32, #tpu.memory_space<vmem>> -> memref<768xi32, #tpu.memory_space<vmem>>
          %parallel_loop3A_560 = tpu.vector_load_idx %parallel_loop3A_559[%parallel_loop3A_147] : memref<768xi32, #tpu.memory_space<vmem>>[vector<16xi32>], vector<16xi32>,
          %parallel_loop3A_561 = arith.constant 9216 : i32
          %parallel_loop3A_562 = tpu.memref_slice %arg5[%parallel_loop3A_561] : memref<24576xi32, #tpu.memory_space<vmem>> -> memref<768xi32, #tpu.memory_space<vmem>>
          %parallel_loop3A_563 = tpu.vector_load_idx %parallel_loop3A_562[%parallel_loop3A_154] : memref<768xi32, #tpu.memory_space<vmem>>[vector<16xi32>], vector<16xi32>,
          %parallel_loop3A_564 = arith.constant 9216 : i32
          %parallel_loop3A_565 = tpu.memref_slice %arg5[%parallel_loop3A_564] : memref<24576xi32, #tpu.memory_space<vmem>> -> memref<768xi32, #tpu.memory_space<vmem>>
          %parallel_loop3A_566 = tpu.vector_load_idx %parallel_loop3A_565[%parallel_loop3A_161] : memref<768xi32, #tpu.memory_space<vmem>>[vector<16xi32>], vector<16xi32>,
          %parallel_loop3A_567 = vector.bitcast %parallel_loop3A_560 : vector<16xi32> to vector<32xbf16>
          %parallel_loop3A_568 = vector.bitcast %parallel_loop3A_563 : vector<16xi32> to vector<32xbf16>
          %parallel_loop3A_569 = arith.addf %parallel_loop3A_567, %parallel_loop3A_568 : vector<32xbf16>
          %parallel_loop3A_570 = vector.bitcast %parallel_loop3A_566 : vector<16xi32> to vector<32xbf16>
          %parallel_loop3A_571 = arith.addf %parallel_loop3A_569, %parallel_loop3A_570 : vector<32xbf16>
          %parallel_loop3A_572 = vector.bitcast %parallel_loop3A_571 : vector<32xbf16> to vector<16xi32>
          %parallel_loop3A_573 = arith.constant 16 : i32
          %parallel_loop3A_574 = vector.broadcast %parallel_loop3A_573 : i32 to vector<16xi32>
          %parallel_loop3A_575 = arith.shli %parallel_loop3A_572, %parallel_loop3A_574 : vector<16xi32>
          %parallel_loop3A_576 = vector.bitcast %parallel_loop3A_575 : vector<16xi32> to vector<16xf32>
          %parallel_loop3A_577 = arith.andi %parallel_loop3A_572, %broadcast_in_dim3A_1 : vector<16xi32>
          %parallel_loop3A_578 = vector.bitcast %parallel_loop3A_577 : vector<16xi32> to vector<16xf32>
          %parallel_loop3A_579 = arith.constant 16 : i32
          %parallel_loop3A_580 = arith.muli %parallel_loop3A_138, %parallel_loop3A_579 : i32
          %parallel_loop3A_581 = arith.constant 24 : i32
          %parallel_loop3A_582 = arith.index_cast %parallel_loop3A_581 : i32 to index
          %parallel_loop3A_583 = arith.index_cast %parallel_loop3A_580 : i32 to index
          %parallel_loop3A_584 = tpu.vector_load %arg8[%parallel_loop3A_582, %parallel_loop3A_583] {strides = array<i32>} : memref<64x512xf32, #tpu.memory_space<vmem>>, vector<16xf32>,
          tpu.vector_store %arg8[%parallel_loop3A_582, %parallel_loop3A_583], %parallel_loop3A_576 {strides = array<i32>} : memref<64x512xf32, #tpu.memory_space<vmem>>, vector<16xf32>,
          %parallel_loop3A_585 = arith.constant 16 : i32
          %parallel_loop3A_586 = arith.muli %parallel_loop3A_138, %parallel_loop3A_585 : i32
          %parallel_loop3A_587 = arith.constant 25 : i32
          %parallel_loop3A_588 = arith.index_cast %parallel_loop3A_587 : i32 to index
          %parallel_loop3A_589 = arith.index_cast %parallel_loop3A_586 : i32 to index
          %parallel_loop3A_590 = tpu.vector_load %arg8[%parallel_loop3A_588, %parallel_loop3A_589] {strides = array<i32>} : memref<64x512xf32, #tpu.memory_space<vmem>>, vector<16xf32>,
          tpu.vector_store %arg8[%parallel_loop3A_588, %parallel_loop3A_589], %parallel_loop3A_578 {strides = array<i32>} : memref<64x512xf32, #tpu.memory_space<vmem>>, vector<16xf32>,
          %parallel_loop3A_591 = arith.constant 9984 : i32
          %parallel_loop3A_592 = tpu.memref_slice %arg5[%parallel_loop3A_591] : memref<24576xi32, #tpu.memory_space<vmem>> -> memref<768xi32, #tpu.memory_space<vmem>>
          %parallel_loop3A_593 = tpu.vector_load_idx %parallel_loop3A_592[%parallel_loop3A_147] : memref<768xi32, #tpu.memory_space<vmem>>[vector<16xi32>], vector<16xi32>,
          %parallel_loop3A_594 = arith.constant 9984 : i32
          %parallel_loop3A_595 = tpu.memref_slice %arg5[%parallel_loop3A_594] : memref<24576xi32, #tpu.memory_space<vmem>> -> memref<768xi32, #tpu.memory_space<vmem>>
          %parallel_loop3A_596 = tpu.vector_load_idx %parallel_loop3A_595[%parallel_loop3A_154] : memref<768xi32, #tpu.memory_space<vmem>>[vector<16xi32>], vector<16xi32>,
          %parallel_loop3A_597 = arith.constant 9984 : i32
          %parallel_loop3A_598 = tpu.memref_slice %arg5[%parallel_loop3A_597] : memref<24576xi32, #tpu.memory_space<vmem>> -> memref<768xi32, #tpu.memory_space<vmem>>
          %parallel_loop3A_599 = tpu.vector_load_idx %parallel_loop3A_598[%parallel_loop3A_161] : memref<768xi32, #tpu.memory_space<vmem>>[vector<16xi32>], vector<16xi32>,
          %parallel_loop3A_600 = vector.bitcast %parallel_loop3A_593 : vector<16xi32> to vector<32xbf16>
          %parallel_loop3A_601 = vector.bitcast %parallel_loop3A_596 : vector<16xi32> to vector<32xbf16>
          %parallel_loop3A_602 = arith.addf %parallel_loop3A_600, %parallel_loop3A_601 : vector<32xbf16>
          %parallel_loop3A_603 = vector.bitcast %parallel_loop3A_599 : vector<16xi32> to vector<32xbf16>
          %parallel_loop3A_604 = arith.addf %parallel_loop3A_602, %parallel_loop3A_603 : vector<32xbf16>
          %parallel_loop3A_605 = vector.bitcast %parallel_loop3A_604 : vector<32xbf16> to vector<16xi32>
          %parallel_loop3A_606 = arith.constant 16 : i32
          %parallel_loop3A_607 = vector.broadcast %parallel_loop3A_606 : i32 to vector<16xi32>
          %parallel_loop3A_608 = arith.shli %parallel_loop3A_605, %parallel_loop3A_607 : vector<16xi32>
          %parallel_loop3A_609 = vector.bitcast %parallel_loop3A_608 : vector<16xi32> to vector<16xf32>
          %parallel_loop3A_610 = arith.andi %parallel_loop3A_605, %broadcast_in_dim3A_1 : vector<16xi32>
          %parallel_loop3A_611 = vector.bitcast %parallel_loop3A_610 : vector<16xi32> to vector<16xf32>
          %parallel_loop3A_612 = arith.constant 16 : i32
          %parallel_loop3A_613 = arith.muli %parallel_loop3A_138, %parallel_loop3A_612 : i32
          %parallel_loop3A_614 = arith.constant 26 : i32
          %parallel_loop3A_615 = arith.index_cast %parallel_loop3A_614 : i32 to index
          %parallel_loop3A_616 = arith.index_cast %parallel_loop3A_613 : i32 to index
          %parallel_loop3A_617 = tpu.vector_load %arg8[%parallel_loop3A_615, %parallel_loop3A_616] {strides = array<i32>} : memref<64x512xf32, #tpu.memory_space<vmem>>, vector<16xf32>,
          tpu.vector_store %arg8[%parallel_loop3A_615, %parallel_loop3A_616], %parallel_loop3A_609 {strides = array<i32>} : memref<64x512xf32, #tpu.memory_space<vmem>>, vector<16xf32>,
          %parallel_loop3A_618 = arith.constant 16 : i32
          %parallel_loop3A_619 = arith.muli %parallel_loop3A_138, %parallel_loop3A_618 : i32
          %parallel_loop3A_620 = arith.constant 27 : i32
          %parallel_loop3A_621 = arith.index_cast %parallel_loop3A_620 : i32 to index
          %parallel_loop3A_622 = arith.index_cast %parallel_loop3A_619 : i32 to index
          %parallel_loop3A_623 = tpu.vector_load %arg8[%parallel_loop3A_621, %parallel_loop3A_622] {strides = array<i32>} : memref<64x512xf32, #tpu.memory_space<vmem>>, vector<16xf32>,
          tpu.vector_store %arg8[%parallel_loop3A_621, %parallel_loop3A_622], %parallel_loop3A_611 {strides = array<i32>} : memref<64x512xf32, #tpu.memory_space<vmem>>, vector<16xf32>,
          %parallel_loop3A_624 = arith.constant 10752 : i32
          %parallel_loop3A_625 = tpu.memref_slice %arg5[%parallel_loop3A_624] : memref<24576xi32, #tpu.memory_space<vmem>> -> memref<768xi32, #tpu.memory_space<vmem>>
          %parallel_loop3A_626 = tpu.vector_load_idx %parallel_loop3A_625[%parallel_loop3A_147] : memref<768xi32, #tpu.memory_space<vmem>>[vector<16xi32>], vector<16xi32>,
          %parallel_loop3A_627 = arith.constant 10752 : i32
          %parallel_loop3A_628 = tpu.memref_slice %arg5[%parallel_loop3A_627] : memref<24576xi32, #tpu.memory_space<vmem>> -> memref<768xi32, #tpu.memory_space<vmem>>
          %parallel_loop3A_629 = tpu.vector_load_idx %parallel_loop3A_628[%parallel_loop3A_154] : memref<768xi32, #tpu.memory_space<vmem>>[vector<16xi32>], vector<16xi32>,
          %parallel_loop3A_630 = arith.constant 10752 : i32
          %parallel_loop3A_631 = tpu.memref_slice %arg5[%parallel_loop3A_630] : memref<24576xi32, #tpu.memory_space<vmem>> -> memref<768xi32, #tpu.memory_space<vmem>>
          %parallel_loop3A_632 = tpu.vector_load_idx %parallel_loop3A_631[%parallel_loop3A_161] : memref<768xi32, #tpu.memory_space<vmem>>[vector<16xi32>], vector<16xi32>,
          %parallel_loop3A_633 = vector.bitcast %parallel_loop3A_626 : vector<16xi32> to vector<32xbf16>
          %parallel_loop3A_634 = vector.bitcast %parallel_loop3A_629 : vector<16xi32> to vector<32xbf16>
          %parallel_loop3A_635 = arith.addf %parallel_loop3A_633, %parallel_loop3A_634 : vector<32xbf16>
          %parallel_loop3A_636 = vector.bitcast %parallel_loop3A_632 : vector<16xi32> to vector<32xbf16>
          %parallel_loop3A_637 = arith.addf %parallel_loop3A_635, %parallel_loop3A_636 : vector<32xbf16>
          %parallel_loop3A_638 = vector.bitcast %parallel_loop3A_637 : vector<32xbf16> to vector<16xi32>
          %parallel_loop3A_639 = arith.constant 16 : i32
          %parallel_loop3A_640 = vector.broadcast %parallel_loop3A_639 : i32 to vector<16xi32>
          %parallel_loop3A_641 = arith.shli %parallel_loop3A_638, %parallel_loop3A_640 : vector<16xi32>
          %parallel_loop3A_642 = vector.bitcast %parallel_loop3A_641 : vector<16xi32> to vector<16xf32>
          %parallel_loop3A_643 = arith.andi %parallel_loop3A_638, %broadcast_in_dim3A_1 : vector<16xi32>
          %parallel_loop3A_644 = vector.bitcast %parallel_loop3A_643 : vector<16xi32> to vector<16xf32>
          %parallel_loop3A_645 = arith.constant 16 : i32
          %parallel_loop3A_646 = arith.muli %parallel_loop3A_138, %parallel_loop3A_645 : i32
          %parallel_loop3A_647 = arith.constant 28 : i32
          %parallel_loop3A_648 = arith.index_cast %parallel_loop3A_647 : i32 to index
          %parallel_loop3A_649 = arith.index_cast %parallel_loop3A_646 : i32 to index
          %parallel_loop3A_650 = tpu.vector_load %arg8[%parallel_loop3A_648, %parallel_loop3A_649] {strides = array<i32>} : memref<64x512xf32, #tpu.memory_space<vmem>>, vector<16xf32>,
          tpu.vector_store %arg8[%parallel_loop3A_648, %parallel_loop3A_649], %parallel_loop3A_642 {strides = array<i32>} : memref<64x512xf32, #tpu.memory_space<vmem>>, vector<16xf32>,
          %parallel_loop3A_651 = arith.constant 16 : i32
          %parallel_loop3A_652 = arith.muli %parallel_loop3A_138, %parallel_loop3A_651 : i32
          %parallel_loop3A_653 = arith.constant 29 : i32
          %parallel_loop3A_654 = arith.index_cast %parallel_loop3A_653 : i32 to index
          %parallel_loop3A_655 = arith.index_cast %parallel_loop3A_652 : i32 to index
          %parallel_loop3A_656 = tpu.vector_load %arg8[%parallel_loop3A_654, %parallel_loop3A_655] {strides = array<i32>} : memref<64x512xf32, #tpu.memory_space<vmem>>, vector<16xf32>,
          tpu.vector_store %arg8[%parallel_loop3A_654, %parallel_loop3A_655], %parallel_loop3A_644 {strides = array<i32>} : memref<64x512xf32, #tpu.memory_space<vmem>>, vector<16xf32>,
          %parallel_loop3A_657 = arith.constant 11520 : i32
          %parallel_loop3A_658 = tpu.memref_slice %arg5[%parallel_loop3A_657] : memref<24576xi32, #tpu.memory_space<vmem>> -> memref<768xi32, #tpu.memory_space<vmem>>
          %parallel_loop3A_659 = tpu.vector_load_idx %parallel_loop3A_658[%parallel_loop3A_147] : memref<768xi32, #tpu.memory_space<vmem>>[vector<16xi32>], vector<16xi32>,
          %parallel_loop3A_660 = arith.constant 11520 : i32
          %parallel_loop3A_661 = tpu.memref_slice %arg5[%parallel_loop3A_660] : memref<24576xi32, #tpu.memory_space<vmem>> -> memref<768xi32, #tpu.memory_space<vmem>>
          %parallel_loop3A_662 = tpu.vector_load_idx %parallel_loop3A_661[%parallel_loop3A_154] : memref<768xi32, #tpu.memory_space<vmem>>[vector<16xi32>], vector<16xi32>,
          %parallel_loop3A_663 = arith.constant 11520 : i32
          %parallel_loop3A_664 = tpu.memref_slice %arg5[%parallel_loop3A_663] : memref<24576xi32, #tpu.memory_space<vmem>> -> memref<768xi32, #tpu.memory_space<vmem>>
          %parallel_loop3A_665 = tpu.vector_load_idx %parallel_loop3A_664[%parallel_loop3A_161] : memref<768xi32, #tpu.memory_space<vmem>>[vector<16xi32>], vector<16xi32>,
          %parallel_loop3A_666 = vector.bitcast %parallel_loop3A_659 : vector<16xi32> to vector<32xbf16>
          %parallel_loop3A_667 = vector.bitcast %parallel_loop3A_662 : vector<16xi32> to vector<32xbf16>
          %parallel_loop3A_668 = arith.addf %parallel_loop3A_666, %parallel_loop3A_667 : vector<32xbf16>
          %parallel_loop3A_669 = vector.bitcast %parallel_loop3A_665 : vector<16xi32> to vector<32xbf16>
          %parallel_loop3A_670 = arith.addf %parallel_loop3A_668, %parallel_loop3A_669 : vector<32xbf16>
          %parallel_loop3A_671 = vector.bitcast %parallel_loop3A_670 : vector<32xbf16> to vector<16xi32>
          %parallel_loop3A_672 = arith.constant 16 : i32
          %parallel_loop3A_673 = vector.broadcast %parallel_loop3A_672 : i32 to vector<16xi32>
          %parallel_loop3A_674 = arith.shli %parallel_loop3A_671, %parallel_loop3A_673 : vector<16xi32>
          %parallel_loop3A_675 = vector.bitcast %parallel_loop3A_674 : vector<16xi32> to vector<16xf32>
          %parallel_loop3A_676 = arith.andi %parallel_loop3A_671, %broadcast_in_dim3A_1 : vector<16xi32>
          %parallel_loop3A_677 = vector.bitcast %parallel_loop3A_676 : vector<16xi32> to vector<16xf32>
          %parallel_loop3A_678 = arith.constant 16 : i32
          %parallel_loop3A_679 = arith.muli %parallel_loop3A_138, %parallel_loop3A_678 : i32
          %parallel_loop3A_680 = arith.constant 30 : i32
          %parallel_loop3A_681 = arith.index_cast %parallel_loop3A_680 : i32 to index
          %parallel_loop3A_682 = arith.index_cast %parallel_loop3A_679 : i32 to index
          %parallel_loop3A_683 = tpu.vector_load %arg8[%parallel_loop3A_681, %parallel_loop3A_682] {strides = array<i32>} : memref<64x512xf32, #tpu.memory_space<vmem>>, vector<16xf32>,
          tpu.vector_store %arg8[%parallel_loop3A_681, %parallel_loop3A_682], %parallel_loop3A_675 {strides = array<i32>} : memref<64x512xf32, #tpu.memory_space<vmem>>, vector<16xf32>,
          %parallel_loop3A_684 = arith.constant 16 : i32
          %parallel_loop3A_685 = arith.muli %parallel_loop3A_138, %parallel_loop3A_684 : i32
          %parallel_loop3A_686 = arith.constant 31 : i32
          %parallel_loop3A_687 = arith.index_cast %parallel_loop3A_686 : i32 to index
          %parallel_loop3A_688 = arith.index_cast %parallel_loop3A_685 : i32 to index
          %parallel_loop3A_689 = tpu.vector_load %arg8[%parallel_loop3A_687, %parallel_loop3A_688] {strides = array<i32>} : memref<64x512xf32, #tpu.memory_space<vmem>>, vector<16xf32>,
          tpu.vector_store %arg8[%parallel_loop3A_687, %parallel_loop3A_688], %parallel_loop3A_677 {strides = array<i32>} : memref<64x512xf32, #tpu.memory_space<vmem>>, vector<16xf32>,
          %parallel_loop3A_690 = arith.constant 12288 : i32
          %parallel_loop3A_691 = tpu.memref_slice %arg5[%parallel_loop3A_690] : memref<24576xi32, #tpu.memory_space<vmem>> -> memref<768xi32, #tpu.memory_space<vmem>>
          %parallel_loop3A_692 = tpu.vector_load_idx %parallel_loop3A_691[%parallel_loop3A_147] : memref<768xi32, #tpu.memory_space<vmem>>[vector<16xi32>], vector<16xi32>,
          %parallel_loop3A_693 = arith.constant 12288 : i32
          %parallel_loop3A_694 = tpu.memref_slice %arg5[%parallel_loop3A_693] : memref<24576xi32, #tpu.memory_space<vmem>> -> memref<768xi32, #tpu.memory_space<vmem>>
          %parallel_loop3A_695 = tpu.vector_load_idx %parallel_loop3A_694[%parallel_loop3A_154] : memref<768xi32, #tpu.memory_space<vmem>>[vector<16xi32>], vector<16xi32>,
          %parallel_loop3A_696 = arith.constant 12288 : i32
          %parallel_loop3A_697 = tpu.memref_slice %arg5[%parallel_loop3A_696] : memref<24576xi32, #tpu.memory_space<vmem>> -> memref<768xi32, #tpu.memory_space<vmem>>
          %parallel_loop3A_698 = tpu.vector_load_idx %parallel_loop3A_697[%parallel_loop3A_161] : memref<768xi32, #tpu.memory_space<vmem>>[vector<16xi32>], vector<16xi32>,
          %parallel_loop3A_699 = vector.bitcast %parallel_loop3A_692 : vector<16xi32> to vector<32xbf16>
          %parallel_loop3A_700 = vector.bitcast %parallel_loop3A_695 : vector<16xi32> to vector<32xbf16>
          %parallel_loop3A_701 = arith.addf %parallel_loop3A_699, %parallel_loop3A_700 : vector<32xbf16>
          %parallel_loop3A_702 = vector.bitcast %parallel_loop3A_698 : vector<16xi32> to vector<32xbf16>
          %parallel_loop3A_703 = arith.addf %parallel_loop3A_701, %parallel_loop3A_702 : vector<32xbf16>
          %parallel_loop3A_704 = vector.bitcast %parallel_loop3A_703 : vector<32xbf16> to vector<16xi32>
          %parallel_loop3A_705 = arith.constant 16 : i32
          %parallel_loop3A_706 = vector.broadcast %parallel_loop3A_705 : i32 to vector<16xi32>
          %parallel_loop3A_707 = arith.shli %parallel_loop3A_704, %parallel_loop3A_706 : vector<16xi32>
          %parallel_loop3A_708 = vector.bitcast %parallel_loop3A_707 : vector<16xi32> to vector<16xf32>
          %parallel_loop3A_709 = arith.andi %parallel_loop3A_704, %broadcast_in_dim3A_1 : vector<16xi32>
          %parallel_loop3A_710 = vector.bitcast %parallel_loop3A_709 : vector<16xi32> to vector<16xf32>
          %parallel_loop3A_711 = arith.constant 16 : i32
          %parallel_loop3A_712 = arith.muli %parallel_loop3A_138, %parallel_loop3A_711 : i32
          %parallel_loop3A_713 = arith.constant 32 : i32
          %parallel_loop3A_714 = arith.index_cast %parallel_loop3A_713 : i32 to index
          %parallel_loop3A_715 = arith.index_cast %parallel_loop3A_712 : i32 to index
          %parallel_loop3A_716 = tpu.vector_load %arg8[%parallel_loop3A_714, %parallel_loop3A_715] {strides = array<i32>} : memref<64x512xf32, #tpu.memory_space<vmem>>, vector<16xf32>,
          tpu.vector_store %arg8[%parallel_loop3A_714, %parallel_loop3A_715], %parallel_loop3A_708 {strides = array<i32>} : memref<64x512xf32, #tpu.memory_space<vmem>>, vector<16xf32>,
          %parallel_loop3A_717 = arith.constant 16 : i32
          %parallel_loop3A_718 = arith.muli %parallel_loop3A_138, %parallel_loop3A_717 : i32
          %parallel_loop3A_719 = arith.constant 33 : i32
          %parallel_loop3A_720 = arith.index_cast %parallel_loop3A_719 : i32 to index
          %parallel_loop3A_721 = arith.index_cast %parallel_loop3A_718 : i32 to index
          %parallel_loop3A_722 = tpu.vector_load %arg8[%parallel_loop3A_720, %parallel_loop3A_721] {strides = array<i32>} : memref<64x512xf32, #tpu.memory_space<vmem>>, vector<16xf32>,
          tpu.vector_store %arg8[%parallel_loop3A_720, %parallel_loop3A_721], %parallel_loop3A_710 {strides = array<i32>} : memref<64x512xf32, #tpu.memory_space<vmem>>, vector<16xf32>,
          %parallel_loop3A_723 = arith.constant 13056 : i32
          %parallel_loop3A_724 = tpu.memref_slice %arg5[%parallel_loop3A_723] : memref<24576xi32, #tpu.memory_space<vmem>> -> memref<768xi32, #tpu.memory_space<vmem>>
          %parallel_loop3A_725 = tpu.vector_load_idx %parallel_loop3A_724[%parallel_loop3A_147] : memref<768xi32, #tpu.memory_space<vmem>>[vector<16xi32>], vector<16xi32>,
          %parallel_loop3A_726 = arith.constant 13056 : i32
          %parallel_loop3A_727 = tpu.memref_slice %arg5[%parallel_loop3A_726] : memref<24576xi32, #tpu.memory_space<vmem>> -> memref<768xi32, #tpu.memory_space<vmem>>
          %parallel_loop3A_728 = tpu.vector_load_idx %parallel_loop3A_727[%parallel_loop3A_154] : memref<768xi32, #tpu.memory_space<vmem>>[vector<16xi32>], vector<16xi32>,
          %parallel_loop3A_729 = arith.constant 13056 : i32
          %parallel_loop3A_730 = tpu.memref_slice %arg5[%parallel_loop3A_729] : memref<24576xi32, #tpu.memory_space<vmem>> -> memref<768xi32, #tpu.memory_space<vmem>>
          %parallel_loop3A_731 = tpu.vector_load_idx %parallel_loop3A_730[%parallel_loop3A_161] : memref<768xi32, #tpu.memory_space<vmem>>[vector<16xi32>], vector<16xi32>,
          %parallel_loop3A_732 = vector.bitcast %parallel_loop3A_725 : vector<16xi32> to vector<32xbf16>
          %parallel_loop3A_733 = vector.bitcast %parallel_loop3A_728 : vector<16xi32> to vector<32xbf16>
          %parallel_loop3A_734 = arith.addf %parallel_loop3A_732, %parallel_loop3A_733 : vector<32xbf16>
          %parallel_loop3A_735 = vector.bitcast %parallel_loop3A_731 : vector<16xi32> to vector<32xbf16>
          %parallel_loop3A_736 = arith.addf %parallel_loop3A_734, %parallel_loop3A_735 : vector<32xbf16>
          %parallel_loop3A_737 = vector.bitcast %parallel_loop3A_736 : vector<32xbf16> to vector<16xi32>
          %parallel_loop3A_738 = arith.constant 16 : i32
          %parallel_loop3A_739 = vector.broadcast %parallel_loop3A_738 : i32 to vector<16xi32>
          %parallel_loop3A_740 = arith.shli %parallel_loop3A_737, %parallel_loop3A_739 : vector<16xi32>
          %parallel_loop3A_741 = vector.bitcast %parallel_loop3A_740 : vector<16xi32> to vector<16xf32>
          %parallel_loop3A_742 = arith.andi %parallel_loop3A_737, %broadcast_in_dim3A_1 : vector<16xi32>
          %parallel_loop3A_743 = vector.bitcast %parallel_loop3A_742 : vector<16xi32> to vector<16xf32>
          %parallel_loop3A_744 = arith.constant 16 : i32
          %parallel_loop3A_745 = arith.muli %parallel_loop3A_138, %parallel_loop3A_744 : i32
          %parallel_loop3A_746 = arith.constant 34 : i32
          %parallel_loop3A_747 = arith.index_cast %parallel_loop3A_746 : i32 to index
          %parallel_loop3A_748 = arith.index_cast %parallel_loop3A_745 : i32 to index
          %parallel_loop3A_749 = tpu.vector_load %arg8[%parallel_loop3A_747, %parallel_loop3A_748] {strides = array<i32>} : memref<64x512xf32, #tpu.memory_space<vmem>>, vector<16xf32>,
          tpu.vector_store %arg8[%parallel_loop3A_747, %parallel_loop3A_748], %parallel_loop3A_741 {strides = array<i32>} : memref<64x512xf32, #tpu.memory_space<vmem>>, vector<16xf32>,
          %parallel_loop3A_750 = arith.constant 16 : i32
          %parallel_loop3A_751 = arith.muli %parallel_loop3A_138, %parallel_loop3A_750 : i32
          %parallel_loop3A_752 = arith.constant 35 : i32
          %parallel_loop3A_753 = arith.index_cast %parallel_loop3A_752 : i32 to index
          %parallel_loop3A_754 = arith.index_cast %parallel_loop3A_751 : i32 to index
          %parallel_loop3A_755 = tpu.vector_load %arg8[%parallel_loop3A_753, %parallel_loop3A_754] {strides = array<i32>} : memref<64x512xf32, #tpu.memory_space<vmem>>, vector<16xf32>,
          tpu.vector_store %arg8[%parallel_loop3A_753, %parallel_loop3A_754], %parallel_loop3A_743 {strides = array<i32>} : memref<64x512xf32, #tpu.memory_space<vmem>>, vector<16xf32>,
          %parallel_loop3A_756 = arith.constant 13824 : i32
          %parallel_loop3A_757 = tpu.memref_slice %arg5[%parallel_loop3A_756] : memref<24576xi32, #tpu.memory_space<vmem>> -> memref<768xi32, #tpu.memory_space<vmem>>
          %parallel_loop3A_758 = tpu.vector_load_idx %parallel_loop3A_757[%parallel_loop3A_147] : memref<768xi32, #tpu.memory_space<vmem>>[vector<16xi32>], vector<16xi32>,
          %parallel_loop3A_759 = arith.constant 13824 : i32
          %parallel_loop3A_760 = tpu.memref_slice %arg5[%parallel_loop3A_759] : memref<24576xi32, #tpu.memory_space<vmem>> -> memref<768xi32, #tpu.memory_space<vmem>>
          %parallel_loop3A_761 = tpu.vector_load_idx %parallel_loop3A_760[%parallel_loop3A_154] : memref<768xi32, #tpu.memory_space<vmem>>[vector<16xi32>], vector<16xi32>,
          %parallel_loop3A_762 = arith.constant 13824 : i32
          %parallel_loop3A_763 = tpu.memref_slice %arg5[%parallel_loop3A_762] : memref<24576xi32, #tpu.memory_space<vmem>> -> memref<768xi32, #tpu.memory_space<vmem>>
          %parallel_loop3A_764 = tpu.vector_load_idx %parallel_loop3A_763[%parallel_loop3A_161] : memref<768xi32, #tpu.memory_space<vmem>>[vector<16xi32>], vector<16xi32>,
          %parallel_loop3A_765 = vector.bitcast %parallel_loop3A_758 : vector<16xi32> to vector<32xbf16>
          %parallel_loop3A_766 = vector.bitcast %parallel_loop3A_761 : vector<16xi32> to vector<32xbf16>
          %parallel_loop3A_767 = arith.addf %parallel_loop3A_765, %parallel_loop3A_766 : vector<32xbf16>
          %parallel_loop3A_768 = vector.bitcast %parallel_loop3A_764 : vector<16xi32> to vector<32xbf16>
          %parallel_loop3A_769 = arith.addf %parallel_loop3A_767, %parallel_loop3A_768 : vector<32xbf16>
          %parallel_loop3A_770 = vector.bitcast %parallel_loop3A_769 : vector<32xbf16> to vector<16xi32>
          %parallel_loop3A_771 = arith.constant 16 : i32
          %parallel_loop3A_772 = vector.broadcast %parallel_loop3A_771 : i32 to vector<16xi32>
          %parallel_loop3A_773 = arith.shli %parallel_loop3A_770, %parallel_loop3A_772 : vector<16xi32>
          %parallel_loop3A_774 = vector.bitcast %parallel_loop3A_773 : vector<16xi32> to vector<16xf32>
          %parallel_loop3A_775 = arith.andi %parallel_loop3A_770, %broadcast_in_dim3A_1 : vector<16xi32>
          %parallel_loop3A_776 = vector.bitcast %parallel_loop3A_775 : vector<16xi32> to vector<16xf32>
          %parallel_loop3A_777 = arith.constant 16 : i32
          %parallel_loop3A_778 = arith.muli %parallel_loop3A_138, %parallel_loop3A_777 : i32
          %parallel_loop3A_779 = arith.constant 36 : i32
          %parallel_loop3A_780 = arith.index_cast %parallel_loop3A_779 : i32 to index
          %parallel_loop3A_781 = arith.index_cast %parallel_loop3A_778 : i32 to index
          %parallel_loop3A_782 = tpu.vector_load %arg8[%parallel_loop3A_780, %parallel_loop3A_781] {strides = array<i32>} : memref<64x512xf32, #tpu.memory_space<vmem>>, vector<16xf32>,
          tpu.vector_store %arg8[%parallel_loop3A_780, %parallel_loop3A_781], %parallel_loop3A_774 {strides = array<i32>} : memref<64x512xf32, #tpu.memory_space<vmem>>, vector<16xf32>,
          %parallel_loop3A_783 = arith.constant 16 : i32
          %parallel_loop3A_784 = arith.muli %parallel_loop3A_138, %parallel_loop3A_783 : i32
          %parallel_loop3A_785 = arith.constant 37 : i32
          %parallel_loop3A_786 = arith.index_cast %parallel_loop3A_785 : i32 to index
          %parallel_loop3A_787 = arith.index_cast %parallel_loop3A_784 : i32 to index
          %parallel_loop3A_788 = tpu.vector_load %arg8[%parallel_loop3A_786, %parallel_loop3A_787] {strides = array<i32>} : memref<64x512xf32, #tpu.memory_space<vmem>>, vector<16xf32>,
          tpu.vector_store %arg8[%parallel_loop3A_786, %parallel_loop3A_787], %parallel_loop3A_776 {strides = array<i32>} : memref<64x512xf32, #tpu.memory_space<vmem>>, vector<16xf32>,
          %parallel_loop3A_789 = arith.constant 14592 : i32
          %parallel_loop3A_790 = tpu.memref_slice %arg5[%parallel_loop3A_789] : memref<24576xi32, #tpu.memory_space<vmem>> -> memref<768xi32, #tpu.memory_space<vmem>>
          %parallel_loop3A_791 = tpu.vector_load_idx %parallel_loop3A_790[%parallel_loop3A_147] : memref<768xi32, #tpu.memory_space<vmem>>[vector<16xi32>], vector<16xi32>,
          %parallel_loop3A_792 = arith.constant 14592 : i32
          %parallel_loop3A_793 = tpu.memref_slice %arg5[%parallel_loop3A_792] : memref<24576xi32, #tpu.memory_space<vmem>> -> memref<768xi32, #tpu.memory_space<vmem>>
          %parallel_loop3A_794 = tpu.vector_load_idx %parallel_loop3A_793[%parallel_loop3A_154] : memref<768xi32, #tpu.memory_space<vmem>>[vector<16xi32>], vector<16xi32>,
          %parallel_loop3A_795 = arith.constant 14592 : i32
          %parallel_loop3A_796 = tpu.memref_slice %arg5[%parallel_loop3A_795] : memref<24576xi32, #tpu.memory_space<vmem>> -> memref<768xi32, #tpu.memory_space<vmem>>
          %parallel_loop3A_797 = tpu.vector_load_idx %parallel_loop3A_796[%parallel_loop3A_161] : memref<768xi32, #tpu.memory_space<vmem>>[vector<16xi32>], vector<16xi32>,
          %parallel_loop3A_798 = vector.bitcast %parallel_loop3A_791 : vector<16xi32> to vector<32xbf16>
          %parallel_loop3A_799 = vector.bitcast %parallel_loop3A_794 : vector<16xi32> to vector<32xbf16>
          %parallel_loop3A_800 = arith.addf %parallel_loop3A_798, %parallel_loop3A_799 : vector<32xbf16>
          %parallel_loop3A_801 = vector.bitcast %parallel_loop3A_797 : vector<16xi32> to vector<32xbf16>
          %parallel_loop3A_802 = arith.addf %parallel_loop3A_800, %parallel_loop3A_801 : vector<32xbf16>
          %parallel_loop3A_803 = vector.bitcast %parallel_loop3A_802 : vector<32xbf16> to vector<16xi32>
          %parallel_loop3A_804 = arith.constant 16 : i32
          %parallel_loop3A_805 = vector.broadcast %parallel_loop3A_804 : i32 to vector<16xi32>
          %parallel_loop3A_806 = arith.shli %parallel_loop3A_803, %parallel_loop3A_805 : vector<16xi32>
          %parallel_loop3A_807 = vector.bitcast %parallel_loop3A_806 : vector<16xi32> to vector<16xf32>
          %parallel_loop3A_808 = arith.andi %parallel_loop3A_803, %broadcast_in_dim3A_1 : vector<16xi32>
          %parallel_loop3A_809 = vector.bitcast %parallel_loop3A_808 : vector<16xi32> to vector<16xf32>
          %parallel_loop3A_810 = arith.constant 16 : i32
          %parallel_loop3A_811 = arith.muli %parallel_loop3A_138, %parallel_loop3A_810 : i32
          %parallel_loop3A_812 = arith.constant 38 : i32
          %parallel_loop3A_813 = arith.index_cast %parallel_loop3A_812 : i32 to index
          %parallel_loop3A_814 = arith.index_cast %parallel_loop3A_811 : i32 to index
          %parallel_loop3A_815 = tpu.vector_load %arg8[%parallel_loop3A_813, %parallel_loop3A_814] {strides = array<i32>} : memref<64x512xf32, #tpu.memory_space<vmem>>, vector<16xf32>,
          tpu.vector_store %arg8[%parallel_loop3A_813, %parallel_loop3A_814], %parallel_loop3A_807 {strides = array<i32>} : memref<64x512xf32, #tpu.memory_space<vmem>>, vector<16xf32>,
          %parallel_loop3A_816 = arith.constant 16 : i32
          %parallel_loop3A_817 = arith.muli %parallel_loop3A_138, %parallel_loop3A_816 : i32
          %parallel_loop3A_818 = arith.constant 39 : i32
          %parallel_loop3A_819 = arith.index_cast %parallel_loop3A_818 : i32 to index
          %parallel_loop3A_820 = arith.index_cast %parallel_loop3A_817 : i32 to index
          %parallel_loop3A_821 = tpu.vector_load %arg8[%parallel_loop3A_819, %parallel_loop3A_820] {strides = array<i32>} : memref<64x512xf32, #tpu.memory_space<vmem>>, vector<16xf32>,
          tpu.vector_store %arg8[%parallel_loop3A_819, %parallel_loop3A_820], %parallel_loop3A_809 {strides = array<i32>} : memref<64x512xf32, #tpu.memory_space<vmem>>, vector<16xf32>,
          %parallel_loop3A_822 = arith.constant 15360 : i32
          %parallel_loop3A_823 = tpu.memref_slice %arg5[%parallel_loop3A_822] : memref<24576xi32, #tpu.memory_space<vmem>> -> memref<768xi32, #tpu.memory_space<vmem>>
          %parallel_loop3A_824 = tpu.vector_load_idx %parallel_loop3A_823[%parallel_loop3A_147] : memref<768xi32, #tpu.memory_space<vmem>>[vector<16xi32>], vector<16xi32>,
          %parallel_loop3A_825 = arith.constant 15360 : i32
          %parallel_loop3A_826 = tpu.memref_slice %arg5[%parallel_loop3A_825] : memref<24576xi32, #tpu.memory_space<vmem>> -> memref<768xi32, #tpu.memory_space<vmem>>
          %parallel_loop3A_827 = tpu.vector_load_idx %parallel_loop3A_826[%parallel_loop3A_154] : memref<768xi32, #tpu.memory_space<vmem>>[vector<16xi32>], vector<16xi32>,
          %parallel_loop3A_828 = arith.constant 15360 : i32
          %parallel_loop3A_829 = tpu.memref_slice %arg5[%parallel_loop3A_828] : memref<24576xi32, #tpu.memory_space<vmem>> -> memref<768xi32, #tpu.memory_space<vmem>>
          %parallel_loop3A_830 = tpu.vector_load_idx %parallel_loop3A_829[%parallel_loop3A_161] : memref<768xi32, #tpu.memory_space<vmem>>[vector<16xi32>], vector<16xi32>,
          %parallel_loop3A_831 = vector.bitcast %parallel_loop3A_824 : vector<16xi32> to vector<32xbf16>
          %parallel_loop3A_832 = vector.bitcast %parallel_loop3A_827 : vector<16xi32> to vector<32xbf16>
          %parallel_loop3A_833 = arith.addf %parallel_loop3A_831, %parallel_loop3A_832 : vector<32xbf16>
          %parallel_loop3A_834 = vector.bitcast %parallel_loop3A_830 : vector<16xi32> to vector<32xbf16>
          %parallel_loop3A_835 = arith.addf %parallel_loop3A_833, %parallel_loop3A_834 : vector<32xbf16>
          %parallel_loop3A_836 = vector.bitcast %parallel_loop3A_835 : vector<32xbf16> to vector<16xi32>
          %parallel_loop3A_837 = arith.constant 16 : i32
          %parallel_loop3A_838 = vector.broadcast %parallel_loop3A_837 : i32 to vector<16xi32>
          %parallel_loop3A_839 = arith.shli %parallel_loop3A_836, %parallel_loop3A_838 : vector<16xi32>
          %parallel_loop3A_840 = vector.bitcast %parallel_loop3A_839 : vector<16xi32> to vector<16xf32>
          %parallel_loop3A_841 = arith.andi %parallel_loop3A_836, %broadcast_in_dim3A_1 : vector<16xi32>
          %parallel_loop3A_842 = vector.bitcast %parallel_loop3A_841 : vector<16xi32> to vector<16xf32>
          %parallel_loop3A_843 = arith.constant 16 : i32
          %parallel_loop3A_844 = arith.muli %parallel_loop3A_138, %parallel_loop3A_843 : i32
          %parallel_loop3A_845 = arith.constant 40 : i32
          %parallel_loop3A_846 = arith.index_cast %parallel_loop3A_845 : i32 to index
          %parallel_loop3A_847 = arith.index_cast %parallel_loop3A_844 : i32 to index
          %parallel_loop3A_848 = tpu.vector_load %arg8[%parallel_loop3A_846, %parallel_loop3A_847] {strides = array<i32>} : memref<64x512xf32, #tpu.memory_space<vmem>>, vector<16xf32>,
          tpu.vector_store %arg8[%parallel_loop3A_846, %parallel_loop3A_847], %parallel_loop3A_840 {strides = array<i32>} : memref<64x512xf32, #tpu.memory_space<vmem>>, vector<16xf32>,
          %parallel_loop3A_849 = arith.constant 16 : i32
          %parallel_loop3A_850 = arith.muli %parallel_loop3A_138, %parallel_loop3A_849 : i32
          %parallel_loop3A_851 = arith.constant 41 : i32
          %parallel_loop3A_852 = arith.index_cast %parallel_loop3A_851 : i32 to index
          %parallel_loop3A_853 = arith.index_cast %parallel_loop3A_850 : i32 to index
          %parallel_loop3A_854 = tpu.vector_load %arg8[%parallel_loop3A_852, %parallel_loop3A_853] {strides = array<i32>} : memref<64x512xf32, #tpu.memory_space<vmem>>, vector<16xf32>,
          tpu.vector_store %arg8[%parallel_loop3A_852, %parallel_loop3A_853], %parallel_loop3A_842 {strides = array<i32>} : memref<64x512xf32, #tpu.memory_space<vmem>>, vector<16xf32>,
          %parallel_loop3A_855 = arith.constant 16128 : i32
          %parallel_loop3A_856 = tpu.memref_slice %arg5[%parallel_loop3A_855] : memref<24576xi32, #tpu.memory_space<vmem>> -> memref<768xi32, #tpu.memory_space<vmem>>
          %parallel_loop3A_857 = tpu.vector_load_idx %parallel_loop3A_856[%parallel_loop3A_147] : memref<768xi32, #tpu.memory_space<vmem>>[vector<16xi32>], vector<16xi32>,
          %parallel_loop3A_858 = arith.constant 16128 : i32
          %parallel_loop3A_859 = tpu.memref_slice %arg5[%parallel_loop3A_858] : memref<24576xi32, #tpu.memory_space<vmem>> -> memref<768xi32, #tpu.memory_space<vmem>>
          %parallel_loop3A_860 = tpu.vector_load_idx %parallel_loop3A_859[%parallel_loop3A_154] : memref<768xi32, #tpu.memory_space<vmem>>[vector<16xi32>], vector<16xi32>,
          %parallel_loop3A_861 = arith.constant 16128 : i32
          %parallel_loop3A_862 = tpu.memref_slice %arg5[%parallel_loop3A_861] : memref<24576xi32, #tpu.memory_space<vmem>> -> memref<768xi32, #tpu.memory_space<vmem>>
          %parallel_loop3A_863 = tpu.vector_load_idx %parallel_loop3A_862[%parallel_loop3A_161] : memref<768xi32, #tpu.memory_space<vmem>>[vector<16xi32>], vector<16xi32>,
          %parallel_loop3A_864 = vector.bitcast %parallel_loop3A_857 : vector<16xi32> to vector<32xbf16>
          %parallel_loop3A_865 = vector.bitcast %parallel_loop3A_860 : vector<16xi32> to vector<32xbf16>
          %parallel_loop3A_866 = arith.addf %parallel_loop3A_864, %parallel_loop3A_865 : vector<32xbf16>
          %parallel_loop3A_867 = vector.bitcast %parallel_loop3A_863 : vector<16xi32> to vector<32xbf16>
          %parallel_loop3A_868 = arith.addf %parallel_loop3A_866, %parallel_loop3A_867 : vector<32xbf16>
          %parallel_loop3A_869 = vector.bitcast %parallel_loop3A_868 : vector<32xbf16> to vector<16xi32>
          %parallel_loop3A_870 = arith.constant 16 : i32
          %parallel_loop3A_871 = vector.broadcast %parallel_loop3A_870 : i32 to vector<16xi32>
          %parallel_loop3A_872 = arith.shli %parallel_loop3A_869, %parallel_loop3A_871 : vector<16xi32>
          %parallel_loop3A_873 = vector.bitcast %parallel_loop3A_872 : vector<16xi32> to vector<16xf32>
          %parallel_loop3A_874 = arith.andi %parallel_loop3A_869, %broadcast_in_dim3A_1 : vector<16xi32>
          %parallel_loop3A_875 = vector.bitcast %parallel_loop3A_874 : vector<16xi32> to vector<16xf32>
          %parallel_loop3A_876 = arith.constant 16 : i32
          %parallel_loop3A_877 = arith.muli %parallel_loop3A_138, %parallel_loop3A_876 : i32
          %parallel_loop3A_878 = arith.constant 42 : i32
          %parallel_loop3A_879 = arith.index_cast %parallel_loop3A_878 : i32 to index
          %parallel_loop3A_880 = arith.index_cast %parallel_loop3A_877 : i32 to index
          %parallel_loop3A_881 = tpu.vector_load %arg8[%parallel_loop3A_879, %parallel_loop3A_880] {strides = array<i32>} : memref<64x512xf32, #tpu.memory_space<vmem>>, vector<16xf32>,
          tpu.vector_store %arg8[%parallel_loop3A_879, %parallel_loop3A_880], %parallel_loop3A_873 {strides = array<i32>} : memref<64x512xf32, #tpu.memory_space<vmem>>, vector<16xf32>,
          %parallel_loop3A_882 = arith.constant 16 : i32
          %parallel_loop3A_883 = arith.muli %parallel_loop3A_138, %parallel_loop3A_882 : i32
          %parallel_loop3A_884 = arith.constant 43 : i32
          %parallel_loop3A_885 = arith.index_cast %parallel_loop3A_884 : i32 to index
          %parallel_loop3A_886 = arith.index_cast %parallel_loop3A_883 : i32 to index
          %parallel_loop3A_887 = tpu.vector_load %arg8[%parallel_loop3A_885, %parallel_loop3A_886] {strides = array<i32>} : memref<64x512xf32, #tpu.memory_space<vmem>>, vector<16xf32>,
          tpu.vector_store %arg8[%parallel_loop3A_885, %parallel_loop3A_886], %parallel_loop3A_875 {strides = array<i32>} : memref<64x512xf32, #tpu.memory_space<vmem>>, vector<16xf32>,
          %parallel_loop3A_888 = arith.constant 16896 : i32
          %parallel_loop3A_889 = tpu.memref_slice %arg5[%parallel_loop3A_888] : memref<24576xi32, #tpu.memory_space<vmem>> -> memref<768xi32, #tpu.memory_space<vmem>>
          %parallel_loop3A_890 = tpu.vector_load_idx %parallel_loop3A_889[%parallel_loop3A_147] : memref<768xi32, #tpu.memory_space<vmem>>[vector<16xi32>], vector<16xi32>,
          %parallel_loop3A_891 = arith.constant 16896 : i32
          %parallel_loop3A_892 = tpu.memref_slice %arg5[%parallel_loop3A_891] : memref<24576xi32, #tpu.memory_space<vmem>> -> memref<768xi32, #tpu.memory_space<vmem>>
          %parallel_loop3A_893 = tpu.vector_load_idx %parallel_loop3A_892[%parallel_loop3A_154] : memref<768xi32, #tpu.memory_space<vmem>>[vector<16xi32>], vector<16xi32>,
          %parallel_loop3A_894 = arith.constant 16896 : i32
          %parallel_loop3A_895 = tpu.memref_slice %arg5[%parallel_loop3A_894] : memref<24576xi32, #tpu.memory_space<vmem>> -> memref<768xi32, #tpu.memory_space<vmem>>
          %parallel_loop3A_896 = tpu.vector_load_idx %parallel_loop3A_895[%parallel_loop3A_161] : memref<768xi32, #tpu.memory_space<vmem>>[vector<16xi32>], vector<16xi32>,
          %parallel_loop3A_897 = vector.bitcast %parallel_loop3A_890 : vector<16xi32> to vector<32xbf16>
          %parallel_loop3A_898 = vector.bitcast %parallel_loop3A_893 : vector<16xi32> to vector<32xbf16>
          %parallel_loop3A_899 = arith.addf %parallel_loop3A_897, %parallel_loop3A_898 : vector<32xbf16>
          %parallel_loop3A_900 = vector.bitcast %parallel_loop3A_896 : vector<16xi32> to vector<32xbf16>
          %parallel_loop3A_901 = arith.addf %parallel_loop3A_899, %parallel_loop3A_900 : vector<32xbf16>
          %parallel_loop3A_902 = vector.bitcast %parallel_loop3A_901 : vector<32xbf16> to vector<16xi32>
          %parallel_loop3A_903 = arith.constant 16 : i32
          %parallel_loop3A_904 = vector.broadcast %parallel_loop3A_903 : i32 to vector<16xi32>
          %parallel_loop3A_905 = arith.shli %parallel_loop3A_902, %parallel_loop3A_904 : vector<16xi32>
          %parallel_loop3A_906 = vector.bitcast %parallel_loop3A_905 : vector<16xi32> to vector<16xf32>
          %parallel_loop3A_907 = arith.andi %parallel_loop3A_902, %broadcast_in_dim3A_1 : vector<16xi32>
          %parallel_loop3A_908 = vector.bitcast %parallel_loop3A_907 : vector<16xi32> to vector<16xf32>
          %parallel_loop3A_909 = arith.constant 16 : i32
          %parallel_loop3A_910 = arith.muli %parallel_loop3A_138, %parallel_loop3A_909 : i32
          %parallel_loop3A_911 = arith.constant 44 : i32
          %parallel_loop3A_912 = arith.index_cast %parallel_loop3A_911 : i32 to index
          %parallel_loop3A_913 = arith.index_cast %parallel_loop3A_910 : i32 to index
          %parallel_loop3A_914 = tpu.vector_load %arg8[%parallel_loop3A_912, %parallel_loop3A_913] {strides = array<i32>} : memref<64x512xf32, #tpu.memory_space<vmem>>, vector<16xf32>,
          tpu.vector_store %arg8[%parallel_loop3A_912, %parallel_loop3A_913], %parallel_loop3A_906 {strides = array<i32>} : memref<64x512xf32, #tpu.memory_space<vmem>>, vector<16xf32>,
          %parallel_loop3A_915 = arith.constant 16 : i32
          %parallel_loop3A_916 = arith.muli %parallel_loop3A_138, %parallel_loop3A_915 : i32
          %parallel_loop3A_917 = arith.constant 45 : i32
          %parallel_loop3A_918 = arith.index_cast %parallel_loop3A_917 : i32 to index
          %parallel_loop3A_919 = arith.index_cast %parallel_loop3A_916 : i32 to index
          %parallel_loop3A_920 = tpu.vector_load %arg8[%parallel_loop3A_918, %parallel_loop3A_919] {strides = array<i32>} : memref<64x512xf32, #tpu.memory_space<vmem>>, vector<16xf32>,
          tpu.vector_store %arg8[%parallel_loop3A_918, %parallel_loop3A_919], %parallel_loop3A_908 {strides = array<i32>} : memref<64x512xf32, #tpu.memory_space<vmem>>, vector<16xf32>,
          %parallel_loop3A_921 = arith.constant 17664 : i32
          %parallel_loop3A_922 = tpu.memref_slice %arg5[%parallel_loop3A_921] : memref<24576xi32, #tpu.memory_space<vmem>> -> memref<768xi32, #tpu.memory_space<vmem>>
          %parallel_loop3A_923 = tpu.vector_load_idx %parallel_loop3A_922[%parallel_loop3A_147] : memref<768xi32, #tpu.memory_space<vmem>>[vector<16xi32>], vector<16xi32>,
          %parallel_loop3A_924 = arith.constant 17664 : i32
          %parallel_loop3A_925 = tpu.memref_slice %arg5[%parallel_loop3A_924] : memref<24576xi32, #tpu.memory_space<vmem>> -> memref<768xi32, #tpu.memory_space<vmem>>
          %parallel_loop3A_926 = tpu.vector_load_idx %parallel_loop3A_925[%parallel_loop3A_154] : memref<768xi32, #tpu.memory_space<vmem>>[vector<16xi32>], vector<16xi32>,
          %parallel_loop3A_927 = arith.constant 17664 : i32
          %parallel_loop3A_928 = tpu.memref_slice %arg5[%parallel_loop3A_927] : memref<24576xi32, #tpu.memory_space<vmem>> -> memref<768xi32, #tpu.memory_space<vmem>>
          %parallel_loop3A_929 = tpu.vector_load_idx %parallel_loop3A_928[%parallel_loop3A_161] : memref<768xi32, #tpu.memory_space<vmem>>[vector<16xi32>], vector<16xi32>,
          %parallel_loop3A_930 = vector.bitcast %parallel_loop3A_923 : vector<16xi32> to vector<32xbf16>
          %parallel_loop3A_931 = vector.bitcast %parallel_loop3A_926 : vector<16xi32> to vector<32xbf16>
          %parallel_loop3A_932 = arith.addf %parallel_loop3A_930, %parallel_loop3A_931 : vector<32xbf16>
          %parallel_loop3A_933 = vector.bitcast %parallel_loop3A_929 : vector<16xi32> to vector<32xbf16>
          %parallel_loop3A_934 = arith.addf %parallel_loop3A_932, %parallel_loop3A_933 : vector<32xbf16>
          %parallel_loop3A_935 = vector.bitcast %parallel_loop3A_934 : vector<32xbf16> to vector<16xi32>
          %parallel_loop3A_936 = arith.constant 16 : i32
          %parallel_loop3A_937 = vector.broadcast %parallel_loop3A_936 : i32 to vector<16xi32>
          %parallel_loop3A_938 = arith.shli %parallel_loop3A_935, %parallel_loop3A_937 : vector<16xi32>
          %parallel_loop3A_939 = vector.bitcast %parallel_loop3A_938 : vector<16xi32> to vector<16xf32>
          %parallel_loop3A_940 = arith.andi %parallel_loop3A_935, %broadcast_in_dim3A_1 : vector<16xi32>
          %parallel_loop3A_941 = vector.bitcast %parallel_loop3A_940 : vector<16xi32> to vector<16xf32>
          %parallel_loop3A_942 = arith.constant 16 : i32
          %parallel_loop3A_943 = arith.muli %parallel_loop3A_138, %parallel_loop3A_942 : i32
          %parallel_loop3A_944 = arith.constant 46 : i32
          %parallel_loop3A_945 = arith.index_cast %parallel_loop3A_944 : i32 to index
          %parallel_loop3A_946 = arith.index_cast %parallel_loop3A_943 : i32 to index
          %parallel_loop3A_947 = tpu.vector_load %arg8[%parallel_loop3A_945, %parallel_loop3A_946] {strides = array<i32>} : memref<64x512xf32, #tpu.memory_space<vmem>>, vector<16xf32>,
          tpu.vector_store %arg8[%parallel_loop3A_945, %parallel_loop3A_946], %parallel_loop3A_939 {strides = array<i32>} : memref<64x512xf32, #tpu.memory_space<vmem>>, vector<16xf32>,
          %parallel_loop3A_948 = arith.constant 16 : i32
          %parallel_loop3A_949 = arith.muli %parallel_loop3A_138, %parallel_loop3A_948 : i32
          %parallel_loop3A_950 = arith.constant 47 : i32
          %parallel_loop3A_951 = arith.index_cast %parallel_loop3A_950 : i32 to index
          %parallel_loop3A_952 = arith.index_cast %parallel_loop3A_949 : i32 to index
          %parallel_loop3A_953 = tpu.vector_load %arg8[%parallel_loop3A_951, %parallel_loop3A_952] {strides = array<i32>} : memref<64x512xf32, #tpu.memory_space<vmem>>, vector<16xf32>,
          tpu.vector_store %arg8[%parallel_loop3A_951, %parallel_loop3A_952], %parallel_loop3A_941 {strides = array<i32>} : memref<64x512xf32, #tpu.memory_space<vmem>>, vector<16xf32>,
          %parallel_loop3A_954 = arith.constant 18432 : i32
          %parallel_loop3A_955 = tpu.memref_slice %arg5[%parallel_loop3A_954] : memref<24576xi32, #tpu.memory_space<vmem>> -> memref<768xi32, #tpu.memory_space<vmem>>
          %parallel_loop3A_956 = tpu.vector_load_idx %parallel_loop3A_955[%parallel_loop3A_147] : memref<768xi32, #tpu.memory_space<vmem>>[vector<16xi32>], vector<16xi32>,
          %parallel_loop3A_957 = arith.constant 18432 : i32
          %parallel_loop3A_958 = tpu.memref_slice %arg5[%parallel_loop3A_957] : memref<24576xi32, #tpu.memory_space<vmem>> -> memref<768xi32, #tpu.memory_space<vmem>>
          %parallel_loop3A_959 = tpu.vector_load_idx %parallel_loop3A_958[%parallel_loop3A_154] : memref<768xi32, #tpu.memory_space<vmem>>[vector<16xi32>], vector<16xi32>,
          %parallel_loop3A_960 = arith.constant 18432 : i32
          %parallel_loop3A_961 = tpu.memref_slice %arg5[%parallel_loop3A_960] : memref<24576xi32, #tpu.memory_space<vmem>> -> memref<768xi32, #tpu.memory_space<vmem>>
          %parallel_loop3A_962 = tpu.vector_load_idx %parallel_loop3A_961[%parallel_loop3A_161] : memref<768xi32, #tpu.memory_space<vmem>>[vector<16xi32>], vector<16xi32>,
          %parallel_loop3A_963 = vector.bitcast %parallel_loop3A_956 : vector<16xi32> to vector<32xbf16>
          %parallel_loop3A_964 = vector.bitcast %parallel_loop3A_959 : vector<16xi32> to vector<32xbf16>
          %parallel_loop3A_965 = arith.addf %parallel_loop3A_963, %parallel_loop3A_964 : vector<32xbf16>
          %parallel_loop3A_966 = vector.bitcast %parallel_loop3A_962 : vector<16xi32> to vector<32xbf16>
          %parallel_loop3A_967 = arith.addf %parallel_loop3A_965, %parallel_loop3A_966 : vector<32xbf16>
          %parallel_loop3A_968 = vector.bitcast %parallel_loop3A_967 : vector<32xbf16> to vector<16xi32>
          %parallel_loop3A_969 = arith.constant 16 : i32
          %parallel_loop3A_970 = vector.broadcast %parallel_loop3A_969 : i32 to vector<16xi32>
          %parallel_loop3A_971 = arith.shli %parallel_loop3A_968, %parallel_loop3A_970 : vector<16xi32>
          %parallel_loop3A_972 = vector.bitcast %parallel_loop3A_971 : vector<16xi32> to vector<16xf32>
          %parallel_loop3A_973 = arith.andi %parallel_loop3A_968, %broadcast_in_dim3A_1 : vector<16xi32>
          %parallel_loop3A_974 = vector.bitcast %parallel_loop3A_973 : vector<16xi32> to vector<16xf32>
          %parallel_loop3A_975 = arith.constant 16 : i32
          %parallel_loop3A_976 = arith.muli %parallel_loop3A_138, %parallel_loop3A_975 : i32
          %parallel_loop3A_977 = arith.constant 48 : i32
          %parallel_loop3A_978 = arith.index_cast %parallel_loop3A_977 : i32 to index
          %parallel_loop3A_979 = arith.index_cast %parallel_loop3A_976 : i32 to index
          %parallel_loop3A_980 = tpu.vector_load %arg8[%parallel_loop3A_978, %parallel_loop3A_979] {strides = array<i32>} : memref<64x512xf32, #tpu.memory_space<vmem>>, vector<16xf32>,
          tpu.vector_store %arg8[%parallel_loop3A_978, %parallel_loop3A_979], %parallel_loop3A_972 {strides = array<i32>} : memref<64x512xf32, #tpu.memory_space<vmem>>, vector<16xf32>,
          %parallel_loop3A_981 = arith.constant 16 : i32
          %parallel_loop3A_982 = arith.muli %parallel_loop3A_138, %parallel_loop3A_981 : i32
          %parallel_loop3A_983 = arith.constant 49 : i32
          %parallel_loop3A_984 = arith.index_cast %parallel_loop3A_983 : i32 to index
          %parallel_loop3A_985 = arith.index_cast %parallel_loop3A_982 : i32 to index
          %parallel_loop3A_986 = tpu.vector_load %arg8[%parallel_loop3A_984, %parallel_loop3A_985] {strides = array<i32>} : memref<64x512xf32, #tpu.memory_space<vmem>>, vector<16xf32>,
          tpu.vector_store %arg8[%parallel_loop3A_984, %parallel_loop3A_985], %parallel_loop3A_974 {strides = array<i32>} : memref<64x512xf32, #tpu.memory_space<vmem>>, vector<16xf32>,
          %parallel_loop3A_987 = arith.constant 19200 : i32
          %parallel_loop3A_988 = tpu.memref_slice %arg5[%parallel_loop3A_987] : memref<24576xi32, #tpu.memory_space<vmem>> -> memref<768xi32, #tpu.memory_space<vmem>>
          %parallel_loop3A_989 = tpu.vector_load_idx %parallel_loop3A_988[%parallel_loop3A_147] : memref<768xi32, #tpu.memory_space<vmem>>[vector<16xi32>], vector<16xi32>,
          %parallel_loop3A_990 = arith.constant 19200 : i32
          %parallel_loop3A_991 = tpu.memref_slice %arg5[%parallel_loop3A_990] : memref<24576xi32, #tpu.memory_space<vmem>> -> memref<768xi32, #tpu.memory_space<vmem>>
          %parallel_loop3A_992 = tpu.vector_load_idx %parallel_loop3A_991[%parallel_loop3A_154] : memref<768xi32, #tpu.memory_space<vmem>>[vector<16xi32>], vector<16xi32>,
          %parallel_loop3A_993 = arith.constant 19200 : i32
          %parallel_loop3A_994 = tpu.memref_slice %arg5[%parallel_loop3A_993] : memref<24576xi32, #tpu.memory_space<vmem>> -> memref<768xi32, #tpu.memory_space<vmem>>
          %parallel_loop3A_995 = tpu.vector_load_idx %parallel_loop3A_994[%parallel_loop3A_161] : memref<768xi32, #tpu.memory_space<vmem>>[vector<16xi32>], vector<16xi32>,
          %parallel_loop3A_996 = vector.bitcast %parallel_loop3A_989 : vector<16xi32> to vector<32xbf16>
          %parallel_loop3A_997 = vector.bitcast %parallel_loop3A_992 : vector<16xi32> to vector<32xbf16>
          %parallel_loop3A_998 = arith.addf %parallel_loop3A_996, %parallel_loop3A_997 : vector<32xbf16>
          %parallel_loop3A_999 = vector.bitcast %parallel_loop3A_995 : vector<16xi32> to vector<32xbf16>
          %parallel_loop3A_1000 = arith.addf %parallel_loop3A_998, %parallel_loop3A_999 : vector<32xbf16>
          %parallel_loop3A_1001 = vector.bitcast %parallel_loop3A_1000 : vector<32xbf16> to vector<16xi32>
          %parallel_loop3A_1002 = arith.constant 16 : i32
          %parallel_loop3A_1003 = vector.broadcast %parallel_loop3A_1002 : i32 to vector<16xi32>
          %parallel_loop3A_1004 = arith.shli %parallel_loop3A_1001, %parallel_loop3A_1003 : vector<16xi32>
          %parallel_loop3A_1005 = vector.bitcast %parallel_loop3A_1004 : vector<16xi32> to vector<16xf32>
          %parallel_loop3A_1006 = arith.andi %parallel_loop3A_1001, %broadcast_in_dim3A_1 : vector<16xi32>
          %parallel_loop3A_1007 = vector.bitcast %parallel_loop3A_1006 : vector<16xi32> to vector<16xf32>
          %parallel_loop3A_1008 = arith.constant 16 : i32
          %parallel_loop3A_1009 = arith.muli %parallel_loop3A_138, %parallel_loop3A_1008 : i32
          %parallel_loop3A_1010 = arith.constant 50 : i32
          %parallel_loop3A_1011 = arith.index_cast %parallel_loop3A_1010 : i32 to index
          %parallel_loop3A_1012 = arith.index_cast %parallel_loop3A_1009 : i32 to index
          %parallel_loop3A_1013 = tpu.vector_load %arg8[%parallel_loop3A_1011, %parallel_loop3A_1012] {strides = array<i32>} : memref<64x512xf32, #tpu.memory_space<vmem>>, vector<16xf32>,
          tpu.vector_store %arg8[%parallel_loop3A_1011, %parallel_loop3A_1012], %parallel_loop3A_1005 {strides = array<i32>} : memref<64x512xf32, #tpu.memory_space<vmem>>, vector<16xf32>,
          %parallel_loop3A_1014 = arith.constant 16 : i32
          %parallel_loop3A_1015 = arith.muli %parallel_loop3A_138, %parallel_loop3A_1014 : i32
          %parallel_loop3A_1016 = arith.constant 51 : i32
          %parallel_loop3A_1017 = arith.index_cast %parallel_loop3A_1016 : i32 to index
          %parallel_loop3A_1018 = arith.index_cast %parallel_loop3A_1015 : i32 to index
          %parallel_loop3A_1019 = tpu.vector_load %arg8[%parallel_loop3A_1017, %parallel_loop3A_1018] {strides = array<i32>} : memref<64x512xf32, #tpu.memory_space<vmem>>, vector<16xf32>,
          tpu.vector_store %arg8[%parallel_loop3A_1017, %parallel_loop3A_1018], %parallel_loop3A_1007 {strides = array<i32>} : memref<64x512xf32, #tpu.memory_space<vmem>>, vector<16xf32>,
          %parallel_loop3A_1020 = arith.constant 19968 : i32
          %parallel_loop3A_1021 = tpu.memref_slice %arg5[%parallel_loop3A_1020] : memref<24576xi32, #tpu.memory_space<vmem>> -> memref<768xi32, #tpu.memory_space<vmem>>
          %parallel_loop3A_1022 = tpu.vector_load_idx %parallel_loop3A_1021[%parallel_loop3A_147] : memref<768xi32, #tpu.memory_space<vmem>>[vector<16xi32>], vector<16xi32>,
          %parallel_loop3A_1023 = arith.constant 19968 : i32
          %parallel_loop3A_1024 = tpu.memref_slice %arg5[%parallel_loop3A_1023] : memref<24576xi32, #tpu.memory_space<vmem>> -> memref<768xi32, #tpu.memory_space<vmem>>
          %parallel_loop3A_1025 = tpu.vector_load_idx %parallel_loop3A_1024[%parallel_loop3A_154] : memref<768xi32, #tpu.memory_space<vmem>>[vector<16xi32>], vector<16xi32>,
          %parallel_loop3A_1026 = arith.constant 19968 : i32
          %parallel_loop3A_1027 = tpu.memref_slice %arg5[%parallel_loop3A_1026] : memref<24576xi32, #tpu.memory_space<vmem>> -> memref<768xi32, #tpu.memory_space<vmem>>
          %parallel_loop3A_1028 = tpu.vector_load_idx %parallel_loop3A_1027[%parallel_loop3A_161] : memref<768xi32, #tpu.memory_space<vmem>>[vector<16xi32>], vector<16xi32>,
          %parallel_loop3A_1029 = vector.bitcast %parallel_loop3A_1022 : vector<16xi32> to vector<32xbf16>
          %parallel_loop3A_1030 = vector.bitcast %parallel_loop3A_1025 : vector<16xi32> to vector<32xbf16>
          %parallel_loop3A_1031 = arith.addf %parallel_loop3A_1029, %parallel_loop3A_1030 : vector<32xbf16>
          %parallel_loop3A_1032 = vector.bitcast %parallel_loop3A_1028 : vector<16xi32> to vector<32xbf16>
          %parallel_loop3A_1033 = arith.addf %parallel_loop3A_1031, %parallel_loop3A_1032 : vector<32xbf16>
          %parallel_loop3A_1034 = vector.bitcast %parallel_loop3A_1033 : vector<32xbf16> to vector<16xi32>
          %parallel_loop3A_1035 = arith.constant 16 : i32
          %parallel_loop3A_1036 = vector.broadcast %parallel_loop3A_1035 : i32 to vector<16xi32>
          %parallel_loop3A_1037 = arith.shli %parallel_loop3A_1034, %parallel_loop3A_1036 : vector<16xi32>
          %parallel_loop3A_1038 = vector.bitcast %parallel_loop3A_1037 : vector<16xi32> to vector<16xf32>
          %parallel_loop3A_1039 = arith.andi %parallel_loop3A_1034, %broadcast_in_dim3A_1 : vector<16xi32>
          %parallel_loop3A_1040 = vector.bitcast %parallel_loop3A_1039 : vector<16xi32> to vector<16xf32>
          %parallel_loop3A_1041 = arith.constant 16 : i32
          %parallel_loop3A_1042 = arith.muli %parallel_loop3A_138, %parallel_loop3A_1041 : i32
          %parallel_loop3A_1043 = arith.constant 52 : i32
          %parallel_loop3A_1044 = arith.index_cast %parallel_loop3A_1043 : i32 to index
          %parallel_loop3A_1045 = arith.index_cast %parallel_loop3A_1042 : i32 to index
          %parallel_loop3A_1046 = tpu.vector_load %arg8[%parallel_loop3A_1044, %parallel_loop3A_1045] {strides = array<i32>} : memref<64x512xf32, #tpu.memory_space<vmem>>, vector<16xf32>,
          tpu.vector_store %arg8[%parallel_loop3A_1044, %parallel_loop3A_1045], %parallel_loop3A_1038 {strides = array<i32>} : memref<64x512xf32, #tpu.memory_space<vmem>>, vector<16xf32>,
          %parallel_loop3A_1047 = arith.constant 16 : i32
          %parallel_loop3A_1048 = arith.muli %parallel_loop3A_138, %parallel_loop3A_1047 : i32
          %parallel_loop3A_1049 = arith.constant 53 : i32
          %parallel_loop3A_1050 = arith.index_cast %parallel_loop3A_1049 : i32 to index
          %parallel_loop3A_1051 = arith.index_cast %parallel_loop3A_1048 : i32 to index
          %parallel_loop3A_1052 = tpu.vector_load %arg8[%parallel_loop3A_1050, %parallel_loop3A_1051] {strides = array<i32>} : memref<64x512xf32, #tpu.memory_space<vmem>>, vector<16xf32>,
          tpu.vector_store %arg8[%parallel_loop3A_1050, %parallel_loop3A_1051], %parallel_loop3A_1040 {strides = array<i32>} : memref<64x512xf32, #tpu.memory_space<vmem>>, vector<16xf32>,
          %parallel_loop3A_1053 = arith.constant 20736 : i32
          %parallel_loop3A_1054 = tpu.memref_slice %arg5[%parallel_loop3A_1053] : memref<24576xi32, #tpu.memory_space<vmem>> -> memref<768xi32, #tpu.memory_space<vmem>>
          %parallel_loop3A_1055 = tpu.vector_load_idx %parallel_loop3A_1054[%parallel_loop3A_147] : memref<768xi32, #tpu.memory_space<vmem>>[vector<16xi32>], vector<16xi32>,
          %parallel_loop3A_1056 = arith.constant 20736 : i32
          %parallel_loop3A_1057 = tpu.memref_slice %arg5[%parallel_loop3A_1056] : memref<24576xi32, #tpu.memory_space<vmem>> -> memref<768xi32, #tpu.memory_space<vmem>>
          %parallel_loop3A_1058 = tpu.vector_load_idx %parallel_loop3A_1057[%parallel_loop3A_154] : memref<768xi32, #tpu.memory_space<vmem>>[vector<16xi32>], vector<16xi32>,
          %parallel_loop3A_1059 = arith.constant 20736 : i32
          %parallel_loop3A_1060 = tpu.memref_slice %arg5[%parallel_loop3A_1059] : memref<24576xi32, #tpu.memory_space<vmem>> -> memref<768xi32, #tpu.memory_space<vmem>>
          %parallel_loop3A_1061 = tpu.vector_load_idx %parallel_loop3A_1060[%parallel_loop3A_161] : memref<768xi32, #tpu.memory_space<vmem>>[vector<16xi32>], vector<16xi32>,
          %parallel_loop3A_1062 = vector.bitcast %parallel_loop3A_1055 : vector<16xi32> to vector<32xbf16>
          %parallel_loop3A_1063 = vector.bitcast %parallel_loop3A_1058 : vector<16xi32> to vector<32xbf16>
          %parallel_loop3A_1064 = arith.addf %parallel_loop3A_1062, %parallel_loop3A_1063 : vector<32xbf16>
          %parallel_loop3A_1065 = vector.bitcast %parallel_loop3A_1061 : vector<16xi32> to vector<32xbf16>
          %parallel_loop3A_1066 = arith.addf %parallel_loop3A_1064, %parallel_loop3A_1065 : vector<32xbf16>
          %parallel_loop3A_1067 = vector.bitcast %parallel_loop3A_1066 : vector<32xbf16> to vector<16xi32>
          %parallel_loop3A_1068 = arith.constant 16 : i32
          %parallel_loop3A_1069 = vector.broadcast %parallel_loop3A_1068 : i32 to vector<16xi32>
          %parallel_loop3A_1070 = arith.shli %parallel_loop3A_1067, %parallel_loop3A_1069 : vector<16xi32>
          %parallel_loop3A_1071 = vector.bitcast %parallel_loop3A_1070 : vector<16xi32> to vector<16xf32>
          %parallel_loop3A_1072 = arith.andi %parallel_loop3A_1067, %broadcast_in_dim3A_1 : vector<16xi32>
          %parallel_loop3A_1073 = vector.bitcast %parallel_loop3A_1072 : vector<16xi32> to vector<16xf32>
          %parallel_loop3A_1074 = arith.constant 16 : i32
          %parallel_loop3A_1075 = arith.muli %parallel_loop3A_138, %parallel_loop3A_1074 : i32
          %parallel_loop3A_1076 = arith.constant 54 : i32
          %parallel_loop3A_1077 = arith.index_cast %parallel_loop3A_1076 : i32 to index
          %parallel_loop3A_1078 = arith.index_cast %parallel_loop3A_1075 : i32 to index
          %parallel_loop3A_1079 = tpu.vector_load %arg8[%parallel_loop3A_1077, %parallel_loop3A_1078] {strides = array<i32>} : memref<64x512xf32, #tpu.memory_space<vmem>>, vector<16xf32>,
          tpu.vector_store %arg8[%parallel_loop3A_1077, %parallel_loop3A_1078], %parallel_loop3A_1071 {strides = array<i32>} : memref<64x512xf32, #tpu.memory_space<vmem>>, vector<16xf32>,
          %parallel_loop3A_1080 = arith.constant 16 : i32
          %parallel_loop3A_1081 = arith.muli %parallel_loop3A_138, %parallel_loop3A_1080 : i32
          %parallel_loop3A_1082 = arith.constant 55 : i32
          %parallel_loop3A_1083 = arith.index_cast %parallel_loop3A_1082 : i32 to index
          %parallel_loop3A_1084 = arith.index_cast %parallel_loop3A_1081 : i32 to index
          %parallel_loop3A_1085 = tpu.vector_load %arg8[%parallel_loop3A_1083, %parallel_loop3A_1084] {strides = array<i32>} : memref<64x512xf32, #tpu.memory_space<vmem>>, vector<16xf32>,
          tpu.vector_store %arg8[%parallel_loop3A_1083, %parallel_loop3A_1084], %parallel_loop3A_1073 {strides = array<i32>} : memref<64x512xf32, #tpu.memory_space<vmem>>, vector<16xf32>,
          %parallel_loop3A_1086 = arith.constant 21504 : i32
          %parallel_loop3A_1087 = tpu.memref_slice %arg5[%parallel_loop3A_1086] : memref<24576xi32, #tpu.memory_space<vmem>> -> memref<768xi32, #tpu.memory_space<vmem>>
          %parallel_loop3A_1088 = tpu.vector_load_idx %parallel_loop3A_1087[%parallel_loop3A_147] : memref<768xi32, #tpu.memory_space<vmem>>[vector<16xi32>], vector<16xi32>,
          %parallel_loop3A_1089 = arith.constant 21504 : i32
          %parallel_loop3A_1090 = tpu.memref_slice %arg5[%parallel_loop3A_1089] : memref<24576xi32, #tpu.memory_space<vmem>> -> memref<768xi32, #tpu.memory_space<vmem>>
          %parallel_loop3A_1091 = tpu.vector_load_idx %parallel_loop3A_1090[%parallel_loop3A_154] : memref<768xi32, #tpu.memory_space<vmem>>[vector<16xi32>], vector<16xi32>,
          %parallel_loop3A_1092 = arith.constant 21504 : i32
          %parallel_loop3A_1093 = tpu.memref_slice %arg5[%parallel_loop3A_1092] : memref<24576xi32, #tpu.memory_space<vmem>> -> memref<768xi32, #tpu.memory_space<vmem>>
          %parallel_loop3A_1094 = tpu.vector_load_idx %parallel_loop3A_1093[%parallel_loop3A_161] : memref<768xi32, #tpu.memory_space<vmem>>[vector<16xi32>], vector<16xi32>,
          %parallel_loop3A_1095 = vector.bitcast %parallel_loop3A_1088 : vector<16xi32> to vector<32xbf16>
          %parallel_loop3A_1096 = vector.bitcast %parallel_loop3A_1091 : vector<16xi32> to vector<32xbf16>
          %parallel_loop3A_1097 = arith.addf %parallel_loop3A_1095, %parallel_loop3A_1096 : vector<32xbf16>
          %parallel_loop3A_1098 = vector.bitcast %parallel_loop3A_1094 : vector<16xi32> to vector<32xbf16>
          %parallel_loop3A_1099 = arith.addf %parallel_loop3A_1097, %parallel_loop3A_1098 : vector<32xbf16>
          %parallel_loop3A_1100 = vector.bitcast %parallel_loop3A_1099 : vector<32xbf16> to vector<16xi32>
          %parallel_loop3A_1101 = arith.constant 16 : i32
          %parallel_loop3A_1102 = vector.broadcast %parallel_loop3A_1101 : i32 to vector<16xi32>
          %parallel_loop3A_1103 = arith.shli %parallel_loop3A_1100, %parallel_loop3A_1102 : vector<16xi32>
          %parallel_loop3A_1104 = vector.bitcast %parallel_loop3A_1103 : vector<16xi32> to vector<16xf32>
          %parallel_loop3A_1105 = arith.andi %parallel_loop3A_1100, %broadcast_in_dim3A_1 : vector<16xi32>
          %parallel_loop3A_1106 = vector.bitcast %parallel_loop3A_1105 : vector<16xi32> to vector<16xf32>
          %parallel_loop3A_1107 = arith.constant 16 : i32
          %parallel_loop3A_1108 = arith.muli %parallel_loop3A_138, %parallel_loop3A_1107 : i32
          %parallel_loop3A_1109 = arith.constant 56 : i32
          %parallel_loop3A_1110 = arith.index_cast %parallel_loop3A_1109 : i32 to index
          %parallel_loop3A_1111 = arith.index_cast %parallel_loop3A_1108 : i32 to index
          %parallel_loop3A_1112 = tpu.vector_load %arg8[%parallel_loop3A_1110, %parallel_loop3A_1111] {strides = array<i32>} : memref<64x512xf32, #tpu.memory_space<vmem>>, vector<16xf32>,
          tpu.vector_store %arg8[%parallel_loop3A_1110, %parallel_loop3A_1111], %parallel_loop3A_1104 {strides = array<i32>} : memref<64x512xf32, #tpu.memory_space<vmem>>, vector<16xf32>,
          %parallel_loop3A_1113 = arith.constant 16 : i32
          %parallel_loop3A_1114 = arith.muli %parallel_loop3A_138, %parallel_loop3A_1113 : i32
          %parallel_loop3A_1115 = arith.constant 57 : i32
          %parallel_loop3A_1116 = arith.index_cast %parallel_loop3A_1115 : i32 to index
          %parallel_loop3A_1117 = arith.index_cast %parallel_loop3A_1114 : i32 to index
          %parallel_loop3A_1118 = tpu.vector_load %arg8[%parallel_loop3A_1116, %parallel_loop3A_1117] {strides = array<i32>} : memref<64x512xf32, #tpu.memory_space<vmem>>, vector<16xf32>,
          tpu.vector_store %arg8[%parallel_loop3A_1116, %parallel_loop3A_1117], %parallel_loop3A_1106 {strides = array<i32>} : memref<64x512xf32, #tpu.memory_space<vmem>>, vector<16xf32>,
          %parallel_loop3A_1119 = arith.constant 22272 : i32
          %parallel_loop3A_1120 = tpu.memref_slice %arg5[%parallel_loop3A_1119] : memref<24576xi32, #tpu.memory_space<vmem>> -> memref<768xi32, #tpu.memory_space<vmem>>
          %parallel_loop3A_1121 = tpu.vector_load_idx %parallel_loop3A_1120[%parallel_loop3A_147] : memref<768xi32, #tpu.memory_space<vmem>>[vector<16xi32>], vector<16xi32>,
          %parallel_loop3A_1122 = arith.constant 22272 : i32
          %parallel_loop3A_1123 = tpu.memref_slice %arg5[%parallel_loop3A_1122] : memref<24576xi32, #tpu.memory_space<vmem>> -> memref<768xi32, #tpu.memory_space<vmem>>
          %parallel_loop3A_1124 = tpu.vector_load_idx %parallel_loop3A_1123[%parallel_loop3A_154] : memref<768xi32, #tpu.memory_space<vmem>>[vector<16xi32>], vector<16xi32>,
          %parallel_loop3A_1125 = arith.constant 22272 : i32
          %parallel_loop3A_1126 = tpu.memref_slice %arg5[%parallel_loop3A_1125] : memref<24576xi32, #tpu.memory_space<vmem>> -> memref<768xi32, #tpu.memory_space<vmem>>
          %parallel_loop3A_1127 = tpu.vector_load_idx %parallel_loop3A_1126[%parallel_loop3A_161] : memref<768xi32, #tpu.memory_space<vmem>>[vector<16xi32>], vector<16xi32>,
          %parallel_loop3A_1128 = vector.bitcast %parallel_loop3A_1121 : vector<16xi32> to vector<32xbf16>
          %parallel_loop3A_1129 = vector.bitcast %parallel_loop3A_1124 : vector<16xi32> to vector<32xbf16>
          %parallel_loop3A_1130 = arith.addf %parallel_loop3A_1128, %parallel_loop3A_1129 : vector<32xbf16>
          %parallel_loop3A_1131 = vector.bitcast %parallel_loop3A_1127 : vector<16xi32> to vector<32xbf16>
          %parallel_loop3A_1132 = arith.addf %parallel_loop3A_1130, %parallel_loop3A_1131 : vector<32xbf16>
          %parallel_loop3A_1133 = vector.bitcast %parallel_loop3A_1132 : vector<32xbf16> to vector<16xi32>
          %parallel_loop3A_1134 = arith.constant 16 : i32
          %parallel_loop3A_1135 = vector.broadcast %parallel_loop3A_1134 : i32 to vector<16xi32>
          %parallel_loop3A_1136 = arith.shli %parallel_loop3A_1133, %parallel_loop3A_1135 : vector<16xi32>
          %parallel_loop3A_1137 = vector.bitcast %parallel_loop3A_1136 : vector<16xi32> to vector<16xf32>
          %parallel_loop3A_1138 = arith.andi %parallel_loop3A_1133, %broadcast_in_dim3A_1 : vector<16xi32>
          %parallel_loop3A_1139 = vector.bitcast %parallel_loop3A_1138 : vector<16xi32> to vector<16xf32>
          %parallel_loop3A_1140 = arith.constant 16 : i32
          %parallel_loop3A_1141 = arith.muli %parallel_loop3A_138, %parallel_loop3A_1140 : i32
          %parallel_loop3A_1142 = arith.constant 58 : i32
          %parallel_loop3A_1143 = arith.index_cast %parallel_loop3A_1142 : i32 to index
          %parallel_loop3A_1144 = arith.index_cast %parallel_loop3A_1141 : i32 to index
          %parallel_loop3A_1145 = tpu.vector_load %arg8[%parallel_loop3A_1143, %parallel_loop3A_1144] {strides = array<i32>} : memref<64x512xf32, #tpu.memory_space<vmem>>, vector<16xf32>,
          tpu.vector_store %arg8[%parallel_loop3A_1143, %parallel_loop3A_1144], %parallel_loop3A_1137 {strides = array<i32>} : memref<64x512xf32, #tpu.memory_space<vmem>>, vector<16xf32>,
          %parallel_loop3A_1146 = arith.constant 16 : i32
          %parallel_loop3A_1147 = arith.muli %parallel_loop3A_138, %parallel_loop3A_1146 : i32
          %parallel_loop3A_1148 = arith.constant 59 : i32
          %parallel_loop3A_1149 = arith.index_cast %parallel_loop3A_1148 : i32 to index
          %parallel_loop3A_1150 = arith.index_cast %parallel_loop3A_1147 : i32 to index
          %parallel_loop3A_1151 = tpu.vector_load %arg8[%parallel_loop3A_1149, %parallel_loop3A_1150] {strides = array<i32>} : memref<64x512xf32, #tpu.memory_space<vmem>>, vector<16xf32>,
          tpu.vector_store %arg8[%parallel_loop3A_1149, %parallel_loop3A_1150], %parallel_loop3A_1139 {strides = array<i32>} : memref<64x512xf32, #tpu.memory_space<vmem>>, vector<16xf32>,
          %parallel_loop3A_1152 = arith.constant 23040 : i32
          %parallel_loop3A_1153 = tpu.memref_slice %arg5[%parallel_loop3A_1152] : memref<24576xi32, #tpu.memory_space<vmem>> -> memref<768xi32, #tpu.memory_space<vmem>>
          %parallel_loop3A_1154 = tpu.vector_load_idx %parallel_loop3A_1153[%parallel_loop3A_147] : memref<768xi32, #tpu.memory_space<vmem>>[vector<16xi32>], vector<16xi32>,
          %parallel_loop3A_1155 = arith.constant 23040 : i32
          %parallel_loop3A_1156 = tpu.memref_slice %arg5[%parallel_loop3A_1155] : memref<24576xi32, #tpu.memory_space<vmem>> -> memref<768xi32, #tpu.memory_space<vmem>>
          %parallel_loop3A_1157 = tpu.vector_load_idx %parallel_loop3A_1156[%parallel_loop3A_154] : memref<768xi32, #tpu.memory_space<vmem>>[vector<16xi32>], vector<16xi32>,
          %parallel_loop3A_1158 = arith.constant 23040 : i32
          %parallel_loop3A_1159 = tpu.memref_slice %arg5[%parallel_loop3A_1158] : memref<24576xi32, #tpu.memory_space<vmem>> -> memref<768xi32, #tpu.memory_space<vmem>>
          %parallel_loop3A_1160 = tpu.vector_load_idx %parallel_loop3A_1159[%parallel_loop3A_161] : memref<768xi32, #tpu.memory_space<vmem>>[vector<16xi32>], vector<16xi32>,
          %parallel_loop3A_1161 = vector.bitcast %parallel_loop3A_1154 : vector<16xi32> to vector<32xbf16>
          %parallel_loop3A_1162 = vector.bitcast %parallel_loop3A_1157 : vector<16xi32> to vector<32xbf16>
          %parallel_loop3A_1163 = arith.addf %parallel_loop3A_1161, %parallel_loop3A_1162 : vector<32xbf16>
          %parallel_loop3A_1164 = vector.bitcast %parallel_loop3A_1160 : vector<16xi32> to vector<32xbf16>
          %parallel_loop3A_1165 = arith.addf %parallel_loop3A_1163, %parallel_loop3A_1164 : vector<32xbf16>
          %parallel_loop3A_1166 = vector.bitcast %parallel_loop3A_1165 : vector<32xbf16> to vector<16xi32>
          %parallel_loop3A_1167 = arith.constant 16 : i32
          %parallel_loop3A_1168 = vector.broadcast %parallel_loop3A_1167 : i32 to vector<16xi32>
          %parallel_loop3A_1169 = arith.shli %parallel_loop3A_1166, %parallel_loop3A_1168 : vector<16xi32>
          %parallel_loop3A_1170 = vector.bitcast %parallel_loop3A_1169 : vector<16xi32> to vector<16xf32>
          %parallel_loop3A_1171 = arith.andi %parallel_loop3A_1166, %broadcast_in_dim3A_1 : vector<16xi32>
          %parallel_loop3A_1172 = vector.bitcast %parallel_loop3A_1171 : vector<16xi32> to vector<16xf32>
          %parallel_loop3A_1173 = arith.constant 16 : i32
          %parallel_loop3A_1174 = arith.muli %parallel_loop3A_138, %parallel_loop3A_1173 : i32
          %parallel_loop3A_1175 = arith.constant 60 : i32
          %parallel_loop3A_1176 = arith.index_cast %parallel_loop3A_1175 : i32 to index
          %parallel_loop3A_1177 = arith.index_cast %parallel_loop3A_1174 : i32 to index
          %parallel_loop3A_1178 = tpu.vector_load %arg8[%parallel_loop3A_1176, %parallel_loop3A_1177] {strides = array<i32>} : memref<64x512xf32, #tpu.memory_space<vmem>>, vector<16xf32>,
          tpu.vector_store %arg8[%parallel_loop3A_1176, %parallel_loop3A_1177], %parallel_loop3A_1170 {strides = array<i32>} : memref<64x512xf32, #tpu.memory_space<vmem>>, vector<16xf32>,
          %parallel_loop3A_1179 = arith.constant 16 : i32
          %parallel_loop3A_1180 = arith.muli %parallel_loop3A_138, %parallel_loop3A_1179 : i32
          %parallel_loop3A_1181 = arith.constant 61 : i32
          %parallel_loop3A_1182 = arith.index_cast %parallel_loop3A_1181 : i32 to index
          %parallel_loop3A_1183 = arith.index_cast %parallel_loop3A_1180 : i32 to index
          %parallel_loop3A_1184 = tpu.vector_load %arg8[%parallel_loop3A_1182, %parallel_loop3A_1183] {strides = array<i32>} : memref<64x512xf32, #tpu.memory_space<vmem>>, vector<16xf32>,
          tpu.vector_store %arg8[%parallel_loop3A_1182, %parallel_loop3A_1183], %parallel_loop3A_1172 {strides = array<i32>} : memref<64x512xf32, #tpu.memory_space<vmem>>, vector<16xf32>,
          %parallel_loop3A_1185 = arith.constant 23808 : i32
          %parallel_loop3A_1186 = tpu.memref_slice %arg5[%parallel_loop3A_1185] : memref<24576xi32, #tpu.memory_space<vmem>> -> memref<768xi32, #tpu.memory_space<vmem>>
          %parallel_loop3A_1187 = tpu.vector_load_idx %parallel_loop3A_1186[%parallel_loop3A_147] : memref<768xi32, #tpu.memory_space<vmem>>[vector<16xi32>], vector<16xi32>,
          %parallel_loop3A_1188 = arith.constant 23808 : i32
          %parallel_loop3A_1189 = tpu.memref_slice %arg5[%parallel_loop3A_1188] : memref<24576xi32, #tpu.memory_space<vmem>> -> memref<768xi32, #tpu.memory_space<vmem>>
          %parallel_loop3A_1190 = tpu.vector_load_idx %parallel_loop3A_1189[%parallel_loop3A_154] : memref<768xi32, #tpu.memory_space<vmem>>[vector<16xi32>], vector<16xi32>,
          %parallel_loop3A_1191 = arith.constant 23808 : i32
          %parallel_loop3A_1192 = tpu.memref_slice %arg5[%parallel_loop3A_1191] : memref<24576xi32, #tpu.memory_space<vmem>> -> memref<768xi32, #tpu.memory_space<vmem>>
          %parallel_loop3A_1193 = tpu.vector_load_idx %parallel_loop3A_1192[%parallel_loop3A_161] : memref<768xi32, #tpu.memory_space<vmem>>[vector<16xi32>], vector<16xi32>,
          %parallel_loop3A_1194 = vector.bitcast %parallel_loop3A_1187 : vector<16xi32> to vector<32xbf16>
          %parallel_loop3A_1195 = vector.bitcast %parallel_loop3A_1190 : vector<16xi32> to vector<32xbf16>
          %parallel_loop3A_1196 = arith.addf %parallel_loop3A_1194, %parallel_loop3A_1195 : vector<32xbf16>
          %parallel_loop3A_1197 = vector.bitcast %parallel_loop3A_1193 : vector<16xi32> to vector<32xbf16>
          %parallel_loop3A_1198 = arith.addf %parallel_loop3A_1196, %parallel_loop3A_1197 : vector<32xbf16>
          %parallel_loop3A_1199 = vector.bitcast %parallel_loop3A_1198 : vector<32xbf16> to vector<16xi32>
          %parallel_loop3A_1200 = arith.constant 16 : i32
          %parallel_loop3A_1201 = vector.broadcast %parallel_loop3A_1200 : i32 to vector<16xi32>
          %parallel_loop3A_1202 = arith.shli %parallel_loop3A_1199, %parallel_loop3A_1201 : vector<16xi32>
          %parallel_loop3A_1203 = vector.bitcast %parallel_loop3A_1202 : vector<16xi32> to vector<16xf32>
          %parallel_loop3A_1204 = arith.andi %parallel_loop3A_1199, %broadcast_in_dim3A_1 : vector<16xi32>
          %parallel_loop3A_1205 = vector.bitcast %parallel_loop3A_1204 : vector<16xi32> to vector<16xf32>
          %parallel_loop3A_1206 = arith.constant 16 : i32
          %parallel_loop3A_1207 = arith.muli %parallel_loop3A_138, %parallel_loop3A_1206 : i32
          %parallel_loop3A_1208 = arith.constant 62 : i32
          %parallel_loop3A_1209 = arith.index_cast %parallel_loop3A_1208 : i32 to index
          %parallel_loop3A_1210 = arith.index_cast %parallel_loop3A_1207 : i32 to index
          %parallel_loop3A_1211 = tpu.vector_load %arg8[%parallel_loop3A_1209, %parallel_loop3A_1210] {strides = array<i32>} : memref<64x512xf32, #tpu.memory_space<vmem>>, vector<16xf32>,
          tpu.vector_store %arg8[%parallel_loop3A_1209, %parallel_loop3A_1210], %parallel_loop3A_1203 {strides = array<i32>} : memref<64x512xf32, #tpu.memory_space<vmem>>, vector<16xf32>,
          %parallel_loop3A_1212 = arith.constant 16 : i32
          %parallel_loop3A_1213 = arith.muli %parallel_loop3A_138, %parallel_loop3A_1212 : i32
          %parallel_loop3A_1214 = arith.constant 63 : i32
          %parallel_loop3A_1215 = arith.index_cast %parallel_loop3A_1214 : i32 to index
          %parallel_loop3A_1216 = arith.index_cast %parallel_loop3A_1213 : i32 to index
          %parallel_loop3A_1217 = tpu.vector_load %arg8[%parallel_loop3A_1215, %parallel_loop3A_1216] {strides = array<i32>} : memref<64x512xf32, #tpu.memory_space<vmem>>, vector<16xf32>,
          tpu.vector_store %arg8[%parallel_loop3A_1215, %parallel_loop3A_1216], %parallel_loop3A_1205 {strides = array<i32>} : memref<64x512xf32, #tpu.memory_space<vmem>>, vector<16xf32>,
        } {sc.loop_unroll_factor = 4 : i64, sc.parallel_access}
        %mul3A_91 = arith.constant 8 : i32
        %mul3A_92 = arith.muli %add3A, %mul3A_91 : i32
        %jit3A_93 = arith.constant 8 : i32
        %div3A = arith.divsi %scan3A_30, %jit3A_93 : i32
        %sign3A = arith.constant 0 : i32
        %sign3A_94 = arith.cmpi sgt, %scan3A_30, %sign3A : i32
        %sign3A_95 = arith.extui %sign3A_94 : i1 to i32
        %sign3A_96 = arith.constant 0 : i32
        %sign3A_97 = arith.cmpi slt, %scan3A_30, %sign3A_96 : i32
        %sign3A_98 = arith.extui %sign3A_97 : i1 to i32
        %sign3A_99 = arith.subi %sign3A_95, %sign3A_98 : i32
        %sign3A_100 = arith.constant 0 : i32
        %sign3A_101 = arith.cmpi sgt, %jit3A_93, %sign3A_100 : i32
        %sign3A_102 = arith.extui %sign3A_101 : i1 to i32
        %sign3A_103 = arith.constant 0 : i32
        %sign3A_104 = arith.cmpi slt, %jit3A_93, %sign3A_103 : i32
        %sign3A_105 = arith.extui %sign3A_104 : i1 to i32
        %sign3A_106 = arith.subi %sign3A_102, %sign3A_105 : i32
        %ne3A_107 = arith.cmpi ne, %sign3A_99, %sign3A_106 : i32
        %rem3A_108 = arith.remsi %scan3A_30, %jit3A_93 : i32
        %ne3A_109 = arith.constant 0 : i32
        %ne3A_110 = arith.cmpi ne, %rem3A_108, %ne3A_109 : i32
        %and3A_111 = arith.andi %ne3A_107, %ne3A_110 : i1
        %sub3A = arith.constant 1 : i32
        %sub3A_112 = arith.subi %div3A, %sub3A : i32
        %select_n3A_113 = arith.select %and3A_111, %sub3A_112, %div3A : i32
        %add3A_114 = arith.addi %mul3A_92, %select_n3A_113 : i32
        %jit3A_115 = arith.constant 8 : i32
        %eq3A_116 = arith.constant 0 : i32
        %eq3A_117 = arith.cmpi eq, %jit3A_115, %eq3A_116 : i32
        %jit3A_118 = arith.constant 1 : i32
        %select_n3A_119 = arith.select %eq3A_117, %jit3A_118, %jit3A_115 : i32
        %rem3A_120 = arith.remsi %scan3A_30, %select_n3A_119 : i32
        %ne3A_121 = arith.constant 0 : i32
        %ne3A_122 = arith.cmpi ne, %rem3A_120, %ne3A_121 : i32
        %lt3A_123 = arith.constant 0 : i32
        %lt3A_124 = arith.cmpi slt, %rem3A_120, %lt3A_123 : i32
        %lt3A_125 = arith.constant 0 : i32
        %lt3A_126 = arith.cmpi slt, %select_n3A_119, %lt3A_125 : i32
        %ne3A_127 = arith.xori %lt3A_124, %lt3A_126 : i1
        %and3A_128 = arith.andi %ne3A_127, %ne3A_122 : i1
        %add3A_129 = arith.addi %rem3A_120, %select_n3A_119 : i32
        %select_n3A_130 = arith.select %and3A_128, %add3A_129, %rem3A_120 : i32
        %mul3A_131 = arith.constant 512 : i32
        %mul3A_132 = arith.muli %select_n3A_130, %mul3A_131 : i32
        %dma_start3A = arith.constant 0 : i32
        %dma_start3A_133 = tpu.memref_slice %arg4[%add3A_114, %dma_start3A, %mul3A_132] : memref<256x64x4096xf32, #tpu.memory_space<hbm>> -> memref<1x64x512xf32, #tpu.memory_space<hbm>>
        %dma_start3A_134 = tpu.memref_squeeze %dma_start3A_133 : memref<1x64x512xf32, #tpu.memory_space<hbm>> -> memref<64x512xf32, #tpu.memory_space<hbm>>
        %dma_start3A_135 = arith.constant 0 : i32
        %dma_start3A_136 = tpu.memref_slice %arg4[%add3A_114, %dma_start3A_135, %mul3A_132] : memref<256x64x4096xf32, #tpu.memory_space<hbm>> -> memref<1x64x512xf32, #tpu.memory_space<hbm>>
        %dma_start3A_137 = tpu.memref_squeeze %dma_start3A_136 : memref<1x64x512xf32, #tpu.memory_space<hbm>> -> memref<64x512xf32, #tpu.memory_space<hbm>>
        tpu.enqueue_dma source(%arg8 : memref<64x512xf32, #tpu.memory_space<vmem>>) target(%dma_start3A_137 : memref<64x512xf32, #tpu.memory_space<hbm>>) target_semaphore(%arg10 : memref<!tpu.dma_semaphore, #tpu.memory_space<semaphore_mem>>)
      } else {
      }
    }
    %scan3A_6 = arith.constant 64 : i32
    %mul3A_7 = arith.constant 8 : i32
    %mul3A_8 = arith.muli %add3A, %mul3A_7 : i32
    %add3A_9 = arith.constant 7 : i32
    %add3A_10 = arith.addi %mul3A_8, %add3A_9 : i32
    %dma_wait3A = arith.constant 0 : i32
    %dma_wait3A_11 = arith.constant 3072 : i32
    %dma_wait3A_12 = tpu.memref_slice %arg4[%add3A_10, %dma_wait3A, %dma_wait3A_11] : memref<256x64x4096xf32, #tpu.memory_space<hbm>> -> memref<1x64x512xf32, #tpu.memory_space<hbm>>
    %dma_wait3A_13 = tpu.memref_squeeze %dma_wait3A_12 : memref<1x64x512xf32, #tpu.memory_space<hbm>> -> memref<64x512xf32, #tpu.memory_space<hbm>>
    %dma_wait3A_14 = arith.constant 0 : i32
    %dma_wait3A_15 = arith.constant 3072 : i32
    %dma_wait3A_16 = tpu.memref_slice %arg4[%add3A_10, %dma_wait3A_14, %dma_wait3A_15] : memref<256x64x4096xf32, #tpu.memory_space<hbm>> -> memref<1x64x512xf32, #tpu.memory_space<hbm>>
    %dma_wait3A_17 = tpu.memref_squeeze %dma_wait3A_16 : memref<1x64x512xf32, #tpu.memory_space<hbm>> -> memref<64x512xf32, #tpu.memory_space<hbm>>
    tpu.wait_dma2 semaphore(%arg9 : memref<!tpu.dma_semaphore, #tpu.memory_space<semaphore_mem>>) src(%arg7 : memref<64x512xf32, #tpu.memory_space<vmem>>) dst(%dma_wait3A_17 : memref<64x512xf32, #tpu.memory_space<hbm>>)
    %mul3A_18 = arith.constant 8 : i32
    %mul3A_19 = arith.muli %add3A, %mul3A_18 : i32
    %add3A_20 = arith.constant 7 : i32
    %add3A_21 = arith.addi %mul3A_19, %add3A_20 : i32
    %dma_wait3A_22 = arith.constant 0 : i32
    %dma_wait3A_23 = arith.constant 3584 : i32
    %dma_wait3A_24 = tpu.memref_slice %arg4[%add3A_21, %dma_wait3A_22, %dma_wait3A_23] : memref<256x64x4096xf32, #tpu.memory_space<hbm>> -> memref<1x64x512xf32, #tpu.memory_space<hbm>>
    %dma_wait3A_25 = tpu.memref_squeeze %dma_wait3A_24 : memref<1x64x512xf32, #tpu.memory_space<hbm>> -> memref<64x512xf32, #tpu.memory_space<hbm>>
    %dma_wait3A_26 = arith.constant 0 : i32
    %dma_wait3A_27 = arith.constant 3584 : i32
    %dma_wait3A_28 = tpu.memref_slice %arg4[%add3A_21, %dma_wait3A_26, %dma_wait3A_27] : memref<256x64x4096xf32, #tpu.memory_space<hbm>> -> memref<1x64x512xf32, #tpu.memory_space<hbm>>
    %dma_wait3A_29 = tpu.memref_squeeze %dma_wait3A_28 : memref<1x64x512xf32, #tpu.memory_space<hbm>> -> memref<64x512xf32, #tpu.memory_space<hbm>>
    tpu.wait_dma2 semaphore(%arg10 : memref<!tpu.dma_semaphore, #tpu.memory_space<semaphore_mem>>) src(%arg8 : memref<64x512xf32, #tpu.memory_space<vmem>>) dst(%dma_wait3A_29 : memref<64x512xf32, #tpu.memory_space<hbm>>)
    return
  }
}

</mosaic_0001>

<sc_bundles>
// kernel: kernel.3.cloned.1.call-start
scs
__scs_entry_jumppad:
0x0: {  	(pc) =	sbr.rel $0x88, $3  }
0x1: {  	(tag) =	ssettag $0x0;
	lr =	simm.s32 $0x1  }
0x2: {  	[smem:$0x3F9F] =	sst lr;
	_ =	strace $0xD0000000  }
0x3: {  	_ = 	snop  }
0x4: {  	_ = 	snop  }
0x5: {  	_ = 	snop  }
0x6: {  	_ = 	snop  }
0x7: {  	_ = 	snop  }
__scs_overlays_trampoline_lowered:
0x8: {  	[smem:$0x3FAE] =	sst s0  }
0x9: {  	[smem:$0x3FAF] =	sst s1  }
0xa: {  	[smem:$0x3FB0] =	sst s2  }
0xb: {  	[smem:$0x3FB1] =	sst s3  }
0xc: {  	[smem:$0x3FB2] =	sst s4  }
0xd: {  	[smem:$0x3FB3] =	sst s5  }
0xe: {  	[smem:$0x3FB4] =	sst s6  }
0xf: {  	[smem:$0x3FB5] =	sst s7  }
0x10: {  	[smem:$0x3FB6] =	sst s8  }
0x11: {  	[smem:$0x3FB7] =	sst s9;
	s0 =	simm.s32 @!p0 $0x0  }
0x12: {  	s1 =	sld [smem:$0x3F9D];
	s0 =	simm.s32 @p0 $0x1  }
0x13: {  	[smem:$0x3FB8] =	sst s0;
	s0 =	simm.s32 @!p1 $0x0  }
0x14: {  	s2 =	sld [smem:$0x3F9C];
	s0 =	simm.s32 @p1 $0x1  }
0x15: {  	[smem:$0x3FB9] =	sst s0;
	s0 =	simm.s32 @!p2 $0x0  }
0x16: {  	s3 =	sld [smem:$0x3FDB];
	s0 =	simm.s32 @p2 $0x1  }
0x17: {  	s4 =	simm.s32 $0x1BF5;
	[smem:$0x3FBB] =	sst s0  }
0x18: {  	s0 =	sld [smem:$0x3F9E];
	_ =	swait.ge [sflag:s4], $0x0  }
0x19: {  	s7 =	sld [smem:$0x3F9F]  }
0x1a: {  	s8 =	sadd.s32 $0xFFFFE003, lr  }
0x1b: {  	s9 =	sadd.s32 $0xFFFFFEF7, lr;
	s5 =	simm.s32 $0xFFFFFFFF;
	p2 =	slt.u32 s8, $0xFFFFF086  }
0x1c: {  	p1 =	slt.u32 s9, $0xF7A;
	s5 =	simm.s32 @!p2 $0x0  }
0x1d: {  	s5 =	simm.s32 @p1 $0x1;
	p0 =	seq.s32 s7, s2  }
0x1e: {  	s7 =	smul.u32 @!p0 $0xF7A, s2;
	p2 =	seq.s32 @!p0 s5, $0x0  }
0x1f: {  	s9 =	smul.u32 $0xF7A, s1;
	s8 =	simm.s32 @!p0 $0x1BF5;
	p2 =	por !p2, p0  }
0x20: {  	[sflag:s8] =	ssyncset.s32 @!p0 $0xFFFFF086;
	s6 =	sadd.s32 @!p0 s3, s7;
	s7 =	simm.s32 @!p0 $0x108  }
0x21: {  	s3 =	sadd.s32 s3, s9;
	s6 =	sadd.s32 @!p0 $0x88, s6;
	s7 =	simm.s32 @p2 $0x1082  }
0x22: {  	[simem:s7], [sflag:s8] =	dma.local @!p0 [hbm:s6], $0xF7A  }
0x23: {  	s9 =	sor.u32 $0xD0000000, s2;
	s6 =	simm.s32 $0x108;
	_ =	swait.ge @!p0 [sflag:s8], $0x0  }
0x24: {  	s3 =	sadd.s32 $0x88, s3;
	s6 =	simm.s32 @!p1 $0x1082;
	[sflag:s4] =	ssyncset.s32 $0xFFFFF086  }
0x25: {  	[simem:s6], [sflag:s4] =	dma.local [hbm:s3], $0xF7A  }
0x26: {  	[smem:$0x3F9F] =	sst s1;
	(tag) =	ssettag s2;
	_ =	strace s9  }
0x27: {  	s1 =	sld [smem:$0x3FAF]  }
0x28: {  	s2 =	sld [smem:$0x3FB0]  }
0x29: {  	s4 =	sld [smem:$0x3FB2]  }
0x2a: {  	p0 =	seq.s32 s5, $0x0;
	s5 =	sld [smem:$0x3FB3]  }
0x2b: {  	s6 =	sld [smem:$0x3FB4]  }
0x2c: {  	s7 =	sld [smem:$0x3FB5]  }
0x2d: {  	s3 =	simm.s32 $0x108;
	s8 =	sld [smem:$0x3FB6]  }
0x2e: {  	s3 =	simm.s32 @!p0 $0x1082;
	s9 =	sld [smem:$0x3FB7]  }
0x2f: {  	lr =	sadd.s32 s0, s3;
	s0 =	sld [smem:$0x3FAE]  }
0x30: {  	s3 =	sld [smem:$0x3FB1]  }
0x31: {  	[smem:$0x3FBA] =	sst s10  }
0x32: {  	s10 =	sld [smem:$0x3FB8];
	_ =	sdelay $0x3  }
0x33: {  	p0 =	seq.s32 s10, $0x1;
	s10 =	sld [smem:$0x3FBA];
	_ =	sdelay $0x3  }
0x34: {  	[smem:$0x3FBA] =	sst s10  }
0x35: {  	s10 =	sld [smem:$0x3FB9];
	_ =	sdelay $0x3  }
0x36: {  	p1 =	seq.s32 s10, $0x1;
	s10 =	sld [smem:$0x3FBA];
	_ =	sdelay $0x3  }
0x37: {  	[smem:$0x3FBA] =	sst s10  }
0x38: {  	s10 =	sld [smem:$0x3FBB]  }
0x39: {  	_ = 	snop;
	(pc) =	sbr.ind lr, $3  }
0x3a: {  	_ = 	snop  }
0x3b: {  	_ = 	snop  }
0x3c: {  	p2 =	seq.s32 s10, $0x1;
	s10 =	sld [smem:$0x3FBA]  }
0x3d: {  	_ =	shalt  }
0x3e: {  	_ =	shalt  }
0x3f: {  	_ =	shalt  }
0x40: {  	_ =	shalt  }
0x41: {  	_ =	shalt  }
0x42: {  	_ =	shalt  }
0x43: {  	_ =	shalt  }
0x44: {  	_ =	shalt  }
0x45: {  	_ =	shalt  }
0x46: {  	_ =	shalt  }
0x47: {  	_ =	shalt  }
0x48: {  	_ =	shalt  }
0x49: {  	_ =	shalt  }
0x4a: {  	_ =	shalt  }
0x4b: {  	_ =	shalt  }
0x4c: {  	_ =	shalt  }
0x4d: {  	_ =	shalt  }
0x4e: {  	_ =	shalt  }
0x4f: {  	_ =	shalt  }
0x50: {  	_ =	shalt  }
0x51: {  	_ =	shalt  }
0x52: {  	_ =	shalt  }
0x53: {  	_ =	shalt  }
0x54: {  	_ =	shalt  }
0x55: {  	_ =	shalt  }
0x56: {  	_ =	shalt  }
0x57: {  	_ =	shalt  }
0x58: {  	_ =	shalt  }
0x59: {  	_ =	shalt  }
0x5a: {  	_ =	shalt  }
0x5b: {  	_ =	shalt  }
0x5c: {  	_ =	shalt  }
0x5d: {  	_ =	shalt  }
0x5e: {  	_ =	shalt  }
0x5f: {  	_ =	shalt  }
0x60: {  	_ =	shalt  }
0x61: {  	_ =	shalt  }
0x62: {  	_ =	shalt  }
0x63: {  	_ =	shalt  }
0x64: {  	_ =	shalt  }
0x65: {  	_ =	shalt  }
0x66: {  	_ =	shalt  }
0x67: {  	_ =	shalt  }
0x68: {  	_ =	shalt  }
0x69: {  	_ =	shalt  }
0x6a: {  	_ =	shalt  }
0x6b: {  	_ =	shalt  }
0x6c: {  	_ =	shalt  }
0x6d: {  	_ =	shalt  }
0x6e: {  	_ =	shalt  }
0x6f: {  	_ =	shalt  }
0x70: {  	_ =	shalt  }
0x71: {  	_ =	shalt  }
0x72: {  	_ =	shalt  }
0x73: {  	_ =	shalt  }
0x74: {  	_ =	shalt  }
0x75: {  	_ =	shalt  }
0x76: {  	_ =	shalt  }
0x77: {  	_ =	shalt  }
0x78: {  	_ =	shalt  }
0x79: {  	_ =	shalt  }
0x7a: {  	_ =	shalt  }
0x7b: {  	_ =	shalt  }
0x7c: {  	_ =	shalt  }
0x7d: {  	_ =	shalt  }
0x7e: {  	_ =	shalt  }
0x7f: {  	_ =	shalt  }
0x80: {  	_ =	shalt  }
0x81: {  	_ =	shalt  }
0x82: {  	_ =	shalt  }
0x83: {  	_ =	shalt  }
0x84: {  	_ =	shalt  }
0x85: {  	_ =	shalt  }
0x86: {  	_ =	shalt  }
0x87: {  	_ =	shalt  }
.Lfunc_end0:
.L_simem_size_0:
called_computation_lowered:
.L_overlay_start_0:
0x88: {  	s2 =	sld [smem:$0x3FD9]  }
0x89: {  	s3 =	sld [smem:$0x3FFE];
	_ =	sdelay $0x1  }
0x8a: {  	s1 =	srdreg.scid  }
0x8b: {  	s0 =	sand.u32 $0x1, s1  }
0x8c: {  	s17 =	sshll.u32 s0, $0xA;
	s2 =	sadd.s32 s3, s2  }
0x8d: {  	s2 =	sadd.s32 s2, s17  }
0x8e: {  	[smem:$0x3FC6] =	sst s2  }
0x8f: {  	_ = 	snop  }
0x90: {  	s2 =	sld [smem:$0x3FD0];
	(tm) =	ssettm $0x1  }
0x91: {  	s18 =	sld [smem:$0x3FFB];
	_ =	sdelay $0x3  }
0x92: {  	_ =	strace s18  }
0x93: {  	s3 =	sld [smem:$0x3FFC];
	_ =	sdelay $0x3  }
0x94: {  	_ =	strace s3  }
0x95: {  	s3 =	sld [smem:$0x3FFD];
	_ =	sdelay $0x3  }
0x96: {  	_ =	strace s3  }
0x97: {  	_ =	strace $0x8FFFFFFF  }
0x98: {  	s19 =	sld [smem:$0x3FDB];
	_ =	sdelay $0x1  }
0x99: {  	s4 =	simm.s32 $_scs_section_size  }
0x9a: {  	s5 =	simm.s32 $_size__tile_overlayer_lowered;
	s6 =	simm.s32 $_tile_overlayer_lowered  }
0x9b: {  	s22 =	simm.s32 $0x1BFF;
	s21 =	sshll.u32 s6, $0x1;
	s3 =	sadd.s32 s4, s19  }
0x9c: {  	s7 =	simm.s32 $0x0;
	s20 =	sshll.u32 s5, $0x1;
	s5 =	sadd.s32 s21, s3  }
0x9d: {  	[timem:s7], [sflag:s22] =	dma.local [hbm:s5], s20  }
0x9e: {  	_ =	swait.ge [sflag:s22], s20  }
0x9f: {  	s4 =	ssub.s32 $0x0, s20;
	[sflag:s22] =	ssyncset.done $0x0  }
0xa0: {  	[sflag:s22] =	ssyncadd.s32 s4;
	_ =	sdelay $0x1  }
0xa1: {  	s23 =	simm.s32 $0x1B8B  }
0xa2: {  	_ =	swait.ge [sflag:s23], $0x1  }
0xa3: {  	[sflag:s23] =	ssyncset.done $0x0  }
0xa4: {  	s25 =	simm.s32 $0x1B8E;
	s24 =	sld [smem:$0x3FFE];
	[sflag:s23] =	ssyncadd.s32 $0xFFFFFFFF  }
0xa5: {  	s26 =	simm.s32 $execute0_lowered;
	[smem:$0x3FD2] =	sst s25  }
0xa6: {  	s5 =	sshll.u32 s26, $0x1;
	_ =	strace $0x80000046;
	[dreg:$0x1] =	wrdreg $0xFFFFFFFF  }
0xa7: {  	s28 =	simm.s32 $_size_execute0_lowered;
	s3 =	sadd.s32 s3, s5;
	[dreg:$0x0] =	wrdreg $0x0  }
0xa8: {  	s5 =	sshll.u32 s28, $0x1;
	[dreg:$0x2] =	wrdreg s3  }
0xa9: {  	[dreg:$0x3] =	wrdreg s5  }
0xaa: {  	[dreg:$0x4] =	wrdreg $0xC0  }
0xab: {  	_ =	task [dreg:s7], $0x5FFFF  }
0xac: {  	[dreg:$0x1] =	wrdreg $0xFFFFFFFF  }
0xad: {  	[dreg:$0x0] =	wrdreg $0x60  }
0xae: {  	[dreg:$0x2] =	wrdreg s2  }
0xaf: {  	[dreg:$0x3] =	wrdreg s24  }
0xb0: {  	[dreg:$0x4] =	wrdreg $0x9  }
0xb1: {  	_ =	task.clear_ibuf [dreg:s7], $0x5FFFF;
	_ =	strace $0x90000046  }
0xb2: {  	s29 =	simm.s32 $0x9;
	_ =	strace $0x80000048  }
0xb3: {  	_ =	swait.ge [sflag:s29], $0x1  }
0xb4: {  	[sflag:s29] =	ssyncadd.s32 $0xFFFFFFFF  }
0xb5: {  	_ =	strace $0x90000048  }
0xb6: {  	_ =	sfence  }
0xb7: {  	s30 =	sld [smem:$0x0];
	_ =	sdelay $0x2  }
0xb8: {  	s31 =	sshll.u32 s1, $0xD;
	s1 =	sshrl.u32 s1, $0x2  }
0xb9: {  	s3 =	sand.u32 $0x4000, s31;
	s1 =	sadd.s32 s1, s30  }
0xba: {  	s0 =	sor.u32 s3, s0;
	s1 =	sshll.u32 s1, $0x11  }
0xbb: {  	s0 =	sor.u32 s1, s0  }
0xbc: {  	s0 =	sadd.s32 $0x8F2B, s0  }
0xbd: {  	[sflag:s0] =	ssyncadd.remote.s32 $0x1  }
0xbe: {  	_ =	sfence.sel $0xFFFF  }
0xbf: {  	[dreg:$0x0] =	wrdreg $0xFFFFFFFF;
	(pc) =	sbr.abs _section_cstart, $3  }
0xc0: {  	[dreg:$0x1] =	wrdreg $0xFFFFFFFF  }
0xc1: {  	_ =	task.clear_ibuf [dreg:s7], $0x2FFFF;
	_ =	strace $0x9FFFFFFF  }
0xc2: {  	(tm) =	ssettm $0x7FFFFFFF  }
0xc3: {  	_ =	shalt  }
tec
execute0_lowered:
.L_overlay_start_1:
0x0: {  	(tag) =	ssettag $0x1  }
0x1: {  	s0 =	rddreg [dreg:$0x0]  }
0x2: {  	s5 =	rddreg [dreg:$0x1]  }
0x3: {  	s1 =	srdreg.scid;
	s2 =	stileid.u32  }
0x4: {  	s6 =	simm.s32 $0x0;
	s7 =	simm.s32 $0x1200;
	s9 =	simm.s32 $0x1800  }
0x5: {  	s15 =	simm.s32 $0x1B00;
	s23 =	simm.s32 $0x1E00;
	s24 =	simm.s32 $0x2100  }
0x6: {  	s25 =	simm.s32 $0x2700;
	s26 =	simm.s32 $0x2A00;
	s8 =	simm.s32 $0x3000  }
0x7: {  	s16 =	simm.s32 $0x3300;
	s1 =	sand.u32 $0x1, s1;
	s2 =	sshll.u32 s2, $0x1  }
0x8: {  	s17 =	simm.s32 $0x3900;
	[smem:$0x7FF] =	sst s6;
	s2 =	sor.u32 s1, s2  }
0x9: {  	s1 =	ssub.s32 $0x2, s1;
	_ =	strace $0x80000047;
	s3 =	sshll.u32 s2, $0x12  }
.Ltmp0:
0xa: {  	s4 =	sshrl.u32 s1, $0x1;
	s2 =	sshll.u32 s2, $0xE;
	(pc) =	sbr.rel .LBB2_1-.Ltmp0, $4  }
0xb: {  	s3 =	sadd.s32 s3, s5;
	s1 =	ssub.s32 s1, s4;
	s0 =	sadd.s32 s0, s2  }
0xc: {  	s4 =	simm.s32 $0x600;
	[dreg:$0x3] =	wrdreg s0;
	s30 =	sadd.s32 $0xC00, s3  }
0xd: {  	s5 =	simm.s32 $0x900;
	s31 =	smax.u32 s1, $0x1;
	[dreg:$0x4] =	wrdreg s30  }
0xe: {  	s2 =	simm.s32 $0x0;
	s3 =	simm.s32 $0x300;
	[dreg:$0x5] =	wrdreg s31  }
.LBB2_10:
0xf: {  	s0 =	simm.s32 $0x1  }
0x10: {  	_ =	swait.ge [sflag:s0], $0x8000  }
0x11: {  	[sflag:s0] =	ssyncset.done $0x0  }
0x12: {  	s1 =	simm.s32 $0x2;
	[sflag:s0] =	ssyncadd.s32 $0xFFFF8000  }
0x13: {  	_ =	swait.ge [sflag:s1], $0x8000  }
0x14: {  	s2 =	rddreg [dreg:$0x6]  }
0x15: {  	s31 =	rddreg [dreg:$0x5];
	s2 =	sadd.s32 $0x1, s2  }
0x16: {  	p0 =	sne.s32 s2, s31  }
.Ltmp1:
0x17: {  	_ = 	snop;
	(pc) =	sbr.rel @!p0 .LBB2_11-.Ltmp1, $3  }
0x18: {  	_ =	sdelay $0x1  }
0x19: {  	[sflag:s1] =	ssyncset.done $0x0  }
0x1a: {  	s6 =	simm.s32 $0x0;
	[sflag:s1] =	ssyncadd.s32 $0xFFFF8000  }
.LBB2_1:
0x1b: {  	[dreg:$0x6] =	wrdreg s2  }
.Ltmp2:
0x1c: {  	s0 =	rddreg [dreg:$0x1];
	s31 =	simm.s32 $0x3;
	(pc) =	sbr.rel .LBB2_2-.Ltmp2, $4  }
0x1d: {  	[tilespmem:s6], [sflag:$0x3] =	stream.linear.gather [hbm4b:s0+s6], $0x6000, $0x38;
	[tilespmem:$0x1A000] =	vst v63  }
0x1e: {  	_ =	swait.ge [sflag:s31], $0x6000  }
0x1f: {  	s11 =	simm.s32 $0x0;
	[sflag:s31] =	ssyncset.done $0x0  }
0x20: {  	s0 =	simm.s32 $0x0;
	s6 =	simm.s32 $0x1500;
	[sflag:s31] =	ssyncadd.s32 $0xFFFFA000  }
.LBB2_9:
0x21: {  	s11 =	sadd.s32 $0x1, s11  }
0x22: {  	p0 =	sne.s32 s11, $0x40  }
.Ltmp3:
0x23: {  	_ = 	snop;
	(pc) =	sbr.rel @!p0 .LBB2_10-.Ltmp3, $3  }
0x24: {  	_ =	sdelay $0x1  }
0x25: {  	s0 =	rddreg [dreg:$0x7]  }
0x26: {  	s0 =	sadd.s32 $0x1, s0  }
.LBB2_2:
0x27: {  	s1 =	sand.u32 $0x1, s11  }
0x28: {  	p0 =	seq.s32 s1, $0x1  }
.Ltmp4:
0x29: {  	_ = 	snop;
	(pc) =	sbr.rel @p0 .LBB2_6-.Ltmp4, $4  }
0x2a: {  	_ = 	snop  }
0x2b: {  	[dreg:$0x7] =	wrdreg s0  }
0x2c: {  	s31 =	sshll.u32 s0, $0xB;
	s12 =	sand.u32 $0x7, s11;
	[dreg:$0x8] =	wrdreg s11  }
0x2d: {  	s10 =	sand.u32 $0x3800, s31;
	[dreg:$0x9] =	wrdreg s12  }
0x2e: {  	[dreg:$0xb] =	wrdreg s1;
	p0 =	sne.s32 s12, $0x0  }
0x2f: {  	s1 =	rddreg [dreg:$0x3];
	s0 =	sshll.u32 @!p0 s11, $0x8  }
0x30: {  	s2 =	simm.s32 @!p0 $0x6000;
	s0 =	sadd.s32 @!p0 s0, s1;
	s1 =	simm.s32 @!p0 $0x0  }
0x31: {  	[tilespmem:s2], [sflag:$0x3] =	stream.linear.gather @!p0 [hbm4b:s0+s1], $0x4000, $0x38;
	[tilespmem:$0x1A000] =	vst v63  }
0x32: {  	s0 =	simm.s32 @!p0 $0x3  }
0x33: {  	_ =	swait.ge @!p0 [sflag:s0], $0x4000  }
0x34: {  	p1 =	slt.u32 s11, $0x2;
	[sflag:s0] =	ssyncset.done @!p0 $0x0  }
0x35: {  	s28 =	simm.s32 $0x0;
	[sflag:s0] =	ssyncadd.s32 @!p0 $0xFFFFC000;
	s0 =	simm.s32 @!p1 $0x1  }
0x36: {  	s19 =	simm.s32 $0x0;
	s11 =	simm.s32 $0x0;
	_ =	swait.ge @!p1 [sflag:s0], $0x8000  }
0x37: {  	s2 =	simm.s32 $0xFFFFFFFC;
	p0 =	por $0x0, $0x0;
	[sflag:s0] =	ssyncset.done @!p1 $0x0  }
0x38: {  	[dreg:$0xa] =	wrdreg s10;
	[sflag:s0] =	ssyncadd.s32 @!p1 $0xFFFF8000;
	s0 =	simm.s32 $0x0  }
.LBB2_4:
0x39: {  	[dreg:$0x10] =	wrdreg s10  }
0x3a: {  	s1 =	rddreg [dreg:$0x10]  }
0x3b: {  	[dreg:$0x13] =	wrdreg s0;
	s0 =	simm.s32 $0x1;
	s1 =	sand.u32 $0x3600, s1  }
0x3c: {  	s13 =	sand.u32 $0x40, s11;
	s0 =	simm.s32 @!p0 $0x0;
	s22 =	sadd.s32 $0x6000, s1  }
0x3d: {  	s30 =	rddreg [dreg:$0x10];
	s0 =	sshll.u32 s0, $0x6;
	s1 =	sor.u32 s13, s22  }
0x3e: {  	[dreg:$0xc] =	wrdreg s2;
	s2 =	sadd.s32 s0, s30;
	v0 =	vld [tilespmem:s1+$0x80]  }
0x3f: {  	s31 =	sor.u32 $0x100, s2;
	v2 =	vld [tilespmem:s1+$0x0]  }
0x40: {  	v3 =	vld [tilespmem:s31+$0x6000];
	_ =	sdelay $0x2  }
0x41: {  	v1 =	vadd.s32 $0x100, v0;
	_ =	sdelay $0x1  }
0x42: {  	v0 =	vadd.s32 $0x200, v3  }
0x43: {  	s12 =	simm.s32 $0x0  }
0x44: {  	v50 =	vld.idx.msk [tilespmem:v2+s12+$0x0], $0xffff  }
0x45: {  	v4 =	vld.idx.msk [tilespmem:v1+s12+$0x0], $0xffff;
	_ =	sdelay $0x1  }
0x46: {  	v5 =	vld.idx.msk [tilespmem:v0+s12+$0x0], $0xffff;
	_ =	sdelay $0x2  }
0x47: {  	v3 =	vadd.bf16 v4, v50;
	_ =	sdelay $0x1  }
0x48: {  	s14 =	sand.u32 $0xC00, s19;
	v3 =	vadd.bf16 v5, v3  }
0x49: {  	s21 =	sor.u32 $0xA000, s14  }
0x4a: {  	s2 =	sor.u32 s13, s21;
	v51 =	vshll.u32 v3, $0x10  }
0x4b: {  	v3 =	vand.u32 $0xFFFF0000, v3;
	[tilespmem:s2+$0x0] =	vst v51  }
0x4c: {  	[tilespmem:s2+$0x80] =	vst v3  }
0x4d: {  	v3 =	vld.idx.msk [tilespmem:v2+s3+$0x0], $0xffff  }
0x4e: {  	v4 =	vld.idx.msk [tilespmem:v1+s3+$0x0], $0xffff;
	_ =	sdelay $0x1  }
0x4f: {  	v52 =	vld.idx.msk [tilespmem:v0+s3+$0x0], $0xffff;
	_ =	sdelay $0x2  }
0x50: {  	v3 =	vadd.bf16 v4, v3;
	_ =	sdelay $0x1  }
0x51: {  	v3 =	vadd.bf16 v52, v3;
	_ =	sdelay $0x1  }
0x52: {  	v53 =	vshll.u32 v3, $0x10  }
0x53: {  	v3 =	vand.u32 $0xFFFF0000, v3;
	[tilespmem:s2+$0x100] =	vst v53  }
0x54: {  	[tilespmem:s2+$0x180] =	vst v3  }
0x55: {  	v3 =	vld.idx.msk [tilespmem:v2+s4+$0x0], $0xffff  }
0x56: {  	v4 =	vld.idx.msk [tilespmem:v1+s4+$0x0], $0xffff;
	_ =	sdelay $0x1  }
0x57: {  	v54 =	vld.idx.msk [tilespmem:v0+s4+$0x0], $0xffff;
	_ =	sdelay $0x2  }
0x58: {  	v3 =	vadd.bf16 v4, v3;
	_ =	sdelay $0x1  }
0x59: {  	v3 =	vadd.bf16 v54, v3  }
0x5a: {  	s0 =	sadd.s32 s0, s19  }
0x5b: {  	s10 =	sor.u32 $0x200, s0;
	v55 =	vshll.u32 v3, $0x10  }
0x5c: {  	s18 =	sor.u32 $0x280, s0;
	v3 =	vand.u32 $0xFFFF0000, v3;
	[tilespmem:s10+$0xA000] =	vst v55  }
0x5d: {  	[tilespmem:s18+$0xA000] =	vst v3  }
0x5e: {  	v3 =	vld.idx.msk [tilespmem:v2+s5+$0x0], $0xffff  }
0x5f: {  	v4 =	vld.idx.msk [tilespmem:v1+s5+$0x0], $0xffff;
	_ =	sdelay $0x1  }
0x60: {  	v56 =	vld.idx.msk [tilespmem:v0+s5+$0x0], $0xffff;
	_ =	sdelay $0x2  }
0x61: {  	v3 =	vadd.bf16 v4, v3;
	_ =	sdelay $0x1  }
0x62: {  	v3 =	vadd.bf16 v56, v3;
	_ =	sdelay $0x1  }
0x63: {  	s20 =	sor.u32 s11, s19;
	s0 =	sor.u32 $0x300, s0;
	v57 =	vshll.u32 v3, $0x10  }
0x64: {  	s29 =	sor.u32 $0x380, s20;
	v3 =	vand.u32 $0xFFFF0000, v3;
	[tilespmem:s0+$0xA000] =	vst v57  }
0x65: {  	s31 =	simm.s32 $0xC00;
	[tilespmem:s29+$0xA000] =	vst v3  }
0x66: {  	v3 =	vld.idx.msk [tilespmem:v2+s31+$0x0], $0xffff  }
0x67: {  	v4 =	vld.idx.msk [tilespmem:v1+s31+$0x0], $0xffff;
	_ =	sdelay $0x1  }
0x68: {  	v58 =	vld.idx.msk [tilespmem:v0+s31+$0x0], $0xffff;
	_ =	sdelay $0x2  }
0x69: {  	v3 =	vadd.bf16 v4, v3;
	_ =	sdelay $0x1  }
0x6a: {  	v3 =	vadd.bf16 v58, v3  }
0x6b: {  	s20 =	sor.u32 $0xB000, s14  }
0x6c: {  	s30 =	sor.u32 s13, s20;
	s10 =	sor.u32 $0xB080, s14;
	v59 =	vshll.u32 v3, $0x10  }
0x6d: {  	s1 =	sor.u32 s13, s10;
	v3 =	vand.u32 $0xFFFF0000, v3;
	[tilespmem:s30+$0x0] =	vst v59  }
0x6e: {  	s30 =	simm.s32 $0xF00;
	[tilespmem:s1+$0x0] =	vst v3  }
0x6f: {  	v3 =	vld.idx.msk [tilespmem:v2+s30+$0x0], $0xffff  }
0x70: {  	v4 =	vld.idx.msk [tilespmem:v1+s30+$0x0], $0xffff;
	_ =	sdelay $0x1  }
0x71: {  	v60 =	vld.idx.msk [tilespmem:v0+s30+$0x0], $0xffff;
	_ =	sdelay $0x2  }
0x72: {  	v3 =	vadd.bf16 v4, v3;
	_ =	sdelay $0x1  }
0x73: {  	v3 =	vadd.bf16 v60, v3  }
0x74: {  	s18 =	sor.u32 $0xB100, s14  }
0x75: {  	[dreg:$0xd] =	wrdreg s11;
	s11 =	sor.u32 $0xB180, s14;
	s2 =	sor.u32 s13, s18;
	v61 =	vshll.u32 v3, $0x10  }
0x76: {  	s3 =	sor.u32 s13, s11;
	v3 =	vand.u32 $0xFFFF0000, v3;
	[tilespmem:s2+$0x0] =	vst v61  }
0x77: {  	[tilespmem:s3+$0x0] =	vst v3  }
0x78: {  	v3 =	vld.idx.msk [tilespmem:v2+s7+$0x0], $0xffff  }
0x79: {  	v4 =	vld.idx.msk [tilespmem:v1+s7+$0x0], $0xffff;
	_ =	sdelay $0x1  }
0x7a: {  	v62 =	vld.idx.msk [tilespmem:v0+s7+$0x0], $0xffff;
	_ =	sdelay $0x2  }
0x7b: {  	v3 =	vadd.bf16 v4, v3;
	_ =	sdelay $0x1  }
0x7c: {  	v3 =	vadd.bf16 v62, v3  }
0x7d: {  	s4 =	sor.u32 $0xB200, s14  }
0x7e: {  	s0 =	sor.u32 s13, s4;
	s7 =	sor.u32 $0xB280, s14;
	v63 =	vshll.u32 v3, $0x10  }
0x7f: {  	s29 =	sor.u32 s13, s7;
	v3 =	vand.u32 $0xFFFF0000, v3;
	[tilespmem:s0+$0x0] =	vst v63  }
0x80: {  	[tilespmem:s29+$0x0] =	vst v3  }
0x81: {  	v3 =	vld.idx.msk [tilespmem:v2+s6+$0x0], $0xffff  }
0x82: {  	v4 =	vld.idx.msk [tilespmem:v1+s6+$0x0], $0xffff;
	_ =	sdelay $0x1  }
0x83: {  	v8 =	vld.idx.msk [tilespmem:v0+s6+$0x0], $0xffff;
	_ =	sdelay $0x2  }
0x84: {  	v3 =	vadd.bf16 v4, v3;
	_ =	sdelay $0x1  }
0x85: {  	v3 =	vadd.bf16 v8, v3  }
0x86: {  	s1 =	sor.u32 $0xB300, s14  }
0x87: {  	s2 =	sor.u32 $0xB380, s14;
	s0 =	sor.u32 s13, s1;
	v9 =	vshll.u32 v3, $0x10  }
0x88: {  	s3 =	sor.u32 s13, s2;
	v3 =	vand.u32 $0xFFFF0000, v3;
	[tilespmem:s0+$0x0] =	vst v9  }
0x89: {  	[tilespmem:s3+$0x0] =	vst v3  }
0x8a: {  	v3 =	vld.idx.msk [tilespmem:v2+s9+$0x0], $0xffff  }
0x8b: {  	v4 =	vld.idx.msk [tilespmem:v1+s9+$0x0], $0xffff;
	_ =	sdelay $0x1  }
0x8c: {  	v10 =	vld.idx.msk [tilespmem:v0+s9+$0x0], $0xffff;
	_ =	sdelay $0x2  }
0x8d: {  	v3 =	vadd.bf16 v4, v3;
	_ =	sdelay $0x1  }
0x8e: {  	v3 =	vadd.bf16 v10, v3  }
0x8f: {  	[smem:$0x7D4] =	sst s4;
	s4 =	sor.u32 $0xC000, s14  }
0x90: {  	[smem:$0x7D5] =	sst s7;
	s7 =	sor.u32 $0xC080, s14;
	s0 =	sor.u32 s13, s4;
	v11 =	vshll.u32 v3, $0x10  }
0x91: {  	s9 =	sor.u32 s13, s7;
	v3 =	vand.u32 $0xFFFF0000, v3;
	[tilespmem:s0+$0x0] =	vst v11  }
0x92: {  	[tilespmem:s9+$0x0] =	vst v3  }
0x93: {  	v3 =	vld.idx.msk [tilespmem:v2+s15+$0x0], $0xffff  }
0x94: {  	v4 =	vld.idx.msk [tilespmem:v1+s15+$0x0], $0xffff;
	_ =	sdelay $0x1  }
0x95: {  	v12 =	vld.idx.msk [tilespmem:v0+s15+$0x0], $0xffff;
	_ =	sdelay $0x2  }
0x96: {  	v3 =	vadd.bf16 v4, v3;
	_ =	sdelay $0x1  }
0x97: {  	v3 =	vadd.bf16 v12, v3  }
0x98: {  	s15 =	sor.u32 $0xC100, s14  }
0x99: {  	s29 =	sor.u32 $0xC180, s14;
	s0 =	sor.u32 s13, s15;
	v13 =	vshll.u32 v3, $0x10  }
0x9a: {  	[smem:$0x7D9] =	sst s7;
	s7 =	sor.u32 s13, s29;
	v3 =	vand.u32 $0xFFFF0000, v3;
	[tilespmem:s0+$0x0] =	vst v13  }
0x9b: {  	[tilespmem:s7+$0x0] =	vst v3  }
0x9c: {  	v3 =	vld.idx.msk [tilespmem:v2+s23+$0x0], $0xffff  }
0x9d: {  	v4 =	vld.idx.msk [tilespmem:v1+s23+$0x0], $0xffff;
	_ =	sdelay $0x1  }
0x9e: {  	v14 =	vld.idx.msk [tilespmem:v0+s23+$0x0], $0xffff;
	_ =	sdelay $0x2  }
0x9f: {  	v3 =	vadd.bf16 v4, v3;
	_ =	sdelay $0x1  }
0xa0: {  	v3 =	vadd.bf16 v14, v3  }
0xa1: {  	s9 =	sor.u32 $0xC200, s14  }
0xa2: {  	[smem:$0x7DA] =	sst s15;
	s15 =	sor.u32 $0xC280, s14;
	s0 =	sor.u32 s13, s9;
	v15 =	vshll.u32 v3, $0x10  }
0xa3: {  	s23 =	sor.u32 s13, s15;
	v3 =	vand.u32 $0xFFFF0000, v3;
	[tilespmem:s0+$0x0] =	vst v15  }
0xa4: {  	[tilespmem:s23+$0x0] =	vst v3  }
0xa5: {  	v3 =	vld.idx.msk [tilespmem:v2+s24+$0x0], $0xffff  }
0xa6: {  	v4 =	vld.idx.msk [tilespmem:v1+s24+$0x0], $0xffff;
	_ =	sdelay $0x1  }
0xa7: {  	v16 =	vld.idx.msk [tilespmem:v0+s24+$0x0], $0xffff;
	_ =	sdelay $0x2  }
0xa8: {  	v3 =	vadd.bf16 v4, v3;
	_ =	sdelay $0x1  }
0xa9: {  	v3 =	vadd.bf16 v16, v3  }
0xaa: {  	[smem:$0x7DB] =	sst s29;
	s29 =	sor.u32 $0xC300, s14  }
0xab: {  	s7 =	sor.u32 $0xC380, s14;
	s0 =	sor.u32 s13, s29;
	v17 =	vshll.u32 v3, $0x10  }
0xac: {  	[smem:$0x7DC] =	sst s9;
	s9 =	sor.u32 s13, s7;
	v3 =	vand.u32 $0xFFFF0000, v3;
	[tilespmem:s0+$0x0] =	vst v17  }
0xad: {  	[smem:$0x7D6] =	sst s1;
	s1 =	simm.s32 $0x2400;
	[tilespmem:s9+$0x0] =	vst v3  }
0xae: {  	v3 =	vld.idx.msk [tilespmem:v2+s1+$0x0], $0xffff  }
0xaf: {  	v4 =	vld.idx.msk [tilespmem:v1+s1+$0x0], $0xffff;
	_ =	sdelay $0x1  }
0xb0: {  	v18 =	vld.idx.msk [tilespmem:v0+s1+$0x0], $0xffff;
	_ =	sdelay $0x2  }
0xb1: {  	v3 =	vadd.bf16 v4, v3;
	_ =	sdelay $0x1  }
0xb2: {  	v3 =	vadd.bf16 v18, v3  }
0xb3: {  	[smem:$0x7DD] =	sst s15;
	s15 =	sor.u32 $0xD000, s14  }
0xb4: {  	s23 =	sor.u32 s13, s15;
	s24 =	sor.u32 $0xD080, s14;
	v19 =	vshll.u32 v3, $0x10  }
0xb5: {  	s9 =	sor.u32 s13, s24;
	v3 =	vand.u32 $0xFFFF0000, v3;
	[tilespmem:s23+$0x0] =	vst v19  }
0xb6: {  	[tilespmem:s9+$0x0] =	vst v3  }
0xb7: {  	v3 =	vld.idx.msk [tilespmem:v2+s25+$0x0], $0xffff  }
0xb8: {  	v4 =	vld.idx.msk [tilespmem:v1+s25+$0x0], $0xffff;
	_ =	sdelay $0x1  }
0xb9: {  	v20 =	vld.idx.msk [tilespmem:v0+s25+$0x0], $0xffff;
	_ =	sdelay $0x2  }
0xba: {  	v3 =	vadd.bf16 v4, v3;
	_ =	sdelay $0x1  }
0xbb: {  	v3 =	vadd.bf16 v20, v3  }
0xbc: {  	[smem:$0x7E0] =	sst s15;
	s15 =	sor.u32 $0xD100, s14  }
0xbd: {  	[smem:$0x7E1] =	sst s24;
	s24 =	sor.u32 $0xD180, s14;
	s23 =	sor.u32 s13, s15;
	v21 =	vshll.u32 v3, $0x10  }
0xbe: {  	s25 =	sor.u32 s13, s24;
	v3 =	vand.u32 $0xFFFF0000, v3;
	[tilespmem:s23+$0x0] =	vst v21  }
0xbf: {  	[tilespmem:s25+$0x0] =	vst v3  }
0xc0: {  	v3 =	vld.idx.msk [tilespmem:v2+s26+$0x0], $0xffff  }
0xc1: {  	v4 =	vld.idx.msk [tilespmem:v1+s26+$0x0], $0xffff;
	_ =	sdelay $0x1  }
0xc2: {  	v22 =	vld.idx.msk [tilespmem:v0+s26+$0x0], $0xffff;
	_ =	sdelay $0x2  }
0xc3: {  	v3 =	vadd.bf16 v4, v3;
	_ =	sdelay $0x1  }
0xc4: {  	v3 =	vadd.bf16 v22, v3  }
0xc5: {  	s26 =	sor.u32 $0xD200, s14  }
0xc6: {  	s9 =	sor.u32 $0xD280, s14;
	s0 =	sor.u32 s13, s26;
	v23 =	vshll.u32 v3, $0x10  }
0xc7: {  	s23 =	sor.u32 s13, s9;
	v3 =	vand.u32 $0xFFFF0000, v3;
	[tilespmem:s0+$0x0] =	vst v23  }
0xc8: {  	[smem:$0x7E5] =	sst s9;
	s9 =	simm.s32 $0x2D00;
	[tilespmem:s23+$0x0] =	vst v3  }
0xc9: {  	v3 =	vld.idx.msk [tilespmem:v2+s9+$0x0], $0xffff  }
0xca: {  	v4 =	vld.idx.msk [tilespmem:v1+s9+$0x0], $0xffff;
	_ =	sdelay $0x1  }
0xcb: {  	v24 =	vld.idx.msk [tilespmem:v0+s9+$0x0], $0xffff;
	_ =	sdelay $0x2  }
0xcc: {  	v3 =	vadd.bf16 v4, v3;
	_ =	sdelay $0x1  }
0xcd: {  	v3 =	vadd.bf16 v24, v3  }
0xce: {  	[smem:$0x7E3] =	sst s24;
	s24 =	sor.u32 $0xD300, s14  }
0xcf: {  	s25 =	sor.u32 s13, s24;
	[smem:$0x7E4] =	sst s26;
	s26 =	sor.u32 $0xD380, s14;
	v25 =	vshll.u32 v3, $0x10  }
0xd0: {  	s23 =	sor.u32 s13, s26;
	v3 =	vand.u32 $0xFFFF0000, v3;
	[tilespmem:s25+$0x0] =	vst v25  }
0xd1: {  	[tilespmem:s23+$0x0] =	vst v3  }
0xd2: {  	v3 =	vld.idx.msk [tilespmem:v2+s8+$0x0], $0xffff  }
0xd3: {  	v4 =	vld.idx.msk [tilespmem:v1+s8+$0x0], $0xffff;
	_ =	sdelay $0x1  }
0xd4: {  	v26 =	vld.idx.msk [tilespmem:v0+s8+$0x0], $0xffff;
	_ =	sdelay $0x2  }
0xd5: {  	v3 =	vadd.bf16 v4, v3;
	_ =	sdelay $0x1  }
0xd6: {  	v3 =	vadd.bf16 v26, v3  }
0xd7: {  	[smem:$0x7E6] =	sst s24;
	s24 =	sor.u32 $0xE000, s14  }
0xd8: {  	[smem:$0x7E7] =	sst s26;
	s26 =	sor.u32 $0xE080, s14;
	s25 =	sor.u32 s13, s24;
	v27 =	vshll.u32 v3, $0x10  }
0xd9: {  	s8 =	sor.u32 s13, s26;
	v3 =	vand.u32 $0xFFFF0000, v3;
	[tilespmem:s25+$0x0] =	vst v27  }
0xda: {  	[tilespmem:s8+$0x0] =	vst v3  }
0xdb: {  	v3 =	vld.idx.msk [tilespmem:v2+s16+$0x0], $0xffff  }
0xdc: {  	v4 =	vld.idx.msk [tilespmem:v1+s16+$0x0], $0xffff;
	_ =	sdelay $0x1  }
0xdd: {  	v28 =	vld.idx.msk [tilespmem:v0+s16+$0x0], $0xffff;
	_ =	sdelay $0x2  }
0xde: {  	v3 =	vadd.bf16 v4, v3;
	_ =	sdelay $0x1  }
0xdf: {  	v3 =	vadd.bf16 v28, v3  }
0xe0: {  	[smem:$0x7E2] =	sst s15;
	s15 =	sor.u32 $0xE100, s14  }
0xe1: {  	s23 =	sor.u32 $0xE180, s14;
	s16 =	sor.u32 s13, s15;
	v29 =	vshll.u32 v3, $0x10  }
0xe2: {  	[smem:$0x7E8] =	sst s24;
	s24 =	sor.u32 s13, s23;
	v3 =	vand.u32 $0xFFFF0000, v3;
	[tilespmem:s16+$0x0] =	vst v29  }
0xe3: {  	s25 =	simm.s32 $0x3600;
	[tilespmem:s24+$0x0] =	vst v3  }
0xe4: {  	v3 =	vld.idx.msk [tilespmem:v2+s25+$0x0], $0xffff  }
0xe5: {  	v4 =	vld.idx.msk [tilespmem:v1+s25+$0x0], $0xffff;
	_ =	sdelay $0x1  }
0xe6: {  	v30 =	vld.idx.msk [tilespmem:v0+s25+$0x0], $0xffff;
	_ =	sdelay $0x2  }
0xe7: {  	v3 =	vadd.bf16 v4, v3;
	_ =	sdelay $0x1  }
0xe8: {  	v3 =	vadd.bf16 v30, v3  }
0xe9: {  	[smem:$0x7E9] =	sst s26;
	s26 =	sor.u32 $0xE200, s14  }
0xea: {  	s8 =	sor.u32 s13, s26;
	s16 =	sor.u32 $0xE280, s14;
	v31 =	vshll.u32 v3, $0x10  }
0xeb: {  	[smem:$0x7EB] =	sst s23;
	s23 =	sor.u32 s13, s16;
	v3 =	vand.u32 $0xFFFF0000, v3;
	[tilespmem:s8+$0x0] =	vst v31  }
0xec: {  	[tilespmem:s23+$0x0] =	vst v3  }
0xed: {  	v3 =	vld.idx.msk [tilespmem:v2+s17+$0x0], $0xffff  }
0xee: {  	v4 =	vld.idx.msk [tilespmem:v1+s17+$0x0], $0xffff;
	_ =	sdelay $0x1  }
0xef: {  	v32 =	vld.idx.msk [tilespmem:v0+s17+$0x0], $0xffff;
	_ =	sdelay $0x2  }
0xf0: {  	v3 =	vadd.bf16 v4, v3;
	_ =	sdelay $0x1  }
0xf1: {  	v3 =	vadd.bf16 v32, v3  }
0xf2: {  	s24 =	sor.u32 $0xE300, s14  }
0xf3: {  	[smem:$0x7EC] =	sst s26;
	s26 =	sor.u32 $0xE380, s14;
	s25 =	sor.u32 s13, s24;
	v33 =	vshll.u32 v3, $0x10  }
0xf4: {  	s8 =	sor.u32 s13, s26;
	v3 =	vand.u32 $0xFFFF0000, v3;
	[tilespmem:s25+$0x0] =	vst v33  }
0xf5: {  	[smem:$0x7ED] =	sst s16;
	s16 =	simm.s32 $0x3C00;
	[tilespmem:s8+$0x0] =	vst v3  }
0xf6: {  	v3 =	vld.idx.msk [tilespmem:v2+s16+$0x0], $0xffff  }
0xf7: {  	v4 =	vld.idx.msk [tilespmem:v1+s16+$0x0], $0xffff;
	_ =	sdelay $0x1  }
0xf8: {  	v34 =	vld.idx.msk [tilespmem:v0+s16+$0x0], $0xffff;
	_ =	sdelay $0x2  }
0xf9: {  	v3 =	vadd.bf16 v4, v3;
	_ =	sdelay $0x1  }
0xfa: {  	v3 =	vadd.bf16 v34, v3  }
0xfb: {  	s17 =	sor.u32 $0xF000, s14  }
0xfc: {  	[smem:$0x7EE] =	sst s24;
	s24 =	sor.u32 $0xF080, s14;
	s23 =	sor.u32 s13, s17;
	v35 =	vshll.u32 v3, $0x10  }
0xfd: {  	s25 =	sor.u32 s13, s24;
	v3 =	vand.u32 $0xFFFF0000, v3;
	[tilespmem:s23+$0x0] =	vst v35  }
0xfe: {  	s5 =	simm.s32 $0x3F00;
	[tilespmem:s25+$0x0] =	vst v3  }
0xff: {  	v3 =	vld.idx.msk [tilespmem:v2+s5+$0x0], $0xffff  }
0x100: {  	v4 =	vld.idx.msk [tilespmem:v1+s5+$0x0], $0xffff;
	_ =	sdelay $0x1  }
0x101: {  	v36 =	vld.idx.msk [tilespmem:v0+s5+$0x0], $0xffff;
	_ =	sdelay $0x2  }
0x102: {  	v3 =	vadd.bf16 v4, v3;
	_ =	sdelay $0x1  }
0x103: {  	v3 =	vadd.bf16 v36, v3  }
0x104: {  	[smem:$0x7EF] =	sst s26;
	s26 =	sor.u32 $0xF100, s14  }
0x105: {  	s0 =	sor.u32 s13, s26;
	s5 =	sor.u32 $0xF180, s14;
	v37 =	vshll.u32 v3, $0x10  }
0x106: {  	s8 =	sor.u32 s13, s5;
	v3 =	vand.u32 $0xFFFF0000, v3;
	[tilespmem:s0+$0x0] =	vst v37  }
0x107: {  	s16 =	simm.s32 $0x4200;
	[tilespmem:s8+$0x0] =	vst v3  }
0x108: {  	[smem:$0x7F0] =	sst s17;
	s17 =	simm.s32 $0x4200;
	v3 =	vld.idx.msk [tilespmem:v2+s16+$0x0], $0xffff  }
0x109: {  	v4 =	vld.idx.msk [tilespmem:v1+s17+$0x0], $0xffff  }
0x10a: {  	s23 =	simm.s32 $0x4200  }
0x10b: {  	v38 =	vld.idx.msk [tilespmem:v0+s23+$0x0], $0xffff;
	_ =	sdelay $0x2  }
0x10c: {  	v3 =	vadd.bf16 v4, v3;
	_ =	sdelay $0x1  }
0x10d: {  	v3 =	vadd.bf16 v38, v3  }
0x10e: {  	[smem:$0x7F1] =	sst s24;
	s24 =	sor.u32 $0xF200, s14  }
0x10f: {  	[smem:$0x7F2] =	sst s26;
	s26 =	sor.u32 $0xF280, s14;
	s25 =	sor.u32 s13, s24;
	v39 =	vshll.u32 v3, $0x10  }
0x110: {  	s8 =	sor.u32 s13, s26;
	v3 =	vand.u32 $0xFFFF0000, v3;
	[tilespmem:s25+$0x0] =	vst v39  }
0x111: {  	s16 =	simm.s32 $0x4500;
	[tilespmem:s8+$0x0] =	vst v3  }
0x112: {  	s17 =	simm.s32 $0x4500;
	v3 =	vld.idx.msk [tilespmem:v2+s16+$0x0], $0xffff  }
0x113: {  	v4 =	vld.idx.msk [tilespmem:v1+s17+$0x0], $0xffff  }
0x114: {  	s23 =	simm.s32 $0x4500  }
0x115: {  	v40 =	vld.idx.msk [tilespmem:v0+s23+$0x0], $0xffff;
	_ =	sdelay $0x2  }
0x116: {  	v3 =	vadd.bf16 v4, v3;
	_ =	sdelay $0x1  }
0x117: {  	v3 =	vadd.bf16 v40, v3  }
0x118: {  	[smem:$0x7F4] =	sst s24;
	s24 =	sor.u32 $0xF300, s14  }
0x119: {  	[smem:$0x7F5] =	sst s26;
	s26 =	sor.u32 $0xF380, s14;
	s25 =	sor.u32 s13, s24;
	v41 =	vshll.u32 v3, $0x10  }
0x11a: {  	s8 =	sor.u32 s13, s26;
	v3 =	vand.u32 $0xFFFF0000, v3;
	[tilespmem:s25+$0x0] =	vst v41  }
0x11b: {  	s16 =	simm.s32 $0x4800;
	[tilespmem:s8+$0x0] =	vst v3  }
0x11c: {  	s17 =	simm.s32 $0x4800;
	v3 =	vld.idx.msk [tilespmem:v2+s16+$0x0], $0xffff  }
0x11d: {  	v4 =	vld.idx.msk [tilespmem:v1+s17+$0x0], $0xffff  }
0x11e: {  	s23 =	simm.s32 $0x4800  }
0x11f: {  	v42 =	vld.idx.msk [tilespmem:v0+s23+$0x0], $0xffff;
	_ =	sdelay $0x2  }
0x120: {  	v3 =	vadd.bf16 v4, v3;
	_ =	sdelay $0x1  }
0x121: {  	v3 =	vadd.bf16 v42, v3  }
0x122: {  	[smem:$0x7F6] =	sst s24;
	s24 =	sor.u32 $0x10000, s14  }
0x123: {  	[smem:$0x7F7] =	sst s26;
	s26 =	sor.u32 $0x10080, s14;
	s25 =	sor.u32 s13, s24;
	v43 =	vshll.u32 v3, $0x10  }
0x124: {  	s8 =	sor.u32 s13, s26;
	v3 =	vand.u32 $0xFFFF0000, v3;
	[tilespmem:s25+$0x0] =	vst v43  }
0x125: {  	s16 =	simm.s32 $0x4B00;
	[tilespmem:s8+$0x0] =	vst v3  }
0x126: {  	s17 =	simm.s32 $0x4B00;
	v3 =	vld.idx.msk [tilespmem:v2+s16+$0x0], $0xffff  }
0x127: {  	v4 =	vld.idx.msk [tilespmem:v1+s17+$0x0], $0xffff  }
0x128: {  	s23 =	simm.s32 $0x4B00  }
0x129: {  	v44 =	vld.idx.msk [tilespmem:v0+s23+$0x0], $0xffff;
	_ =	sdelay $0x2  }
0x12a: {  	v3 =	vadd.bf16 v4, v3;
	_ =	sdelay $0x1  }
0x12b: {  	v3 =	vadd.bf16 v44, v3  }
0x12c: {  	[smem:$0x7F8] =	sst s24;
	s24 =	sor.u32 $0x10100, s14  }
0x12d: {  	[smem:$0x7F9] =	sst s26;
	s26 =	sor.u32 $0x10180, s14;
	s25 =	sor.u32 s13, s24;
	v45 =	vshll.u32 v3, $0x10  }
0x12e: {  	s8 =	sor.u32 s13, s26;
	v3 =	vand.u32 $0xFFFF0000, v3;
	[tilespmem:s25+$0x0] =	vst v45  }
0x12f: {  	s16 =	simm.s32 $0x4E00;
	[tilespmem:s8+$0x0] =	vst v3  }
0x130: {  	s17 =	simm.s32 $0x4E00;
	v3 =	vld.idx.msk [tilespmem:v2+s16+$0x0], $0xffff  }
0x131: {  	v4 =	vld.idx.msk [tilespmem:v1+s17+$0x0], $0xffff  }
0x132: {  	s23 =	simm.s32 $0x4E00  }
0x133: {  	v46 =	vld.idx.msk [tilespmem:v0+s23+$0x0], $0xffff;
	_ =	sdelay $0x2  }
0x134: {  	v3 =	vadd.bf16 v4, v3;
	_ =	sdelay $0x1  }
0x135: {  	v3 =	vadd.bf16 v46, v3  }
0x136: {  	[smem:$0x7FA] =	sst s24;
	s24 =	sor.u32 $0x10200, s14  }
0x137: {  	[smem:$0x7FB] =	sst s26;
	s26 =	sor.u32 $0x10280, s14;
	s25 =	sor.u32 s13, s24;
	v47 =	vshll.u32 v3, $0x10  }
0x138: {  	s8 =	sor.u32 s13, s26;
	v3 =	vand.u32 $0xFFFF0000, v3;
	[tilespmem:s25+$0x0] =	vst v47  }
0x139: {  	s16 =	simm.s32 $0x5100;
	[tilespmem:s8+$0x0] =	vst v3  }
0x13a: {  	s17 =	simm.s32 $0x5100;
	v3 =	vld.idx.msk [tilespmem:v2+s16+$0x0], $0xffff  }
0x13b: {  	v4 =	vld.idx.msk [tilespmem:v1+s17+$0x0], $0xffff  }
0x13c: {  	s23 =	simm.s32 $0x5100  }
0x13d: {  	v48 =	vld.idx.msk [tilespmem:v0+s23+$0x0], $0xffff;
	_ =	sdelay $0x2  }
0x13e: {  	v3 =	vadd.bf16 v4, v3;
	_ =	sdelay $0x1  }
0x13f: {  	v3 =	vadd.bf16 v48, v3  }
0x140: {  	[smem:$0x7FC] =	sst s24;
	s24 =	sor.u32 $0x10300, s14  }
0x141: {  	[smem:$0x7FD] =	sst s26;
	s26 =	sor.u32 $0x10380, s14;
	s25 =	sor.u32 s13, s24;
	v49 =	vshll.u32 v3, $0x10  }
0x142: {  	s8 =	sor.u32 s13, s26;
	v3 =	vand.u32 $0xFFFF0000, v3;
	[tilespmem:s25+$0x0] =	vst v49  }
0x143: {  	s16 =	simm.s32 $0x5400;
	[tilespmem:s8+$0x0] =	vst v3  }
0x144: {  	s17 =	simm.s32 $0x5400;
	v3 =	vld.idx.msk [tilespmem:v2+s16+$0x0], $0xffff  }
0x145: {  	v4 =	vld.idx.msk [tilespmem:v1+s17+$0x0], $0xffff  }
0x146: {  	s23 =	simm.s32 $0x5400  }
0x147: {  	v50 =	vld.idx.msk [tilespmem:v0+s23+$0x0], $0xffff;
	_ =	sdelay $0x2  }
0x148: {  	v3 =	vadd.bf16 v4, v3;
	_ =	sdelay $0x1  }
0x149: {  	v3 =	vadd.bf16 v50, v3  }
0x14a: {  	[dreg:$0x1d] =	wrdreg s24;
	s24 =	sor.u32 $0x11000, s14  }
0x14b: {  	[dreg:$0x1f] =	wrdreg s26;
	s26 =	sor.u32 $0x11080, s14;
	s25 =	sor.u32 s13, s24;
	v51 =	vshll.u32 v3, $0x10  }
0x14c: {  	s8 =	sor.u32 s13, s26;
	v3 =	vand.u32 $0xFFFF0000, v3;
	[tilespmem:s25+$0x0] =	vst v51  }
0x14d: {  	[smem:$0x7EA] =	sst s15;
	s15 =	simm.s32 $0x5700;
	[tilespmem:s8+$0x0] =	vst v3  }
0x14e: {  	s16 =	simm.s32 $0x5700;
	v3 =	vld.idx.msk [tilespmem:v2+s15+$0x0], $0xffff  }
0x14f: {  	v4 =	vld.idx.msk [tilespmem:v1+s16+$0x0], $0xffff  }
0x150: {  	s17 =	simm.s32 $0x5700  }
0x151: {  	v52 =	vld.idx.msk [tilespmem:v0+s17+$0x0], $0xffff;
	_ =	sdelay $0x2  }
0x152: {  	v3 =	vadd.bf16 v4, v3;
	_ =	sdelay $0x1  }
0x153: {  	s16 =	rddreg [dreg:$0xd];
	v3 =	vadd.bf16 v52, v3  }
0x154: {  	[dreg:$0x19] =	wrdreg s24;
	s23 =	sor.u32 $0x11100, s14;
	s25 =	sadd.s32 $0x10, s16  }
0x155: {  	[dreg:$0x15] =	wrdreg s23;
	s24 =	sor.u32 s13, s23;
	s16 =	sand.u32 $0x50, s25;
	v53 =	vshll.u32 v3, $0x10  }
0x156: {  	s23 =	sor.u32 s16, s22;
	[tilespmem:s24+$0x0] =	vst v53;
	s24 =	rddreg [dreg:$0xd]  }
0x157: {  	[dreg:$0x1b] =	wrdreg s26;
	s26 =	sor.u32 $0x11180, s14;
	v5 =	vld [tilespmem:s23+$0x0];
	s24 =	sadd.s32 $0x20, s24  }
0x158: {  	s17 =	sor.u32 s13, s26;
	v54 =	vld [tilespmem:s23+$0x80];
	v3 =	vand.u32 $0xFFFF0000, v3;
	s15 =	sand.u32 $0x60, s24  }
0x159: {  	[dreg:$0x17] =	wrdreg s26;
	v6 =	vld [tilespmem:s23+$0x100];
	[tilespmem:s17+$0x0] =	vst v3;
	s17 =	sor.u32 s15, s22  }
0x15a: {  	s26 =	rddreg [dreg:$0xd];
	v4 =	vld [tilespmem:s17+$0x0]  }
0x15b: {  	s23 =	sadd.s32 $0x30, s26;
	v7 =	vld [tilespmem:s17+$0x80]  }
0x15c: {  	v8 =	vld [tilespmem:s17+$0x100];
	s17 =	sand.u32 $0x70, s23  }
0x15d: {  	v11 =	vadd.s32 $0x100, v54;
	s22 =	sor.u32 s17, s22  }
0x15e: {  	v10 =	vadd.s32 $0x200, v6;
	v55 =	vld [tilespmem:s22+$0x80]  }
0x15f: {  	v3 =	vld [tilespmem:s22+$0x0]  }
0x160: {  	v12 =	vld [tilespmem:s22+$0x100];
	v9 =	vadd.s32 $0x100, v7  }
0x161: {  	v13 =	vld.idx.msk [tilespmem:v5+s12+$0x0], $0xffff;
	v7 =	vadd.s32 $0x200, v8  }
0x162: {  	v14 =	vld.idx.msk [tilespmem:v11+s12+$0x0], $0xffff  }
0x163: {  	v15 =	vld.idx.msk [tilespmem:v10+s12+$0x0], $0xffff;
	v8 =	vadd.s32 $0x100, v55  }
0x164: {  	v16 =	vld.idx.msk [tilespmem:v4+s12+$0x0], $0xffff  }
0x165: {  	v6 =	vadd.s32 $0x200, v12;
	v17 =	vld.idx.msk [tilespmem:v9+s12+$0x0], $0xffff  }
0x166: {  	v56 =	vld.idx.msk [tilespmem:v7+s12+$0x0], $0xffff  }
0x167: {  	v13 =	vadd.bf16 v14, v13;
	v57 =	vld.idx.msk [tilespmem:v3+s12+$0x0], $0xffff  }
0x168: {  	v18 =	vld.idx.msk [tilespmem:v8+s12+$0x0], $0xffff  }
0x169: {  	v13 =	vadd.bf16 v15, v13  }
0x16a: {  	v59 =	vld.idx.msk [tilespmem:v6+s12+$0x0], $0xffff;
	v58 =	vadd.bf16 v17, v16  }
0x16b: {  	[smem:$0x7F3] =	sst s5;
	s5 =	sor.u32 s16, s21;
	v60 =	vshll.u32 v13, $0x10  }
0x16c: {  	v13 =	vand.u32 $0xFFFF0000, v13;
	[tilespmem:s5+$0x0] =	vst v60;
	v12 =	vadd.bf16 v56, v58  }
0x16d: {  	[smem:$0x7D7] =	sst s2;
	s2 =	simm.s32 $0x300;
	[tilespmem:s5+$0x80] =	vst v13;
	v61 =	vadd.bf16 v18, v57  }
0x16e: {  	v62 =	vld.idx.msk [tilespmem:v5+s2+$0x0], $0xffff;
	s12 =	sor.u32 s15, s21;
	v15 =	vshll.u32 v12, $0x10  }
0x16f: {  	v17 =	vld.idx.msk [tilespmem:v11+s2+$0x0], $0xffff;
	v12 =	vand.u32 $0xFFFF0000, v12;
	v13 =	vadd.bf16 v59, v61;
	[tilespmem:s12+$0x0] =	vst v15  }
0x170: {  	v63 =	vld.idx.msk [tilespmem:v10+s2+$0x0], $0xffff;
	[tilespmem:s12+$0x80] =	vst v12  }
0x171: {  	s21 =	sor.u32 s17, s21;
	v12 =	vld.idx.msk [tilespmem:v4+s2+$0x0], $0xffff;
	v16 =	vshll.u32 v13, $0x10  }
0x172: {  	v21 =	vld.idx.msk [tilespmem:v9+s2+$0x0], $0xffff;
	v13 =	vand.u32 $0xFFFF0000, v13;
	[tilespmem:s21+$0x0] =	vst v16  }
0x173: {  	v22 =	vld.idx.msk [tilespmem:v7+s2+$0x0], $0xffff;
	[tilespmem:s21+$0x80] =	vst v13  }
0x174: {  	v23 =	vadd.bf16 v17, v62;
	v24 =	vld.idx.msk [tilespmem:v3+s2+$0x0], $0xffff  }
0x175: {  	v25 =	vld.idx.msk [tilespmem:v8+s2+$0x0], $0xffff  }
0x176: {  	v13 =	vadd.bf16 v63, v23  }
0x177: {  	v26 =	vld.idx.msk [tilespmem:v6+s2+$0x0], $0xffff;
	v12 =	vadd.bf16 v21, v12  }
0x178: {  	v27 =	vshll.u32 v13, $0x10  }
0x179: {  	v13 =	vand.u32 $0xFFFF0000, v13;
	[tilespmem:s5+$0x100] =	vst v27;
	v12 =	vadd.bf16 v22, v12  }
0x17a: {  	[dreg:$0x11] =	wrdreg s28;
	s28 =	simm.s32 $0x600;
	[tilespmem:s5+$0x180] =	vst v13;
	v28 =	vadd.bf16 v25, v24  }
0x17b: {  	v29 =	vld.idx.msk [tilespmem:v5+s28+$0x0], $0xffff;
	v16 =	vshll.u32 v12, $0x10  }
0x17c: {  	v30 =	vld.idx.msk [tilespmem:v11+s28+$0x0], $0xffff;
	v12 =	vand.u32 $0xFFFF0000, v12;
	v13 =	vadd.bf16 v26, v28;
	[tilespmem:s12+$0x100] =	vst v16  }
0x17d: {  	v31 =	vld.idx.msk [tilespmem:v10+s28+$0x0], $0xffff;
	[tilespmem:s12+$0x180] =	vst v12  }
0x17e: {  	v32 =	vld.idx.msk [tilespmem:v4+s28+$0x0], $0xffff;
	v33 =	vshll.u32 v13, $0x10  }
0x17f: {  	v34 =	vld.idx.msk [tilespmem:v9+s28+$0x0], $0xffff;
	v13 =	vand.u32 $0xFFFF0000, v13;
	[tilespmem:s21+$0x100] =	vst v33  }
0x180: {  	s0 =	rddreg [dreg:$0x13];
	v35 =	vld.idx.msk [tilespmem:v7+s28+$0x0], $0xffff;
	[tilespmem:s21+$0x180] =	vst v13  }
0x181: {  	s26 =	sand.u32 $0x7, s0;
	v14 =	vadd.bf16 v30, v29;
	v16 =	vld.idx.msk [tilespmem:v3+s28+$0x0], $0xffff  }
0x182: {  	s21 =	sshll.u32 s26, $0x4;
	v36 =	vld.idx.msk [tilespmem:v8+s28+$0x0], $0xffff  }
0x183: {  	v12 =	vadd.bf16 v31, v14;
	s21 =	sadd.s32 s19, s21;
	v38 =	vld.idx.msk [tilespmem:v6+s28+$0x0], $0xffff;
	s28 =	rddreg [dreg:$0x11]  }
0x184: {  	[smem:$0x7D8] =	sst s4;
	s2 =	sand.u32 $0x3, s28;
	s26 =	sadd.s32 $0x10, s21;
	v37 =	vadd.bf16 v34, v32  }
0x185: {  	[smem:$0x7DE] =	sst s29;
	v39 =	vshll.u32 v12, $0x10;
	s22 =	sshll.u32 s2, $0x5;
	s5 =	sor.u32 $0x200, s26  }
0x186: {  	s12 =	smov.u32 s0;
	v12 =	vand.u32 $0xFFFF0000, v12;
	[tilespmem:s5+$0xA000] =	vst v39;
	s0 =	sadd.s32 s19, s22;
	s5 =	sor.u32 $0x280, s26;
	v13 =	vadd.bf16 v35, v37  }
0x187: {  	s3 =	simm.s32 $0x900;
	[smem:$0x7DF] =	sst s7;
	[tilespmem:s5+$0xA000] =	vst v12;
	s2 =	sadd.s32 $0x20, s0;
	v40 =	vadd.bf16 v36, v16  }
0x188: {  	v41 =	vld.idx.msk [tilespmem:v5+s3+$0x0], $0xffff;
	s0 =	sor.u32 $0x200, s2;
	v42 =	vshll.u32 v13, $0x10  }
0x189: {  	v43 =	vld.idx.msk [tilespmem:v11+s3+$0x0], $0xffff;
	s5 =	sor.u32 $0x280, s2;
	v13 =	vand.u32 $0xFFFF0000, v13;
	v12 =	vadd.bf16 v38, v40;
	[tilespmem:s0+$0xA000] =	vst v42  }
0x18a: {  	s21 =	sadd.s32 $0x30, s21;
	v44 =	vld.idx.msk [tilespmem:v10+s3+$0x0], $0xffff;
	[tilespmem:s5+$0xA000] =	vst v13  }
0x18b: {  	s0 =	sor.u32 $0x200, s21;
	v46 =	vshll.u32 v12, $0x10;
	v45 =	vld.idx.msk [tilespmem:v4+s3+$0x0], $0xffff  }
0x18c: {  	v12 =	vand.u32 $0xFFFF0000, v12;
	s5 =	sor.u32 $0x280, s21;
	[tilespmem:s0+$0xA000] =	vst v46;
	v47 =	vld.idx.msk [tilespmem:v9+s3+$0x0], $0xffff  }
0x18d: {  	v48 =	vld.idx.msk [tilespmem:v7+s3+$0x0], $0xffff;
	[tilespmem:s5+$0xA000] =	vst v12  }
0x18e: {  	v14 =	vadd.bf16 v43, v41;
	v49 =	vld.idx.msk [tilespmem:v3+s3+$0x0], $0xffff  }
0x18f: {  	v50 =	vld.idx.msk [tilespmem:v8+s3+$0x0], $0xffff  }
0x190: {  	v13 =	vadd.bf16 v44, v14  }
0x191: {  	v52 =	vld.idx.msk [tilespmem:v6+s3+$0x0], $0xffff;
	v51 =	vadd.bf16 v47, v45  }
0x192: {  	s25 =	sor.u32 s25, s19;
	s0 =	sor.u32 $0x300, s26;
	v53 =	vshll.u32 v13, $0x10  }
0x193: {  	s3 =	sor.u32 $0x380, s25;
	v13 =	vand.u32 $0xFFFF0000, v13;
	[tilespmem:s0+$0xA000] =	vst v53;
	v12 =	vadd.bf16 v48, v51  }
0x194: {  	[tilespmem:s3+$0xA000] =	vst v13;
	v54 =	vadd.bf16 v50, v49  }
0x195: {  	s2 =	sor.u32 $0x300, s2;
	s5 =	sor.u32 s24, s19;
	v55 =	vld.idx.msk [tilespmem:v5+s31+$0x0], $0xffff;
	v56 =	vshll.u32 v12, $0x10  }
0x196: {  	s0 =	sor.u32 $0x380, s5;
	v57 =	vld.idx.msk [tilespmem:v11+s31+$0x0], $0xffff;
	v12 =	vand.u32 $0xFFFF0000, v12;
	v13 =	vadd.bf16 v52, v54;
	[tilespmem:s2+$0xA000] =	vst v56  }
0x197: {  	v58 =	vld.idx.msk [tilespmem:v10+s31+$0x0], $0xffff;
	[tilespmem:s0+$0xA000] =	vst v12  }
0x198: {  	s5 =	sor.u32 s23, s19;
	s3 =	sor.u32 $0x300, s21;
	v60 =	vshll.u32 v13, $0x10;
	v59 =	vld.idx.msk [tilespmem:v4+s31+$0x0], $0xffff  }
0x199: {  	s21 =	sor.u32 $0x380, s5;
	v13 =	vand.u32 $0xFFFF0000, v13;
	[tilespmem:s3+$0xA000] =	vst v60;
	v61 =	vld.idx.msk [tilespmem:v9+s31+$0x0], $0xffff  }
0x19a: {  	v62 =	vld.idx.msk [tilespmem:v7+s31+$0x0], $0xffff;
	[tilespmem:s21+$0xA000] =	vst v13  }
0x19b: {  	v14 =	vadd.bf16 v57, v55;
	v63 =	vld.idx.msk [tilespmem:v3+s31+$0x0], $0xffff  }
0x19c: {  	v21 =	vld.idx.msk [tilespmem:v8+s31+$0x0], $0xffff  }
0x19d: {  	v12 =	vadd.bf16 v58, v14  }
0x19e: {  	v23 =	vld.idx.msk [tilespmem:v6+s31+$0x0], $0xffff;
	v22 =	vadd.bf16 v61, v59  }
0x19f: {  	s22 =	sor.u32 s16, s20;
	v24 =	vshll.u32 v12, $0x10  }
0x1a0: {  	s31 =	sor.u32 s16, s10;
	v12 =	vand.u32 $0xFFFF0000, v12;
	[tilespmem:s22+$0x0] =	vst v24;
	v13 =	vadd.bf16 v62, v22  }
0x1a1: {  	[tilespmem:s31+$0x0] =	vst v12;
	v25 =	vadd.bf16 v21, v63  }
0x1a2: {  	s0 =	sor.u32 s15, s20;
	v26 =	vld.idx.msk [tilespmem:v5+s30+$0x0], $0xffff;
	v27 =	vshll.u32 v13, $0x10  }
0x1a3: {  	s3 =	sor.u32 s15, s10;
	v28 =	vld.idx.msk [tilespmem:v11+s30+$0x0], $0xffff;
	v13 =	vand.u32 $0xFFFF0000, v13;
	v12 =	vadd.bf16 v23, v25;
	[tilespmem:s0+$0x0] =	vst v27  }
0x1a4: {  	v29 =	vld.idx.msk [tilespmem:v10+s30+$0x0], $0xffff;
	[tilespmem:s3+$0x0] =	vst v13  }
0x1a5: {  	s5 =	sor.u32 s17, s20;
	v31 =	vshll.u32 v12, $0x10;
	v30 =	vld.idx.msk [tilespmem:v4+s30+$0x0], $0xffff  }
0x1a6: {  	s20 =	sor.u32 s17, s10;
	v12 =	vand.u32 $0xFFFF0000, v12;
	[tilespmem:s5+$0x0] =	vst v31;
	v32 =	vld.idx.msk [tilespmem:v9+s30+$0x0], $0xffff  }
0x1a7: {  	v33 =	vld.idx.msk [tilespmem:v7+s30+$0x0], $0xffff;
	[tilespmem:s20+$0x0] =	vst v12  }
0x1a8: {  	v14 =	vadd.bf16 v28, v26;
	v34 =	vld.idx.msk [tilespmem:v3+s30+$0x0], $0xffff  }
0x1a9: {  	v35 =	vld.idx.msk [tilespmem:v8+s30+$0x0], $0xffff  }
0x1aa: {  	v13 =	vadd.bf16 v29, v14  }
0x1ab: {  	v37 =	vld.idx.msk [tilespmem:v6+s30+$0x0], $0xffff;
	v36 =	vadd.bf16 v32, v30  }
0x1ac: {  	s21 =	sor.u32 s16, s18;
	v38 =	vshll.u32 v13, $0x10  }
0x1ad: {  	s22 =	sor.u32 s16, s11;
	v13 =	vand.u32 $0xFFFF0000, v13;
	[tilespmem:s21+$0x0] =	vst v38;
	v12 =	vadd.bf16 v33, v36  }
0x1ae: {  	s4 =	simm.s32 $0x1200;
	[tilespmem:s22+$0x0] =	vst v13;
	v39 =	vadd.bf16 v35, v34  }
0x1af: {  	s30 =	sor.u32 s15, s18;
	v40 =	vld.idx.msk [tilespmem:v5+s4+$0x0], $0xffff;
	v41 =	vshll.u32 v12, $0x10  }
0x1b0: {  	s31 =	sor.u32 s15, s11;
	v42 =	vld.idx.msk [tilespmem:v11+s4+$0x0], $0xffff;
	v12 =	vand.u32 $0xFFFF0000, v12;
	v13 =	vadd.bf16 v37, v39;
	[tilespmem:s30+$0x0] =	vst v41  }
0x1b1: {  	v43 =	vld.idx.msk [tilespmem:v10+s4+$0x0], $0xffff;
	[tilespmem:s31+$0x0] =	vst v12  }
0x1b2: {  	s0 =	sor.u32 s17, s18;
	v45 =	vshll.u32 v13, $0x10;
	v44 =	vld.idx.msk [tilespmem:v4+s4+$0x0], $0xffff  }
0x1b3: {  	s3 =	sor.u32 s17, s11;
	v13 =	vand.u32 $0xFFFF0000, v13;
	[tilespmem:s0+$0x0] =	vst v45;
	v46 =	vld.idx.msk [tilespmem:v9+s4+$0x0], $0xffff  }
0x1b4: {  	v47 =	vld.idx.msk [tilespmem:v7+s4+$0x0], $0xffff;
	[tilespmem:s3+$0x0] =	vst v13  }
0x1b5: {  	v14 =	vadd.bf16 v42, v40;
	v48 =	vld.idx.msk [tilespmem:v3+s4+$0x0], $0xffff  }
0x1b6: {  	s5 =	sld [smem:$0x7D4];
	v49 =	vld.idx.msk [tilespmem:v8+s4+$0x0], $0xffff  }
0x1b7: {  	s11 =	sld [smem:$0x7D5];
	v12 =	vadd.bf16 v43, v14  }
0x1b8: {  	v51 =	vld.idx.msk [tilespmem:v6+s4+$0x0], $0xffff;
	v50 =	vadd.bf16 v46, v44  }
0x1b9: {  	s10 =	sor.u32 s16, s5;
	v52 =	vshll.u32 v12, $0x10  }
0x1ba: {  	s20 =	sor.u32 s16, s11;
	v12 =	vand.u32 $0xFFFF0000, v12;
	[tilespmem:s10+$0x0] =	vst v52;
	v13 =	vadd.bf16 v47, v50  }
0x1bb: {  	s6 =	simm.s32 $0x1500;
	[tilespmem:s20+$0x0] =	vst v12;
	v53 =	vadd.bf16 v49, v48  }
0x1bc: {  	s21 =	sor.u32 s15, s5;
	v54 =	vld.idx.msk [tilespmem:v5+s6+$0x0], $0xffff;
	v55 =	vshll.u32 v13, $0x10  }
0x1bd: {  	s22 =	sor.u32 s15, s11;
	v56 =	vld.idx.msk [tilespmem:v11+s6+$0x0], $0xffff;
	v13 =	vand.u32 $0xFFFF0000, v13;
	v12 =	vadd.bf16 v51, v53;
	[tilespmem:s21+$0x0] =	vst v55  }
0x1be: {  	v57 =	vld.idx.msk [tilespmem:v10+s6+$0x0], $0xffff;
	[tilespmem:s22+$0x0] =	vst v13  }
0x1bf: {  	s30 =	sor.u32 s17, s5;
	v59 =	vshll.u32 v12, $0x10;
	v58 =	vld.idx.msk [tilespmem:v4+s6+$0x0], $0xffff  }
0x1c0: {  	s31 =	sor.u32 s17, s11;
	v12 =	vand.u32 $0xFFFF0000, v12;
	[tilespmem:s30+$0x0] =	vst v59;
	v60 =	vld.idx.msk [tilespmem:v9+s6+$0x0], $0xffff  }
0x1c1: {  	v61 =	vld.idx.msk [tilespmem:v7+s6+$0x0], $0xffff;
	[tilespmem:s31+$0x0] =	vst v12  }
0x1c2: {  	v14 =	vadd.bf16 v56, v54;
	v62 =	vld.idx.msk [tilespmem:v3+s6+$0x0], $0xffff  }
0x1c3: {  	s0 =	sld [smem:$0x7D6];
	v63 =	vld.idx.msk [tilespmem:v8+s6+$0x0], $0xffff  }
0x1c4: {  	s5 =	sld [smem:$0x7D7];
	v13 =	vadd.bf16 v57, v14  }
0x1c5: {  	v21 =	vld.idx.msk [tilespmem:v6+s6+$0x0], $0xffff;
	v20 =	vadd.bf16 v60, v58  }
0x1c6: {  	s4 =	sor.u32 s16, s0;
	v22 =	vshll.u32 v13, $0x10  }
0x1c7: {  	s6 =	sor.u32 s16, s5;
	v13 =	vand.u32 $0xFFFF0000, v13;
	[tilespmem:s4+$0x0] =	vst v22;
	v12 =	vadd.bf16 v61, v20  }
0x1c8: {  	s7 =	simm.s32 $0x1800;
	[tilespmem:s6+$0x0] =	vst v13;
	v23 =	vadd.bf16 v63, v62  }
0x1c9: {  	s10 =	sor.u32 s15, s0;
	v24 =	vld.idx.msk [tilespmem:v5+s7+$0x0], $0xffff;
	v25 =	vshll.u32 v12, $0x10  }
0x1ca: {  	s11 =	sor.u32 s15, s5;
	v26 =	vld.idx.msk [tilespmem:v11+s7+$0x0], $0xffff;
	v12 =	vand.u32 $0xFFFF0000, v12;
	v13 =	vadd.bf16 v21, v23;
	[tilespmem:s10+$0x0] =	vst v25  }
0x1cb: {  	v27 =	vld.idx.msk [tilespmem:v10+s7+$0x0], $0xffff;
	[tilespmem:s11+$0x0] =	vst v12  }
0x1cc: {  	s20 =	sor.u32 s17, s0;
	v29 =	vshll.u32 v13, $0x10;
	v28 =	vld.idx.msk [tilespmem:v4+s7+$0x0], $0xffff  }
0x1cd: {  	s21 =	sor.u32 s17, s5;
	v13 =	vand.u32 $0xFFFF0000, v13;
	[tilespmem:s20+$0x0] =	vst v29;
	v30 =	vld.idx.msk [tilespmem:v9+s7+$0x0], $0xffff  }
0x1ce: {  	v31 =	vld.idx.msk [tilespmem:v7+s7+$0x0], $0xffff;
	[tilespmem:s21+$0x0] =	vst v13  }
0x1cf: {  	v14 =	vadd.bf16 v26, v24;
	v32 =	vld.idx.msk [tilespmem:v3+s7+$0x0], $0xffff  }
0x1d0: {  	s22 =	sld [smem:$0x7D8];
	v33 =	vld.idx.msk [tilespmem:v8+s7+$0x0], $0xffff  }
0x1d1: {  	s31 =	sld [smem:$0x7D9];
	v12 =	vadd.bf16 v27, v14  }
0x1d2: {  	v35 =	vld.idx.msk [tilespmem:v6+s7+$0x0], $0xffff;
	v34 =	vadd.bf16 v30, v28  }
0x1d3: {  	s30 =	sor.u32 s16, s22;
	v36 =	vshll.u32 v12, $0x10  }
0x1d4: {  	s4 =	sor.u32 s16, s31;
	v12 =	vand.u32 $0xFFFF0000, v12;
	[tilespmem:s30+$0x0] =	vst v36;
	v13 =	vadd.bf16 v31, v34  }
0x1d5: {  	s29 =	simm.s32 $0x1B00;
	[tilespmem:s4+$0x0] =	vst v12;
	v37 =	vadd.bf16 v33, v32  }
0x1d6: {  	s5 =	sor.u32 s15, s22;
	v38 =	vld.idx.msk [tilespmem:v5+s29+$0x0], $0xffff;
	v39 =	vshll.u32 v13, $0x10  }
0x1d7: {  	s7 =	sor.u32 s15, s31;
	v40 =	vld.idx.msk [tilespmem:v11+s29+$0x0], $0xffff;
	v13 =	vand.u32 $0xFFFF0000, v13;
	v12 =	vadd.bf16 v35, v37;
	[tilespmem:s5+$0x0] =	vst v39  }
0x1d8: {  	v41 =	vld.idx.msk [tilespmem:v10+s29+$0x0], $0xffff;
	[tilespmem:s7+$0x0] =	vst v13  }
0x1d9: {  	s10 =	sor.u32 s17, s22;
	v43 =	vshll.u32 v12, $0x10;
	v42 =	vld.idx.msk [tilespmem:v4+s29+$0x0], $0xffff  }
0x1da: {  	s11 =	sor.u32 s17, s31;
	v12 =	vand.u32 $0xFFFF0000, v12;
	[tilespmem:s10+$0x0] =	vst v43;
	v44 =	vld.idx.msk [tilespmem:v9+s29+$0x0], $0xffff  }
0x1db: {  	v45 =	vld.idx.msk [tilespmem:v7+s29+$0x0], $0xffff;
	[tilespmem:s11+$0x0] =	vst v12  }
0x1dc: {  	v14 =	vadd.bf16 v40, v38;
	v46 =	vld.idx.msk [tilespmem:v3+s29+$0x0], $0xffff  }
0x1dd: {  	s20 =	sld [smem:$0x7DA];
	v47 =	vld.idx.msk [tilespmem:v8+s29+$0x0], $0xffff  }
0x1de: {  	s22 =	sld [smem:$0x7DB];
	v13 =	vadd.bf16 v41, v14  }
0x1df: {  	v49 =	vld.idx.msk [tilespmem:v6+s29+$0x0], $0xffff;
	v48 =	vadd.bf16 v44, v42  }
0x1e0: {  	s21 =	sor.u32 s16, s20;
	v50 =	vshll.u32 v13, $0x10  }
0x1e1: {  	s29 =	sor.u32 s16, s22;
	v13 =	vand.u32 $0xFFFF0000, v13;
	[tilespmem:s21+$0x0] =	vst v50;
	v12 =	vadd.bf16 v45, v48  }
0x1e2: {  	s23 =	simm.s32 $0x1E00;
	[tilespmem:s29+$0x0] =	vst v13;
	v51 =	vadd.bf16 v47, v46  }
0x1e3: {  	s30 =	sor.u32 s15, s20;
	v52 =	vld.idx.msk [tilespmem:v5+s23+$0x0], $0xffff;
	v53 =	vshll.u32 v12, $0x10  }
0x1e4: {  	s31 =	sor.u32 s15, s22;
	v54 =	vld.idx.msk [tilespmem:v11+s23+$0x0], $0xffff;
	v12 =	vand.u32 $0xFFFF0000, v12;
	v13 =	vadd.bf16 v49, v51;
	[tilespmem:s30+$0x0] =	vst v53  }
0x1e5: {  	v55 =	vld.idx.msk [tilespmem:v10+s23+$0x0], $0xffff;
	[tilespmem:s31+$0x0] =	vst v12  }
0x1e6: {  	s10 =	sor.u32 s17, s20;
	v57 =	vshll.u32 v13, $0x10;
	v56 =	vld.idx.msk [tilespmem:v4+s23+$0x0], $0xffff  }
0x1e7: {  	s11 =	sor.u32 s17, s22;
	v13 =	vand.u32 $0xFFFF0000, v13;
	[tilespmem:s10+$0x0] =	vst v57;
	v58 =	vld.idx.msk [tilespmem:v9+s23+$0x0], $0xffff  }
0x1e8: {  	v59 =	vld.idx.msk [tilespmem:v7+s23+$0x0], $0xffff;
	[tilespmem:s11+$0x0] =	vst v13  }
0x1e9: {  	v14 =	vadd.bf16 v54, v52;
	v60 =	vld.idx.msk [tilespmem:v3+s23+$0x0], $0xffff  }
0x1ea: {  	s20 =	sld [smem:$0x7DC];
	v61 =	vld.idx.msk [tilespmem:v8+s23+$0x0], $0xffff  }
0x1eb: {  	s22 =	sld [smem:$0x7DD];
	v12 =	vadd.bf16 v55, v14  }
0x1ec: {  	v63 =	vld.idx.msk [tilespmem:v6+s23+$0x0], $0xffff;
	v62 =	vadd.bf16 v58, v56  }
0x1ed: {  	s21 =	sor.u32 s16, s20;
	v20 =	vshll.u32 v12, $0x10  }
0x1ee: {  	s29 =	sor.u32 s16, s22;
	v12 =	vand.u32 $0xFFFF0000, v12;
	[tilespmem:s21+$0x0] =	vst v20;
	v13 =	vadd.bf16 v59, v62  }
0x1ef: {  	s24 =	simm.s32 $0x2100;
	[tilespmem:s29+$0x0] =	vst v12;
	v21 =	vadd.bf16 v61, v60  }
0x1f0: {  	s30 =	sor.u32 s15, s20;
	v22 =	vld.idx.msk [tilespmem:v5+s24+$0x0], $0xffff;
	v23 =	vshll.u32 v13, $0x10  }
0x1f1: {  	s31 =	sor.u32 s15, s22;
	v24 =	vld.idx.msk [tilespmem:v11+s24+$0x0], $0xffff;
	v13 =	vand.u32 $0xFFFF0000, v13;
	v12 =	vadd.bf16 v63, v21;
	[tilespmem:s30+$0x0] =	vst v23  }
0x1f2: {  	v25 =	vld.idx.msk [tilespmem:v10+s24+$0x0], $0xffff;
	[tilespmem:s31+$0x0] =	vst v13  }
0x1f3: {  	s10 =	sor.u32 s17, s20;
	v27 =	vshll.u32 v12, $0x10;
	v26 =	vld.idx.msk [tilespmem:v4+s24+$0x0], $0xffff  }
0x1f4: {  	s11 =	sor.u32 s17, s22;
	v12 =	vand.u32 $0xFFFF0000, v12;
	[tilespmem:s10+$0x0] =	vst v27;
	v28 =	vld.idx.msk [tilespmem:v9+s24+$0x0], $0xffff  }
0x1f5: {  	v29 =	vld.idx.msk [tilespmem:v7+s24+$0x0], $0xffff;
	[tilespmem:s11+$0x0] =	vst v12  }
0x1f6: {  	v14 =	vadd.bf16 v24, v22;
	v30 =	vld.idx.msk [tilespmem:v3+s24+$0x0], $0xffff  }
0x1f7: {  	s20 =	sld [smem:$0x7DE];
	v31 =	vld.idx.msk [tilespmem:v8+s24+$0x0], $0xffff  }
0x1f8: {  	s22 =	sld [smem:$0x7DF];
	v13 =	vadd.bf16 v25, v14  }
0x1f9: {  	v33 =	vld.idx.msk [tilespmem:v6+s24+$0x0], $0xffff;
	v32 =	vadd.bf16 v28, v26  }
0x1fa: {  	s21 =	sor.u32 s16, s20;
	v34 =	vshll.u32 v13, $0x10  }
0x1fb: {  	s29 =	sor.u32 s16, s22;
	v13 =	vand.u32 $0xFFFF0000, v13;
	[tilespmem:s21+$0x0] =	vst v34;
	v12 =	vadd.bf16 v29, v32  }
0x1fc: {  	[tilespmem:s29+$0x0] =	vst v13;
	v35 =	vadd.bf16 v31, v30  }
0x1fd: {  	s30 =	sor.u32 s15, s20;
	v36 =	vld.idx.msk [tilespmem:v5+s1+$0x0], $0xffff;
	v37 =	vshll.u32 v12, $0x10  }
0x1fe: {  	s31 =	sor.u32 s15, s22;
	v38 =	vld.idx.msk [tilespmem:v11+s1+$0x0], $0xffff;
	v12 =	vand.u32 $0xFFFF0000, v12;
	v13 =	vadd.bf16 v33, v35;
	[tilespmem:s30+$0x0] =	vst v37  }
0x1ff: {  	v39 =	vld.idx.msk [tilespmem:v10+s1+$0x0], $0xffff;
	[tilespmem:s31+$0x0] =	vst v12  }
0x200: {  	s11 =	sor.u32 s17, s20;
	v41 =	vshll.u32 v13, $0x10;
	v40 =	vld.idx.msk [tilespmem:v4+s1+$0x0], $0xffff  }
0x201: {  	s0 =	sor.u32 s17, s22;
	v13 =	vand.u32 $0xFFFF0000, v13;
	[tilespmem:s11+$0x0] =	vst v41;
	v42 =	vld.idx.msk [tilespmem:v9+s1+$0x0], $0xffff  }
0x202: {  	v43 =	vld.idx.msk [tilespmem:v7+s1+$0x0], $0xffff;
	[tilespmem:s0+$0x0] =	vst v13  }
0x203: {  	v14 =	vadd.bf16 v38, v36;
	v44 =	vld.idx.msk [tilespmem:v3+s1+$0x0], $0xffff  }
0x204: {  	s20 =	sld [smem:$0x7E0];
	v45 =	vld.idx.msk [tilespmem:v8+s1+$0x0], $0xffff  }
0x205: {  	s22 =	sld [smem:$0x7E1];
	v12 =	vadd.bf16 v39, v14  }
0x206: {  	v47 =	vld.idx.msk [tilespmem:v6+s1+$0x0], $0xffff;
	v46 =	vadd.bf16 v42, v40  }
0x207: {  	s21 =	sor.u32 s16, s20;
	v48 =	vshll.u32 v12, $0x10  }
0x208: {  	s29 =	sor.u32 s16, s22;
	v12 =	vand.u32 $0xFFFF0000, v12;
	[tilespmem:s21+$0x0] =	vst v48;
	v13 =	vadd.bf16 v43, v46  }
0x209: {  	s25 =	simm.s32 $0x2700;
	[tilespmem:s29+$0x0] =	vst v12;
	v49 =	vadd.bf16 v45, v44  }
0x20a: {  	s30 =	sor.u32 s15, s20;
	v50 =	vld.idx.msk [tilespmem:v5+s25+$0x0], $0xffff;
	v51 =	vshll.u32 v13, $0x10  }
0x20b: {  	s31 =	sor.u32 s15, s22;
	v52 =	vld.idx.msk [tilespmem:v11+s25+$0x0], $0xffff;
	v13 =	vand.u32 $0xFFFF0000, v13;
	v12 =	vadd.bf16 v47, v49;
	[tilespmem:s30+$0x0] =	vst v51  }
0x20c: {  	v53 =	vld.idx.msk [tilespmem:v10+s25+$0x0], $0xffff;
	[tilespmem:s31+$0x0] =	vst v13  }
0x20d: {  	s10 =	sor.u32 s17, s20;
	v55 =	vshll.u32 v12, $0x10;
	v54 =	vld.idx.msk [tilespmem:v4+s25+$0x0], $0xffff  }
0x20e: {  	s11 =	sor.u32 s17, s22;
	v12 =	vand.u32 $0xFFFF0000, v12;
	[tilespmem:s10+$0x0] =	vst v55;
	v56 =	vld.idx.msk [tilespmem:v9+s25+$0x0], $0xffff  }
0x20f: {  	v57 =	vld.idx.msk [tilespmem:v7+s25+$0x0], $0xffff;
	[tilespmem:s11+$0x0] =	vst v12  }
0x210: {  	v14 =	vadd.bf16 v52, v50;
	v58 =	vld.idx.msk [tilespmem:v3+s25+$0x0], $0xffff  }
0x211: {  	s20 =	sld [smem:$0x7E2];
	v59 =	vld.idx.msk [tilespmem:v8+s25+$0x0], $0xffff  }
0x212: {  	s22 =	sld [smem:$0x7E3];
	v13 =	vadd.bf16 v53, v14  }
0x213: {  	v61 =	vld.idx.msk [tilespmem:v6+s25+$0x0], $0xffff;
	v60 =	vadd.bf16 v56, v54  }
0x214: {  	s21 =	sor.u32 s16, s20;
	v62 =	vshll.u32 v13, $0x10  }
0x215: {  	s29 =	sor.u32 s16, s22;
	v13 =	vand.u32 $0xFFFF0000, v13;
	[tilespmem:s21+$0x0] =	vst v62;
	v12 =	vadd.bf16 v57, v60  }
0x216: {  	s26 =	simm.s32 $0x2A00;
	[tilespmem:s29+$0x0] =	vst v13;
	v63 =	vadd.bf16 v59, v58  }
0x217: {  	s30 =	sor.u32 s15, s20;
	v20 =	vld.idx.msk [tilespmem:v5+s26+$0x0], $0xffff;
	v21 =	vshll.u32 v12, $0x10  }
0x218: {  	s31 =	sor.u32 s15, s22;
	v22 =	vld.idx.msk [tilespmem:v11+s26+$0x0], $0xffff;
	v12 =	vand.u32 $0xFFFF0000, v12;
	v13 =	vadd.bf16 v61, v63;
	[tilespmem:s30+$0x0] =	vst v21  }
0x219: {  	v23 =	vld.idx.msk [tilespmem:v10+s26+$0x0], $0xffff;
	[tilespmem:s31+$0x0] =	vst v12  }
0x21a: {  	s2 =	sor.u32 s17, s20;
	v25 =	vshll.u32 v13, $0x10;
	v24 =	vld.idx.msk [tilespmem:v4+s26+$0x0], $0xffff  }
0x21b: {  	s10 =	sor.u32 s17, s22;
	v13 =	vand.u32 $0xFFFF0000, v13;
	[tilespmem:s2+$0x0] =	vst v25;
	v26 =	vld.idx.msk [tilespmem:v9+s26+$0x0], $0xffff  }
0x21c: {  	v27 =	vld.idx.msk [tilespmem:v7+s26+$0x0], $0xffff;
	[tilespmem:s10+$0x0] =	vst v13  }
0x21d: {  	v14 =	vadd.bf16 v22, v20;
	v28 =	vld.idx.msk [tilespmem:v3+s26+$0x0], $0xffff  }
0x21e: {  	s11 =	sld [smem:$0x7E4];
	v29 =	vld.idx.msk [tilespmem:v8+s26+$0x0], $0xffff  }
0x21f: {  	s21 =	sld [smem:$0x7E5];
	v12 =	vadd.bf16 v23, v14  }
0x220: {  	v31 =	vld.idx.msk [tilespmem:v6+s26+$0x0], $0xffff;
	v30 =	vadd.bf16 v26, v24  }
0x221: {  	s20 =	sor.u32 s16, s11;
	v32 =	vshll.u32 v12, $0x10  }
0x222: {  	s22 =	sor.u32 s16, s21;
	v12 =	vand.u32 $0xFFFF0000, v12;
	[tilespmem:s20+$0x0] =	vst v32;
	v13 =	vadd.bf16 v27, v30  }
0x223: {  	[tilespmem:s22+$0x0] =	vst v12;
	v33 =	vadd.bf16 v29, v28  }
0x224: {  	s29 =	sor.u32 s15, s11;
	v34 =	vld.idx.msk [tilespmem:v5+s9+$0x0], $0xffff;
	v35 =	vshll.u32 v13, $0x10  }
0x225: {  	s30 =	sor.u32 s15, s21;
	v36 =	vld.idx.msk [tilespmem:v11+s9+$0x0], $0xffff;
	v13 =	vand.u32 $0xFFFF0000, v13;
	v12 =	vadd.bf16 v31, v33;
	[tilespmem:s29+$0x0] =	vst v35  }
0x226: {  	v37 =	vld.idx.msk [tilespmem:v10+s9+$0x0], $0xffff;
	[tilespmem:s30+$0x0] =	vst v13  }
0x227: {  	s31 =	sor.u32 s17, s11;
	v39 =	vshll.u32 v12, $0x10;
	v38 =	vld.idx.msk [tilespmem:v4+s9+$0x0], $0xffff  }
0x228: {  	s2 =	sor.u32 s17, s21;
	v12 =	vand.u32 $0xFFFF0000, v12;
	[tilespmem:s31+$0x0] =	vst v39;
	v40 =	vld.idx.msk [tilespmem:v9+s9+$0x0], $0xffff  }
0x229: {  	v41 =	vld.idx.msk [tilespmem:v7+s9+$0x0], $0xffff;
	[tilespmem:s2+$0x0] =	vst v12  }
0x22a: {  	v14 =	vadd.bf16 v36, v34;
	v42 =	vld.idx.msk [tilespmem:v3+s9+$0x0], $0xffff  }
0x22b: {  	s10 =	sld [smem:$0x7E6];
	v43 =	vld.idx.msk [tilespmem:v8+s9+$0x0], $0xffff  }
0x22c: {  	s20 =	sld [smem:$0x7E7];
	v13 =	vadd.bf16 v37, v14  }
0x22d: {  	v45 =	vld.idx.msk [tilespmem:v6+s9+$0x0], $0xffff;
	v44 =	vadd.bf16 v40, v38  }
0x22e: {  	s11 =	sor.u32 s16, s10;
	v46 =	vshll.u32 v13, $0x10  }
0x22f: {  	s21 =	sor.u32 s16, s20;
	v13 =	vand.u32 $0xFFFF0000, v13;
	[tilespmem:s11+$0x0] =	vst v46;
	v12 =	vadd.bf16 v41, v44  }
0x230: {  	s8 =	simm.s32 $0x3000;
	[tilespmem:s21+$0x0] =	vst v13;
	v47 =	vadd.bf16 v43, v42  }
0x231: {  	s22 =	sor.u32 s15, s10;
	v48 =	vld.idx.msk [tilespmem:v5+s8+$0x0], $0xffff;
	v49 =	vshll.u32 v12, $0x10  }
0x232: {  	s29 =	sor.u32 s15, s20;
	v50 =	vld.idx.msk [tilespmem:v11+s8+$0x0], $0xffff;
	v12 =	vand.u32 $0xFFFF0000, v12;
	v13 =	vadd.bf16 v45, v47;
	[tilespmem:s22+$0x0] =	vst v49  }
0x233: {  	v51 =	vld.idx.msk [tilespmem:v10+s8+$0x0], $0xffff;
	[tilespmem:s29+$0x0] =	vst v12  }
0x234: {  	s30 =	sor.u32 s17, s10;
	v53 =	vshll.u32 v13, $0x10;
	v52 =	vld.idx.msk [tilespmem:v4+s8+$0x0], $0xffff  }
0x235: {  	s31 =	sor.u32 s17, s20;
	v13 =	vand.u32 $0xFFFF0000, v13;
	[tilespmem:s30+$0x0] =	vst v53;
	v54 =	vld.idx.msk [tilespmem:v9+s8+$0x0], $0xffff  }
0x236: {  	v55 =	vld.idx.msk [tilespmem:v7+s8+$0x0], $0xffff;
	[tilespmem:s31+$0x0] =	vst v13  }
0x237: {  	v14 =	vadd.bf16 v50, v48;
	v56 =	vld.idx.msk [tilespmem:v3+s8+$0x0], $0xffff  }
0x238: {  	s1 =	sld [smem:$0x7E8];
	v57 =	vld.idx.msk [tilespmem:v8+s8+$0x0], $0xffff  }
0x239: {  	s9 =	sld [smem:$0x7E9];
	v12 =	vadd.bf16 v51, v14  }
0x23a: {  	v59 =	vld.idx.msk [tilespmem:v6+s8+$0x0], $0xffff;
	v58 =	vadd.bf16 v54, v52  }
0x23b: {  	s8 =	sor.u32 s16, s1;
	v60 =	vshll.u32 v12, $0x10  }
0x23c: {  	s10 =	sor.u32 s16, s9;
	v12 =	vand.u32 $0xFFFF0000, v12;
	[tilespmem:s8+$0x0] =	vst v60;
	v13 =	vadd.bf16 v55, v58  }
0x23d: {  	s11 =	simm.s32 $0x3300;
	[tilespmem:s10+$0x0] =	vst v12;
	v61 =	vadd.bf16 v57, v56  }
0x23e: {  	s20 =	sor.u32 s15, s1;
	s21 =	simm.s32 $0x3300;
	v62 =	vld.idx.msk [tilespmem:v5+s11+$0x0], $0xffff;
	v63 =	vshll.u32 v13, $0x10  }
0x23f: {  	s22 =	sor.u32 s15, s9;
	s29 =	simm.s32 $0x3300;
	v20 =	vld.idx.msk [tilespmem:v11+s21+$0x0], $0xffff;
	v13 =	vand.u32 $0xFFFF0000, v13;
	v12 =	vadd.bf16 v59, v61;
	[tilespmem:s20+$0x0] =	vst v63  }
0x240: {  	s30 =	simm.s32 $0x3300;
	v21 =	vld.idx.msk [tilespmem:v10+s29+$0x0], $0xffff;
	[tilespmem:s22+$0x0] =	vst v13  }
0x241: {  	s2 =	simm.s32 $0x3300;
	s31 =	sor.u32 s17, s1;
	v23 =	vshll.u32 v12, $0x10;
	v22 =	vld.idx.msk [tilespmem:v4+s30+$0x0], $0xffff  }
0x242: {  	s8 =	sor.u32 s17, s9;
	s9 =	simm.s32 $0x3300;
	v12 =	vand.u32 $0xFFFF0000, v12;
	[tilespmem:s31+$0x0] =	vst v23;
	v24 =	vld.idx.msk [tilespmem:v9+s2+$0x0], $0xffff  }
0x243: {  	s10 =	simm.s32 $0x3300;
	v25 =	vld.idx.msk [tilespmem:v7+s9+$0x0], $0xffff;
	[tilespmem:s8+$0x0] =	vst v12  }
0x244: {  	s11 =	simm.s32 $0x3300;
	v14 =	vadd.bf16 v20, v62;
	v26 =	vld.idx.msk [tilespmem:v3+s10+$0x0], $0xffff  }
0x245: {  	s21 =	sld [smem:$0x7EA];
	v27 =	vld.idx.msk [tilespmem:v8+s11+$0x0], $0xffff  }
0x246: {  	s29 =	sld [smem:$0x7EB];
	s20 =	simm.s32 $0x3300;
	v13 =	vadd.bf16 v21, v14  }
0x247: {  	v29 =	vld.idx.msk [tilespmem:v6+s20+$0x0], $0xffff;
	v28 =	vadd.bf16 v24, v22  }
0x248: {  	s22 =	sor.u32 s16, s21;
	v30 =	vshll.u32 v13, $0x10  }
0x249: {  	s30 =	sor.u32 s16, s29;
	v13 =	vand.u32 $0xFFFF0000, v13;
	[tilespmem:s22+$0x0] =	vst v30;
	v12 =	vadd.bf16 v25, v28  }
0x24a: {  	s31 =	simm.s32 $0x3600;
	[tilespmem:s30+$0x0] =	vst v13;
	v31 =	vadd.bf16 v27, v26  }
0x24b: {  	s9 =	sor.u32 s15, s21;
	v32 =	vld.idx.msk [tilespmem:v5+s31+$0x0], $0xffff;
	v33 =	vshll.u32 v12, $0x10  }
0x24c: {  	s10 =	sor.u32 s15, s29;
	v34 =	vld.idx.msk [tilespmem:v11+s31+$0x0], $0xffff;
	v12 =	vand.u32 $0xFFFF0000, v12;
	v13 =	vadd.bf16 v29, v31;
	[tilespmem:s9+$0x0] =	vst v33  }
0x24d: {  	v35 =	vld.idx.msk [tilespmem:v10+s31+$0x0], $0xffff;
	[tilespmem:s10+$0x0] =	vst v12  }
0x24e: {  	s11 =	sor.u32 s17, s21;
	v37 =	vshll.u32 v13, $0x10;
	v36 =	vld.idx.msk [tilespmem:v4+s31+$0x0], $0xffff  }
0x24f: {  	s20 =	sor.u32 s17, s29;
	v13 =	vand.u32 $0xFFFF0000, v13;
	[tilespmem:s11+$0x0] =	vst v37;
	v38 =	vld.idx.msk [tilespmem:v9+s31+$0x0], $0xffff  }
0x250: {  	v39 =	vld.idx.msk [tilespmem:v7+s31+$0x0], $0xffff;
	[tilespmem:s20+$0x0] =	vst v13  }
0x251: {  	v14 =	vadd.bf16 v34, v32;
	v40 =	vld.idx.msk [tilespmem:v3+s31+$0x0], $0xffff  }
0x252: {  	s22 =	sld [smem:$0x7EC];
	v41 =	vld.idx.msk [tilespmem:v8+s31+$0x0], $0xffff  }
0x253: {  	s21 =	simm.s32 $0x3600;
	s30 =	sld [smem:$0x7ED];
	v12 =	vadd.bf16 v35, v14  }
0x254: {  	v43 =	vld.idx.msk [tilespmem:v6+s21+$0x0], $0xffff;
	v42 =	vadd.bf16 v38, v36  }
0x255: {  	s29 =	sor.u32 s16, s22;
	v44 =	vshll.u32 v12, $0x10  }
0x256: {  	s31 =	sor.u32 s16, s30;
	v12 =	vand.u32 $0xFFFF0000, v12;
	[tilespmem:s29+$0x0] =	vst v44;
	v13 =	vadd.bf16 v39, v42  }
0x257: {  	s8 =	simm.s32 $0x3900;
	[tilespmem:s31+$0x0] =	vst v12;
	v45 =	vadd.bf16 v41, v40  }
0x258: {  	s9 =	sor.u32 s15, s22;
	s10 =	simm.s32 $0x3900;
	v46 =	vld.idx.msk [tilespmem:v5+s8+$0x0], $0xffff;
	v47 =	vshll.u32 v13, $0x10  }
0x259: {  	s11 =	sor.u32 s15, s30;
	s20 =	simm.s32 $0x3900;
	v48 =	vld.idx.msk [tilespmem:v11+s10+$0x0], $0xffff;
	v13 =	vand.u32 $0xFFFF0000, v13;
	v12 =	vadd.bf16 v43, v45;
	[tilespmem:s9+$0x0] =	vst v47  }
0x25a: {  	s21 =	simm.s32 $0x3900;
	v49 =	vld.idx.msk [tilespmem:v10+s20+$0x0], $0xffff;
	[tilespmem:s11+$0x0] =	vst v13  }
0x25b: {  	s22 =	sor.u32 s17, s22;
	s29 =	simm.s32 $0x3900;
	v51 =	vshll.u32 v12, $0x10;
	v50 =	vld.idx.msk [tilespmem:v4+s21+$0x0], $0xffff  }
0x25c: {  	s30 =	sor.u32 s17, s30;
	s31 =	simm.s32 $0x3900;
	v12 =	vand.u32 $0xFFFF0000, v12;
	[tilespmem:s22+$0x0] =	vst v51;
	v52 =	vld.idx.msk [tilespmem:v9+s29+$0x0], $0xffff  }
0x25d: {  	s1 =	simm.s32 $0x3900;
	v53 =	vld.idx.msk [tilespmem:v7+s31+$0x0], $0xffff;
	[tilespmem:s30+$0x0] =	vst v12  }
0x25e: {  	s2 =	simm.s32 $0x3900;
	v14 =	vadd.bf16 v48, v46;
	v54 =	vld.idx.msk [tilespmem:v3+s1+$0x0], $0xffff  }
0x25f: {  	s9 =	sld [smem:$0x7EE];
	v55 =	vld.idx.msk [tilespmem:v8+s2+$0x0], $0xffff  }
0x260: {  	s8 =	simm.s32 $0x3900;
	s11 =	sld [smem:$0x7EF];
	v13 =	vadd.bf16 v49, v14  }
0x261: {  	v57 =	vld.idx.msk [tilespmem:v6+s8+$0x0], $0xffff;
	v56 =	vadd.bf16 v52, v50  }
0x262: {  	s10 =	sor.u32 s16, s9;
	v58 =	vshll.u32 v13, $0x10  }
0x263: {  	s20 =	sor.u32 s16, s11;
	v13 =	vand.u32 $0xFFFF0000, v13;
	[tilespmem:s10+$0x0] =	vst v58;
	v12 =	vadd.bf16 v53, v56  }
0x264: {  	s21 =	simm.s32 $0x3C00;
	[tilespmem:s20+$0x0] =	vst v13;
	v59 =	vadd.bf16 v55, v54  }
0x265: {  	s22 =	sor.u32 s15, s9;
	v60 =	vld.idx.msk [tilespmem:v5+s21+$0x0], $0xffff;
	v61 =	vshll.u32 v12, $0x10  }
0x266: {  	s29 =	sor.u32 s15, s11;
	v62 =	vld.idx.msk [tilespmem:v11+s21+$0x0], $0xffff;
	v12 =	vand.u32 $0xFFFF0000, v12;
	v13 =	vadd.bf16 v57, v59;
	[tilespmem:s22+$0x0] =	vst v61  }
0x267: {  	v63 =	vld.idx.msk [tilespmem:v10+s21+$0x0], $0xffff;
	[tilespmem:s29+$0x0] =	vst v12  }
0x268: {  	s30 =	sor.u32 s17, s9;
	v22 =	vshll.u32 v13, $0x10;
	v21 =	vld.idx.msk [tilespmem:v4+s21+$0x0], $0xffff  }
0x269: {  	s31 =	sor.u32 s17, s11;
	v13 =	vand.u32 $0xFFFF0000, v13;
	[tilespmem:s30+$0x0] =	vst v22;
	v23 =	vld.idx.msk [tilespmem:v9+s21+$0x0], $0xffff  }
0x26a: {  	v24 =	vld.idx.msk [tilespmem:v7+s21+$0x0], $0xffff;
	[tilespmem:s31+$0x0] =	vst v13  }
0x26b: {  	v25 =	vadd.bf16 v62, v60;
	v26 =	vld.idx.msk [tilespmem:v3+s21+$0x0], $0xffff  }
0x26c: {  	s8 =	sld [smem:$0x7F0];
	v27 =	vld.idx.msk [tilespmem:v8+s21+$0x0], $0xffff  }
0x26d: {  	s2 =	simm.s32 $0x3C00;
	s10 =	sld [smem:$0x7F1];
	v12 =	vadd.bf16 v63, v25  }
0x26e: {  	v29 =	vld.idx.msk [tilespmem:v6+s2+$0x0], $0xffff;
	v28 =	vadd.bf16 v23, v21  }
0x26f: {  	s9 =	sor.u32 s16, s8;
	v30 =	vshll.u32 v12, $0x10  }
0x270: {  	s11 =	sor.u32 s16, s10;
	v12 =	vand.u32 $0xFFFF0000, v12;
	[tilespmem:s9+$0x0] =	vst v30;
	v13 =	vadd.bf16 v24, v28  }
0x271: {  	s18 =	simm.s32 $0x3F00;
	[tilespmem:s11+$0x0] =	vst v12;
	v31 =	vadd.bf16 v27, v26  }
0x272: {  	s20 =	sor.u32 s15, s8;
	v32 =	vld.idx.msk [tilespmem:v5+s18+$0x0], $0xffff;
	v33 =	vshll.u32 v13, $0x10  }
0x273: {  	s21 =	sor.u32 s15, s10;
	v17 =	vld.idx.msk [tilespmem:v11+s18+$0x0], $0xffff;
	v13 =	vand.u32 $0xFFFF0000, v13;
	v12 =	vadd.bf16 v29, v31;
	[tilespmem:s20+$0x0] =	vst v33  }
0x274: {  	v34 =	vld.idx.msk [tilespmem:v10+s18+$0x0], $0xffff;
	[tilespmem:s21+$0x0] =	vst v13  }
0x275: {  	s22 =	sor.u32 s17, s8;
	v36 =	vshll.u32 v12, $0x10;
	v35 =	vld.idx.msk [tilespmem:v4+s18+$0x0], $0xffff  }
0x276: {  	s29 =	sor.u32 s17, s10;
	v12 =	vand.u32 $0xFFFF0000, v12;
	[tilespmem:s22+$0x0] =	vst v36;
	v37 =	vld.idx.msk [tilespmem:v9+s18+$0x0], $0xffff  }
0x277: {  	v38 =	vld.idx.msk [tilespmem:v7+s18+$0x0], $0xffff;
	[tilespmem:s29+$0x0] =	vst v12  }
0x278: {  	v39 =	vadd.bf16 v17, v32;
	v40 =	vld.idx.msk [tilespmem:v3+s18+$0x0], $0xffff  }
0x279: {  	s21 =	sld [smem:$0x7F2];
	v41 =	vld.idx.msk [tilespmem:v8+s18+$0x0], $0xffff  }
0x27a: {  	s20 =	sld [smem:$0x7F3];
	v12 =	vadd.bf16 v34, v39  }
0x27b: {  	v43 =	vld.idx.msk [tilespmem:v6+s18+$0x0], $0xffff;
	v42 =	vadd.bf16 v37, v35  }
0x27c: {  	s30 =	sor.u32 s16, s21;
	v44 =	vshll.u32 v12, $0x10  }
0x27d: {  	s31 =	sor.u32 s16, s20;
	v12 =	vand.u32 $0xFFFF0000, v12;
	[tilespmem:s30+$0x0] =	vst v44;
	v13 =	vadd.bf16 v38, v42  }
0x27e: {  	s1 =	simm.s32 $0x4200;
	[tilespmem:s31+$0x0] =	vst v12;
	v45 =	vadd.bf16 v41, v40  }
0x27f: {  	s22 =	sor.u32 s15, s21;
	v46 =	vld.idx.msk [tilespmem:v5+s1+$0x0], $0xffff;
	v47 =	vshll.u32 v13, $0x10  }
0x280: {  	s29 =	sor.u32 s15, s20;
	v48 =	vld.idx.msk [tilespmem:v11+s1+$0x0], $0xffff;
	v13 =	vand.u32 $0xFFFF0000, v13;
	v12 =	vadd.bf16 v43, v45;
	[tilespmem:s22+$0x0] =	vst v47  }
0x281: {  	v49 =	vld.idx.msk [tilespmem:v10+s1+$0x0], $0xffff;
	[tilespmem:s29+$0x0] =	vst v13  }
0x282: {  	s30 =	sor.u32 s17, s21;
	v51 =	vshll.u32 v12, $0x10;
	v50 =	vld.idx.msk [tilespmem:v4+s1+$0x0], $0xffff  }
0x283: {  	s31 =	sor.u32 s17, s20;
	v12 =	vand.u32 $0xFFFF0000, v12;
	[tilespmem:s30+$0x0] =	vst v51;
	v52 =	vld.idx.msk [tilespmem:v9+s1+$0x0], $0xffff  }
0x284: {  	v53 =	vld.idx.msk [tilespmem:v7+s1+$0x0], $0xffff;
	[tilespmem:s31+$0x0] =	vst v12  }
0x285: {  	v55 =	vld.idx.msk [tilespmem:v3+s1+$0x0], $0xffff  }
0x286: {  	v54 =	vadd.bf16 v48, v46;
	v56 =	vld.idx.msk [tilespmem:v8+s1+$0x0], $0xffff  }
0x287: {  	v58 =	vld.idx.msk [tilespmem:v6+s1+$0x0], $0xffff;
	s1 =	sld [smem:$0x7F4]  }
0x288: {  	s31 =	sld [smem:$0x7F5];
	v12 =	vadd.bf16 v49, v54  }
0x289: {  	v57 =	vadd.bf16 v52, v50  }
0x28a: {  	v59 =	vshll.u32 v12, $0x10;
	s30 =	sor.u32 s16, s1  }
0x28b: {  	v12 =	vand.u32 $0xFFFF0000, v12;
	s21 =	sor.u32 s16, s31;
	[tilespmem:s30+$0x0] =	vst v59;
	v13 =	vadd.bf16 v53, v57  }
0x28c: {  	s2 =	simm.s32 $0x4500;
	[tilespmem:s21+$0x0] =	vst v12;
	v60 =	vadd.bf16 v56, v55  }
0x28d: {  	s22 =	sor.u32 s15, s1;
	v61 =	vld.idx.msk [tilespmem:v5+s2+$0x0], $0xffff;
	v62 =	vshll.u32 v13, $0x10  }
0x28e: {  	s29 =	sor.u32 s15, s31;
	v63 =	vld.idx.msk [tilespmem:v11+s2+$0x0], $0xffff;
	v13 =	vand.u32 $0xFFFF0000, v13;
	v12 =	vadd.bf16 v58, v60;
	[tilespmem:s22+$0x0] =	vst v62  }
0x28f: {  	v21 =	vld.idx.msk [tilespmem:v10+s2+$0x0], $0xffff;
	[tilespmem:s29+$0x0] =	vst v13  }
0x290: {  	s30 =	sor.u32 s17, s1;
	v23 =	vshll.u32 v12, $0x10;
	v22 =	vld.idx.msk [tilespmem:v4+s2+$0x0], $0xffff  }
0x291: {  	s31 =	sor.u32 s17, s31;
	v12 =	vand.u32 $0xFFFF0000, v12;
	[tilespmem:s30+$0x0] =	vst v23;
	v24 =	vld.idx.msk [tilespmem:v9+s2+$0x0], $0xffff  }
0x292: {  	v25 =	vld.idx.msk [tilespmem:v7+s2+$0x0], $0xffff;
	[tilespmem:s31+$0x0] =	vst v12  }
0x293: {  	v26 =	vadd.bf16 v63, v61;
	v27 =	vld.idx.msk [tilespmem:v3+s2+$0x0], $0xffff  }
0x294: {  	s1 =	sld [smem:$0x7F6];
	v28 =	vld.idx.msk [tilespmem:v8+s2+$0x0], $0xffff  }
0x295: {  	s21 =	sld [smem:$0x7F7];
	v12 =	vadd.bf16 v21, v26  }
0x296: {  	v30 =	vld.idx.msk [tilespmem:v6+s2+$0x0], $0xffff;
	v29 =	vadd.bf16 v24, v22  }
0x297: {  	s20 =	sor.u32 s16, s1;
	v31 =	vshll.u32 v12, $0x10  }
0x298: {  	s22 =	sor.u32 s16, s21;
	v12 =	vand.u32 $0xFFFF0000, v12;
	[tilespmem:s20+$0x0] =	vst v31;
	v13 =	vadd.bf16 v25, v29  }
0x299: {  	s8 =	simm.s32 $0x4800;
	[tilespmem:s22+$0x0] =	vst v12;
	v32 =	vadd.bf16 v28, v27  }
0x29a: {  	s29 =	sor.u32 s15, s1;
	v33 =	vld.idx.msk [tilespmem:v5+s8+$0x0], $0xffff;
	v34 =	vshll.u32 v13, $0x10  }
0x29b: {  	s30 =	sor.u32 s15, s21;
	v35 =	vld.idx.msk [tilespmem:v11+s8+$0x0], $0xffff;
	v13 =	vand.u32 $0xFFFF0000, v13;
	v12 =	vadd.bf16 v30, v32;
	[tilespmem:s29+$0x0] =	vst v34  }
0x29c: {  	v36 =	vld.idx.msk [tilespmem:v10+s8+$0x0], $0xffff;
	[tilespmem:s30+$0x0] =	vst v13  }
0x29d: {  	s31 =	sor.u32 s17, s1;
	v38 =	vshll.u32 v12, $0x10;
	v37 =	vld.idx.msk [tilespmem:v4+s8+$0x0], $0xffff  }
0x29e: {  	s2 =	sor.u32 s17, s21;
	v12 =	vand.u32 $0xFFFF0000, v12;
	[tilespmem:s31+$0x0] =	vst v38;
	v39 =	vld.idx.msk [tilespmem:v9+s8+$0x0], $0xffff  }
0x29f: {  	v40 =	vld.idx.msk [tilespmem:v7+s8+$0x0], $0xffff;
	[tilespmem:s2+$0x0] =	vst v12  }
0x2a0: {  	v41 =	vadd.bf16 v35, v33;
	v42 =	vld.idx.msk [tilespmem:v3+s8+$0x0], $0xffff  }
0x2a1: {  	s20 =	sld [smem:$0x7F8];
	v43 =	vld.idx.msk [tilespmem:v8+s8+$0x0], $0xffff  }
0x2a2: {  	s22 =	sld [smem:$0x7F9];
	v12 =	vadd.bf16 v36, v41  }
0x2a3: {  	v45 =	vld.idx.msk [tilespmem:v6+s8+$0x0], $0xffff;
	v44 =	vadd.bf16 v39, v37  }
0x2a4: {  	s21 =	sor.u32 s16, s20;
	v46 =	vshll.u32 v12, $0x10  }
0x2a5: {  	s29 =	sor.u32 s16, s22;
	v12 =	vand.u32 $0xFFFF0000, v12;
	[tilespmem:s21+$0x0] =	vst v46;
	v13 =	vadd.bf16 v40, v44  }
0x2a6: {  	s9 =	simm.s32 $0x4B00;
	[tilespmem:s29+$0x0] =	vst v12;
	v47 =	vadd.bf16 v43, v42  }
0x2a7: {  	s30 =	sor.u32 s15, s20;
	v48 =	vld.idx.msk [tilespmem:v5+s9+$0x0], $0xffff;
	v49 =	vshll.u32 v13, $0x10  }
0x2a8: {  	s31 =	sor.u32 s15, s22;
	v50 =	vld.idx.msk [tilespmem:v11+s9+$0x0], $0xffff;
	v13 =	vand.u32 $0xFFFF0000, v13;
	v12 =	vadd.bf16 v45, v47;
	[tilespmem:s30+$0x0] =	vst v49  }
0x2a9: {  	v51 =	vld.idx.msk [tilespmem:v10+s9+$0x0], $0xffff;
	[tilespmem:s31+$0x0] =	vst v13  }
0x2aa: {  	s2 =	sor.u32 s17, s20;
	v53 =	vshll.u32 v12, $0x10;
	v52 =	vld.idx.msk [tilespmem:v4+s9+$0x0], $0xffff  }
0x2ab: {  	s8 =	sor.u32 s17, s22;
	v12 =	vand.u32 $0xFFFF0000, v12;
	[tilespmem:s2+$0x0] =	vst v53;
	v54 =	vld.idx.msk [tilespmem:v9+s9+$0x0], $0xffff  }
0x2ac: {  	v55 =	vld.idx.msk [tilespmem:v7+s9+$0x0], $0xffff;
	[tilespmem:s8+$0x0] =	vst v12  }
0x2ad: {  	v56 =	vadd.bf16 v50, v48;
	v57 =	vld.idx.msk [tilespmem:v3+s9+$0x0], $0xffff  }
0x2ae: {  	s20 =	sld [smem:$0x7FA];
	v58 =	vld.idx.msk [tilespmem:v8+s9+$0x0], $0xffff  }
0x2af: {  	s22 =	sld [smem:$0x7FB];
	v12 =	vadd.bf16 v51, v56  }
0x2b0: {  	v60 =	vld.idx.msk [tilespmem:v6+s9+$0x0], $0xffff;
	v59 =	vadd.bf16 v54, v52  }
0x2b1: {  	s21 =	sor.u32 s16, s20;
	v61 =	vshll.u32 v12, $0x10  }
0x2b2: {  	s29 =	sor.u32 s16, s22;
	v12 =	vand.u32 $0xFFFF0000, v12;
	[tilespmem:s21+$0x0] =	vst v61;
	v13 =	vadd.bf16 v55, v59  }
0x2b3: {  	s10 =	simm.s32 $0x4E00;
	[tilespmem:s29+$0x0] =	vst v12;
	v62 =	vadd.bf16 v58, v57  }
0x2b4: {  	s30 =	sor.u32 s15, s20;
	v63 =	vld.idx.msk [tilespmem:v5+s10+$0x0], $0xffff;
	v21 =	vshll.u32 v13, $0x10  }
0x2b5: {  	s31 =	sor.u32 s15, s22;
	v22 =	vld.idx.msk [tilespmem:v11+s10+$0x0], $0xffff;
	v13 =	vand.u32 $0xFFFF0000, v13;
	v12 =	vadd.bf16 v60, v62;
	[tilespmem:s30+$0x0] =	vst v21  }
0x2b6: {  	v23 =	vld.idx.msk [tilespmem:v10+s10+$0x0], $0xffff;
	[tilespmem:s31+$0x0] =	vst v13  }
0x2b7: {  	s8 =	sor.u32 s17, s20;
	v25 =	vshll.u32 v12, $0x10;
	v24 =	vld.idx.msk [tilespmem:v4+s10+$0x0], $0xffff  }
0x2b8: {  	s9 =	sor.u32 s17, s22;
	v12 =	vand.u32 $0xFFFF0000, v12;
	[tilespmem:s8+$0x0] =	vst v25;
	v26 =	vld.idx.msk [tilespmem:v9+s10+$0x0], $0xffff  }
0x2b9: {  	v27 =	vld.idx.msk [tilespmem:v7+s10+$0x0], $0xffff;
	[tilespmem:s9+$0x0] =	vst v12  }
0x2ba: {  	v28 =	vadd.bf16 v22, v63;
	v29 =	vld.idx.msk [tilespmem:v3+s10+$0x0], $0xffff  }
0x2bb: {  	s20 =	sld [smem:$0x7FC];
	v30 =	vld.idx.msk [tilespmem:v8+s10+$0x0], $0xffff  }
0x2bc: {  	s22 =	sld [smem:$0x7FD];
	v12 =	vadd.bf16 v23, v28  }
0x2bd: {  	v32 =	vld.idx.msk [tilespmem:v6+s10+$0x0], $0xffff;
	v31 =	vadd.bf16 v26, v24  }
0x2be: {  	s21 =	sor.u32 s16, s20;
	v33 =	vshll.u32 v12, $0x10  }
0x2bf: {  	s29 =	sor.u32 s16, s22;
	v12 =	vand.u32 $0xFFFF0000, v12;
	[tilespmem:s21+$0x0] =	vst v33;
	v13 =	vadd.bf16 v27, v31  }
0x2c0: {  	s11 =	simm.s32 $0x5100;
	[tilespmem:s29+$0x0] =	vst v12;
	v34 =	vadd.bf16 v30, v29  }
0x2c1: {  	s30 =	sor.u32 s15, s20;
	v35 =	vld.idx.msk [tilespmem:v5+s11+$0x0], $0xffff;
	v36 =	vshll.u32 v13, $0x10  }
0x2c2: {  	s31 =	sor.u32 s15, s22;
	v37 =	vld.idx.msk [tilespmem:v11+s11+$0x0], $0xffff;
	v13 =	vand.u32 $0xFFFF0000, v13;
	v12 =	vadd.bf16 v32, v34;
	[tilespmem:s30+$0x0] =	vst v36  }
0x2c3: {  	v38 =	vld.idx.msk [tilespmem:v10+s11+$0x0], $0xffff;
	[tilespmem:s31+$0x0] =	vst v13  }
0x2c4: {  	s2 =	sor.u32 s17, s20;
	v40 =	vshll.u32 v12, $0x10;
	v39 =	vld.idx.msk [tilespmem:v4+s11+$0x0], $0xffff  }
0x2c5: {  	s10 =	sor.u32 s17, s22;
	v12 =	vand.u32 $0xFFFF0000, v12;
	[tilespmem:s2+$0x0] =	vst v40;
	v41 =	vld.idx.msk [tilespmem:v9+s11+$0x0], $0xffff  }
0x2c6: {  	v42 =	vld.idx.msk [tilespmem:v7+s11+$0x0], $0xffff;
	[tilespmem:s10+$0x0] =	vst v12  }
0x2c7: {  	v43 =	vadd.bf16 v37, v35;
	v44 =	vld.idx.msk [tilespmem:v3+s11+$0x0], $0xffff  }
0x2c8: {  	v45 =	vld.idx.msk [tilespmem:v8+s11+$0x0], $0xffff  }
0x2c9: {  	v12 =	vadd.bf16 v38, v43  }
0x2ca: {  	s20 =	rddreg [dreg:$0x1d];
	v47 =	vld.idx.msk [tilespmem:v6+s11+$0x0], $0xffff;
	v46 =	vadd.bf16 v41, v39  }
0x2cb: {  	s22 =	rddreg [dreg:$0x1f];
	s21 =	sor.u32 s16, s20;
	v48 =	vshll.u32 v12, $0x10  }
0x2cc: {  	s29 =	sor.u32 s16, s22;
	v12 =	vand.u32 $0xFFFF0000, v12;
	[tilespmem:s21+$0x0] =	vst v48;
	v13 =	vadd.bf16 v42, v46  }
0x2cd: {  	s18 =	simm.s32 $0x5400;
	[tilespmem:s29+$0x0] =	vst v12;
	v49 =	vadd.bf16 v45, v44  }
0x2ce: {  	s30 =	sor.u32 s15, s20;
	v50 =	vld.idx.msk [tilespmem:v5+s18+$0x0], $0xffff;
	v51 =	vshll.u32 v13, $0x10  }
0x2cf: {  	s31 =	sor.u32 s15, s22;
	v52 =	vld.idx.msk [tilespmem:v11+s18+$0x0], $0xffff;
	v13 =	vand.u32 $0xFFFF0000, v13;
	v12 =	vadd.bf16 v47, v49;
	[tilespmem:s30+$0x0] =	vst v51  }
0x2d0: {  	v53 =	vld.idx.msk [tilespmem:v10+s18+$0x0], $0xffff;
	[tilespmem:s31+$0x0] =	vst v13  }
0x2d1: {  	s2 =	sor.u32 s17, s20;
	v55 =	vshll.u32 v12, $0x10;
	v54 =	vld.idx.msk [tilespmem:v4+s18+$0x0], $0xffff  }
0x2d2: {  	s10 =	sor.u32 s17, s22;
	v12 =	vand.u32 $0xFFFF0000, v12;
	[tilespmem:s2+$0x0] =	vst v55;
	v56 =	vld.idx.msk [tilespmem:v9+s18+$0x0], $0xffff  }
0x2d3: {  	v57 =	vld.idx.msk [tilespmem:v7+s18+$0x0], $0xffff;
	[tilespmem:s10+$0x0] =	vst v12  }
0x2d4: {  	v58 =	vadd.bf16 v52, v50;
	v59 =	vld.idx.msk [tilespmem:v3+s18+$0x0], $0xffff  }
0x2d5: {  	v60 =	vld.idx.msk [tilespmem:v8+s18+$0x0], $0xffff  }
0x2d6: {  	v12 =	vadd.bf16 v53, v58  }
0x2d7: {  	v62 =	vld.idx.msk [tilespmem:v6+s18+$0x0], $0xffff;
	s18 =	rddreg [dreg:$0x19];
	v61 =	vadd.bf16 v56, v54  }
0x2d8: {  	s21 =	rddreg [dreg:$0x1b];
	s20 =	sor.u32 s16, s18;
	v63 =	vshll.u32 v12, $0x10  }
0x2d9: {  	s22 =	sor.u32 s16, s21;
	v12 =	vand.u32 $0xFFFF0000, v12;
	[tilespmem:s20+$0x0] =	vst v63;
	v13 =	vadd.bf16 v57, v61  }
0x2da: {  	s1 =	simm.s32 $0x5700;
	[tilespmem:s22+$0x0] =	vst v12;
	v20 =	vadd.bf16 v60, v59  }
0x2db: {  	s29 =	sor.u32 s15, s18;
	v21 =	vld.idx.msk [tilespmem:v5+s1+$0x0], $0xffff;
	v22 =	vshll.u32 v13, $0x10  }
0x2dc: {  	s30 =	sor.u32 s15, s21;
	v23 =	vld.idx.msk [tilespmem:v11+s1+$0x0], $0xffff;
	v13 =	vand.u32 $0xFFFF0000, v13;
	v12 =	vadd.bf16 v62, v20;
	[tilespmem:s29+$0x0] =	vst v22  }
0x2dd: {  	v24 =	vld.idx.msk [tilespmem:v10+s1+$0x0], $0xffff;
	[tilespmem:s30+$0x0] =	vst v13  }
0x2de: {  	s31 =	sor.u32 s17, s18;
	v26 =	vshll.u32 v12, $0x10;
	v25 =	vld.idx.msk [tilespmem:v4+s1+$0x0], $0xffff  }
0x2df: {  	s10 =	sor.u32 s17, s21;
	v12 =	vand.u32 $0xFFFF0000, v12;
	[tilespmem:s31+$0x0] =	vst v26;
	v27 =	vld.idx.msk [tilespmem:v9+s1+$0x0], $0xffff  }
0x2e0: {  	v28 =	vld.idx.msk [tilespmem:v7+s1+$0x0], $0xffff;
	[tilespmem:s10+$0x0] =	vst v12  }
0x2e1: {  	v29 =	vadd.bf16 v23, v21;
	v30 =	vld.idx.msk [tilespmem:v3+s1+$0x0], $0xffff  }
0x2e2: {  	v31 =	vld.idx.msk [tilespmem:v8+s1+$0x0], $0xffff  }
0x2e3: {  	v12 =	vadd.bf16 v24, v29  }
0x2e4: {  	s8 =	simm.s32 $0x5A00;
	s18 =	rddreg [dreg:$0x15];
	v33 =	vld.idx.msk [tilespmem:v6+s1+$0x0], $0xffff;
	v32 =	vadd.bf16 v27, v25  }
0x2e5: {  	v34 =	vld.idx.msk [tilespmem:v2+s8+$0x0], $0xffff;
	s21 =	rddreg [dreg:$0x17];
	s20 =	sor.u32 s16, s18;
	v19 =	vshll.u32 v12, $0x10  }
0x2e6: {  	s22 =	sor.u32 s16, s21;
	v20 =	vld.idx.msk [tilespmem:v1+s8+$0x0], $0xffff;
	v12 =	vand.u32 $0xFFFF0000, v12;
	[tilespmem:s20+$0x0] =	vst v19;
	v13 =	vadd.bf16 v28, v32  }
0x2e7: {  	v35 =	vld.idx.msk [tilespmem:v0+s8+$0x0], $0xffff;
	[tilespmem:s22+$0x0] =	vst v12;
	v36 =	vadd.bf16 v31, v30  }
0x2e8: {  	s29 =	sor.u32 s15, s18;
	v37 =	vld.idx.msk [tilespmem:v5+s8+$0x0], $0xffff;
	v38 =	vshll.u32 v13, $0x10  }
0x2e9: {  	s30 =	sor.u32 s15, s21;
	v19 =	vld.idx.msk [tilespmem:v11+s8+$0x0], $0xffff;
	v13 =	vand.u32 $0xFFFF0000, v13;
	v12 =	vadd.bf16 v33, v36;
	[tilespmem:s29+$0x0] =	vst v38  }
0x2ea: {  	v39 =	vld.idx.msk [tilespmem:v10+s8+$0x0], $0xffff;
	[tilespmem:s30+$0x0] =	vst v13  }
0x2eb: {  	s31 =	sor.u32 s17, s18;
	v40 =	vadd.bf16 v20, v34;
	v42 =	vshll.u32 v12, $0x10;
	v41 =	vld.idx.msk [tilespmem:v4+s8+$0x0], $0xffff  }
0x2ec: {  	s2 =	sor.u32 s17, s21;
	v12 =	vand.u32 $0xFFFF0000, v12;
	v43 =	vld.idx.msk [tilespmem:v9+s8+$0x0], $0xffff;
	[tilespmem:s31+$0x0] =	vst v42  }
0x2ed: {  	v13 =	vadd.bf16 v35, v40;
	v44 =	vld.idx.msk [tilespmem:v7+s8+$0x0], $0xffff;
	[tilespmem:s2+$0x0] =	vst v12  }
0x2ee: {  	s10 =	sor.u32 $0x11200, s14;
	v45 =	vadd.bf16 v19, v37;
	v46 =	vld.idx.msk [tilespmem:v3+s8+$0x0], $0xffff  }
0x2ef: {  	s18 =	sor.u32 s13, s10;
	s20 =	sor.u32 $0x11280, s14;
	v18 =	vshll.u32 v13, $0x10;
	v47 =	vld.idx.msk [tilespmem:v8+s8+$0x0], $0xffff  }
0x2f0: {  	s21 =	sor.u32 s13, s20;
	v13 =	vand.u32 $0xFFFF0000, v13;
	[tilespmem:s18+$0x0] =	vst v18;
	v12 =	vadd.bf16 v39, v45  }
0x2f1: {  	s9 =	simm.s32 $0x5D00;
	v49 =	vld.idx.msk [tilespmem:v6+s8+$0x0], $0xffff;
	[tilespmem:s21+$0x0] =	vst v13;
	v48 =	vadd.bf16 v43, v41  }
0x2f2: {  	s22 =	sor.u32 s16, s10;
	v2 =	vld.idx.msk [tilespmem:v2+s9+$0x0], $0xffff;
	v50 =	vshll.u32 v12, $0x10  }
0x2f3: {  	s29 =	sor.u32 s16, s20;
	v1 =	vld.idx.msk [tilespmem:v1+s9+$0x0], $0xffff;
	v12 =	vand.u32 $0xFFFF0000, v12;
	[tilespmem:s22+$0x0] =	vst v50;
	v13 =	vadd.bf16 v44, v48  }
0x2f4: {  	v0 =	vld.idx.msk [tilespmem:v0+s9+$0x0], $0xffff;
	[tilespmem:s29+$0x0] =	vst v12;
	v51 =	vadd.bf16 v47, v46  }
0x2f5: {  	s30 =	sor.u32 s15, s10;
	v5 =	vld.idx.msk [tilespmem:v5+s9+$0x0], $0xffff;
	v52 =	vshll.u32 v13, $0x10  }
0x2f6: {  	s31 =	sor.u32 s15, s20;
	v11 =	vld.idx.msk [tilespmem:v11+s9+$0x0], $0xffff;
	v12 =	vadd.bf16 v49, v51;
	v13 =	vand.u32 $0xFFFF0000, v13;
	[tilespmem:s30+$0x0] =	vst v52  }
0x2f7: {  	v10 =	vld.idx.msk [tilespmem:v10+s9+$0x0], $0xffff;
	[tilespmem:s31+$0x0] =	vst v13  }
0x2f8: {  	s0 =	sor.u32 s17, s10;
	v53 =	vshll.u32 v12, $0x10;
	v4 =	vld.idx.msk [tilespmem:v4+s9+$0x0], $0xffff  }
0x2f9: {  	s1 =	sor.u32 s17, s20;
	v12 =	vand.u32 $0xFFFF0000, v12;
	[tilespmem:s0+$0x0] =	vst v53;
	v9 =	vld.idx.msk [tilespmem:v9+s9+$0x0], $0xffff  }
0x2fa: {  	v7 =	vld.idx.msk [tilespmem:v7+s9+$0x0], $0xffff;
	[tilespmem:s1+$0x0] =	vst v12  }
0x2fb: {  	v1 =	vadd.bf16 v1, v2;
	v54 =	vld.idx.msk [tilespmem:v3+s9+$0x0], $0xffff  }
0x2fc: {  	v55 =	vld.idx.msk [tilespmem:v8+s9+$0x0], $0xffff  }
0x2fd: {  	p0 =	por !p0, !p0;
	s28 =	sadd.s32 $0x2, s28;
	v0 =	vadd.bf16 v0, v1;
	v56 =	vadd.bf16 v11, v5  }
0x2fe: {  	s19 =	sadd.s32 $0x200, s19;
	s3 =	simm.s32 $0x300;
	s2 =	sor.u32 $0x11300, s14;
	v57 =	vld.idx.msk [tilespmem:v6+s9+$0x0], $0xffff  }
0x2ff: {  	s6 =	simm.s32 $0x1500;
	s10 =	sor.u32 $0x11380, s14;
	v58 =	vshll.u32 v0, $0x10;
	s9 =	sor.u32 s13, s2;
	v1 =	vadd.bf16 v10, v56;
	v4 =	vadd.bf16 v9, v4  }
0x300: {  	s14 =	sor.u32 s13, s10;
	s18 =	sor.u32 s16, s2;
	s30 =	rddreg [dreg:$0xc];
	v0 =	vand.u32 $0xFFFF0000, v0;
	[tilespmem:s9+$0x0] =	vst v58  }
0x301: {  	s21 =	sor.u32 s15, s2;
	s0 =	sor.u32 s17, s2;
	s2 =	sadd.s32 $0x4, s30;
	[tilespmem:s14+$0x0] =	vst v0;
	v60 =	vshll.u32 v1, $0x10;
	v59 =	vadd.bf16 v7, v4;
	v2 =	vadd.bf16 v55, v54  }
0x302: {  	s4 =	simm.s32 $0x600;
	s20 =	sor.u32 s16, s10;
	p1 =	slt.u32 s2, $0x1C;
	v1 =	vand.u32 $0xFFFF0000, v1;
	[tilespmem:s18+$0x0] =	vst v60  }
.Ltmp5:
0x303: {  	s5 =	simm.s32 $0x900;
	s11 =	rddreg [dreg:$0xd];
	[tilespmem:s20+$0x0] =	vst v1;
	v61 =	vshll.u32 v59, $0x10;
	v2 =	vadd.bf16 v57, v2;
	(pc) =	sbr.rel @p1 .LBB2_4-.Ltmp5, $4  }
0x304: {  	s7 =	simm.s32 $0x1200;
	s11 =	sadd.s32 $0x40, s11;
	s22 =	sor.u32 s15, s10;
	v0 =	vand.u32 $0xFFFF0000, v59;
	[tilespmem:s21+$0x0] =	vst v61  }
0x305: {  	s16 =	simm.s32 $0x3300;
	s8 =	simm.s32 $0x3000;
	s15 =	simm.s32 $0x1B00;
	[tilespmem:s22+$0x0] =	vst v0;
	v62 =	vshll.u32 v2, $0x10  }
0x306: {  	s29 =	sor.u32 s17, s10;
	s31 =	rddreg [dreg:$0x10];
	s17 =	simm.s32 $0x3900;
	v63 =	vand.u32 $0xFFFF0000, v2;
	[tilespmem:s0+$0x0] =	vst v62  }
0x307: {  	s10 =	sadd.s32 $0x100, s31;
	s9 =	simm.s32 $0x1800;
	s0 =	sadd.s32 $0x4, s12;
	[tilespmem:s29+$0x0] =	vst v63  }
0x308: {  	s11 =	rddreg [dreg:$0x8]  }
0x309: {  	s31 =	rddreg [dreg:$0xb]  }
0x30a: {  	s12 =	rddreg [dreg:$0x9];
	s0 =	sshll.u32 s11, $0xC;
	p0 =	seq.s32 s31, $0x0  }
.Ltmp6:
0x30b: {  	s2 =	rddreg [dreg:$0x4];
	s0 =	sand.u32 $0x38000, s0;
	(pc) =	sbr.rel @p0 .LBB2_9-.Ltmp6, $4  }
0x30c: {  	s29 =	simm.s32 $0x1000;
	s1 =	sshll.u32 s12, $0x9;
	s0 =	sadd.s32 s0, s2  }
0x30d: {  	s30 =	simm.s32 $0x8000;
	s10 =	simm.s32 $0xA000;
	s0 =	sadd.s32 s1, s0  }
0x30e: {  	[hbm4b:s0+s29] =	stream.strided.scatter [tilespmem:s10], [sflag:$0x1], $0x8000, s30, s29, $0x38;
	[tilespmem:$0x1A000] =	vst v63  }
0x30f: {  	s10 =	rddreg [dreg:$0xa]  }
.LBB2_6:
0x310: {  	p0 =	sne.s32 s12, $0x0  }
0x311: {  	s1 =	rddreg [dreg:$0x3];
	s0 =	sshll.u32 @!p0 s11, $0x8  }
0x312: {  	s2 =	simm.s32 @!p0 $0x6000;
	s0 =	sadd.s32 @!p0 s0, s1;
	s1 =	simm.s32 @!p0 $0x0  }
0x313: {  	[tilespmem:s2], [sflag:$0x3] =	stream.linear.gather @!p0 [hbm4b:s0+s1], $0x4000, $0x38;
	[tilespmem:$0x1A000] =	vst v63  }
0x314: {  	p1 =	slt.u32 s11, $0x2;
	s0 =	simm.s32 @!p0 $0x3  }
0x315: {  	s8 =	simm.s32 $0x0;
	s30 =	simm.s32 $0x0;
	_ =	swait.ge @!p0 [sflag:s0], $0x4000  }
0x316: {  	s31 =	simm.s32 $0x0;
	s22 =	simm.s32 $0x0;
	[sflag:s0] =	ssyncset.done @!p0 $0x0  }
0x317: {  	s4 =	simm.s32 $0xC00;
	[sflag:s0] =	ssyncadd.s32 @!p0 $0xFFFFC000;
	s0 =	simm.s32 @!p1 $0x2  }
0x318: {  	s5 =	simm.s32 $0xF00;
	s3 =	simm.s32 $0x2400;
	_ =	swait.ge @!p1 [sflag:s0], $0x8000  }
0x319: {  	s2 =	simm.s32 $0xFFFFFFFC;
	[dreg:$0x12] =	wrdreg s30;
	[sflag:s0] =	ssyncset.done @!p1 $0x0  }
0x31a: {  	p0 =	por $0x0, $0x0;
	[dreg:$0x14] =	wrdreg s31;
	[sflag:s0] =	ssyncadd.s32 @!p1 $0xFFFF8000  }
.LBB2_7:
0x31b: {  	[dreg:$0xf] =	wrdreg s8;
	s0 =	simm.s32 $0x1;
	s1 =	sand.u32 $0x3E00, s10  }
0x31c: {  	s14 =	sand.u32 $0x40, s8;
	s0 =	simm.s32 @!p0 $0x0;
	s8 =	sadd.s32 $0x6000, s1  }
0x31d: {  	s0 =	sshll.u32 s0, $0x6;
	s1 =	sor.u32 s14, s8  }
0x31e: {  	v0 =	vld [tilespmem:s1+$0x80];
	s11 =	sadd.s32 s0, s10  }
0x31f: {  	v2 =	vld [tilespmem:s1+$0x0];
	s12 =	sor.u32 $0x100, s11  }
0x320: {  	v3 =	vld [tilespmem:s12+$0x6000];
	_ =	sdelay $0x2  }
0x321: {  	v1 =	vadd.s32 $0x100, v0;
	_ =	sdelay $0x1  }
0x322: {  	v0 =	vadd.s32 $0x200, v3  }
0x323: {  	s31 =	simm.s32 $0x0  }
0x324: {  	v50 =	vld.idx.msk [tilespmem:v2+s31+$0x0], $0xffff  }
0x325: {  	v4 =	vld.idx.msk [tilespmem:v1+s31+$0x0], $0xffff;
	_ =	sdelay $0x1  }
0x326: {  	v5 =	vld.idx.msk [tilespmem:v0+s31+$0x0], $0xffff;
	_ =	sdelay $0x2  }
0x327: {  	v3 =	vadd.bf16 v4, v50;
	_ =	sdelay $0x1  }
0x328: {  	s15 =	sand.u32 $0xC00, s22;
	v3 =	vadd.bf16 v5, v3  }
0x329: {  	s9 =	sor.u32 $0x12000, s15  }
0x32a: {  	s13 =	sor.u32 s14, s9;
	v51 =	vshll.u32 v3, $0x10  }
0x32b: {  	v3 =	vand.u32 $0xFFFF0000, v3;
	[tilespmem:s13+$0x0] =	vst v51  }
0x32c: {  	[dreg:$0xa] =	wrdreg s10;
	s10 =	simm.s32 $0x300;
	[tilespmem:s13+$0x80] =	vst v3  }
0x32d: {  	v3 =	vld.idx.msk [tilespmem:v2+s10+$0x0], $0xffff  }
0x32e: {  	v4 =	vld.idx.msk [tilespmem:v1+s10+$0x0], $0xffff;
	_ =	sdelay $0x1  }
0x32f: {  	v52 =	vld.idx.msk [tilespmem:v0+s10+$0x0], $0xffff;
	_ =	sdelay $0x2  }
0x330: {  	v3 =	vadd.bf16 v4, v3;
	_ =	sdelay $0x1  }
0x331: {  	v3 =	vadd.bf16 v52, v3;
	_ =	sdelay $0x1  }
0x332: {  	v53 =	vshll.u32 v3, $0x10  }
0x333: {  	v3 =	vand.u32 $0xFFFF0000, v3;
	[tilespmem:s13+$0x100] =	vst v53  }
0x334: {  	s29 =	simm.s32 $0x600;
	[tilespmem:s13+$0x180] =	vst v3  }
0x335: {  	v3 =	vld.idx.msk [tilespmem:v2+s29+$0x0], $0xffff  }
0x336: {  	v4 =	vld.idx.msk [tilespmem:v1+s29+$0x0], $0xffff;
	_ =	sdelay $0x1  }
0x337: {  	v54 =	vld.idx.msk [tilespmem:v0+s29+$0x0], $0xffff;
	_ =	sdelay $0x2  }
0x338: {  	v3 =	vadd.bf16 v4, v3;
	_ =	sdelay $0x1  }
0x339: {  	v3 =	vadd.bf16 v54, v3  }
0x33a: {  	s0 =	sadd.s32 s0, s22  }
0x33b: {  	s16 =	sor.u32 $0x200, s0;
	v55 =	vshll.u32 v3, $0x10  }
0x33c: {  	s17 =	sor.u32 $0x280, s0;
	v3 =	vand.u32 $0xFFFF0000, v3;
	[tilespmem:s16+$0x12000] =	vst v55  }
0x33d: {  	s30 =	simm.s32 $0x900;
	[tilespmem:s17+$0x12000] =	vst v3  }
0x33e: {  	v3 =	vld.idx.msk [tilespmem:v2+s30+$0x0], $0xffff  }
0x33f: {  	v4 =	vld.idx.msk [tilespmem:v1+s30+$0x0], $0xffff;
	_ =	sdelay $0x1  }
0x340: {  	v56 =	vld.idx.msk [tilespmem:v0+s30+$0x0], $0xffff;
	_ =	sdelay $0x2  }
0x341: {  	v3 =	vadd.bf16 v4, v3;
	_ =	sdelay $0x1  }
0x342: {  	v3 =	vadd.bf16 v56, v3  }
0x343: {  	s18 =	rddreg [dreg:$0xf]  }
0x344: {  	s1 =	sor.u32 s18, s22;
	s0 =	sor.u32 $0x300, s0;
	v57 =	vshll.u32 v3, $0x10  }
0x345: {  	s19 =	sor.u32 $0x380, s1;
	v3 =	vand.u32 $0xFFFF0000, v3;
	[tilespmem:s0+$0x12000] =	vst v57  }
0x346: {  	[tilespmem:s19+$0x12000] =	vst v3  }
0x347: {  	v3 =	vld.idx.msk [tilespmem:v2+s4+$0x0], $0xffff  }
0x348: {  	v4 =	vld.idx.msk [tilespmem:v1+s4+$0x0], $0xffff;
	_ =	sdelay $0x1  }
0x349: {  	v58 =	vld.idx.msk [tilespmem:v0+s4+$0x0], $0xffff;
	_ =	sdelay $0x2  }
0x34a: {  	v3 =	vadd.bf16 v4, v3;
	_ =	sdelay $0x1  }
0x34b: {  	v3 =	vadd.bf16 v58, v3  }
0x34c: {  	s11 =	sor.u32 $0x13000, s15  }
0x34d: {  	s20 =	sor.u32 s14, s11;
	s12 =	sor.u32 $0x13080, s15;
	v59 =	vshll.u32 v3, $0x10  }
0x34e: {  	s21 =	sor.u32 s14, s12;
	v3 =	vand.u32 $0xFFFF0000, v3;
	[tilespmem:s20+$0x0] =	vst v59  }
0x34f: {  	[tilespmem:s21+$0x0] =	vst v3  }
0x350: {  	v3 =	vld.idx.msk [tilespmem:v2+s5+$0x0], $0xffff  }
0x351: {  	v4 =	vld.idx.msk [tilespmem:v1+s5+$0x0], $0xffff;
	_ =	sdelay $0x1  }
0x352: {  	v60 =	vld.idx.msk [tilespmem:v0+s5+$0x0], $0xffff;
	_ =	sdelay $0x2  }
0x353: {  	v3 =	vadd.bf16 v4, v3;
	_ =	sdelay $0x1  }
0x354: {  	v3 =	vadd.bf16 v60, v3  }
0x355: {  	s19 =	sor.u32 $0x13100, s15  }
0x356: {  	s23 =	sor.u32 s14, s19;
	s20 =	sor.u32 $0x13180, s15;
	v61 =	vshll.u32 v3, $0x10  }
0x357: {  	s24 =	sor.u32 s14, s20;
	v3 =	vand.u32 $0xFFFF0000, v3;
	[tilespmem:s23+$0x0] =	vst v61  }
0x358: {  	[tilespmem:s24+$0x0] =	vst v3  }
0x359: {  	v3 =	vld.idx.msk [tilespmem:v2+s7+$0x0], $0xffff  }
0x35a: {  	v4 =	vld.idx.msk [tilespmem:v1+s7+$0x0], $0xffff;
	_ =	sdelay $0x1  }
0x35b: {  	v62 =	vld.idx.msk [tilespmem:v0+s7+$0x0], $0xffff;
	_ =	sdelay $0x2  }
0x35c: {  	v3 =	vadd.bf16 v4, v3;
	_ =	sdelay $0x1  }
0x35d: {  	v3 =	vadd.bf16 v62, v3  }
0x35e: {  	s21 =	sor.u32 $0x13200, s15  }
0x35f: {  	s25 =	sor.u32 s14, s21;
	s23 =	sor.u32 $0x13280, s15;
	v63 =	vshll.u32 v3, $0x10  }
0x360: {  	s26 =	sor.u32 s14, s23;
	v3 =	vand.u32 $0xFFFF0000, v3;
	[tilespmem:s25+$0x0] =	vst v63  }
0x361: {  	[tilespmem:s26+$0x0] =	vst v3  }
0x362: {  	v3 =	vld.idx.msk [tilespmem:v2+s6+$0x0], $0xffff  }
0x363: {  	v4 =	vld.idx.msk [tilespmem:v1+s6+$0x0], $0xffff;
	_ =	sdelay $0x1  }
0x364: {  	v8 =	vld.idx.msk [tilespmem:v0+s6+$0x0], $0xffff;
	_ =	sdelay $0x2  }
0x365: {  	v3 =	vadd.bf16 v4, v3;
	_ =	sdelay $0x1  }
0x366: {  	v3 =	vadd.bf16 v8, v3  }
0x367: {  	s24 =	sor.u32 $0x13300, s15  }
0x368: {  	s28 =	sor.u32 s14, s24;
	s25 =	sor.u32 $0x13380, s15;
	v9 =	vshll.u32 v3, $0x10  }
0x369: {  	s4 =	sor.u32 s14, s25;
	v3 =	vand.u32 $0xFFFF0000, v3;
	[tilespmem:s28+$0x0] =	vst v9  }
0x36a: {  	s28 =	simm.s32 $0x1800;
	[tilespmem:s4+$0x0] =	vst v3  }
0x36b: {  	v3 =	vld.idx.msk [tilespmem:v2+s28+$0x0], $0xffff  }
0x36c: {  	v4 =	vld.idx.msk [tilespmem:v1+s28+$0x0], $0xffff;
	_ =	sdelay $0x1  }
0x36d: {  	v10 =	vld.idx.msk [tilespmem:v0+s28+$0x0], $0xffff;
	_ =	sdelay $0x2  }
0x36e: {  	v3 =	vadd.bf16 v4, v3;
	_ =	sdelay $0x1  }
0x36f: {  	v3 =	vadd.bf16 v10, v3  }
0x370: {  	s26 =	sor.u32 $0x14000, s15  }
0x371: {  	s7 =	sor.u32 $0x14080, s15;
	s5 =	sor.u32 s14, s26;
	v11 =	vshll.u32 v3, $0x10  }
0x372: {  	s13 =	sor.u32 s14, s7;
	v3 =	vand.u32 $0xFFFF0000, v3;
	[tilespmem:s5+$0x0] =	vst v11  }
0x373: {  	[tilespmem:s13+$0x0] =	vst v3;
	s13 =	simm.s32 $0x1B00  }
0x374: {  	v3 =	vld.idx.msk [tilespmem:v2+s13+$0x0], $0xffff  }
0x375: {  	v4 =	vld.idx.msk [tilespmem:v1+s13+$0x0], $0xffff;
	_ =	sdelay $0x1  }
0x376: {  	v12 =	vld.idx.msk [tilespmem:v0+s13+$0x0], $0xffff;
	_ =	sdelay $0x2  }
0x377: {  	v3 =	vadd.bf16 v4, v3;
	_ =	sdelay $0x1  }
0x378: {  	v3 =	vadd.bf16 v12, v3  }
0x379: {  	s5 =	sor.u32 $0x14100, s15  }
0x37a: {  	[smem:$0x7AE] =	sst s7;
	s7 =	sor.u32 $0x14180, s15;
	s0 =	sor.u32 s14, s5;
	v13 =	vshll.u32 v3, $0x10  }
0x37b: {  	[smem:$0x7B0] =	sst s7;
	s7 =	sor.u32 s14, s7;
	v3 =	vand.u32 $0xFFFF0000, v3;
	[tilespmem:s0+$0x0] =	vst v13  }
0x37c: {  	s1 =	simm.s32 $0x1E00;
	[tilespmem:s7+$0x0] =	vst v3  }
0x37d: {  	v3 =	vld.idx.msk [tilespmem:v2+s1+$0x0], $0xffff  }
0x37e: {  	v4 =	vld.idx.msk [tilespmem:v1+s1+$0x0], $0xffff;
	_ =	sdelay $0x1  }
0x37f: {  	v14 =	vld.idx.msk [tilespmem:v0+s1+$0x0], $0xffff;
	_ =	sdelay $0x2  }
0x380: {  	v3 =	vadd.bf16 v4, v3;
	_ =	sdelay $0x1  }
0x381: {  	v3 =	vadd.bf16 v14, v3  }
0x382: {  	[smem:$0x7AF] =	sst s5;
	s5 =	sor.u32 $0x14200, s15  }
0x383: {  	s0 =	sor.u32 s14, s5;
	s7 =	sor.u32 $0x14280, s15;
	v15 =	vshll.u32 v3, $0x10  }
0x384: {  	s1 =	sor.u32 s14, s7;
	v3 =	vand.u32 $0xFFFF0000, v3;
	[tilespmem:s0+$0x0] =	vst v15  }
0x385: {  	[dreg:$0xe] =	wrdreg s2;
	s2 =	simm.s32 $0x2100;
	[tilespmem:s1+$0x0] =	vst v3  }
0x386: {  	v3 =	vld.idx.msk [tilespmem:v2+s2+$0x0], $0xffff  }
0x387: {  	v4 =	vld.idx.msk [tilespmem:v1+s2+$0x0], $0xffff;
	_ =	sdelay $0x1  }
0x388: {  	v16 =	vld.idx.msk [tilespmem:v0+s2+$0x0], $0xffff;
	_ =	sdelay $0x2  }
0x389: {  	v3 =	vadd.bf16 v4, v3;
	_ =	sdelay $0x1  }
0x38a: {  	v3 =	vadd.bf16 v16, v3  }
0x38b: {  	[smem:$0x7B1] =	sst s5;
	s2 =	sor.u32 $0x14300, s15  }
0x38c: {  	[smem:$0x7B2] =	sst s7;
	s7 =	sor.u32 $0x14380, s15;
	s5 =	sor.u32 s14, s2;
	v17 =	vshll.u32 v3, $0x10  }
0x38d: {  	[smem:$0x7B3] =	sst s2;
	s2 =	sor.u32 s14, s7;
	v3 =	vand.u32 $0xFFFF0000, v3;
	[tilespmem:s5+$0x0] =	vst v17  }
0x38e: {  	[tilespmem:s2+$0x0] =	vst v3  }
0x38f: {  	v3 =	vld.idx.msk [tilespmem:v2+s3+$0x0], $0xffff  }
0x390: {  	v4 =	vld.idx.msk [tilespmem:v1+s3+$0x0], $0xffff;
	_ =	sdelay $0x1  }
0x391: {  	v18 =	vld.idx.msk [tilespmem:v0+s3+$0x0], $0xffff;
	_ =	sdelay $0x2  }
0x392: {  	v3 =	vadd.bf16 v4, v3;
	_ =	sdelay $0x1  }
0x393: {  	v3 =	vadd.bf16 v18, v3  }
0x394: {  	s3 =	sor.u32 $0x15000, s15  }
0x395: {  	[smem:$0x7B4] =	sst s7;
	s7 =	sor.u32 $0x15080, s15;
	s5 =	sor.u32 s14, s3;
	v19 =	vshll.u32 v3, $0x10  }
0x396: {  	s0 =	sor.u32 s14, s7;
	v3 =	vand.u32 $0xFFFF0000, v3;
	[tilespmem:s5+$0x0] =	vst v19  }
0x397: {  	s4 =	simm.s32 $0x2700;
	[tilespmem:s0+$0x0] =	vst v3  }
0x398: {  	v3 =	vld.idx.msk [tilespmem:v2+s4+$0x0], $0xffff  }
0x399: {  	v4 =	vld.idx.msk [tilespmem:v1+s4+$0x0], $0xffff;
	_ =	sdelay $0x1  }
0x39a: {  	v20 =	vld.idx.msk [tilespmem:v0+s4+$0x0], $0xffff;
	_ =	sdelay $0x2  }
0x39b: {  	v3 =	vadd.bf16 v4, v3;
	_ =	sdelay $0x1  }
0x39c: {  	v3 =	vadd.bf16 v20, v3  }
0x39d: {  	s1 =	sor.u32 $0x15100, s15  }
0x39e: {  	s2 =	sor.u32 s14, s1;
	[smem:$0x7B5] =	sst s3;
	s3 =	sor.u32 $0x15180, s15;
	v21 =	vshll.u32 v3, $0x10  }
0x39f: {  	s4 =	sor.u32 s14, s3;
	v3 =	vand.u32 $0xFFFF0000, v3;
	[tilespmem:s2+$0x0] =	vst v21  }
0x3a0: {  	s6 =	simm.s32 $0x2A00;
	[tilespmem:s4+$0x0] =	vst v3  }
0x3a1: {  	v3 =	vld.idx.msk [tilespmem:v2+s6+$0x0], $0xffff  }
0x3a2: {  	v4 =	vld.idx.msk [tilespmem:v1+s6+$0x0], $0xffff;
	_ =	sdelay $0x1  }
0x3a3: {  	v22 =	vld.idx.msk [tilespmem:v0+s6+$0x0], $0xffff;
	_ =	sdelay $0x2  }
0x3a4: {  	v3 =	vadd.bf16 v4, v3;
	_ =	sdelay $0x1  }
0x3a5: {  	v3 =	vadd.bf16 v22, v3  }
0x3a6: {  	[smem:$0x7B6] =	sst s7;
	s7 =	sor.u32 $0x15200, s15  }
0x3a7: {  	[smem:$0x7B7] =	sst s1;
	s1 =	sor.u32 $0x15280, s15;
	s0 =	sor.u32 s14, s7;
	v23 =	vshll.u32 v3, $0x10  }
0x3a8: {  	s2 =	sor.u32 s14, s1;
	v3 =	vand.u32 $0xFFFF0000, v3;
	[tilespmem:s0+$0x0] =	vst v23  }
0x3a9: {  	s16 =	simm.s32 $0x2D00;
	[tilespmem:s2+$0x0] =	vst v3  }
0x3aa: {  	v3 =	vld.idx.msk [tilespmem:v2+s16+$0x0], $0xffff  }
0x3ab: {  	v4 =	vld.idx.msk [tilespmem:v1+s16+$0x0], $0xffff;
	_ =	sdelay $0x1  }
0x3ac: {  	v24 =	vld.idx.msk [tilespmem:v0+s16+$0x0], $0xffff;
	_ =	sdelay $0x2  }
0x3ad: {  	v3 =	vadd.bf16 v4, v3;
	_ =	sdelay $0x1  }
0x3ae: {  	v3 =	vadd.bf16 v24, v3  }
0x3af: {  	[smem:$0x7B8] =	sst s3;
	s3 =	sor.u32 $0x15300, s15  }
0x3b0: {  	s4 =	sor.u32 s14, s3;
	s6 =	sor.u32 $0x15380, s15;
	v25 =	vshll.u32 v3, $0x10  }
0x3b1: {  	[smem:$0x7B9] =	sst s7;
	s7 =	sor.u32 s14, s6;
	v3 =	vand.u32 $0xFFFF0000, v3;
	[tilespmem:s4+$0x0] =	vst v25  }
0x3b2: {  	[smem:$0x7BA] =	sst s1;
	s1 =	simm.s32 $0x3000;
	[tilespmem:s7+$0x0] =	vst v3  }
0x3b3: {  	v3 =	vld.idx.msk [tilespmem:v2+s1+$0x0], $0xffff  }
0x3b4: {  	v4 =	vld.idx.msk [tilespmem:v1+s1+$0x0], $0xffff;
	_ =	sdelay $0x1  }
0x3b5: {  	v26 =	vld.idx.msk [tilespmem:v0+s1+$0x0], $0xffff;
	_ =	sdelay $0x2  }
0x3b6: {  	v3 =	vadd.bf16 v4, v3;
	_ =	sdelay $0x1  }
0x3b7: {  	v3 =	vadd.bf16 v26, v3  }
0x3b8: {  	s16 =	sor.u32 $0x16000, s15  }
0x3b9: {  	[smem:$0x7BB] =	sst s3;
	s3 =	sor.u32 $0x16080, s15;
	s2 =	sor.u32 s14, s16;
	v27 =	vshll.u32 v3, $0x10  }
0x3ba: {  	s4 =	sor.u32 s14, s3;
	v3 =	vand.u32 $0xFFFF0000, v3;
	[tilespmem:s2+$0x0] =	vst v27  }
0x3bb: {  	s2 =	simm.s32 $0x3300;
	[tilespmem:s4+$0x0] =	vst v3  }
0x3bc: {  	v3 =	vld.idx.msk [tilespmem:v2+s2+$0x0], $0xffff  }
0x3bd: {  	v4 =	vld.idx.msk [tilespmem:v1+s2+$0x0], $0xffff;
	_ =	sdelay $0x1  }
0x3be: {  	v28 =	vld.idx.msk [tilespmem:v0+s2+$0x0], $0xffff;
	_ =	sdelay $0x2  }
0x3bf: {  	v3 =	vadd.bf16 v4, v3;
	_ =	sdelay $0x1  }
0x3c0: {  	v3 =	vadd.bf16 v28, v3  }
0x3c1: {  	s5 =	sor.u32 $0x16100, s15  }
0x3c2: {  	[smem:$0x7BC] =	sst s6;
	s6 =	sor.u32 s14, s5;
	s7 =	sor.u32 $0x16180, s15;
	v29 =	vshll.u32 v3, $0x10  }
0x3c3: {  	[smem:$0x7BD] =	sst s16;
	s16 =	sor.u32 s14, s7;
	v3 =	vand.u32 $0xFFFF0000, v3;
	[tilespmem:s6+$0x0] =	vst v29  }
0x3c4: {  	s17 =	simm.s32 $0x3600;
	[tilespmem:s16+$0x0] =	vst v3  }
0x3c5: {  	v3 =	vld.idx.msk [tilespmem:v2+s17+$0x0], $0xffff  }
0x3c6: {  	v4 =	vld.idx.msk [tilespmem:v1+s17+$0x0], $0xffff;
	_ =	sdelay $0x1  }
0x3c7: {  	v30 =	vld.idx.msk [tilespmem:v0+s17+$0x0], $0xffff;
	_ =	sdelay $0x2  }
0x3c8: {  	v3 =	vadd.bf16 v4, v3;
	_ =	sdelay $0x1  }
0x3c9: {  	v3 =	vadd.bf16 v30, v3  }
0x3ca: {  	s17 =	sor.u32 $0x16200, s15  }
0x3cb: {  	[smem:$0x7BE] =	sst s3;
	s3 =	sor.u32 $0x16280, s15;
	s0 =	sor.u32 s14, s17;
	v31 =	vshll.u32 v3, $0x10  }
0x3cc: {  	s4 =	sor.u32 s14, s3;
	v3 =	vand.u32 $0xFFFF0000, v3;
	[tilespmem:s0+$0x0] =	vst v31  }
0x3cd: {  	[smem:$0x7BF] =	sst s5;
	s5 =	simm.s32 $0x3900;
	[tilespmem:s4+$0x0] =	vst v3  }
0x3ce: {  	v3 =	vld.idx.msk [tilespmem:v2+s5+$0x0], $0xffff  }
0x3cf: {  	v4 =	vld.idx.msk [tilespmem:v1+s5+$0x0], $0xffff;
	_ =	sdelay $0x1  }
0x3d0: {  	v32 =	vld.idx.msk [tilespmem:v0+s5+$0x0], $0xffff;
	_ =	sdelay $0x2  }
0x3d1: {  	v3 =	vadd.bf16 v4, v3;
	_ =	sdelay $0x1  }
0x3d2: {  	v3 =	vadd.bf16 v32, v3  }
0x3d3: {  	s6 =	sor.u32 $0x16300, s15  }
0x3d4: {  	[smem:$0x7C0] =	sst s7;
	s7 =	sor.u32 s14, s6;
	s16 =	sor.u32 $0x16380, s15;
	v33 =	vshll.u32 v3, $0x10  }
0x3d5: {  	[smem:$0x7C1] =	sst s17;
	s17 =	sor.u32 s14, s16;
	v3 =	vand.u32 $0xFFFF0000, v3;
	[tilespmem:s7+$0x0] =	vst v33  }
0x3d6: {  	s18 =	simm.s32 $0x3C00;
	[tilespmem:s17+$0x0] =	vst v3  }
0x3d7: {  	v3 =	vld.idx.msk [tilespmem:v2+s18+$0x0], $0xffff  }
0x3d8: {  	v4 =	vld.idx.msk [tilespmem:v1+s18+$0x0], $0xffff;
	_ =	sdelay $0x1  }
0x3d9: {  	v34 =	vld.idx.msk [tilespmem:v0+s18+$0x0], $0xffff;
	_ =	sdelay $0x2  }
0x3da: {  	v3 =	vadd.bf16 v4, v3;
	_ =	sdelay $0x1  }
0x3db: {  	v3 =	vadd.bf16 v34, v3  }
0x3dc: {  	s18 =	sor.u32 $0x17000, s15  }
0x3dd: {  	[smem:$0x7C2] =	sst s3;
	s4 =	sor.u32 $0x17080, s15;
	s3 =	sor.u32 s14, s18;
	v35 =	vshll.u32 v3, $0x10  }
0x3de: {  	[smem:$0x7C3] =	sst s6;
	s6 =	sor.u32 s14, s4;
	v3 =	vand.u32 $0xFFFF0000, v3;
	[tilespmem:s3+$0x0] =	vst v35  }
0x3df: {  	s7 =	simm.s32 $0x3F00;
	[tilespmem:s6+$0x0] =	vst v3  }
0x3e0: {  	v3 =	vld.idx.msk [tilespmem:v2+s7+$0x0], $0xffff  }
0x3e1: {  	v4 =	vld.idx.msk [tilespmem:v1+s7+$0x0], $0xffff;
	_ =	sdelay $0x1  }
0x3e2: {  	v36 =	vld.idx.msk [tilespmem:v0+s7+$0x0], $0xffff;
	_ =	sdelay $0x2  }
0x3e3: {  	v3 =	vadd.bf16 v4, v3;
	_ =	sdelay $0x1  }
0x3e4: {  	v3 =	vadd.bf16 v36, v3  }
0x3e5: {  	[smem:$0x7C4] =	sst s16;
	s16 =	sor.u32 $0x17100, s15  }
0x3e6: {  	s17 =	sor.u32 s14, s16;
	[smem:$0x7C5] =	sst s18;
	s18 =	sor.u32 $0x17180, s15;
	v37 =	vshll.u32 v3, $0x10  }
0x3e7: {  	s3 =	sor.u32 s14, s18;
	v3 =	vand.u32 $0xFFFF0000, v3;
	[tilespmem:s17+$0x0] =	vst v37  }
0x3e8: {  	[smem:$0x7C6] =	sst s4;
	s4 =	simm.s32 $0x4200;
	[tilespmem:s3+$0x0] =	vst v3  }
0x3e9: {  	v3 =	vld.idx.msk [tilespmem:v2+s4+$0x0], $0xffff  }
0x3ea: {  	v4 =	vld.idx.msk [tilespmem:v1+s4+$0x0], $0xffff;
	_ =	sdelay $0x1  }
0x3eb: {  	v38 =	vld.idx.msk [tilespmem:v0+s4+$0x0], $0xffff;
	_ =	sdelay $0x2  }
0x3ec: {  	v3 =	vadd.bf16 v4, v3;
	_ =	sdelay $0x1  }
0x3ed: {  	v3 =	vadd.bf16 v38, v3  }
0x3ee: {  	s5 =	sor.u32 $0x17200, s15  }
0x3ef: {  	s6 =	sor.u32 s14, s5;
	s7 =	sor.u32 $0x17280, s15;
	v39 =	vshll.u32 v3, $0x10  }
0x3f0: {  	[smem:$0x7C7] =	sst s16;
	s16 =	sor.u32 s14, s7;
	v3 =	vand.u32 $0xFFFF0000, v3;
	[tilespmem:s6+$0x0] =	vst v39  }
0x3f1: {  	s17 =	simm.s32 $0x4500;
	[tilespmem:s16+$0x0] =	vst v3  }
0x3f2: {  	v3 =	vld.idx.msk [tilespmem:v2+s17+$0x0], $0xffff  }
0x3f3: {  	v4 =	vld.idx.msk [tilespmem:v1+s17+$0x0], $0xffff;
	_ =	sdelay $0x1  }
0x3f4: {  	v40 =	vld.idx.msk [tilespmem:v0+s17+$0x0], $0xffff;
	_ =	sdelay $0x2  }
0x3f5: {  	v3 =	vadd.bf16 v4, v3;
	_ =	sdelay $0x1  }
0x3f6: {  	v3 =	vadd.bf16 v40, v3  }
0x3f7: {  	[smem:$0x7C8] =	sst s18;
	s18 =	sor.u32 $0x17300, s15  }
0x3f8: {  	s3 =	sor.u32 s14, s18;
	s4 =	sor.u32 $0x17380, s15;
	v41 =	vshll.u32 v3, $0x10  }
0x3f9: {  	s6 =	sor.u32 s14, s4;
	v3 =	vand.u32 $0xFFFF0000, v3;
	[tilespmem:s3+$0x0] =	vst v41  }
0x3fa: {  	[smem:$0x7CA] =	sst s7;
	s7 =	simm.s32 $0x4800;
	[tilespmem:s6+$0x0] =	vst v3  }
0x3fb: {  	v3 =	vld.idx.msk [tilespmem:v2+s7+$0x0], $0xffff  }
0x3fc: {  	v4 =	vld.idx.msk [tilespmem:v1+s7+$0x0], $0xffff;
	_ =	sdelay $0x1  }
0x3fd: {  	v42 =	vld.idx.msk [tilespmem:v0+s7+$0x0], $0xffff;
	_ =	sdelay $0x2  }
0x3fe: {  	v3 =	vadd.bf16 v4, v3;
	_ =	sdelay $0x1  }
0x3ff: {  	v3 =	vadd.bf16 v42, v3  }
0x400: {  	s16 =	sor.u32 $0x18000, s15  }
0x401: {  	[smem:$0x7CB] =	sst s18;
	s18 =	sor.u32 $0x18080, s15;
	s17 =	sor.u32 s14, s16;
	v43 =	vshll.u32 v3, $0x10  }
0x402: {  	s3 =	sor.u32 s14, s18;
	v3 =	vand.u32 $0xFFFF0000, v3;
	[tilespmem:s17+$0x0] =	vst v43  }
0x403: {  	[smem:$0x7CC] =	sst s4;
	s4 =	simm.s32 $0x4B00;
	[tilespmem:s3+$0x0] =	vst v3  }
0x404: {  	v3 =	vld.idx.msk [tilespmem:v2+s4+$0x0], $0xffff  }
0x405: {  	v4 =	vld.idx.msk [tilespmem:v1+s4+$0x0], $0xffff;
	_ =	sdelay $0x1  }
0x406: {  	v44 =	vld.idx.msk [tilespmem:v0+s4+$0x0], $0xffff;
	_ =	sdelay $0x2  }
0x407: {  	v3 =	vadd.bf16 v4, v3;
	_ =	sdelay $0x1  }
0x408: {  	v3 =	vadd.bf16 v44, v3  }
0x409: {  	[smem:$0x7C9] =	sst s5;
	s5 =	sor.u32 $0x18100, s15  }
0x40a: {  	s6 =	sor.u32 s14, s5;
	s7 =	sor.u32 $0x18180, s15;
	v45 =	vshll.u32 v3, $0x10  }
0x40b: {  	[smem:$0x7CD] =	sst s16;
	s16 =	sor.u32 s14, s7;
	v3 =	vand.u32 $0xFFFF0000, v3;
	[tilespmem:s6+$0x0] =	vst v45  }
0x40c: {  	s17 =	simm.s32 $0x4E00;
	[tilespmem:s16+$0x0] =	vst v3  }
0x40d: {  	v3 =	vld.idx.msk [tilespmem:v2+s17+$0x0], $0xffff  }
0x40e: {  	v4 =	vld.idx.msk [tilespmem:v1+s17+$0x0], $0xffff;
	_ =	sdelay $0x1  }
0x40f: {  	v46 =	vld.idx.msk [tilespmem:v0+s17+$0x0], $0xffff;
	_ =	sdelay $0x2  }
0x410: {  	v3 =	vadd.bf16 v4, v3;
	_ =	sdelay $0x1  }
0x411: {  	v3 =	vadd.bf16 v46, v3  }
0x412: {  	[smem:$0x7CE] =	sst s18;
	s18 =	sor.u32 $0x18200, s15  }
0x413: {  	s3 =	sor.u32 s14, s18;
	s4 =	sor.u32 $0x18280, s15;
	v47 =	vshll.u32 v3, $0x10  }
0x414: {  	s6 =	sor.u32 s14, s4;
	v3 =	vand.u32 $0xFFFF0000, v3;
	[tilespmem:s3+$0x0] =	vst v47  }
0x415: {  	[smem:$0x7D0] =	sst s7;
	s7 =	simm.s32 $0x5100;
	[tilespmem:s6+$0x0] =	vst v3  }
0x416: {  	v3 =	vld.idx.msk [tilespmem:v2+s7+$0x0], $0xffff  }
0x417: {  	v4 =	vld.idx.msk [tilespmem:v1+s7+$0x0], $0xffff;
	_ =	sdelay $0x1  }
0x418: {  	v48 =	vld.idx.msk [tilespmem:v0+s7+$0x0], $0xffff;
	_ =	sdelay $0x2  }
0x419: {  	v3 =	vadd.bf16 v4, v3;
	_ =	sdelay $0x1  }
0x41a: {  	v3 =	vadd.bf16 v48, v3  }
0x41b: {  	s16 =	sor.u32 $0x18300, s15  }
0x41c: {  	[smem:$0x7D1] =	sst s18;
	s18 =	sor.u32 $0x18380, s15;
	s17 =	sor.u32 s14, s16;
	v49 =	vshll.u32 v3, $0x10  }
0x41d: {  	s3 =	sor.u32 s14, s18;
	v3 =	vand.u32 $0xFFFF0000, v3;
	[tilespmem:s17+$0x0] =	vst v49  }
0x41e: {  	[smem:$0x7D2] =	sst s4;
	s4 =	simm.s32 $0x5400;
	[tilespmem:s3+$0x0] =	vst v3  }
0x41f: {  	v3 =	vld.idx.msk [tilespmem:v2+s4+$0x0], $0xffff  }
0x420: {  	v4 =	vld.idx.msk [tilespmem:v1+s4+$0x0], $0xffff;
	_ =	sdelay $0x1  }
0x421: {  	v50 =	vld.idx.msk [tilespmem:v0+s4+$0x0], $0xffff;
	_ =	sdelay $0x2  }
0x422: {  	v3 =	vadd.bf16 v4, v3;
	_ =	sdelay $0x1  }
0x423: {  	v3 =	vadd.bf16 v50, v3  }
0x424: {  	[smem:$0x7CF] =	sst s5;
	s5 =	sor.u32 $0x19000, s15  }
0x425: {  	s6 =	sor.u32 s14, s5;
	s7 =	sor.u32 $0x19080, s15;
	v51 =	vshll.u32 v3, $0x10  }
0x426: {  	[dreg:$0x1e] =	wrdreg s16;
	s16 =	sor.u32 s14, s7;
	v3 =	vand.u32 $0xFFFF0000, v3;
	[tilespmem:s6+$0x0] =	vst v51  }
0x427: {  	s17 =	simm.s32 $0x5700;
	[tilespmem:s16+$0x0] =	vst v3  }
0x428: {  	v3 =	vld.idx.msk [tilespmem:v2+s17+$0x0], $0xffff  }
0x429: {  	v4 =	vld.idx.msk [tilespmem:v1+s17+$0x0], $0xffff;
	_ =	sdelay $0x1  }
0x42a: {  	v52 =	vld.idx.msk [tilespmem:v0+s17+$0x0], $0xffff;
	_ =	sdelay $0x2  }
0x42b: {  	[dreg:$0x1a] =	wrdreg s5;
	v3 =	vadd.bf16 v4, v3  }
0x42c: {  	[dreg:$0x1c] =	wrdreg s7  }
0x42d: {  	s7 =	rddreg [dreg:$0xf];
	v3 =	vadd.bf16 v52, v3  }
0x42e: {  	[smem:$0x7D3] =	sst s18;
	s18 =	sor.u32 $0x19100, s15;
	s5 =	sadd.s32 $0x10, s7  }
0x42f: {  	[dreg:$0x16] =	wrdreg s18;
	s3 =	sor.u32 s14, s18;
	s17 =	sand.u32 $0x50, s5;
	v53 =	vshll.u32 v3, $0x10  }
0x430: {  	s4 =	sor.u32 $0x19180, s15;
	s18 =	sor.u32 s17, s8;
	[tilespmem:s3+$0x0] =	vst v53;
	s3 =	rddreg [dreg:$0xf]  }
0x431: {  	s16 =	sor.u32 s14, s4;
	v5 =	vld [tilespmem:s18+$0x0];
	v3 =	vand.u32 $0xFFFF0000, v3;
	s6 =	sadd.s32 $0x20, s3  }
0x432: {  	s7 =	rddreg [dreg:$0xf];
	v54 =	vld [tilespmem:s18+$0x80];
	[tilespmem:s16+$0x0] =	vst v3;
	s16 =	sand.u32 $0x60, s6  }
0x433: {  	[dreg:$0x18] =	wrdreg s4;
	v6 =	vld [tilespmem:s18+$0x100];
	s4 =	sor.u32 s16, s8  }
0x434: {  	s7 =	sadd.s32 $0x30, s7;
	v4 =	vld [tilespmem:s4+$0x0]  }
0x435: {  	s18 =	sand.u32 $0x70, s7;
	v7 =	vld [tilespmem:s4+$0x80]  }
0x436: {  	s8 =	sor.u32 s18, s8;
	v8 =	vld [tilespmem:s4+$0x100]  }
0x437: {  	v11 =	vadd.s32 $0x100, v54;
	v55 =	vld [tilespmem:s8+$0x80]  }
0x438: {  	v10 =	vadd.s32 $0x200, v6;
	v3 =	vld [tilespmem:s8+$0x0];
	_ =	sdelay $0x1  }
0x439: {  	v12 =	vld [tilespmem:s8+$0x100];
	v9 =	vadd.s32 $0x100, v7  }
0x43a: {  	v13 =	vld.idx.msk [tilespmem:v5+s31+$0x0], $0xffff  }
0x43b: {  	v14 =	vld.idx.msk [tilespmem:v11+s31+$0x0], $0xffff;
	v7 =	vadd.s32 $0x200, v8  }
0x43c: {  	v15 =	vld.idx.msk [tilespmem:v10+s31+$0x0], $0xffff;
	v8 =	vadd.s32 $0x100, v55  }
0x43d: {  	v16 =	vld.idx.msk [tilespmem:v4+s31+$0x0], $0xffff  }
0x43e: {  	v6 =	vadd.s32 $0x200, v12;
	v17 =	vld.idx.msk [tilespmem:v9+s31+$0x0], $0xffff  }
0x43f: {  	v57 =	vld.idx.msk [tilespmem:v3+s31+$0x0], $0xffff  }
0x440: {  	v13 =	vadd.bf16 v14, v13;
	v56 =	vld.idx.msk [tilespmem:v7+s31+$0x0], $0xffff  }
0x441: {  	v18 =	vld.idx.msk [tilespmem:v8+s31+$0x0], $0xffff  }
0x442: {  	v13 =	vadd.bf16 v15, v13  }
0x443: {  	v59 =	vld.idx.msk [tilespmem:v6+s31+$0x0], $0xffff;
	v58 =	vadd.bf16 v17, v16  }
0x444: {  	v60 =	vshll.u32 v13, $0x10;
	s31 =	sor.u32 s17, s9  }
0x445: {  	v13 =	vand.u32 $0xFFFF0000, v13;
	[tilespmem:s31+$0x0] =	vst v60;
	v12 =	vadd.bf16 v56, v58  }
0x446: {  	[tilespmem:s31+$0x80] =	vst v13;
	v61 =	vadd.bf16 v18, v57  }
0x447: {  	s3 =	sor.u32 s16, s9;
	v62 =	vld.idx.msk [tilespmem:v5+s10+$0x0], $0xffff;
	v15 =	vshll.u32 v12, $0x10  }
0x448: {  	v17 =	vld.idx.msk [tilespmem:v11+s10+$0x0], $0xffff;
	v13 =	vadd.bf16 v59, v61;
	v12 =	vand.u32 $0xFFFF0000, v12;
	[tilespmem:s3+$0x0] =	vst v15  }
0x449: {  	v63 =	vld.idx.msk [tilespmem:v10+s10+$0x0], $0xffff;
	[tilespmem:s3+$0x80] =	vst v12  }
0x44a: {  	s9 =	sor.u32 s18, s9;
	v16 =	vshll.u32 v13, $0x10;
	v12 =	vld.idx.msk [tilespmem:v4+s10+$0x0], $0xffff  }
0x44b: {  	v13 =	vand.u32 $0xFFFF0000, v13;
	[tilespmem:s9+$0x0] =	vst v16;
	v21 =	vld.idx.msk [tilespmem:v9+s10+$0x0], $0xffff  }
0x44c: {  	[tilespmem:s9+$0x80] =	vst v13;
	v22 =	vld.idx.msk [tilespmem:v7+s10+$0x0], $0xffff  }
0x44d: {  	v23 =	vadd.bf16 v17, v62;
	v24 =	vld.idx.msk [tilespmem:v3+s10+$0x0], $0xffff  }
0x44e: {  	v25 =	vld.idx.msk [tilespmem:v8+s10+$0x0], $0xffff  }
0x44f: {  	v13 =	vadd.bf16 v63, v23  }
0x450: {  	v26 =	vld.idx.msk [tilespmem:v6+s10+$0x0], $0xffff;
	v12 =	vadd.bf16 v21, v12  }
0x451: {  	v27 =	vshll.u32 v13, $0x10  }
0x452: {  	v13 =	vand.u32 $0xFFFF0000, v13;
	[tilespmem:s31+$0x100] =	vst v27;
	v12 =	vadd.bf16 v22, v12  }
0x453: {  	[tilespmem:s31+$0x180] =	vst v13;
	v28 =	vadd.bf16 v25, v24  }
0x454: {  	v29 =	vld.idx.msk [tilespmem:v5+s29+$0x0], $0xffff;
	v16 =	vshll.u32 v12, $0x10  }
0x455: {  	v30 =	vld.idx.msk [tilespmem:v11+s29+$0x0], $0xffff;
	v13 =	vadd.bf16 v26, v28;
	v12 =	vand.u32 $0xFFFF0000, v12;
	[tilespmem:s3+$0x100] =	vst v16  }
0x456: {  	v31 =	vld.idx.msk [tilespmem:v10+s29+$0x0], $0xffff;
	[tilespmem:s3+$0x180] =	vst v12  }
0x457: {  	v33 =	vshll.u32 v13, $0x10;
	v32 =	vld.idx.msk [tilespmem:v4+s29+$0x0], $0xffff  }
0x458: {  	v13 =	vand.u32 $0xFFFF0000, v13;
	[tilespmem:s9+$0x100] =	vst v33;
	v34 =	vld.idx.msk [tilespmem:v9+s29+$0x0], $0xffff  }
0x459: {  	s31 =	rddreg [dreg:$0x14];
	[tilespmem:s9+$0x180] =	vst v13;
	v35 =	vld.idx.msk [tilespmem:v7+s29+$0x0], $0xffff  }
0x45a: {  	s10 =	sand.u32 $0x7, s31;
	v14 =	vadd.bf16 v30, v29;
	v16 =	vld.idx.msk [tilespmem:v3+s29+$0x0], $0xffff  }
0x45b: {  	s4 =	sshll.u32 s10, $0x4;
	v36 =	vld.idx.msk [tilespmem:v8+s29+$0x0], $0xffff  }
0x45c: {  	s4 =	sadd.s32 s22, s4;
	v38 =	vld.idx.msk [tilespmem:v6+s29+$0x0], $0xffff;
	s29 =	rddreg [dreg:$0x12];
	v12 =	vadd.bf16 v31, v14  }
0x45d: {  	s9 =	sadd.s32 $0x10, s4;
	s3 =	sand.u32 $0x3, s29;
	v37 =	vadd.bf16 v34, v32  }
0x45e: {  	s10 =	sor.u32 $0x200, s9;
	s8 =	sshll.u32 s3, $0x5;
	v39 =	vshll.u32 v12, $0x10  }
0x45f: {  	s3 =	sadd.s32 s22, s8;
	v12 =	vand.u32 $0xFFFF0000, v12;
	[tilespmem:s10+$0x12000] =	vst v39;
	s10 =	sor.u32 $0x280, s9;
	v13 =	vadd.bf16 v35, v37  }
0x460: {  	s3 =	sadd.s32 $0x20, s3;
	[tilespmem:s10+$0x12000] =	vst v12;
	v40 =	vadd.bf16 v36, v16  }
0x461: {  	s10 =	sor.u32 $0x200, s3;
	v41 =	vld.idx.msk [tilespmem:v5+s30+$0x0], $0xffff;
	v42 =	vshll.u32 v13, $0x10  }
0x462: {  	v43 =	vld.idx.msk [tilespmem:v11+s30+$0x0], $0xffff;
	v12 =	vadd.bf16 v38, v40;
	v13 =	vand.u32 $0xFFFF0000, v13;
	[tilespmem:s10+$0x12000] =	vst v42;
	s10 =	sor.u32 $0x280, s3  }
0x463: {  	s4 =	sadd.s32 $0x30, s4;
	v44 =	vld.idx.msk [tilespmem:v10+s30+$0x0], $0xffff;
	[tilespmem:s10+$0x12000] =	vst v13  }
0x464: {  	v46 =	vshll.u32 v12, $0x10;
	s10 =	sor.u32 $0x200, s4;
	v45 =	vld.idx.msk [tilespmem:v4+s30+$0x0], $0xffff  }
0x465: {  	v12 =	vand.u32 $0xFFFF0000, v12;
	[tilespmem:s10+$0x12000] =	vst v46;
	v47 =	vld.idx.msk [tilespmem:v9+s30+$0x0], $0xffff;
	s10 =	sor.u32 $0x280, s4  }
0x466: {  	v48 =	vld.idx.msk [tilespmem:v7+s30+$0x0], $0xffff;
	[tilespmem:s10+$0x12000] =	vst v12  }
0x467: {  	v14 =	vadd.bf16 v43, v41;
	v49 =	vld.idx.msk [tilespmem:v3+s30+$0x0], $0xffff  }
0x468: {  	v50 =	vld.idx.msk [tilespmem:v8+s30+$0x0], $0xffff  }
0x469: {  	v13 =	vadd.bf16 v44, v14  }
0x46a: {  	v52 =	vld.idx.msk [tilespmem:v6+s30+$0x0], $0xffff;
	v51 =	vadd.bf16 v47, v45  }
0x46b: {  	s5 =	sor.u32 s5, s22;
	s10 =	sor.u32 $0x300, s9;
	v53 =	vshll.u32 v13, $0x10  }
0x46c: {  	s5 =	sor.u32 $0x380, s5;
	v13 =	vand.u32 $0xFFFF0000, v13;
	[tilespmem:s10+$0x12000] =	vst v53;
	v12 =	vadd.bf16 v48, v51  }
0x46d: {  	s0 =	simm.s32 $0xC00;
	[tilespmem:s5+$0x12000] =	vst v13;
	v54 =	vadd.bf16 v50, v49  }
0x46e: {  	s3 =	sor.u32 $0x300, s3;
	s30 =	sor.u32 s6, s22;
	v55 =	vld.idx.msk [tilespmem:v5+s0+$0x0], $0xffff;
	v56 =	vshll.u32 v12, $0x10  }
0x46f: {  	s8 =	sor.u32 $0x380, s30;
	v57 =	vld.idx.msk [tilespmem:v11+s0+$0x0], $0xffff;
	v12 =	vand.u32 $0xFFFF0000, v12;
	v13 =	vadd.bf16 v52, v54;
	[tilespmem:s3+$0x12000] =	vst v56  }
0x470: {  	v58 =	vld.idx.msk [tilespmem:v10+s0+$0x0], $0xffff;
	[tilespmem:s8+$0x12000] =	vst v12  }
0x471: {  	s9 =	sor.u32 $0x300, s4;
	s10 =	sor.u32 s7, s22;
	v60 =	vshll.u32 v13, $0x10;
	v59 =	vld.idx.msk [tilespmem:v4+s0+$0x0], $0xffff  }
0x472: {  	s4 =	simm.s32 $0xC00;
	s30 =	sor.u32 $0x380, s10;
	v13 =	vand.u32 $0xFFFF0000, v13;
	[tilespmem:s9+$0x12000] =	vst v60;
	v61 =	vld.idx.msk [tilespmem:v9+s0+$0x0], $0xffff  }
0x473: {  	v62 =	vld.idx.msk [tilespmem:v7+s4+$0x0], $0xffff;
	[tilespmem:s30+$0x12000] =	vst v13  }
0x474: {  	v14 =	vadd.bf16 v57, v55;
	v63 =	vld.idx.msk [tilespmem:v3+s4+$0x0], $0xffff  }
0x475: {  	v21 =	vld.idx.msk [tilespmem:v8+s4+$0x0], $0xffff  }
0x476: {  	v12 =	vadd.bf16 v58, v14  }
0x477: {  	v23 =	vld.idx.msk [tilespmem:v6+s4+$0x0], $0xffff;
	v22 =	vadd.bf16 v61, v59  }
0x478: {  	s0 =	sor.u32 s17, s11;
	v24 =	vshll.u32 v12, $0x10  }
0x479: {  	s8 =	sor.u32 s17, s12;
	v12 =	vand.u32 $0xFFFF0000, v12;
	[tilespmem:s0+$0x0] =	vst v24;
	v13 =	vadd.bf16 v62, v22  }
0x47a: {  	s5 =	simm.s32 $0xF00;
	[tilespmem:s8+$0x0] =	vst v12;
	v25 =	vadd.bf16 v21, v63  }
0x47b: {  	s9 =	sor.u32 s16, s11;
	v26 =	vld.idx.msk [tilespmem:v5+s5+$0x0], $0xffff;
	v27 =	vshll.u32 v13, $0x10  }
0x47c: {  	s10 =	sor.u32 s16, s12;
	v28 =	vld.idx.msk [tilespmem:v11+s5+$0x0], $0xffff;
	v13 =	vand.u32 $0xFFFF0000, v13;
	v12 =	vadd.bf16 v23, v25;
	[tilespmem:s9+$0x0] =	vst v27  }
0x47d: {  	v29 =	vld.idx.msk [tilespmem:v10+s5+$0x0], $0xffff;
	[tilespmem:s10+$0x0] =	vst v13  }
0x47e: {  	s11 =	sor.u32 s18, s11;
	v31 =	vshll.u32 v12, $0x10;
	v30 =	vld.idx.msk [tilespmem:v4+s5+$0x0], $0xffff  }
0x47f: {  	s12 =	sor.u32 s18, s12;
	v12 =	vand.u32 $0xFFFF0000, v12;
	[tilespmem:s11+$0x0] =	vst v31;
	v32 =	vld.idx.msk [tilespmem:v9+s5+$0x0], $0xffff  }
0x480: {  	v33 =	vld.idx.msk [tilespmem:v7+s5+$0x0], $0xffff;
	[tilespmem:s12+$0x0] =	vst v12  }
0x481: {  	v14 =	vadd.bf16 v28, v26;
	v34 =	vld.idx.msk [tilespmem:v3+s5+$0x0], $0xffff  }
0x482: {  	v35 =	vld.idx.msk [tilespmem:v8+s5+$0x0], $0xffff  }
0x483: {  	v13 =	vadd.bf16 v29, v14  }
0x484: {  	v37 =	vld.idx.msk [tilespmem:v6+s5+$0x0], $0xffff;
	v36 =	vadd.bf16 v32, v30  }
0x485: {  	s30 =	sor.u32 s17, s19;
	v38 =	vshll.u32 v13, $0x10  }
0x486: {  	s0 =	sor.u32 s17, s20;
	v13 =	vand.u32 $0xFFFF0000, v13;
	[tilespmem:s30+$0x0] =	vst v38;
	v12 =	vadd.bf16 v33, v36  }
0x487: {  	s7 =	simm.s32 $0x1200;
	[tilespmem:s0+$0x0] =	vst v13;
	v39 =	vadd.bf16 v35, v34  }
0x488: {  	s10 =	sor.u32 s16, s19;
	v40 =	vld.idx.msk [tilespmem:v5+s7+$0x0], $0xffff;
	v41 =	vshll.u32 v12, $0x10  }
0x489: {  	s12 =	sor.u32 s16, s20;
	v42 =	vld.idx.msk [tilespmem:v11+s7+$0x0], $0xffff;
	v12 =	vand.u32 $0xFFFF0000, v12;
	v13 =	vadd.bf16 v37, v39;
	[tilespmem:s10+$0x0] =	vst v41  }
0x48a: {  	v43 =	vld.idx.msk [tilespmem:v10+s7+$0x0], $0xffff;
	[tilespmem:s12+$0x0] =	vst v12  }
0x48b: {  	s19 =	sor.u32 s18, s19;
	v45 =	vshll.u32 v13, $0x10;
	v44 =	vld.idx.msk [tilespmem:v4+s7+$0x0], $0xffff  }
0x48c: {  	s30 =	sor.u32 s18, s20;
	v13 =	vand.u32 $0xFFFF0000, v13;
	[tilespmem:s19+$0x0] =	vst v45;
	v46 =	vld.idx.msk [tilespmem:v9+s7+$0x0], $0xffff  }
0x48d: {  	v47 =	vld.idx.msk [tilespmem:v7+s7+$0x0], $0xffff;
	[tilespmem:s30+$0x0] =	vst v13  }
0x48e: {  	v14 =	vadd.bf16 v42, v40;
	v48 =	vld.idx.msk [tilespmem:v3+s7+$0x0], $0xffff  }
0x48f: {  	v49 =	vld.idx.msk [tilespmem:v8+s7+$0x0], $0xffff  }
0x490: {  	v12 =	vadd.bf16 v43, v14  }
0x491: {  	v51 =	vld.idx.msk [tilespmem:v6+s7+$0x0], $0xffff;
	v50 =	vadd.bf16 v46, v44  }
0x492: {  	s0 =	sor.u32 s17, s21;
	v52 =	vshll.u32 v12, $0x10  }
0x493: {  	s10 =	sor.u32 s17, s23;
	v12 =	vand.u32 $0xFFFF0000, v12;
	[tilespmem:s0+$0x0] =	vst v52;
	v13 =	vadd.bf16 v47, v50  }
0x494: {  	s6 =	simm.s32 $0x1500;
	[tilespmem:s10+$0x0] =	vst v12;
	v53 =	vadd.bf16 v49, v48  }
0x495: {  	s12 =	sor.u32 s16, s21;
	v54 =	vld.idx.msk [tilespmem:v5+s6+$0x0], $0xffff;
	v55 =	vshll.u32 v13, $0x10  }
0x496: {  	s19 =	sor.u32 s16, s23;
	v56 =	vld.idx.msk [tilespmem:v11+s6+$0x0], $0xffff;
	v13 =	vand.u32 $0xFFFF0000, v13;
	v12 =	vadd.bf16 v51, v53;
	[tilespmem:s12+$0x0] =	vst v55  }
0x497: {  	v57 =	vld.idx.msk [tilespmem:v10+s6+$0x0], $0xffff;
	[tilespmem:s19+$0x0] =	vst v13  }
0x498: {  	s20 =	sor.u32 s18, s21;
	v59 =	vshll.u32 v12, $0x10;
	v58 =	vld.idx.msk [tilespmem:v4+s6+$0x0], $0xffff  }
0x499: {  	s21 =	sor.u32 s18, s23;
	v12 =	vand.u32 $0xFFFF0000, v12;
	[tilespmem:s20+$0x0] =	vst v59;
	v60 =	vld.idx.msk [tilespmem:v9+s6+$0x0], $0xffff  }
0x49a: {  	v61 =	vld.idx.msk [tilespmem:v7+s6+$0x0], $0xffff;
	[tilespmem:s21+$0x0] =	vst v12  }
0x49b: {  	v14 =	vadd.bf16 v56, v54;
	v62 =	vld.idx.msk [tilespmem:v3+s6+$0x0], $0xffff  }
0x49c: {  	v63 =	vld.idx.msk [tilespmem:v8+s6+$0x0], $0xffff  }
0x49d: {  	v13 =	vadd.bf16 v57, v14  }
0x49e: {  	v21 =	vld.idx.msk [tilespmem:v6+s6+$0x0], $0xffff;
	v20 =	vadd.bf16 v60, v58  }
0x49f: {  	s23 =	sor.u32 s17, s24;
	v22 =	vshll.u32 v13, $0x10  }
0x4a0: {  	s30 =	sor.u32 s17, s25;
	v13 =	vand.u32 $0xFFFF0000, v13;
	[tilespmem:s23+$0x0] =	vst v22;
	v12 =	vadd.bf16 v61, v20  }
0x4a1: {  	[tilespmem:s30+$0x0] =	vst v13;
	v23 =	vadd.bf16 v63, v62  }
0x4a2: {  	s0 =	sor.u32 s16, s24;
	v24 =	vld.idx.msk [tilespmem:v5+s28+$0x0], $0xffff;
	v25 =	vshll.u32 v12, $0x10  }
0x4a3: {  	s10 =	sor.u32 s16, s25;
	v26 =	vld.idx.msk [tilespmem:v11+s28+$0x0], $0xffff;
	v12 =	vand.u32 $0xFFFF0000, v12;
	v13 =	vadd.bf16 v21, v23;
	[tilespmem:s0+$0x0] =	vst v25  }
0x4a4: {  	v27 =	vld.idx.msk [tilespmem:v10+s28+$0x0], $0xffff;
	[tilespmem:s10+$0x0] =	vst v12  }
0x4a5: {  	s12 =	sor.u32 s18, s24;
	v29 =	vshll.u32 v13, $0x10;
	v28 =	vld.idx.msk [tilespmem:v4+s28+$0x0], $0xffff  }
0x4a6: {  	s19 =	sor.u32 s18, s25;
	v13 =	vand.u32 $0xFFFF0000, v13;
	[tilespmem:s12+$0x0] =	vst v29;
	v30 =	vld.idx.msk [tilespmem:v9+s28+$0x0], $0xffff  }
0x4a7: {  	v31 =	vld.idx.msk [tilespmem:v7+s28+$0x0], $0xffff;
	[tilespmem:s19+$0x0] =	vst v13  }
0x4a8: {  	v14 =	vadd.bf16 v26, v24;
	v32 =	vld.idx.msk [tilespmem:v3+s28+$0x0], $0xffff  }
0x4a9: {  	v33 =	vld.idx.msk [tilespmem:v8+s28+$0x0], $0xffff  }
0x4aa: {  	s21 =	sld [smem:$0x7AE];
	v12 =	vadd.bf16 v27, v14  }
0x4ab: {  	v35 =	vld.idx.msk [tilespmem:v6+s28+$0x0], $0xffff;
	v34 =	vadd.bf16 v30, v28  }
0x4ac: {  	s20 =	sor.u32 s17, s26;
	v36 =	vshll.u32 v12, $0x10  }
0x4ad: {  	s25 =	sor.u32 s17, s21;
	v12 =	vand.u32 $0xFFFF0000, v12;
	[tilespmem:s20+$0x0] =	vst v36;
	v13 =	vadd.bf16 v31, v34  }
0x4ae: {  	[tilespmem:s25+$0x0] =	vst v12;
	v37 =	vadd.bf16 v33, v32  }
0x4af: {  	s28 =	sor.u32 s16, s26;
	v38 =	vld.idx.msk [tilespmem:v5+s13+$0x0], $0xffff;
	v39 =	vshll.u32 v13, $0x10  }
0x4b0: {  	s30 =	sor.u32 s16, s21;
	v40 =	vld.idx.msk [tilespmem:v11+s13+$0x0], $0xffff;
	v13 =	vand.u32 $0xFFFF0000, v13;
	v12 =	vadd.bf16 v35, v37;
	[tilespmem:s28+$0x0] =	vst v39  }
0x4b1: {  	v41 =	vld.idx.msk [tilespmem:v10+s13+$0x0], $0xffff;
	[tilespmem:s30+$0x0] =	vst v13  }
0x4b2: {  	s10 =	sor.u32 s18, s26;
	v43 =	vshll.u32 v12, $0x10;
	v42 =	vld.idx.msk [tilespmem:v4+s13+$0x0], $0xffff  }
0x4b3: {  	s12 =	sor.u32 s18, s21;
	v12 =	vand.u32 $0xFFFF0000, v12;
	[tilespmem:s10+$0x0] =	vst v43;
	v44 =	vld.idx.msk [tilespmem:v9+s13+$0x0], $0xffff  }
0x4b4: {  	v45 =	vld.idx.msk [tilespmem:v7+s13+$0x0], $0xffff;
	[tilespmem:s12+$0x0] =	vst v12  }
0x4b5: {  	v14 =	vadd.bf16 v40, v38;
	v46 =	vld.idx.msk [tilespmem:v3+s13+$0x0], $0xffff  }
0x4b6: {  	s19 =	sld [smem:$0x7AF];
	v47 =	vld.idx.msk [tilespmem:v8+s13+$0x0], $0xffff  }
0x4b7: {  	s21 =	sld [smem:$0x7B0];
	v13 =	vadd.bf16 v41, v14  }
0x4b8: {  	v49 =	vld.idx.msk [tilespmem:v6+s13+$0x0], $0xffff;
	v48 =	vadd.bf16 v44, v42  }
0x4b9: {  	s20 =	sor.u32 s17, s19;
	v50 =	vshll.u32 v13, $0x10  }
0x4ba: {  	s28 =	sor.u32 s17, s21;
	v13 =	vand.u32 $0xFFFF0000, v13;
	[tilespmem:s20+$0x0] =	vst v50;
	v12 =	vadd.bf16 v45, v48  }
0x4bb: {  	s23 =	simm.s32 $0x1E00;
	[tilespmem:s28+$0x0] =	vst v13;
	v51 =	vadd.bf16 v47, v46  }
0x4bc: {  	s30 =	sor.u32 s16, s19;
	v52 =	vld.idx.msk [tilespmem:v5+s23+$0x0], $0xffff;
	v53 =	vshll.u32 v12, $0x10  }
0x4bd: {  	s12 =	sor.u32 s16, s21;
	v54 =	vld.idx.msk [tilespmem:v11+s23+$0x0], $0xffff;
	v12 =	vand.u32 $0xFFFF0000, v12;
	v13 =	vadd.bf16 v49, v51;
	[tilespmem:s30+$0x0] =	vst v53  }
0x4be: {  	v55 =	vld.idx.msk [tilespmem:v10+s23+$0x0], $0xffff;
	[tilespmem:s12+$0x0] =	vst v12  }
0x4bf: {  	s13 =	sor.u32 s18, s19;
	v57 =	vshll.u32 v13, $0x10;
	v56 =	vld.idx.msk [tilespmem:v4+s23+$0x0], $0xffff  }
0x4c0: {  	s19 =	sor.u32 s18, s21;
	v13 =	vand.u32 $0xFFFF0000, v13;
	[tilespmem:s13+$0x0] =	vst v57;
	v58 =	vld.idx.msk [tilespmem:v9+s23+$0x0], $0xffff  }
0x4c1: {  	v59 =	vld.idx.msk [tilespmem:v7+s23+$0x0], $0xffff;
	[tilespmem:s19+$0x0] =	vst v13  }
0x4c2: {  	v14 =	vadd.bf16 v54, v52;
	v60 =	vld.idx.msk [tilespmem:v3+s23+$0x0], $0xffff  }
0x4c3: {  	s20 =	sld [smem:$0x7B1];
	v61 =	vld.idx.msk [tilespmem:v8+s23+$0x0], $0xffff  }
0x4c4: {  	s28 =	sld [smem:$0x7B2];
	v12 =	vadd.bf16 v55, v14  }
0x4c5: {  	v63 =	vld.idx.msk [tilespmem:v6+s23+$0x0], $0xffff;
	v62 =	vadd.bf16 v58, v56  }
0x4c6: {  	s21 =	sor.u32 s17, s20;
	v20 =	vshll.u32 v12, $0x10  }
0x4c7: {  	s30 =	sor.u32 s17, s28;
	v12 =	vand.u32 $0xFFFF0000, v12;
	[tilespmem:s21+$0x0] =	vst v20;
	v13 =	vadd.bf16 v59, v62  }
0x4c8: {  	s24 =	simm.s32 $0x2100;
	[tilespmem:s30+$0x0] =	vst v12;
	v21 =	vadd.bf16 v61, v60  }
0x4c9: {  	s12 =	sor.u32 s16, s20;
	v22 =	vld.idx.msk [tilespmem:v5+s24+$0x0], $0xffff;
	v23 =	vshll.u32 v13, $0x10  }
0x4ca: {  	s13 =	sor.u32 s16, s28;
	v24 =	vld.idx.msk [tilespmem:v11+s24+$0x0], $0xffff;
	v13 =	vand.u32 $0xFFFF0000, v13;
	v12 =	vadd.bf16 v63, v21;
	[tilespmem:s12+$0x0] =	vst v23  }
0x4cb: {  	v25 =	vld.idx.msk [tilespmem:v10+s24+$0x0], $0xffff;
	[tilespmem:s13+$0x0] =	vst v13  }
0x4cc: {  	s19 =	sor.u32 s18, s20;
	v27 =	vshll.u32 v12, $0x10;
	v26 =	vld.idx.msk [tilespmem:v4+s24+$0x0], $0xffff  }
0x4cd: {  	s20 =	sor.u32 s18, s28;
	v12 =	vand.u32 $0xFFFF0000, v12;
	[tilespmem:s19+$0x0] =	vst v27;
	v28 =	vld.idx.msk [tilespmem:v9+s24+$0x0], $0xffff  }
0x4ce: {  	v29 =	vld.idx.msk [tilespmem:v7+s24+$0x0], $0xffff;
	[tilespmem:s20+$0x0] =	vst v12  }
0x4cf: {  	v14 =	vadd.bf16 v24, v22;
	v30 =	vld.idx.msk [tilespmem:v3+s24+$0x0], $0xffff  }
0x4d0: {  	s13 =	sld [smem:$0x7B3];
	v31 =	vld.idx.msk [tilespmem:v8+s24+$0x0], $0xffff  }
0x4d1: {  	s12 =	sld [smem:$0x7B4];
	v13 =	vadd.bf16 v25, v14  }
0x4d2: {  	v33 =	vld.idx.msk [tilespmem:v6+s24+$0x0], $0xffff;
	v32 =	vadd.bf16 v28, v26  }
0x4d3: {  	s21 =	sor.u32 s17, s13;
	v34 =	vshll.u32 v13, $0x10  }
0x4d4: {  	s28 =	sor.u32 s17, s12;
	v13 =	vand.u32 $0xFFFF0000, v13;
	[tilespmem:s21+$0x0] =	vst v34;
	v12 =	vadd.bf16 v29, v32  }
0x4d5: {  	s30 =	simm.s32 $0x2400;
	[tilespmem:s28+$0x0] =	vst v13;
	v35 =	vadd.bf16 v31, v30  }
0x4d6: {  	s10 =	simm.s32 $0x2400;
	s0 =	sor.u32 s16, s13;
	v36 =	vld.idx.msk [tilespmem:v5+s30+$0x0], $0xffff;
	v37 =	vshll.u32 v12, $0x10  }
0x4d7: {  	s19 =	sor.u32 s16, s12;
	s20 =	simm.s32 $0x2400;
	v38 =	vld.idx.msk [tilespmem:v11+s10+$0x0], $0xffff;
	v12 =	vand.u32 $0xFFFF0000, v12;
	v13 =	vadd.bf16 v33, v35;
	[tilespmem:s0+$0x0] =	vst v37  }
0x4d8: {  	s21 =	simm.s32 $0x2400;
	v39 =	vld.idx.msk [tilespmem:v10+s20+$0x0], $0xffff;
	[tilespmem:s19+$0x0] =	vst v12  }
0x4d9: {  	s3 =	simm.s32 $0x2400;
	s28 =	sor.u32 s18, s13;
	v41 =	vshll.u32 v13, $0x10;
	v40 =	vld.idx.msk [tilespmem:v4+s21+$0x0], $0xffff  }
0x4da: {  	s30 =	sor.u32 s18, s12;
	v13 =	vand.u32 $0xFFFF0000, v13;
	[tilespmem:s28+$0x0] =	vst v41;
	v42 =	vld.idx.msk [tilespmem:v9+s3+$0x0], $0xffff  }
0x4db: {  	v43 =	vld.idx.msk [tilespmem:v7+s3+$0x0], $0xffff;
	[tilespmem:s30+$0x0] =	vst v13  }
0x4dc: {  	v14 =	vadd.bf16 v38, v36;
	v44 =	vld.idx.msk [tilespmem:v3+s3+$0x0], $0xffff  }
0x4dd: {  	s12 =	sld [smem:$0x7B5];
	v45 =	vld.idx.msk [tilespmem:v8+s3+$0x0], $0xffff  }
0x4de: {  	v12 =	vadd.bf16 v39, v14;
	s30 =	sld [smem:$0x7B6]  }
0x4df: {  	v47 =	vld.idx.msk [tilespmem:v6+s3+$0x0], $0xffff;
	v46 =	vadd.bf16 v42, v40  }
0x4e0: {  	s28 =	sor.u32 s17, s12;
	v48 =	vshll.u32 v12, $0x10  }
0x4e1: {  	v12 =	vand.u32 $0xFFFF0000, v12;
	[tilespmem:s28+$0x0] =	vst v48;
	s19 =	sor.u32 s17, s30;
	v13 =	vadd.bf16 v43, v46  }
0x4e2: {  	s25 =	simm.s32 $0x2700;
	[tilespmem:s19+$0x0] =	vst v12;
	v49 =	vadd.bf16 v45, v44  }
0x4e3: {  	s20 =	sor.u32 s16, s12;
	v50 =	vld.idx.msk [tilespmem:v5+s25+$0x0], $0xffff;
	v51 =	vshll.u32 v13, $0x10  }
0x4e4: {  	s21 =	sor.u32 s16, s30;
	v52 =	vld.idx.msk [tilespmem:v11+s25+$0x0], $0xffff;
	v13 =	vand.u32 $0xFFFF0000, v13;
	v12 =	vadd.bf16 v47, v49;
	[tilespmem:s20+$0x0] =	vst v51  }
0x4e5: {  	v53 =	vld.idx.msk [tilespmem:v10+s25+$0x0], $0xffff;
	[tilespmem:s21+$0x0] =	vst v13  }
0x4e6: {  	s28 =	sor.u32 s18, s12;
	v55 =	vshll.u32 v12, $0x10;
	v54 =	vld.idx.msk [tilespmem:v4+s25+$0x0], $0xffff  }
0x4e7: {  	s30 =	sor.u32 s18, s30;
	v12 =	vand.u32 $0xFFFF0000, v12;
	[tilespmem:s28+$0x0] =	vst v55;
	v56 =	vld.idx.msk [tilespmem:v9+s25+$0x0], $0xffff  }
0x4e8: {  	v57 =	vld.idx.msk [tilespmem:v7+s25+$0x0], $0xffff;
	[tilespmem:s30+$0x0] =	vst v12  }
0x4e9: {  	v14 =	vadd.bf16 v52, v50;
	v58 =	vld.idx.msk [tilespmem:v3+s25+$0x0], $0xffff  }
0x4ea: {  	s12 =	sld [smem:$0x7B7];
	v59 =	vld.idx.msk [tilespmem:v8+s25+$0x0], $0xffff  }
0x4eb: {  	v13 =	vadd.bf16 v53, v14;
	s30 =	sld [smem:$0x7B8]  }
0x4ec: {  	v61 =	vld.idx.msk [tilespmem:v6+s25+$0x0], $0xffff;
	v60 =	vadd.bf16 v56, v54  }
0x4ed: {  	s28 =	sor.u32 s17, s12;
	v62 =	vshll.u32 v13, $0x10  }
0x4ee: {  	v13 =	vand.u32 $0xFFFF0000, v13;
	[tilespmem:s28+$0x0] =	vst v62;
	s19 =	sor.u32 s17, s30;
	v12 =	vadd.bf16 v57, v60  }
0x4ef: {  	s26 =	simm.s32 $0x2A00;
	[tilespmem:s19+$0x0] =	vst v13;
	v63 =	vadd.bf16 v59, v58  }
0x4f0: {  	s20 =	sor.u32 s16, s12;
	v20 =	vld.idx.msk [tilespmem:v5+s26+$0x0], $0xffff;
	v21 =	vshll.u32 v12, $0x10  }
0x4f1: {  	s21 =	sor.u32 s16, s30;
	v22 =	vld.idx.msk [tilespmem:v11+s26+$0x0], $0xffff;
	v12 =	vand.u32 $0xFFFF0000, v12;
	v13 =	vadd.bf16 v61, v63;
	[tilespmem:s20+$0x0] =	vst v21  }
0x4f2: {  	v23 =	vld.idx.msk [tilespmem:v10+s26+$0x0], $0xffff;
	[tilespmem:s21+$0x0] =	vst v12  }
0x4f3: {  	s28 =	sor.u32 s18, s12;
	v25 =	vshll.u32 v13, $0x10;
	v24 =	vld.idx.msk [tilespmem:v4+s26+$0x0], $0xffff  }
0x4f4: {  	s30 =	sor.u32 s18, s30;
	v13 =	vand.u32 $0xFFFF0000, v13;
	[tilespmem:s28+$0x0] =	vst v25;
	v26 =	vld.idx.msk [tilespmem:v9+s26+$0x0], $0xffff  }
0x4f5: {  	v27 =	vld.idx.msk [tilespmem:v7+s26+$0x0], $0xffff;
	[tilespmem:s30+$0x0] =	vst v13  }
0x4f6: {  	v14 =	vadd.bf16 v22, v20;
	v28 =	vld.idx.msk [tilespmem:v3+s26+$0x0], $0xffff  }
0x4f7: {  	s12 =	sld [smem:$0x7B9];
	v29 =	vld.idx.msk [tilespmem:v8+s26+$0x0], $0xffff  }
0x4f8: {  	v12 =	vadd.bf16 v23, v14;
	s30 =	sld [smem:$0x7BA]  }
0x4f9: {  	v31 =	vld.idx.msk [tilespmem:v6+s26+$0x0], $0xffff;
	v30 =	vadd.bf16 v26, v24  }
0x4fa: {  	s28 =	sor.u32 s17, s12;
	v32 =	vshll.u32 v12, $0x10  }
0x4fb: {  	v12 =	vand.u32 $0xFFFF0000, v12;
	[tilespmem:s28+$0x0] =	vst v32;
	s19 =	sor.u32 s17, s30;
	v13 =	vadd.bf16 v27, v30  }
0x4fc: {  	s8 =	simm.s32 $0x2D00;
	[tilespmem:s19+$0x0] =	vst v12;
	v33 =	vadd.bf16 v29, v28  }
0x4fd: {  	s20 =	sor.u32 s16, s12;
	v34 =	vld.idx.msk [tilespmem:v5+s8+$0x0], $0xffff;
	v35 =	vshll.u32 v13, $0x10  }
0x4fe: {  	s21 =	sor.u32 s16, s30;
	v36 =	vld.idx.msk [tilespmem:v11+s8+$0x0], $0xffff;
	v13 =	vand.u32 $0xFFFF0000, v13;
	v12 =	vadd.bf16 v31, v33;
	[tilespmem:s20+$0x0] =	vst v35  }
0x4ff: {  	v37 =	vld.idx.msk [tilespmem:v10+s8+$0x0], $0xffff;
	[tilespmem:s21+$0x0] =	vst v13  }
0x500: {  	s28 =	sor.u32 s18, s12;
	v39 =	vshll.u32 v12, $0x10;
	v38 =	vld.idx.msk [tilespmem:v4+s8+$0x0], $0xffff  }
0x501: {  	s30 =	sor.u32 s18, s30;
	v12 =	vand.u32 $0xFFFF0000, v12;
	[tilespmem:s28+$0x0] =	vst v39;
	v40 =	vld.idx.msk [tilespmem:v9+s8+$0x0], $0xffff  }
0x502: {  	v41 =	vld.idx.msk [tilespmem:v7+s8+$0x0], $0xffff;
	[tilespmem:s30+$0x0] =	vst v12  }
0x503: {  	v42 =	vld.idx.msk [tilespmem:v3+s8+$0x0], $0xffff  }
0x504: {  	v14 =	vadd.bf16 v36, v34;
	v43 =	vld.idx.msk [tilespmem:v8+s8+$0x0], $0xffff  }
0x505: {  	v45 =	vld.idx.msk [tilespmem:v6+s8+$0x0], $0xffff;
	s8 =	sld [smem:$0x7BB]  }
0x506: {  	s19 =	sld [smem:$0x7BC];
	v13 =	vadd.bf16 v37, v14  }
0x507: {  	v44 =	vadd.bf16 v40, v38  }
0x508: {  	v46 =	vshll.u32 v13, $0x10;
	s13 =	sor.u32 s17, s8  }
0x509: {  	s20 =	sor.u32 s17, s19;
	v13 =	vand.u32 $0xFFFF0000, v13;
	[tilespmem:s13+$0x0] =	vst v46;
	v12 =	vadd.bf16 v41, v44  }
0x50a: {  	[tilespmem:s20+$0x0] =	vst v13;
	v47 =	vadd.bf16 v43, v42  }
0x50b: {  	s21 =	sor.u32 s16, s8;
	v48 =	vld.idx.msk [tilespmem:v5+s1+$0x0], $0xffff;
	v49 =	vshll.u32 v12, $0x10  }
0x50c: {  	s28 =	sor.u32 s16, s19;
	v50 =	vld.idx.msk [tilespmem:v11+s1+$0x0], $0xffff;
	v12 =	vand.u32 $0xFFFF0000, v12;
	v13 =	vadd.bf16 v45, v47;
	[tilespmem:s21+$0x0] =	vst v49  }
0x50d: {  	v51 =	vld.idx.msk [tilespmem:v10+s1+$0x0], $0xffff;
	[tilespmem:s28+$0x0] =	vst v12  }
0x50e: {  	s30 =	sor.u32 s18, s8;
	v53 =	vshll.u32 v13, $0x10;
	v52 =	vld.idx.msk [tilespmem:v4+s1+$0x0], $0xffff  }
0x50f: {  	s12 =	sor.u32 s18, s19;
	v13 =	vand.u32 $0xFFFF0000, v13;
	[tilespmem:s30+$0x0] =	vst v53;
	v54 =	vld.idx.msk [tilespmem:v9+s1+$0x0], $0xffff  }
0x510: {  	v55 =	vld.idx.msk [tilespmem:v7+s1+$0x0], $0xffff;
	[tilespmem:s12+$0x0] =	vst v13  }
0x511: {  	v14 =	vadd.bf16 v50, v48;
	v56 =	vld.idx.msk [tilespmem:v3+s1+$0x0], $0xffff  }
0x512: {  	s13 =	sld [smem:$0x7BD];
	v57 =	vld.idx.msk [tilespmem:v8+s1+$0x0], $0xffff  }
0x513: {  	s20 =	sld [smem:$0x7BE];
	v12 =	vadd.bf16 v51, v14  }
0x514: {  	v59 =	vld.idx.msk [tilespmem:v6+s1+$0x0], $0xffff;
	v58 =	vadd.bf16 v54, v52  }
0x515: {  	s19 =	sor.u32 s17, s13;
	v60 =	vshll.u32 v12, $0x10  }
0x516: {  	s21 =	sor.u32 s17, s20;
	v12 =	vand.u32 $0xFFFF0000, v12;
	[tilespmem:s19+$0x0] =	vst v60;
	v13 =	vadd.bf16 v55, v58  }
0x517: {  	[tilespmem:s21+$0x0] =	vst v12;
	v61 =	vadd.bf16 v57, v56  }
0x518: {  	s28 =	sor.u32 s16, s13;
	v62 =	vld.idx.msk [tilespmem:v5+s2+$0x0], $0xffff;
	v63 =	vshll.u32 v13, $0x10  }
0x519: {  	s30 =	sor.u32 s16, s20;
	v20 =	vld.idx.msk [tilespmem:v11+s2+$0x0], $0xffff;
	v13 =	vand.u32 $0xFFFF0000, v13;
	v12 =	vadd.bf16 v59, v61;
	[tilespmem:s28+$0x0] =	vst v63  }
0x51a: {  	v21 =	vld.idx.msk [tilespmem:v10+s2+$0x0], $0xffff;
	[tilespmem:s30+$0x0] =	vst v13  }
0x51b: {  	s8 =	sor.u32 s18, s13;
	v23 =	vshll.u32 v12, $0x10;
	v22 =	vld.idx.msk [tilespmem:v4+s2+$0x0], $0xffff  }
0x51c: {  	s12 =	sor.u32 s18, s20;
	v12 =	vand.u32 $0xFFFF0000, v12;
	[tilespmem:s8+$0x0] =	vst v23;
	v24 =	vld.idx.msk [tilespmem:v9+s2+$0x0], $0xffff  }
0x51d: {  	v25 =	vld.idx.msk [tilespmem:v7+s2+$0x0], $0xffff;
	[tilespmem:s12+$0x0] =	vst v12  }
0x51e: {  	v14 =	vadd.bf16 v20, v62;
	v26 =	vld.idx.msk [tilespmem:v3+s2+$0x0], $0xffff  }
0x51f: {  	s13 =	sld [smem:$0x7BF];
	v27 =	vld.idx.msk [tilespmem:v8+s2+$0x0], $0xffff  }
0x520: {  	s20 =	sld [smem:$0x7C0];
	v13 =	vadd.bf16 v21, v14  }
0x521: {  	v29 =	vld.idx.msk [tilespmem:v6+s2+$0x0], $0xffff;
	v28 =	vadd.bf16 v24, v22  }
0x522: {  	s19 =	sor.u32 s17, s13;
	v30 =	vshll.u32 v13, $0x10  }
0x523: {  	s21 =	sor.u32 s17, s20;
	v13 =	vand.u32 $0xFFFF0000, v13;
	[tilespmem:s19+$0x0] =	vst v30;
	v12 =	vadd.bf16 v25, v28  }
0x524: {  	s9 =	simm.s32 $0x3600;
	[tilespmem:s21+$0x0] =	vst v13;
	v31 =	vadd.bf16 v27, v26  }
0x525: {  	s28 =	sor.u32 s16, s13;
	v32 =	vld.idx.msk [tilespmem:v5+s9+$0x0], $0xffff;
	v33 =	vshll.u32 v12, $0x10  }
0x526: {  	s30 =	sor.u32 s16, s20;
	v34 =	vld.idx.msk [tilespmem:v11+s9+$0x0], $0xffff;
	v12 =	vand.u32 $0xFFFF0000, v12;
	v13 =	vadd.bf16 v29, v31;
	[tilespmem:s28+$0x0] =	vst v33  }
0x527: {  	v35 =	vld.idx.msk [tilespmem:v10+s9+$0x0], $0xffff;
	[tilespmem:s30+$0x0] =	vst v12  }
0x528: {  	s2 =	sor.u32 s18, s13;
	v37 =	vshll.u32 v13, $0x10;
	v36 =	vld.idx.msk [tilespmem:v4+s9+$0x0], $0xffff  }
0x529: {  	s8 =	sor.u32 s18, s20;
	v13 =	vand.u32 $0xFFFF0000, v13;
	[tilespmem:s2+$0x0] =	vst v37;
	v38 =	vld.idx.msk [tilespmem:v9+s9+$0x0], $0xffff  }
0x52a: {  	v39 =	vld.idx.msk [tilespmem:v7+s9+$0x0], $0xffff;
	[tilespmem:s8+$0x0] =	vst v13  }
0x52b: {  	v14 =	vadd.bf16 v34, v32;
	v40 =	vld.idx.msk [tilespmem:v3+s9+$0x0], $0xffff  }
0x52c: {  	s12 =	sld [smem:$0x7C1];
	v41 =	vld.idx.msk [tilespmem:v8+s9+$0x0], $0xffff  }
0x52d: {  	s19 =	sld [smem:$0x7C2];
	v12 =	vadd.bf16 v35, v14  }
0x52e: {  	v43 =	vld.idx.msk [tilespmem:v6+s9+$0x0], $0xffff;
	v42 =	vadd.bf16 v38, v36  }
0x52f: {  	s13 =	sor.u32 s17, s12;
	v44 =	vshll.u32 v12, $0x10  }
0x530: {  	s20 =	sor.u32 s17, s19;
	v12 =	vand.u32 $0xFFFF0000, v12;
	[tilespmem:s13+$0x0] =	vst v44;
	v13 =	vadd.bf16 v39, v42  }
0x531: {  	s21 =	simm.s32 $0x3900;
	[tilespmem:s20+$0x0] =	vst v12;
	v45 =	vadd.bf16 v41, v40  }
0x532: {  	s28 =	sor.u32 s16, s12;
	v46 =	vld.idx.msk [tilespmem:v5+s21+$0x0], $0xffff;
	v47 =	vshll.u32 v13, $0x10  }
0x533: {  	s30 =	sor.u32 s16, s19;
	v48 =	vld.idx.msk [tilespmem:v11+s21+$0x0], $0xffff;
	v13 =	vand.u32 $0xFFFF0000, v13;
	v12 =	vadd.bf16 v43, v45;
	[tilespmem:s28+$0x0] =	vst v47  }
0x534: {  	v49 =	vld.idx.msk [tilespmem:v10+s21+$0x0], $0xffff;
	[tilespmem:s30+$0x0] =	vst v13  }
0x535: {  	s8 =	sor.u32 s18, s12;
	v51 =	vshll.u32 v12, $0x10;
	v50 =	vld.idx.msk [tilespmem:v4+s21+$0x0], $0xffff  }
0x536: {  	s9 =	sor.u32 s18, s19;
	v12 =	vand.u32 $0xFFFF0000, v12;
	[tilespmem:s8+$0x0] =	vst v51;
	v52 =	vld.idx.msk [tilespmem:v9+s21+$0x0], $0xffff  }
0x537: {  	v53 =	vld.idx.msk [tilespmem:v7+s21+$0x0], $0xffff;
	[tilespmem:s9+$0x0] =	vst v12  }
0x538: {  	v14 =	vadd.bf16 v48, v46;
	v54 =	vld.idx.msk [tilespmem:v3+s21+$0x0], $0xffff  }
0x539: {  	s13 =	sld [smem:$0x7C3];
	v55 =	vld.idx.msk [tilespmem:v8+s21+$0x0], $0xffff  }
0x53a: {  	s12 =	simm.s32 $0x3900;
	s20 =	sld [smem:$0x7C4];
	v13 =	vadd.bf16 v49, v14  }
0x53b: {  	v57 =	vld.idx.msk [tilespmem:v6+s12+$0x0], $0xffff;
	v56 =	vadd.bf16 v52, v50  }
0x53c: {  	s19 =	sor.u32 s17, s13;
	v58 =	vshll.u32 v13, $0x10  }
0x53d: {  	s21 =	sor.u32 s17, s20;
	v13 =	vand.u32 $0xFFFF0000, v13;
	[tilespmem:s19+$0x0] =	vst v58;
	v12 =	vadd.bf16 v53, v56  }
0x53e: {  	s11 =	simm.s32 $0x3C00;
	[tilespmem:s21+$0x0] =	vst v13;
	v59 =	vadd.bf16 v55, v54  }
0x53f: {  	s28 =	sor.u32 s16, s13;
	v60 =	vld.idx.msk [tilespmem:v5+s11+$0x0], $0xffff;
	v61 =	vshll.u32 v12, $0x10  }
0x540: {  	s30 =	sor.u32 s16, s20;
	v62 =	vld.idx.msk [tilespmem:v11+s11+$0x0], $0xffff;
	v12 =	vand.u32 $0xFFFF0000, v12;
	v13 =	vadd.bf16 v57, v59;
	[tilespmem:s28+$0x0] =	vst v61  }
0x541: {  	v63 =	vld.idx.msk [tilespmem:v10+s11+$0x0], $0xffff;
	[tilespmem:s30+$0x0] =	vst v12  }
0x542: {  	s8 =	sor.u32 s18, s13;
	v22 =	vshll.u32 v13, $0x10;
	v21 =	vld.idx.msk [tilespmem:v4+s11+$0x0], $0xffff  }
0x543: {  	s9 =	sor.u32 s18, s20;
	v13 =	vand.u32 $0xFFFF0000, v13;
	[tilespmem:s8+$0x0] =	vst v22;
	v23 =	vld.idx.msk [tilespmem:v9+s11+$0x0], $0xffff  }
0x544: {  	v24 =	vld.idx.msk [tilespmem:v7+s11+$0x0], $0xffff;
	[tilespmem:s9+$0x0] =	vst v13  }
0x545: {  	v25 =	vadd.bf16 v62, v60;
	v26 =	vld.idx.msk [tilespmem:v3+s11+$0x0], $0xffff  }
0x546: {  	s12 =	sld [smem:$0x7C5];
	v27 =	vld.idx.msk [tilespmem:v8+s11+$0x0], $0xffff  }
0x547: {  	s19 =	sld [smem:$0x7C6];
	v12 =	vadd.bf16 v63, v25  }
0x548: {  	v29 =	vld.idx.msk [tilespmem:v6+s11+$0x0], $0xffff;
	v28 =	vadd.bf16 v23, v21  }
0x549: {  	s13 =	sor.u32 s17, s12;
	v30 =	vshll.u32 v12, $0x10  }
0x54a: {  	s20 =	sor.u32 s17, s19;
	v12 =	vand.u32 $0xFFFF0000, v12;
	[tilespmem:s13+$0x0] =	vst v30;
	v13 =	vadd.bf16 v24, v28  }
0x54b: {  	s21 =	simm.s32 $0x3F00;
	[tilespmem:s20+$0x0] =	vst v12;
	v31 =	vadd.bf16 v27, v26  }
0x54c: {  	s28 =	sor.u32 s16, s12;
	v32 =	vld.idx.msk [tilespmem:v5+s21+$0x0], $0xffff;
	v33 =	vshll.u32 v13, $0x10  }
0x54d: {  	s30 =	sor.u32 s16, s19;
	v17 =	vld.idx.msk [tilespmem:v11+s21+$0x0], $0xffff;
	v13 =	vand.u32 $0xFFFF0000, v13;
	v12 =	vadd.bf16 v29, v31;
	[tilespmem:s28+$0x0] =	vst v33  }
0x54e: {  	v34 =	vld.idx.msk [tilespmem:v10+s21+$0x0], $0xffff;
	[tilespmem:s30+$0x0] =	vst v13  }
0x54f: {  	s8 =	sor.u32 s18, s12;
	v36 =	vshll.u32 v12, $0x10;
	v35 =	vld.idx.msk [tilespmem:v4+s21+$0x0], $0xffff  }
0x550: {  	s9 =	sor.u32 s18, s19;
	v12 =	vand.u32 $0xFFFF0000, v12;
	[tilespmem:s8+$0x0] =	vst v36;
	v37 =	vld.idx.msk [tilespmem:v9+s21+$0x0], $0xffff  }
0x551: {  	v38 =	vld.idx.msk [tilespmem:v7+s21+$0x0], $0xffff;
	[tilespmem:s9+$0x0] =	vst v12  }
0x552: {  	v39 =	vadd.bf16 v17, v32;
	v40 =	vld.idx.msk [tilespmem:v3+s21+$0x0], $0xffff  }
0x553: {  	s12 =	sld [smem:$0x7C7];
	v41 =	vld.idx.msk [tilespmem:v8+s21+$0x0], $0xffff  }
0x554: {  	s19 =	sld [smem:$0x7C8];
	s11 =	simm.s32 $0x3F00;
	v12 =	vadd.bf16 v34, v39  }
0x555: {  	v43 =	vld.idx.msk [tilespmem:v6+s11+$0x0], $0xffff;
	v42 =	vadd.bf16 v37, v35  }
0x556: {  	s13 =	sor.u32 s17, s12;
	v44 =	vshll.u32 v12, $0x10  }
0x557: {  	s20 =	sor.u32 s17, s19;
	v12 =	vand.u32 $0xFFFF0000, v12;
	[tilespmem:s13+$0x0] =	vst v44;
	v13 =	vadd.bf16 v38, v42  }
0x558: {  	s21 =	simm.s32 $0x4200;
	[tilespmem:s20+$0x0] =	vst v12;
	v45 =	vadd.bf16 v41, v40  }
0x559: {  	s28 =	sor.u32 s16, s12;
	v46 =	vld.idx.msk [tilespmem:v5+s21+$0x0], $0xffff;
	v47 =	vshll.u32 v13, $0x10  }
0x55a: {  	s30 =	sor.u32 s16, s19;
	v48 =	vld.idx.msk [tilespmem:v11+s21+$0x0], $0xffff;
	v13 =	vand.u32 $0xFFFF0000, v13;
	v12 =	vadd.bf16 v43, v45;
	[tilespmem:s28+$0x0] =	vst v47  }
0x55b: {  	v49 =	vld.idx.msk [tilespmem:v10+s21+$0x0], $0xffff;
	[tilespmem:s30+$0x0] =	vst v13  }
0x55c: {  	s8 =	sor.u32 s18, s12;
	v51 =	vshll.u32 v12, $0x10;
	v50 =	vld.idx.msk [tilespmem:v4+s21+$0x0], $0xffff  }
0x55d: {  	s9 =	sor.u32 s18, s19;
	v12 =	vand.u32 $0xFFFF0000, v12;
	[tilespmem:s8+$0x0] =	vst v51;
	v52 =	vld.idx.msk [tilespmem:v9+s21+$0x0], $0xffff  }
0x55e: {  	v53 =	vld.idx.msk [tilespmem:v7+s21+$0x0], $0xffff;
	[tilespmem:s9+$0x0] =	vst v12  }
0x55f: {  	v54 =	vadd.bf16 v48, v46;
	v55 =	vld.idx.msk [tilespmem:v3+s21+$0x0], $0xffff  }
0x560: {  	s12 =	sld [smem:$0x7C9];
	v56 =	vld.idx.msk [tilespmem:v8+s21+$0x0], $0xffff  }
0x561: {  	s19 =	sld [smem:$0x7CA];
	s11 =	simm.s32 $0x4200;
	v12 =	vadd.bf16 v49, v54  }
0x562: {  	v58 =	vld.idx.msk [tilespmem:v6+s11+$0x0], $0xffff;
	v57 =	vadd.bf16 v52, v50  }
0x563: {  	s13 =	sor.u32 s17, s12;
	v59 =	vshll.u32 v12, $0x10  }
0x564: {  	s20 =	sor.u32 s17, s19;
	v12 =	vand.u32 $0xFFFF0000, v12;
	[tilespmem:s13+$0x0] =	vst v59;
	v13 =	vadd.bf16 v53, v57  }
0x565: {  	s21 =	simm.s32 $0x4500;
	[tilespmem:s20+$0x0] =	vst v12;
	v60 =	vadd.bf16 v56, v55  }
0x566: {  	s28 =	sor.u32 s16, s12;
	v61 =	vld.idx.msk [tilespmem:v5+s21+$0x0], $0xffff;
	v62 =	vshll.u32 v13, $0x10  }
0x567: {  	s30 =	sor.u32 s16, s19;
	v63 =	vld.idx.msk [tilespmem:v11+s21+$0x0], $0xffff;
	v13 =	vand.u32 $0xFFFF0000, v13;
	v12 =	vadd.bf16 v58, v60;
	[tilespmem:s28+$0x0] =	vst v62  }
0x568: {  	v21 =	vld.idx.msk [tilespmem:v10+s21+$0x0], $0xffff;
	[tilespmem:s30+$0x0] =	vst v13  }
0x569: {  	s8 =	sor.u32 s18, s12;
	v23 =	vshll.u32 v12, $0x10;
	v22 =	vld.idx.msk [tilespmem:v4+s21+$0x0], $0xffff  }
0x56a: {  	s9 =	sor.u32 s18, s19;
	v12 =	vand.u32 $0xFFFF0000, v12;
	[tilespmem:s8+$0x0] =	vst v23;
	v24 =	vld.idx.msk [tilespmem:v9+s21+$0x0], $0xffff  }
0x56b: {  	v25 =	vld.idx.msk [tilespmem:v7+s21+$0x0], $0xffff;
	[tilespmem:s9+$0x0] =	vst v12  }
0x56c: {  	v26 =	vadd.bf16 v63, v61;
	v27 =	vld.idx.msk [tilespmem:v3+s21+$0x0], $0xffff  }
0x56d: {  	s12 =	sld [smem:$0x7CB];
	v28 =	vld.idx.msk [tilespmem:v8+s21+$0x0], $0xffff  }
0x56e: {  	s19 =	sld [smem:$0x7CC];
	s11 =	simm.s32 $0x4500;
	v12 =	vadd.bf16 v21, v26  }
0x56f: {  	v30 =	vld.idx.msk [tilespmem:v6+s11+$0x0], $0xffff;
	v29 =	vadd.bf16 v24, v22  }
0x570: {  	s13 =	sor.u32 s17, s12;
	v31 =	vshll.u32 v12, $0x10  }
0x571: {  	s20 =	sor.u32 s17, s19;
	v12 =	vand.u32 $0xFFFF0000, v12;
	[tilespmem:s13+$0x0] =	vst v31;
	v13 =	vadd.bf16 v25, v29  }
0x572: {  	s21 =	simm.s32 $0x4800;
	[tilespmem:s20+$0x0] =	vst v12;
	v32 =	vadd.bf16 v28, v27  }
0x573: {  	s28 =	sor.u32 s16, s12;
	v33 =	vld.idx.msk [tilespmem:v5+s21+$0x0], $0xffff;
	v34 =	vshll.u32 v13, $0x10  }
0x574: {  	s30 =	sor.u32 s16, s19;
	v35 =	vld.idx.msk [tilespmem:v11+s21+$0x0], $0xffff;
	v13 =	vand.u32 $0xFFFF0000, v13;
	v12 =	vadd.bf16 v30, v32;
	[tilespmem:s28+$0x0] =	vst v34  }
0x575: {  	v36 =	vld.idx.msk [tilespmem:v10+s21+$0x0], $0xffff;
	[tilespmem:s30+$0x0] =	vst v13  }
0x576: {  	s8 =	sor.u32 s18, s12;
	v38 =	vshll.u32 v12, $0x10;
	v37 =	vld.idx.msk [tilespmem:v4+s21+$0x0], $0xffff  }
0x577: {  	s9 =	sor.u32 s18, s19;
	v12 =	vand.u32 $0xFFFF0000, v12;
	[tilespmem:s8+$0x0] =	vst v38;
	v39 =	vld.idx.msk [tilespmem:v9+s21+$0x0], $0xffff  }
0x578: {  	v40 =	vld.idx.msk [tilespmem:v7+s21+$0x0], $0xffff;
	[tilespmem:s9+$0x0] =	vst v12  }
0x579: {  	v41 =	vadd.bf16 v35, v33;
	v42 =	vld.idx.msk [tilespmem:v3+s21+$0x0], $0xffff  }
0x57a: {  	s12 =	sld [smem:$0x7CD];
	v43 =	vld.idx.msk [tilespmem:v8+s21+$0x0], $0xffff  }
0x57b: {  	s19 =	sld [smem:$0x7CE];
	s11 =	simm.s32 $0x4800;
	v12 =	vadd.bf16 v36, v41  }
0x57c: {  	v45 =	vld.idx.msk [tilespmem:v6+s11+$0x0], $0xffff;
	v44 =	vadd.bf16 v39, v37  }
0x57d: {  	s13 =	sor.u32 s17, s12;
	v46 =	vshll.u32 v12, $0x10  }
0x57e: {  	s20 =	sor.u32 s17, s19;
	v12 =	vand.u32 $0xFFFF0000, v12;
	[tilespmem:s13+$0x0] =	vst v46;
	v13 =	vadd.bf16 v40, v44  }
0x57f: {  	s21 =	simm.s32 $0x4B00;
	[tilespmem:s20+$0x0] =	vst v12;
	v47 =	vadd.bf16 v43, v42  }
0x580: {  	s28 =	sor.u32 s16, s12;
	v48 =	vld.idx.msk [tilespmem:v5+s21+$0x0], $0xffff;
	v49 =	vshll.u32 v13, $0x10  }
0x581: {  	s30 =	sor.u32 s16, s19;
	v50 =	vld.idx.msk [tilespmem:v11+s21+$0x0], $0xffff;
	v13 =	vand.u32 $0xFFFF0000, v13;
	v12 =	vadd.bf16 v45, v47;
	[tilespmem:s28+$0x0] =	vst v49  }
0x582: {  	v51 =	vld.idx.msk [tilespmem:v10+s21+$0x0], $0xffff;
	[tilespmem:s30+$0x0] =	vst v13  }
0x583: {  	s8 =	sor.u32 s18, s12;
	v53 =	vshll.u32 v12, $0x10;
	v52 =	vld.idx.msk [tilespmem:v4+s21+$0x0], $0xffff  }
0x584: {  	s9 =	sor.u32 s18, s19;
	v12 =	vand.u32 $0xFFFF0000, v12;
	[tilespmem:s8+$0x0] =	vst v53;
	v54 =	vld.idx.msk [tilespmem:v9+s21+$0x0], $0xffff  }
0x585: {  	v55 =	vld.idx.msk [tilespmem:v7+s21+$0x0], $0xffff;
	[tilespmem:s9+$0x0] =	vst v12  }
0x586: {  	v56 =	vadd.bf16 v50, v48;
	v57 =	vld.idx.msk [tilespmem:v3+s21+$0x0], $0xffff  }
0x587: {  	s12 =	sld [smem:$0x7CF];
	v58 =	vld.idx.msk [tilespmem:v8+s21+$0x0], $0xffff  }
0x588: {  	s19 =	sld [smem:$0x7D0];
	s11 =	simm.s32 $0x4B00;
	v12 =	vadd.bf16 v51, v56  }
0x589: {  	v60 =	vld.idx.msk [tilespmem:v6+s11+$0x0], $0xffff;
	v59 =	vadd.bf16 v54, v52  }
0x58a: {  	s13 =	sor.u32 s17, s12;
	v61 =	vshll.u32 v12, $0x10  }
0x58b: {  	s20 =	sor.u32 s17, s19;
	v12 =	vand.u32 $0xFFFF0000, v12;
	[tilespmem:s13+$0x0] =	vst v61;
	v13 =	vadd.bf16 v55, v59  }
0x58c: {  	s21 =	simm.s32 $0x4E00;
	[tilespmem:s20+$0x0] =	vst v12;
	v62 =	vadd.bf16 v58, v57  }
0x58d: {  	s28 =	sor.u32 s16, s12;
	v63 =	vld.idx.msk [tilespmem:v5+s21+$0x0], $0xffff;
	v21 =	vshll.u32 v13, $0x10  }
0x58e: {  	s30 =	sor.u32 s16, s19;
	v22 =	vld.idx.msk [tilespmem:v11+s21+$0x0], $0xffff;
	v13 =	vand.u32 $0xFFFF0000, v13;
	v12 =	vadd.bf16 v60, v62;
	[tilespmem:s28+$0x0] =	vst v21  }
0x58f: {  	v23 =	vld.idx.msk [tilespmem:v10+s21+$0x0], $0xffff;
	[tilespmem:s30+$0x0] =	vst v13  }
0x590: {  	s8 =	sor.u32 s18, s12;
	v25 =	vshll.u32 v12, $0x10;
	v24 =	vld.idx.msk [tilespmem:v4+s21+$0x0], $0xffff  }
0x591: {  	s9 =	sor.u32 s18, s19;
	v12 =	vand.u32 $0xFFFF0000, v12;
	[tilespmem:s8+$0x0] =	vst v25;
	v26 =	vld.idx.msk [tilespmem:v9+s21+$0x0], $0xffff  }
0x592: {  	v27 =	vld.idx.msk [tilespmem:v7+s21+$0x0], $0xffff;
	[tilespmem:s9+$0x0] =	vst v12  }
0x593: {  	v28 =	vadd.bf16 v22, v63;
	v29 =	vld.idx.msk [tilespmem:v3+s21+$0x0], $0xffff  }
0x594: {  	s12 =	sld [smem:$0x7D1];
	v30 =	vld.idx.msk [tilespmem:v8+s21+$0x0], $0xffff  }
0x595: {  	s19 =	sld [smem:$0x7D2];
	s11 =	simm.s32 $0x4E00;
	v12 =	vadd.bf16 v23, v28  }
0x596: {  	v32 =	vld.idx.msk [tilespmem:v6+s11+$0x0], $0xffff;
	v31 =	vadd.bf16 v26, v24  }
0x597: {  	s13 =	sor.u32 s17, s12;
	v33 =	vshll.u32 v12, $0x10  }
0x598: {  	s20 =	sor.u32 s17, s19;
	v12 =	vand.u32 $0xFFFF0000, v12;
	[tilespmem:s13+$0x0] =	vst v33;
	v13 =	vadd.bf16 v27, v31  }
0x599: {  	s21 =	simm.s32 $0x5100;
	[tilespmem:s20+$0x0] =	vst v12;
	v34 =	vadd.bf16 v30, v29  }
0x59a: {  	s28 =	sor.u32 s16, s12;
	v35 =	vld.idx.msk [tilespmem:v5+s21+$0x0], $0xffff;
	v36 =	vshll.u32 v13, $0x10  }
0x59b: {  	s30 =	sor.u32 s16, s19;
	v37 =	vld.idx.msk [tilespmem:v11+s21+$0x0], $0xffff;
	v13 =	vand.u32 $0xFFFF0000, v13;
	v12 =	vadd.bf16 v32, v34;
	[tilespmem:s28+$0x0] =	vst v36  }
0x59c: {  	v38 =	vld.idx.msk [tilespmem:v10+s21+$0x0], $0xffff;
	[tilespmem:s30+$0x0] =	vst v13  }
0x59d: {  	s8 =	sor.u32 s18, s12;
	v40 =	vshll.u32 v12, $0x10;
	v39 =	vld.idx.msk [tilespmem:v4+s21+$0x0], $0xffff  }
0x59e: {  	s9 =	sor.u32 s18, s19;
	v12 =	vand.u32 $0xFFFF0000, v12;
	[tilespmem:s8+$0x0] =	vst v40;
	v41 =	vld.idx.msk [tilespmem:v9+s21+$0x0], $0xffff  }
0x59f: {  	v42 =	vld.idx.msk [tilespmem:v7+s21+$0x0], $0xffff;
	[tilespmem:s9+$0x0] =	vst v12  }
0x5a0: {  	v43 =	vadd.bf16 v37, v35;
	v44 =	vld.idx.msk [tilespmem:v3+s21+$0x0], $0xffff  }
0x5a1: {  	v45 =	vld.idx.msk [tilespmem:v8+s21+$0x0], $0xffff  }
0x5a2: {  	s19 =	sld [smem:$0x7D3];
	s11 =	simm.s32 $0x5100;
	v12 =	vadd.bf16 v38, v43  }
0x5a3: {  	s12 =	rddreg [dreg:$0x1e];
	v47 =	vld.idx.msk [tilespmem:v6+s11+$0x0], $0xffff;
	v46 =	vadd.bf16 v41, v39  }
0x5a4: {  	s13 =	sor.u32 s17, s12;
	v48 =	vshll.u32 v12, $0x10  }
0x5a5: {  	s20 =	sor.u32 s17, s19;
	v12 =	vand.u32 $0xFFFF0000, v12;
	[tilespmem:s13+$0x0] =	vst v48;
	v13 =	vadd.bf16 v42, v46  }
0x5a6: {  	s21 =	simm.s32 $0x5400;
	[tilespmem:s20+$0x0] =	vst v12;
	v49 =	vadd.bf16 v45, v44  }
0x5a7: {  	s28 =	sor.u32 s16, s12;
	v50 =	vld.idx.msk [tilespmem:v5+s21+$0x0], $0xffff;
	v51 =	vshll.u32 v13, $0x10  }
0x5a8: {  	s30 =	sor.u32 s16, s19;
	v52 =	vld.idx.msk [tilespmem:v11+s21+$0x0], $0xffff;
	v13 =	vand.u32 $0xFFFF0000, v13;
	v12 =	vadd.bf16 v47, v49;
	[tilespmem:s28+$0x0] =	vst v51  }
0x5a9: {  	v53 =	vld.idx.msk [tilespmem:v10+s21+$0x0], $0xffff;
	[tilespmem:s30+$0x0] =	vst v13  }
0x5aa: {  	s8 =	sor.u32 s18, s12;
	v55 =	vshll.u32 v12, $0x10;
	v54 =	vld.idx.msk [tilespmem:v4+s21+$0x0], $0xffff  }
0x5ab: {  	s9 =	sor.u32 s18, s19;
	v12 =	vand.u32 $0xFFFF0000, v12;
	[tilespmem:s8+$0x0] =	vst v55;
	v56 =	vld.idx.msk [tilespmem:v9+s21+$0x0], $0xffff  }
0x5ac: {  	v57 =	vld.idx.msk [tilespmem:v7+s21+$0x0], $0xffff;
	[tilespmem:s9+$0x0] =	vst v12  }
0x5ad: {  	v58 =	vadd.bf16 v52, v50;
	v59 =	vld.idx.msk [tilespmem:v3+s21+$0x0], $0xffff  }
0x5ae: {  	v60 =	vld.idx.msk [tilespmem:v8+s21+$0x0], $0xffff  }
0x5af: {  	s11 =	simm.s32 $0x5400;
	v12 =	vadd.bf16 v53, v58  }
0x5b0: {  	s12 =	rddreg [dreg:$0x1a];
	v62 =	vld.idx.msk [tilespmem:v6+s11+$0x0], $0xffff;
	v61 =	vadd.bf16 v56, v54  }
0x5b1: {  	s19 =	rddreg [dreg:$0x1c];
	s13 =	sor.u32 s17, s12;
	v63 =	vshll.u32 v12, $0x10  }
0x5b2: {  	s20 =	sor.u32 s17, s19;
	v12 =	vand.u32 $0xFFFF0000, v12;
	[tilespmem:s13+$0x0] =	vst v63;
	v13 =	vadd.bf16 v57, v61  }
0x5b3: {  	s21 =	simm.s32 $0x5700;
	[tilespmem:s20+$0x0] =	vst v12;
	v20 =	vadd.bf16 v60, v59  }
0x5b4: {  	s28 =	sor.u32 s16, s12;
	v21 =	vld.idx.msk [tilespmem:v5+s21+$0x0], $0xffff;
	v22 =	vshll.u32 v13, $0x10  }
0x5b5: {  	s30 =	sor.u32 s16, s19;
	v23 =	vld.idx.msk [tilespmem:v11+s21+$0x0], $0xffff;
	v13 =	vand.u32 $0xFFFF0000, v13;
	v12 =	vadd.bf16 v62, v20;
	[tilespmem:s28+$0x0] =	vst v22  }
0x5b6: {  	v24 =	vld.idx.msk [tilespmem:v10+s21+$0x0], $0xffff;
	[tilespmem:s30+$0x0] =	vst v13  }
0x5b7: {  	s9 =	sor.u32 s18, s12;
	v26 =	vshll.u32 v12, $0x10;
	v25 =	vld.idx.msk [tilespmem:v4+s21+$0x0], $0xffff  }
0x5b8: {  	s11 =	sor.u32 s18, s19;
	v12 =	vand.u32 $0xFFFF0000, v12;
	[tilespmem:s9+$0x0] =	vst v26;
	v27 =	vld.idx.msk [tilespmem:v9+s21+$0x0], $0xffff  }
0x5b9: {  	v28 =	vld.idx.msk [tilespmem:v7+s21+$0x0], $0xffff;
	[tilespmem:s11+$0x0] =	vst v12  }
0x5ba: {  	v29 =	vadd.bf16 v23, v21;
	v30 =	vld.idx.msk [tilespmem:v3+s21+$0x0], $0xffff  }
0x5bb: {  	v31 =	vld.idx.msk [tilespmem:v8+s21+$0x0], $0xffff  }
0x5bc: {  	s12 =	simm.s32 $0x5700;
	v12 =	vadd.bf16 v24, v29  }
0x5bd: {  	s10 =	simm.s32 $0x5A00;
	s13 =	rddreg [dreg:$0x16];
	v33 =	vld.idx.msk [tilespmem:v6+s12+$0x0], $0xffff;
	v32 =	vadd.bf16 v27, v25  }
0x5be: {  	v34 =	vld.idx.msk [tilespmem:v2+s10+$0x0], $0xffff;
	s19 =	sor.u32 s17, s13;
	s20 =	rddreg [dreg:$0x18];
	v19 =	vshll.u32 v12, $0x10  }
0x5bf: {  	v20 =	vld.idx.msk [tilespmem:v1+s10+$0x0], $0xffff;
	s21 =	sor.u32 s17, s20;
	v12 =	vand.u32 $0xFFFF0000, v12;
	[tilespmem:s19+$0x0] =	vst v19;
	v13 =	vadd.bf16 v28, v32  }
0x5c0: {  	v35 =	vld.idx.msk [tilespmem:v0+s10+$0x0], $0xffff;
	[tilespmem:s21+$0x0] =	vst v12;
	v36 =	vadd.bf16 v31, v30  }
0x5c1: {  	s28 =	sor.u32 s16, s13;
	v37 =	vld.idx.msk [tilespmem:v5+s10+$0x0], $0xffff;
	v38 =	vshll.u32 v13, $0x10  }
0x5c2: {  	s30 =	sor.u32 s16, s20;
	v19 =	vld.idx.msk [tilespmem:v11+s10+$0x0], $0xffff;
	v13 =	vand.u32 $0xFFFF0000, v13;
	v12 =	vadd.bf16 v33, v36;
	[tilespmem:s28+$0x0] =	vst v38  }
0x5c3: {  	v39 =	vld.idx.msk [tilespmem:v10+s10+$0x0], $0xffff;
	[tilespmem:s30+$0x0] =	vst v13  }
0x5c4: {  	s2 =	sor.u32 s18, s13;
	v40 =	vadd.bf16 v20, v34;
	v42 =	vshll.u32 v12, $0x10;
	v41 =	vld.idx.msk [tilespmem:v4+s10+$0x0], $0xffff  }
0x5c5: {  	s8 =	sor.u32 s18, s20;
	v12 =	vand.u32 $0xFFFF0000, v12;
	v43 =	vld.idx.msk [tilespmem:v9+s10+$0x0], $0xffff;
	[tilespmem:s2+$0x0] =	vst v42  }
0x5c6: {  	v13 =	vadd.bf16 v35, v40;
	v44 =	vld.idx.msk [tilespmem:v7+s10+$0x0], $0xffff;
	[tilespmem:s8+$0x0] =	vst v12  }
0x5c7: {  	s9 =	sor.u32 $0x19200, s15;
	v45 =	vadd.bf16 v19, v37;
	v46 =	vld.idx.msk [tilespmem:v3+s10+$0x0], $0xffff  }
0x5c8: {  	s11 =	sor.u32 s14, s9;
	s12 =	sor.u32 $0x19280, s15;
	v18 =	vshll.u32 v13, $0x10;
	v47 =	vld.idx.msk [tilespmem:v8+s10+$0x0], $0xffff  }
0x5c9: {  	s13 =	sor.u32 s14, s12;
	v13 =	vand.u32 $0xFFFF0000, v13;
	[tilespmem:s11+$0x0] =	vst v18;
	v12 =	vadd.bf16 v39, v45  }
0x5ca: {  	s19 =	simm.s32 $0x5D00;
	v49 =	vld.idx.msk [tilespmem:v6+s10+$0x0], $0xffff;
	[tilespmem:s13+$0x0] =	vst v13;
	v48 =	vadd.bf16 v43, v41  }
0x5cb: {  	s20 =	sor.u32 s17, s9;
	v2 =	vld.idx.msk [tilespmem:v2+s19+$0x0], $0xffff;
	v50 =	vshll.u32 v12, $0x10  }
0x5cc: {  	s21 =	sor.u32 s17, s12;
	v1 =	vld.idx.msk [tilespmem:v1+s19+$0x0], $0xffff;
	v12 =	vand.u32 $0xFFFF0000, v12;
	[tilespmem:s20+$0x0] =	vst v50;
	v13 =	vadd.bf16 v44, v48  }
0x5cd: {  	v0 =	vld.idx.msk [tilespmem:v0+s19+$0x0], $0xffff;
	[tilespmem:s21+$0x0] =	vst v12;
	v51 =	vadd.bf16 v47, v46  }
0x5ce: {  	s28 =	sor.u32 s16, s9;
	v5 =	vld.idx.msk [tilespmem:v5+s19+$0x0], $0xffff;
	v52 =	vshll.u32 v13, $0x10  }
0x5cf: {  	s30 =	sor.u32 s16, s12;
	v11 =	vld.idx.msk [tilespmem:v11+s19+$0x0], $0xffff;
	v12 =	vadd.bf16 v49, v51;
	v13 =	vand.u32 $0xFFFF0000, v13;
	[tilespmem:s28+$0x0] =	vst v52  }
0x5d0: {  	v10 =	vld.idx.msk [tilespmem:v10+s19+$0x0], $0xffff;
	[tilespmem:s30+$0x0] =	vst v13  }
0x5d1: {  	s0 =	sor.u32 s18, s9;
	v53 =	vshll.u32 v12, $0x10;
	v4 =	vld.idx.msk [tilespmem:v4+s19+$0x0], $0xffff  }
0x5d2: {  	s2 =	sor.u32 s18, s12;
	v12 =	vand.u32 $0xFFFF0000, v12;
	[tilespmem:s0+$0x0] =	vst v53;
	v9 =	vld.idx.msk [tilespmem:v9+s19+$0x0], $0xffff  }
0x5d3: {  	v7 =	vld.idx.msk [tilespmem:v7+s19+$0x0], $0xffff;
	[tilespmem:s2+$0x0] =	vst v12  }
0x5d4: {  	v1 =	vadd.bf16 v1, v2;
	v54 =	vld.idx.msk [tilespmem:v3+s19+$0x0], $0xffff  }
0x5d5: {  	v55 =	vld.idx.msk [tilespmem:v8+s19+$0x0], $0xffff  }
0x5d6: {  	v0 =	vadd.bf16 v0, v1;
	v56 =	vadd.bf16 v11, v5  }
0x5d7: {  	s9 =	sor.u32 $0x19300, s15;
	v57 =	vld.idx.msk [tilespmem:v6+s19+$0x0], $0xffff  }
0x5d8: {  	s12 =	sor.u32 s14, s9;
	s13 =	sor.u32 $0x19380, s15;
	v58 =	vshll.u32 v0, $0x10;
	v1 =	vadd.bf16 v10, v56;
	v4 =	vadd.bf16 v9, v4  }
0x5d9: {  	s14 =	sor.u32 s14, s13;
	s30 =	rddreg [dreg:$0xe];
	v0 =	vand.u32 $0xFFFF0000, v0;
	[tilespmem:s12+$0x0] =	vst v58  }
0x5da: {  	s31 =	sadd.s32 $0x4, s31;
	s15 =	sor.u32 s17, s9;
	s2 =	sadd.s32 $0x4, s30;
	[tilespmem:s14+$0x0] =	vst v0;
	v60 =	vshll.u32 v1, $0x10;
	v59 =	vadd.bf16 v7, v4;
	v2 =	vadd.bf16 v55, v54  }
0x5db: {  	[dreg:$0x14] =	wrdreg s31;
	s19 =	sor.u32 s17, s13;
	p1 =	slt.u32 s2, $0x1C;
	v1 =	vand.u32 $0xFFFF0000, v1;
	[tilespmem:s15+$0x0] =	vst v60  }
.Ltmp7:
0x5dc: {  	s29 =	sadd.s32 $0x2, s29;
	s20 =	sor.u32 s16, s9;
	[tilespmem:s19+$0x0] =	vst v1;
	v61 =	vshll.u32 v59, $0x10;
	v2 =	vadd.bf16 v57, v2;
	(pc) =	sbr.rel @p1 .LBB2_7-.Ltmp7, $4  }
0x5dd: {  	[dreg:$0x12] =	wrdreg s29;
	s21 =	sor.u32 s16, s13;
	v0 =	vand.u32 $0xFFFF0000, v59;
	[tilespmem:s20+$0x0] =	vst v61  }
0x5de: {  	s10 =	rddreg [dreg:$0xa];
	s0 =	sor.u32 s18, s9;
	[tilespmem:s21+$0x0] =	vst v0;
	v62 =	vshll.u32 v2, $0x10  }
0x5df: {  	p0 =	por !p0, !p0;
	s11 =	rddreg [dreg:$0xf];
	s28 =	sor.u32 s18, s13;
	v63 =	vand.u32 $0xFFFF0000, v2;
	[tilespmem:s0+$0x0] =	vst v62  }
0x5e0: {  	s22 =	sadd.s32 $0x200, s22;
	s8 =	sadd.s32 $0x40, s11;
	s10 =	sadd.s32 $0x100, s10;
	[tilespmem:s28+$0x0] =	vst v63  }
0x5e1: {  	s11 =	rddreg [dreg:$0x8]  }
0x5e2: {  	s1 =	rddreg [dreg:$0x9]  }
0x5e3: {  	s2 =	rddreg [dreg:$0x4];
	s30 =	simm.s32 $0x1000;
	s31 =	simm.s32 $0x8000  }
0x5e4: {  	s3 =	simm.s32 $0x12000;
	s4 =	simm.s32 $0x600;
	s0 =	sshll.u32 s11, $0xC  }
.Ltmp8:
0x5e5: {  	s5 =	simm.s32 $0x900;
	s0 =	sand.u32 $0x38000, s0;
	(pc) =	sbr.rel .LBB2_9-.Ltmp8, $4  }
0x5e6: {  	s9 =	simm.s32 $0x1800;
	s1 =	sshll.u32 s1, $0x9;
	s0 =	sadd.s32 s0, s2  }
0x5e7: {  	s15 =	simm.s32 $0x1B00;
	s8 =	simm.s32 $0x3000;
	s0 =	sadd.s32 s1, s0  }
0x5e8: {  	[hbm4b:s0+s30] =	stream.strided.scatter [tilespmem:s3], [sflag:$0x2], $0x8000, s31, s30, $0x38;
	[tilespmem:$0x1A000] =	vst v63  }
0x5e9: {  	s16 =	simm.s32 $0x3300;
	s17 =	simm.s32 $0x3900;
	s3 =	simm.s32 $0x300  }
.LBB2_11:
0x5ea: {  	_ =	sfence.sel $0x180000  }
0x5eb: {  	[bflag:$0x0] =	sbarrier.arrive $0xFFFF  }
0x5ec: {  	_ =	strace $0x90000047  }
0x5ed: {  	s0 =	stileid.u32;
	[bflag:$0x2] =	sbarrier.arrive $0xFFFF  }
0x5ee: {  	p0 =	sne.s32 s0, $0x0;
	s0 =	rddreg [dreg:$0x2]  }
0x5ef: {  	s0 =	sadd.s32 @!p0 $0x100000, s0  }
0x5f0: {  	[sflag:s0] =	ssyncadd.tile.s32 @!p0 $0x1;
	_ =	shalt  }
.Lfunc_end2:
_tile_overlayer_lowered:
.L_overlay_start_2:
0x5f1: {  	(tag) =	ssettag $0x2  }
0x5f2: {  	s0 =	rddreg [dreg:$0x0];
	s2 =	stileid.u32  }
0x5f3: {  	s1 =	rddreg [dreg:$0x1];
	p0 =	sne.s32 s2, $0x0  }
0x5f4: {  	s3 =	rddreg [dreg:$0x2];
	[bflag:$0x3] =	sbarrier.arrive $0xFFFF;
	s2 =	simm.s32 @!p0 $0x1C03  }
0x5f5: {  	[timem:s3], [sflag:s2] =	dma.local @!p0 [hbm:s0], s1  }
0x5f6: {  	s0 =	simm.s32 @!p0 $0x3  }
0x5f7: {  	_ =	swait.ge @!p0 [sflag:s0], s1  }
0x5f8: {  	s1 =	ssub.s32 @!p0 $0x0, s1;
	[sflag:s0] =	ssyncset.done @!p0 $0x0  }
0x5f9: {  	[sflag:s0] =	ssyncadd.s32 @!p0 s1  }
0x5fa: {  	[bflag:$0x3] =	sbarrier.arrive $0xFFFF  }
0x5fb: {  	_ =	shalt  }

</sc_bundles>
